<compile_context>
chip_gen: v7x
topology: tpu7x:2x2x1
jax: 0.10.2.dev20260603
libtpu: 0.0.44.dev20260713+nightly
codegen_flags: <defaults>
</compile_context>

<pallas_src>
import functools

import jax
import jax.numpy as jnp
from jax import lax
from jax.experimental import pallas as pl
from jax.experimental.pallas import tpu as pltpu
from jax.experimental.pallas import tpu_sc as plsc

N = 10000
NHID = 256
NCLASS = 40
NLAYERS = 4
E = 160000
DT = 1.0
ALPHA = 1.0
GAMMA = 1.0

NC = 2
NS = 16
EPS = E // NS
CHUNK = 128
NCHUNK = -(-EPS // CHUNK) + (-(-EPS // CHUNK) % 2)
EPAD = NCHUNK * CHUNK
NPASS = 2
CPASS = NCHUNK // NPASS
TRASH = N
ROWS_PER_SUB = 632
NROWS = NS * ROWS_PER_SUB
DUMP_PER_SUB = 624
DUMP_TAIL = N - NS * DUMP_PER_SUB

BM = 1000
GRID = N // BM


def _sc_mesh():
    return plsc.VectorSubcoreMesh(core_axis_name="c", subcore_axis_name="s",
                                  num_cores=NC, num_subcores=NS)


@functools.partial(
    pl.kernel,
    out_type=jax.ShapeDtypeStruct((NC, N, 128), jnp.float32),
    mesh=_sc_mesh(),
    scratch_types=[
        pltpu.VMEM((CPASS, CHUNK), jnp.int32),
        pltpu.VMEM((CHUNK, 128), jnp.float32),
        pltpu.VMEM_SHARED((NROWS, 128), jnp.float32),
        pltpu.SemaphoreType.DMA,
    ],
)
def _deg_sc(dstp_hbm, ones_hbm, zeros_hbm, out_hbm, dst_v, ones_v, acc, sem):
    c = lax.axis_index("c")
    s = lax.axis_index("s")
    pltpu.sync_copy(ones_hbm, ones_v)
    pltpu.sync_copy(zeros_hbm, acc.at[pl.ds(s * ROWS_PER_SUB, ROWS_PER_SUB)])
    plsc.subcore_barrier()
    for p in range(NPASS):
        pltpu.sync_copy(dstp_hbm.at[s, p], dst_v)

        def chunk(j, carry):
            pltpu.sync_copy(ones_v, acc.at[dst_v.at[j]], add=True)
            return carry

        lax.fori_loop(0, CPASS, chunk, 0)
    plsc.subcore_barrier()
    pltpu.sync_copy(acc.at[pl.ds(s * DUMP_PER_SUB, DUMP_PER_SUB)],
                    out_hbm.at[c, pl.ds(s * DUMP_PER_SUB, DUMP_PER_SUB)])

    @pl.when(s == NS - 1)
    def _tail():
        pltpu.sync_copy(acc.at[pl.ds(NS * DUMP_PER_SUB, DUMP_TAIL)],
                        out_hbm.at[c, pl.ds(NS * DUMP_PER_SUB, DUMP_TAIL)])


@functools.partial(
    pl.kernel,
    out_type=jax.ShapeDtypeStruct((NC, N, 128), jnp.float32),
    mesh=_sc_mesh(),
    scratch_types=[
        pltpu.VMEM((CPASS, CHUNK), jnp.int32),
        pltpu.VMEM((CPASS, CHUNK), jnp.int32),
        pltpu.VMEM((CHUNK, 128), jnp.float32),
        pltpu.VMEM((CHUNK, 128), jnp.float32),
        pltpu.VMEM_SHARED((NROWS, 128), jnp.float32),
        pltpu.SemaphoreType.DMA,
        pltpu.SemaphoreType.DMA,
    ],
)
def _agg_sc(xs_hbm, srcp_hbm, dstp_hbm, zeros_hbm, out_hbm,
            src_v, dst_v, buf0, buf1, acc, g0, g1):
    c = lax.axis_index("c")
    s = lax.axis_index("s")
    pltpu.sync_copy(zeros_hbm, acc.at[pl.ds(s * ROWS_PER_SUB, ROWS_PER_SUB)])
    plsc.subcore_barrier()

    def gat(j, buf, sem):
        pltpu.async_copy(xs_hbm.at[src_v.at[j, pl.ds(0, 64)]],
                         buf.at[pl.ds(0, 64)], sem)
        pltpu.async_copy(xs_hbm.at[src_v.at[j, pl.ds(64, 64)]],
                         buf.at[pl.ds(64, 64)], sem)

    def gwait(j, buf, sem):
        pltpu.make_async_copy(xs_hbm.at[src_v.at[j, pl.ds(0, 64)]],
                              buf.at[pl.ds(0, 64)], sem).wait()
        pltpu.make_async_copy(xs_hbm.at[src_v.at[j, pl.ds(64, 64)]],
                              buf.at[pl.ds(64, 64)], sem).wait()

    for p in range(NPASS):
        pltpu.sync_copy(srcp_hbm.at[c, s, p], src_v)
        pltpu.sync_copy(dstp_hbm.at[s, p], dst_v)
        gat(0, buf0, g0)

        def pair(j2, carry):
            j0 = 2 * j2
            gat(j0 + 1, buf1, g1)
            gwait(j0, buf0, g0)
            pltpu.sync_copy(buf0, acc.at[dst_v.at[j0]], add=True)

            @pl.when(j0 + 2 < CPASS)
            def _nxt():
                gat(j0 + 2, buf0, g0)

            gwait(j0 + 1, buf1, g1)
            pltpu.sync_copy(buf1, acc.at[dst_v.at[j0 + 1]], add=True)
            return carry

        lax.fori_loop(0, CPASS // 2, pair, 0)
    plsc.subcore_barrier()
    pltpu.sync_copy(acc.at[pl.ds(s * DUMP_PER_SUB, DUMP_PER_SUB)],
                    out_hbm.at[c, pl.ds(s * DUMP_PER_SUB, DUMP_PER_SUB)])

    @pl.when(s == NS - 1)
    def _tail():
        pltpu.sync_copy(acc.at[pl.ds(NS * DUMP_PER_SUB, DUMP_TAIL)],
                        out_hbm.at[c, pl.ds(NS * DUMP_PER_SUB, DUMP_TAIL)])


def _dinv_body(degp_ref, o_ref):
    deg = jnp.sum(degp_ref[...], axis=(0, 2)) * (1.0 / (NC * 128.0)) + 1.0
    o_ref[...] = lax.rsqrt(deg)[:, None]


def _mm_body(x_ref, w_ref, dinv_ref, xs_ref):
    xw = jnp.dot(x_ref[...], w_ref[...], preferred_element_type=jnp.float32)
    xs = xw * dinv_ref[...]
    xs_ref[0] = xs[:, :128]
    xs_ref[1] = xs[:, 128:]


def _updmm_body(p_ref, xs_ref, dinv_ref, b_ref, x_ref, y_ref, w_ref,
                xn_ref, yn_ref, xsn_ref):
    a0 = p_ref[0] + xs_ref[0]
    a1 = p_ref[1] + xs_ref[1]
    conv = jnp.concatenate([a0, a1], axis=1) * dinv_ref[...]
    conv = conv + b_ref[...][None, :]
    relu = jnp.maximum(conv, 0.0)
    x = x_ref[...]
    y = y_ref[...]
    yn = y + DT * (relu - ALPHA * y - GAMMA * x)
    xn = x + DT * yn
    yn_ref[...] = yn
    xn_ref[...] = xn
    xw = jnp.dot(xn, w_ref[...], preferred_element_type=jnp.float32)
    xsn = xw * dinv_ref[...]
    xsn_ref[0] = xsn[:, :128]
    xsn_ref[1] = xsn[:, 128:]


def _updro_body(p_ref, xs_ref, dinv_ref, b_ref, x_ref, y_ref, wr_ref, br_ref,
                xn_ref, yn_ref, lg_ref):
    a0 = p_ref[0] + xs_ref[0]
    a1 = p_ref[1] + xs_ref[1]
    conv = jnp.concatenate([a0, a1], axis=1) * dinv_ref[...]
    conv = conv + b_ref[...][None, :]
    relu = jnp.maximum(conv, 0.0)
    x = x_ref[...]
    y = y_ref[...]
    yn = y + DT * (relu - ALPHA * y - GAMMA * x)
    xn = x + DT * yn
    yn_ref[...] = yn
    xn_ref[...] = xn
    lg_ref[...] = (jnp.dot(xn, wr_ref[...], preferred_element_type=jnp.float32)
                   + br_ref[...][None, :])


def _dinv_tc(degp):
    return pl.pallas_call(
        _dinv_body,
        grid=(GRID,),
        in_specs=[pl.BlockSpec((NC, BM, 128), lambda i: (0, i, 0))],
        out_specs=pl.BlockSpec((BM, 1), lambda i: (i, 0)),
        out_shape=jax.ShapeDtypeStruct((N, 1), jnp.float32),
    )(degp)


def _mm_tc(x, w, dinv):
    return pl.pallas_call(
        _mm_body,
        grid=(GRID,),
        in_specs=[
            pl.BlockSpec((BM, NHID), lambda i: (i, 0)),
            pl.BlockSpec((NHID, NHID), lambda i: (0, 0)),
            pl.BlockSpec((BM, 1), lambda i: (i, 0)),
        ],
        out_specs=pl.BlockSpec((2, BM, 128), lambda i: (0, i, 0)),
        out_shape=jax.ShapeDtypeStruct((2, N, 128), jnp.float32),
    )(x, w, dinv)


def _updmm_tc(p, xs, dinv, b, x, y, w):
    return pl.pallas_call(
        _updmm_body,
        grid=(GRID,),
        in_specs=[
            pl.BlockSpec((NC, BM, 128), lambda i: (0, i, 0)),
            pl.BlockSpec((2, BM, 128), lambda i: (0, i, 0)),
            pl.BlockSpec((BM, 1), lambda i: (i, 0)),
            pl.BlockSpec((NHID,), lambda i: (0,)),
            pl.BlockSpec((BM, NHID), lambda i: (i, 0)),
            pl.BlockSpec((BM, NHID), lambda i: (i, 0)),
            pl.BlockSpec((NHID, NHID), lambda i: (0, 0)),
        ],
        out_specs=[
            pl.BlockSpec((BM, NHID), lambda i: (i, 0)),
            pl.BlockSpec((BM, NHID), lambda i: (i, 0)),
            pl.BlockSpec((2, BM, 128), lambda i: (0, i, 0)),
        ],
        out_shape=[jax.ShapeDtypeStruct((N, NHID), jnp.float32),
                   jax.ShapeDtypeStruct((N, NHID), jnp.float32),
                   jax.ShapeDtypeStruct((2, N, 128), jnp.float32)],
    )(p, xs, dinv, b, x, y, w)


def _updro_tc(p, xs, dinv, b, x, y, wr, br):
    return pl.pallas_call(
        _updro_body,
        grid=(GRID,),
        in_specs=[
            pl.BlockSpec((NC, BM, 128), lambda i: (0, i, 0)),
            pl.BlockSpec((2, BM, 128), lambda i: (0, i, 0)),
            pl.BlockSpec((BM, 1), lambda i: (i, 0)),
            pl.BlockSpec((NHID,), lambda i: (0,)),
            pl.BlockSpec((BM, NHID), lambda i: (i, 0)),
            pl.BlockSpec((BM, NHID), lambda i: (i, 0)),
            pl.BlockSpec((NHID, 128), lambda i: (0, 0)),
            pl.BlockSpec((128,), lambda i: (0,)),
        ],
        out_specs=[
            pl.BlockSpec((BM, NHID), lambda i: (i, 0)),
            pl.BlockSpec((BM, NHID), lambda i: (i, 0)),
            pl.BlockSpec((BM, 128), lambda i: (i, 0)),
        ],
        out_shape=[jax.ShapeDtypeStruct((N, NHID), jnp.float32),
                   jax.ShapeDtypeStruct((N, NHID), jnp.float32),
                   jax.ShapeDtypeStruct((N, 128), jnp.float32)],
    )(p, xs, dinv, b, x, y, wr, br)


def kernel(x, edge_index, W_conv, b_conv, W_read, b_read):
    src = edge_index[0]
    dst = edge_index[1]
    src16 = jnp.pad(src.reshape(NS, EPS), ((0, 0), (0, EPAD - EPS))
                    ).reshape(NS, NPASS, CPASS, CHUNK)
    srcp = jnp.stack([src16, src16 + N])
    dstp = jnp.pad(dst.reshape(NS, EPS), ((0, 0), (0, EPAD - EPS)),
                   constant_values=TRASH).reshape(NS, NPASS, CPASS, CHUNK)
    ones128 = jnp.ones((CHUNK, 128), jnp.float32)
    zrows = jnp.zeros((ROWS_PER_SUB, 128), jnp.float32)
    Wr = jnp.zeros((NHID, 128), jnp.float32).at[:, :NCLASS].set(W_read)
    br = jnp.zeros((128,), jnp.float32).at[:NCLASS].set(b_read)

    degp = _deg_sc(dstp, ones128, zrows)
    dinv = _dinv_tc(degp)

    X = x
    Y = x
    Xs = [x]
    Ys = [x]
    xs = _mm_tc(X, W_conv, dinv)
    for layer in range(NLAYERS):
        p = _agg_sc(xs.reshape(2 * N, 128), srcp, dstp, zrows)
        if layer < NLAYERS - 1:
            X, Y, xs = _updmm_tc(p, xs, dinv, b_conv, X, Y, W_conv)
        else:
            X, Y, lg = _updro_tc(p, xs, dinv, b_conv, X, Y, Wr, br)
        Xs.append(X)
        Ys.append(Y)

    logits = lg[:, :NCLASS]
    return (logits, jnp.stack(Xs, axis=1), jnp.stack(Ys, axis=1))

# --- scband reference (transcript-rebuilt; emitter-appended) ---
"""Pipeline reference for scband-graph-con-gcn-33320356282948 (READ-ONLY COPY).

The authoritative reference and input builder live on the scoring server;
editing this copy changes nothing except your own understanding.
"""

import jax, jax.numpy as jnp
import numpy as np

N = 10000
NHID = 256
NCLASS = 40
NLAYERS = 4
E = 160000
DT = 1.0
ALPHA = 1.0
GAMMA = 1.0


def setup_inputs(seed: int = 0) -> dict:
    key = jax.random.key(seed)
    k1, k2, k3, k4, k5, k6 = jax.random.split(key, 6)
    x = jax.random.normal(k1, (N, NHID), dtype=jnp.float32)
    edge_index = jax.random.randint(k2, (2, E), 0, N, dtype=jnp.int32)
    W_conv = jax.random.normal(k3, (NHID, NHID), dtype=jnp.float32) / np.sqrt(NHID)
    b_conv = jnp.zeros((NHID,), dtype=jnp.float32)
    W_read = jax.random.normal(k4, (NHID, NCLASS), dtype=jnp.float32) / np.sqrt(NHID)
    b_read = jnp.zeros((NCLASS,), dtype=jnp.float32)
    return {"x": x, "edge_index": edge_index, "W_conv": W_conv, "b_conv": b_conv,
            "W_read": W_read, "b_read": b_read}


def _gcn_conv(x, src, dst, W, b):
    # Standard PyG GCNConv: linear transform, add self loops, symmetric deg normalization,
    # scatter-add aggregation, then bias.
    xw = x @ W
    sl = jnp.arange(N, dtype=src.dtype)
    s = jnp.concatenate([src, sl])
    d = jnp.concatenate([dst, sl])
    deg = jax.ops.segment_sum(jnp.ones(s.shape[0], dtype=jnp.float32), d, num_segments=N)
    dinv = jnp.where(deg > 0, 1.0 / jnp.sqrt(deg), 0.0)
    norm = dinv[s] * dinv[d]
    out = jax.ops.segment_sum(xw[s] * norm[:, None], d, num_segments=N)
    return out + b


def reference(x, edge_index, W_conv, b_conv, W_read, b_read):
    # Dropout is identity in eval mode; emb is nn.Identity.
    src = edge_index[0]
    dst = edge_index[1]
    Y = x
    X = x
    Y_all = [Y]
    X_all = [X]
    for _ in range(NLAYERS):
        Y = Y + DT * (jax.nn.relu(_gcn_conv(X, src, dst, W_conv, b_conv)) - ALPHA * Y - GAMMA * X)
        X = X + DT * Y
        Y_all.append(Y)
        X_all.append(X)
    out = X @ W_read + b_read
    Y_all_s = jnp.stack(Y_all, axis=1)
    X_all_s = jnp.stack(X_all, axis=1)
    return (out, X_all_s, Y_all_s)

if __name__ == "__main__":
    import jax
    _d = setup_inputs()
    print(jax.jit(kernel)(*tuple(_d.values())))

</pallas_src>

<mosaic_0001>
#map = affine_map<(d0, d1) -> (0, 0)>
#map1 = affine_map<(d0, d1) -> (0, 0, 0, 0, 0)>
#map2 = affine_map<(d0, d1) -> (0, 0, 0, 0)>
#map3 = affine_map<(d0, d1) -> (0, 0, 0)>
module attributes {stable_mosaic.version = 14 : i64} {
  func.func @_agg_sc(%arg0: i32, %arg1: i32, %arg2: memref<20000x128xf32, #tpu.memory_space<hbm>>, %arg3: memref<2x16x2x40x128xi32, #tpu.memory_space<hbm>>, %arg4: memref<16x2x40x128xi32, #tpu.memory_space<hbm>>, %arg5: memref<632x128xf32, #tpu.memory_space<hbm>>, %arg6: memref<2x10000x128xf32, #tpu.memory_space<hbm>>, %arg7: memref<40x128xi32, #tpu.memory_space<vmem>>, %arg8: memref<40x128xi32, #tpu.memory_space<vmem>>, %arg9: memref<128x128xf32, #tpu.memory_space<vmem>>, %arg10: memref<128x128xf32, #tpu.memory_space<vmem>>, %arg11: memref<10112x128xf32, #tpu.memory_space<vmem_shared>>, %arg12: memref<!tpu.dma_semaphore, #tpu.memory_space<semaphore_mem>>, %arg13: memref<!tpu.dma_semaphore, #tpu.memory_space<semaphore_mem>>) attributes {dimension_semantics = [#tpu.dimension_semantics<core_parallel>, #tpu.dimension_semantics<subcore_parallel>], iteration_bounds = array<i64: 2, 16>, scalar_prefetch = 0 : i64, scratch_operands = 7 : i64, tpu.core_type = #tpu.core_type<sc_vector_subcore>, window_params = [{transform_indices = #map}, {transform_indices = #map1}, {transform_indices = #map2}, {transform_indices = #map}, {transform_indices = #map3}]} {
    %mul3A = arith.constant 632 : i32
    %mul3A_0 = arith.muli %arg1, %mul3A : i32
    "tpu.region"() ({
      %run_scoped3A_61 = tpu.sem_alloc : memref<!tpu.dma_semaphore, #tpu.memory_space<semaphore_mem>>
      %dma_start3A_62 = arith.constant 0 : i32
      %dma_start3A_63 = tpu.memref_slice %arg11[%mul3A_0, %dma_start3A_62] : memref<10112x128xf32, #tpu.memory_space<vmem_shared>> -> memref<632x128xf32, #tpu.memory_space<vmem_shared>>
      tpu.enqueue_dma source(%arg5 : memref<632x128xf32, #tpu.memory_space<hbm>>) target(%dma_start3A_63 : memref<632x128xf32, #tpu.memory_space<vmem_shared>>) target_semaphore(%run_scoped3A_61 : memref<!tpu.dma_semaphore, #tpu.memory_space<semaphore_mem>>)
      %dma_wait3A = arith.constant 0 : i32
      %dma_wait3A_64 = tpu.memref_slice %arg11[%mul3A_0, %dma_wait3A] : memref<10112x128xf32, #tpu.memory_space<vmem_shared>> -> memref<632x128xf32, #tpu.memory_space<vmem_shared>>
      tpu.wait_dma2 semaphore(%run_scoped3A_61 : memref<!tpu.dma_semaphore, #tpu.memory_space<semaphore_mem>>) src(%arg5 : memref<632x128xf32, #tpu.memory_space<hbm>>) dst(%dma_wait3A_64 : memref<632x128xf32, #tpu.memory_space<vmem_shared>>)
      tpu.yield
    }) : () -> ()
    %barrier3A = arith.constant 0 : index
    tpu.barrier barrier_id(%barrier3A)
    %run_scoped3A = arith.constant 0 : i32
    "tpu.region"() ({
      %run_scoped3A_61 = tpu.sem_alloc : memref<!tpu.dma_semaphore, #tpu.memory_space<semaphore_mem>>
      %dma_start3A_62 = arith.constant 0 : i32
      %dma_start3A_63 = arith.constant 0 : i32
      %dma_start3A_64 = tpu.memref_slice %arg3[%arg0, %arg1, %run_scoped3A, %dma_start3A_62, %dma_start3A_63] : memref<2x16x2x40x128xi32, #tpu.memory_space<hbm>> -> memref<1x1x1x40x128xi32, #tpu.memory_space<hbm>>
      %dma_start3A_65 = tpu.memref_squeeze %dma_start3A_64 : memref<1x1x1x40x128xi32, #tpu.memory_space<hbm>> -> memref<40x128xi32, #tpu.memory_space<hbm>>
      %dma_start3A_66 = arith.constant 0 : i32
      %dma_start3A_67 = arith.constant 0 : i32
      %dma_start3A_68 = tpu.memref_slice %arg3[%arg0, %arg1, %run_scoped3A, %dma_start3A_66, %dma_start3A_67] : memref<2x16x2x40x128xi32, #tpu.memory_space<hbm>> -> memref<1x1x1x40x128xi32, #tpu.memory_space<hbm>>
      %dma_start3A_69 = tpu.memref_squeeze %dma_start3A_68 : memref<1x1x1x40x128xi32, #tpu.memory_space<hbm>> -> memref<40x128xi32, #tpu.memory_space<hbm>>
      tpu.enqueue_dma source(%dma_start3A_69 : memref<40x128xi32, #tpu.memory_space<hbm>>) target(%arg7 : memref<40x128xi32, #tpu.memory_space<vmem>>) target_semaphore(%run_scoped3A_61 : memref<!tpu.dma_semaphore, #tpu.memory_space<semaphore_mem>>)
      %dma_wait3A = arith.constant 0 : i32
      %dma_wait3A_70 = arith.constant 0 : i32
      %dma_wait3A_71 = tpu.memref_slice %arg3[%arg0, %arg1, %run_scoped3A, %dma_wait3A, %dma_wait3A_70] : memref<2x16x2x40x128xi32, #tpu.memory_space<hbm>> -> memref<1x1x1x40x128xi32, #tpu.memory_space<hbm>>
      %dma_wait3A_72 = tpu.memref_squeeze %dma_wait3A_71 : memref<1x1x1x40x128xi32, #tpu.memory_space<hbm>> -> memref<40x128xi32, #tpu.memory_space<hbm>>
      %dma_wait3A_73 = arith.constant 0 : i32
      %dma_wait3A_74 = arith.constant 0 : i32
      %dma_wait3A_75 = tpu.memref_slice %arg3[%arg0, %arg1, %run_scoped3A, %dma_wait3A_73, %dma_wait3A_74] : memref<2x16x2x40x128xi32, #tpu.memory_space<hbm>> -> memref<1x1x1x40x128xi32, #tpu.memory_space<hbm>>
      %dma_wait3A_76 = tpu.memref_squeeze %dma_wait3A_75 : memref<1x1x1x40x128xi32, #tpu.memory_space<hbm>> -> memref<40x128xi32, #tpu.memory_space<hbm>>
      tpu.wait_dma2 semaphore(%run_scoped3A_61 : memref<!tpu.dma_semaphore, #tpu.memory_space<semaphore_mem>>) src(%dma_wait3A_76 : memref<40x128xi32, #tpu.memory_space<hbm>>) dst(%arg7 : memref<40x128xi32, #tpu.memory_space<vmem>>)
      tpu.yield
    }) : () -> ()
    %run_scoped3A_1 = arith.constant 0 : i32
    "tpu.region"() ({
      %run_scoped3A_61 = tpu.sem_alloc : memref<!tpu.dma_semaphore, #tpu.memory_space<semaphore_mem>>
      %dma_start3A_62 = arith.constant 0 : i32
      %dma_start3A_63 = arith.constant 0 : i32
      %dma_start3A_64 = tpu.memref_slice %arg4[%arg1, %run_scoped3A_1, %dma_start3A_62, %dma_start3A_63] : memref<16x2x40x128xi32, #tpu.memory_space<hbm>> -> memref<1x1x40x128xi32, #tpu.memory_space<hbm>>
      %dma_start3A_65 = tpu.memref_squeeze %dma_start3A_64 : memref<1x1x40x128xi32, #tpu.memory_space<hbm>> -> memref<40x128xi32, #tpu.memory_space<hbm>>
      %dma_start3A_66 = arith.constant 0 : i32
      %dma_start3A_67 = arith.constant 0 : i32
      %dma_start3A_68 = tpu.memref_slice %arg4[%arg1, %run_scoped3A_1, %dma_start3A_66, %dma_start3A_67] : memref<16x2x40x128xi32, #tpu.memory_space<hbm>> -> memref<1x1x40x128xi32, #tpu.memory_space<hbm>>
      %dma_start3A_69 = tpu.memref_squeeze %dma_start3A_68 : memref<1x1x40x128xi32, #tpu.memory_space<hbm>> -> memref<40x128xi32, #tpu.memory_space<hbm>>
      tpu.enqueue_dma source(%dma_start3A_69 : memref<40x128xi32, #tpu.memory_space<hbm>>) target(%arg8 : memref<40x128xi32, #tpu.memory_space<vmem>>) target_semaphore(%run_scoped3A_61 : memref<!tpu.dma_semaphore, #tpu.memory_space<semaphore_mem>>)
      %dma_wait3A = arith.constant 0 : i32
      %dma_wait3A_70 = arith.constant 0 : i32
      %dma_wait3A_71 = tpu.memref_slice %arg4[%arg1, %run_scoped3A_1, %dma_wait3A, %dma_wait3A_70] : memref<16x2x40x128xi32, #tpu.memory_space<hbm>> -> memref<1x1x40x128xi32, #tpu.memory_space<hbm>>
      %dma_wait3A_72 = tpu.memref_squeeze %dma_wait3A_71 : memref<1x1x40x128xi32, #tpu.memory_space<hbm>> -> memref<40x128xi32, #tpu.memory_space<hbm>>
      %dma_wait3A_73 = arith.constant 0 : i32
      %dma_wait3A_74 = arith.constant 0 : i32
      %dma_wait3A_75 = tpu.memref_slice %arg4[%arg1, %run_scoped3A_1, %dma_wait3A_73, %dma_wait3A_74] : memref<16x2x40x128xi32, #tpu.memory_space<hbm>> -> memref<1x1x40x128xi32, #tpu.memory_space<hbm>>
      %dma_wait3A_76 = tpu.memref_squeeze %dma_wait3A_75 : memref<1x1x40x128xi32, #tpu.memory_space<hbm>> -> memref<40x128xi32, #tpu.memory_space<hbm>>
      tpu.wait_dma2 semaphore(%run_scoped3A_61 : memref<!tpu.dma_semaphore, #tpu.memory_space<semaphore_mem>>) src(%dma_wait3A_76 : memref<40x128xi32, #tpu.memory_space<hbm>>) dst(%arg8 : memref<40x128xi32, #tpu.memory_space<vmem>>)
      tpu.yield
    }) : () -> ()
    %dma_start3A = arith.constant 0 : i32
    %dma_start3A_2 = arith.constant 0 : i32
    %dma_start3A_3 = arith.constant 0 : i32
    %dma_start3A_4 = tpu.memref_slice %arg9[%dma_start3A_2, %dma_start3A_3] : memref<128x128xf32, #tpu.memory_space<vmem>> -> memref<64x128xf32, #tpu.memory_space<vmem>>
    %dma_start3A_5 = arith.constant 0 : i32
    %dma_start3A_6 = tpu.memref_slice %arg7[%dma_start3A, %dma_start3A_5] : memref<40x128xi32, #tpu.memory_space<vmem>> -> memref<1x64xi32, #tpu.memory_space<vmem>>
    %dma_start3A_7 = tpu.memref_squeeze %dma_start3A_6 : memref<1x64xi32, #tpu.memory_space<vmem>> -> memref<64xi32, #tpu.memory_space<vmem>>
    %dma_start3A_8 = arith.constant 0 : i32
    %dma_start3A_9 = arith.constant 0 : i32
    %dma_start3A_10 = tpu.memref_slice %arg2[%dma_start3A_8, %dma_start3A_9] : memref<20000x128xf32, #tpu.memory_space<hbm>> -> memref<20000x128xf32, #tpu.memory_space<hbm>>
    tpu.enqueue_indirect_dma source(%dma_start3A_10 : memref<20000x128xf32, #tpu.memory_space<hbm>>) target(%dma_start3A_4 : memref<64x128xf32, #tpu.memory_space<vmem>>) offsets(%dma_start3A_7 : memref<64xi32, #tpu.memory_space<vmem>>) semaphore(%arg12 : memref<!tpu.dma_semaphore, #tpu.memory_space<semaphore_mem>>)
    %dma_start3A_11 = arith.constant 0 : i32
    %dma_start3A_12 = arith.constant 64 : i32
    %dma_start3A_13 = arith.constant 0 : i32
    %dma_start3A_14 = tpu.memref_slice %arg9[%dma_start3A_12, %dma_start3A_13] : memref<128x128xf32, #tpu.memory_space<vmem>> -> memref<64x128xf32, #tpu.memory_space<vmem>>
    %dma_start3A_15 = arith.constant 64 : i32
    %dma_start3A_16 = tpu.memref_slice %arg7[%dma_start3A_11, %dma_start3A_15] : memref<40x128xi32, #tpu.memory_space<vmem>> -> memref<1x64xi32, #tpu.memory_space<vmem>>
    %dma_start3A_17 = tpu.memref_squeeze %dma_start3A_16 : memref<1x64xi32, #tpu.memory_space<vmem>> -> memref<64xi32, #tpu.memory_space<vmem>>
    %dma_start3A_18 = arith.constant 0 : i32
    %dma_start3A_19 = arith.constant 0 : i32
    %dma_start3A_20 = tpu.memref_slice %arg2[%dma_start3A_18, %dma_start3A_19] : memref<20000x128xf32, #tpu.memory_space<hbm>> -> memref<20000x128xf32, #tpu.memory_space<hbm>>
    tpu.enqueue_indirect_dma source(%dma_start3A_20 : memref<20000x128xf32, #tpu.memory_space<hbm>>) target(%dma_start3A_14 : memref<64x128xf32, #tpu.memory_space<vmem>>) offsets(%dma_start3A_17 : memref<64xi32, #tpu.memory_space<vmem>>) semaphore(%arg12 : memref<!tpu.dma_semaphore, #tpu.memory_space<semaphore_mem>>)
    %scan3A = arith.constant 0 : i32
    %scan3A_21 = arith.constant 0 : i32
    %scan3A_22 = arith.constant 20 : i32
    %scan3A_23 = arith.addi %scan3A_21, %scan3A_22 : i32
    %scan3A_24 = arith.constant 1 : i32
    scf.for %scan3A_61 = %scan3A_21 to %scan3A_23 step %scan3A_24  : i32 {
      %mul3A_62 = arith.constant 2 : i32
      %mul3A_63 = arith.muli %mul3A_62, %scan3A_61 : i32
      %add3A = arith.constant 1 : i32
      %add3A_64 = arith.addi %mul3A_63, %add3A : i32
      %dma_start3A_65 = arith.constant 0 : i32
      %dma_start3A_66 = arith.constant 0 : i32
      %dma_start3A_67 = tpu.memref_slice %arg10[%dma_start3A_65, %dma_start3A_66] : memref<128x128xf32, #tpu.memory_space<vmem>> -> memref<64x128xf32, #tpu.memory_space<vmem>>
      %dma_start3A_68 = arith.constant 0 : i32
      %dma_start3A_69 = tpu.memref_slice %arg7[%add3A_64, %dma_start3A_68] : memref<40x128xi32, #tpu.memory_space<vmem>> -> memref<1x64xi32, #tpu.memory_space<vmem>>
      %dma_start3A_70 = tpu.memref_squeeze %dma_start3A_69 : memref<1x64xi32, #tpu.memory_space<vmem>> -> memref<64xi32, #tpu.memory_space<vmem>>
      %dma_start3A_71 = arith.constant 0 : i32
      %dma_start3A_72 = arith.constant 0 : i32
      %dma_start3A_73 = tpu.memref_slice %arg2[%dma_start3A_71, %dma_start3A_72] : memref<20000x128xf32, #tpu.memory_space<hbm>> -> memref<20000x128xf32, #tpu.memory_space<hbm>>
      tpu.enqueue_indirect_dma source(%dma_start3A_73 : memref<20000x128xf32, #tpu.memory_space<hbm>>) target(%dma_start3A_67 : memref<64x128xf32, #tpu.memory_space<vmem>>) offsets(%dma_start3A_70 : memref<64xi32, #tpu.memory_space<vmem>>) semaphore(%arg13 : memref<!tpu.dma_semaphore, #tpu.memory_space<semaphore_mem>>)
      %dma_start3A_74 = arith.constant 64 : i32
      %dma_start3A_75 = arith.constant 0 : i32
      %dma_start3A_76 = tpu.memref_slice %arg10[%dma_start3A_74, %dma_start3A_75] : memref<128x128xf32, #tpu.memory_space<vmem>> -> memref<64x128xf32, #tpu.memory_space<vmem>>
      %dma_start3A_77 = arith.constant 64 : i32
      %dma_start3A_78 = tpu.memref_slice %arg7[%add3A_64, %dma_start3A_77] : memref<40x128xi32, #tpu.memory_space<vmem>> -> memref<1x64xi32, #tpu.memory_space<vmem>>
      %dma_start3A_79 = tpu.memref_squeeze %dma_start3A_78 : memref<1x64xi32, #tpu.memory_space<vmem>> -> memref<64xi32, #tpu.memory_space<vmem>>
      %dma_start3A_80 = arith.constant 0 : i32
      %dma_start3A_81 = arith.constant 0 : i32
      %dma_start3A_82 = tpu.memref_slice %arg2[%dma_start3A_80, %dma_start3A_81] : memref<20000x128xf32, #tpu.memory_space<hbm>> -> memref<20000x128xf32, #tpu.memory_space<hbm>>
      tpu.enqueue_indirect_dma source(%dma_start3A_82 : memref<20000x128xf32, #tpu.memory_space<hbm>>) target(%dma_start3A_76 : memref<64x128xf32, #tpu.memory_space<vmem>>) offsets(%dma_start3A_79 : memref<64xi32, #tpu.memory_space<vmem>>) semaphore(%arg13 : memref<!tpu.dma_semaphore, #tpu.memory_space<semaphore_mem>>)
      %dma_wait3A = arith.constant 0 : i32
      %dma_wait3A_83 = arith.constant 0 : i32
      %dma_wait3A_84 = tpu.memref_slice %arg9[%dma_wait3A, %dma_wait3A_83] : memref<128x128xf32, #tpu.memory_space<vmem>> -> memref<64x128xf32, #tpu.memory_space<vmem>>
      %dma_wait3A_85 = arith.constant 0 : i32
      %dma_wait3A_86 = tpu.memref_slice %arg7[%mul3A_63, %dma_wait3A_85] : memref<40x128xi32, #tpu.memory_space<vmem>> -> memref<1x64xi32, #tpu.memory_space<vmem>>
      %dma_wait3A_87 = tpu.memref_squeeze %dma_wait3A_86 : memref<1x64xi32, #tpu.memory_space<vmem>> -> memref<64xi32, #tpu.memory_space<vmem>>
      %dma_wait3A_88 = arith.constant 0 : i32
      %dma_wait3A_89 = arith.constant 0 : i32
      %dma_wait3A_90 = tpu.memref_slice %arg2[%dma_wait3A_88, %dma_wait3A_89] : memref<20000x128xf32, #tpu.memory_space<hbm>> -> memref<20000x128xf32, #tpu.memory_space<hbm>>
      tpu.wait_indirect_dma semaphore(%arg12 : memref<!tpu.dma_semaphore, #tpu.memory_space<semaphore_mem>>) src(%dma_wait3A_90 : memref<20000x128xf32, #tpu.memory_space<hbm>>) dst(%dma_wait3A_84 : memref<64x128xf32, #tpu.memory_space<vmem>>)
      %dma_wait3A_91 = arith.constant 64 : i32
      %dma_wait3A_92 = arith.constant 0 : i32
      %dma_wait3A_93 = tpu.memref_slice %arg9[%dma_wait3A_91, %dma_wait3A_92] : memref<128x128xf32, #tpu.memory_space<vmem>> -> memref<64x128xf32, #tpu.memory_space<vmem>>
      %dma_wait3A_94 = arith.constant 64 : i32
      %dma_wait3A_95 = tpu.memref_slice %arg7[%mul3A_63, %dma_wait3A_94] : memref<40x128xi32, #tpu.memory_space<vmem>> -> memref<1x64xi32, #tpu.memory_space<vmem>>
      %dma_wait3A_96 = tpu.memref_squeeze %dma_wait3A_95 : memref<1x64xi32, #tpu.memory_space<vmem>> -> memref<64xi32, #tpu.memory_space<vmem>>
      %dma_wait3A_97 = arith.constant 0 : i32
      %dma_wait3A_98 = arith.constant 0 : i32
      %dma_wait3A_99 = tpu.memref_slice %arg2[%dma_wait3A_97, %dma_wait3A_98] : memref<20000x128xf32, #tpu.memory_space<hbm>> -> memref<20000x128xf32, #tpu.memory_space<hbm>>
      tpu.wait_indirect_dma semaphore(%arg12 : memref<!tpu.dma_semaphore, #tpu.memory_space<semaphore_mem>>) src(%dma_wait3A_99 : memref<20000x128xf32, #tpu.memory_space<hbm>>) dst(%dma_wait3A_93 : memref<64x128xf32, #tpu.memory_space<vmem>>)
      "tpu.region"() ({
        %run_scoped3A_128 = tpu.sem_alloc : memref<!tpu.dma_semaphore, #tpu.memory_space<semaphore_mem>>
        %dma_start3A_129 = arith.constant 0 : i32
        %dma_start3A_130 = tpu.memref_slice %arg8[%mul3A_63, %dma_start3A_129] : memref<40x128xi32, #tpu.memory_space<vmem>> -> memref<1x128xi32, #tpu.memory_space<vmem>>
        %dma_start3A_131 = tpu.memref_squeeze %dma_start3A_130 : memref<1x128xi32, #tpu.memory_space<vmem>> -> memref<128xi32, #tpu.memory_space<vmem>>
        %dma_start3A_132 = arith.constant 0 : i32
        %dma_start3A_133 = arith.constant 0 : i32
        %dma_start3A_134 = tpu.memref_slice %arg11[%dma_start3A_132, %dma_start3A_133] : memref<10112x128xf32, #tpu.memory_space<vmem_shared>> -> memref<10112x128xf32, #tpu.memory_space<vmem_shared>>
        tpu.enqueue_indirect_dma source(%arg9 : memref<128x128xf32, #tpu.memory_space<vmem>>) target(%dma_start3A_134 : memref<10112x128xf32, #tpu.memory_space<vmem_shared>>) offsets(%dma_start3A_131 : memref<128xi32, #tpu.memory_space<vmem>>) semaphore(%run_scoped3A_128 : memref<!tpu.dma_semaphore, #tpu.memory_space<semaphore_mem>>) {add = true}
        %dma_wait3A_135 = arith.constant 0 : i32
        %dma_wait3A_136 = tpu.memref_slice %arg8[%mul3A_63, %dma_wait3A_135] : memref<40x128xi32, #tpu.memory_space<vmem>> -> memref<1x128xi32, #tpu.memory_space<vmem>>
        %dma_wait3A_137 = tpu.memref_squeeze %dma_wait3A_136 : memref<1x128xi32, #tpu.memory_space<vmem>> -> memref<128xi32, #tpu.memory_space<vmem>>
        %dma_wait3A_138 = arith.constant 0 : i32
        %dma_wait3A_139 = arith.constant 0 : i32
        %dma_wait3A_140 = tpu.memref_slice %arg11[%dma_wait3A_138, %dma_wait3A_139] : memref<10112x128xf32, #tpu.memory_space<vmem_shared>> -> memref<10112x128xf32, #tpu.memory_space<vmem_shared>>
        tpu.wait_indirect_dma semaphore(%run_scoped3A_128 : memref<!tpu.dma_semaphore, #tpu.memory_space<semaphore_mem>>) src(%arg9 : memref<128x128xf32, #tpu.memory_space<vmem>>) dst(%dma_wait3A_140 : memref<10112x128xf32, #tpu.memory_space<vmem_shared>>)
        tpu.yield
      }) : () -> ()
      %add3A_100 = arith.constant 2 : i32
      %add3A_101 = arith.addi %mul3A_63, %add3A_100 : i32
      %lt3A = arith.constant 40 : i32
      %lt3A_102 = arith.cmpi slt, %add3A_101, %lt3A : i32
      %convert_element_type3A_103 = arith.extui %lt3A_102 : i1 to i32
      %cond3A_104 = arith.constant 0 : i32
      %cond3A_105 = arith.cmpi ne, %convert_element_type3A_103, %cond3A_104 : i32
      scf.if %cond3A_105 {
        %add3A_128 = arith.constant 2 : i32
        %add3A_129 = arith.addi %mul3A_63, %add3A_128 : i32
        %dma_start3A_130 = arith.constant 0 : i32
        %dma_start3A_131 = arith.constant 0 : i32
        %dma_start3A_132 = tpu.memref_slice %arg9[%dma_start3A_130, %dma_start3A_131] : memref<128x128xf32, #tpu.memory_space<vmem>> -> memref<64x128xf32, #tpu.memory_space<vmem>>
        %dma_start3A_133 = arith.constant 0 : i32
        %dma_start3A_134 = tpu.memref_slice %arg7[%add3A_129, %dma_start3A_133] : memref<40x128xi32, #tpu.memory_space<vmem>> -> memref<1x64xi32, #tpu.memory_space<vmem>>
        %dma_start3A_135 = tpu.memref_squeeze %dma_start3A_134 : memref<1x64xi32, #tpu.memory_space<vmem>> -> memref<64xi32, #tpu.memory_space<vmem>>
        %dma_start3A_136 = arith.constant 0 : i32
        %dma_start3A_137 = arith.constant 0 : i32
        %dma_start3A_138 = tpu.memref_slice %arg2[%dma_start3A_136, %dma_start3A_137] : memref<20000x128xf32, #tpu.memory_space<hbm>> -> memref<20000x128xf32, #tpu.memory_space<hbm>>
        tpu.enqueue_indirect_dma source(%dma_start3A_138 : memref<20000x128xf32, #tpu.memory_space<hbm>>) target(%dma_start3A_132 : memref<64x128xf32, #tpu.memory_space<vmem>>) offsets(%dma_start3A_135 : memref<64xi32, #tpu.memory_space<vmem>>) semaphore(%arg12 : memref<!tpu.dma_semaphore, #tpu.memory_space<semaphore_mem>>)
        %dma_start3A_139 = arith.constant 64 : i32
        %dma_start3A_140 = arith.constant 0 : i32
        %dma_start3A_141 = tpu.memref_slice %arg9[%dma_start3A_139, %dma_start3A_140] : memref<128x128xf32, #tpu.memory_space<vmem>> -> memref<64x128xf32, #tpu.memory_space<vmem>>
        %dma_start3A_142 = arith.constant 64 : i32
        %dma_start3A_143 = tpu.memref_slice %arg7[%add3A_129, %dma_start3A_142] : memref<40x128xi32, #tpu.memory_space<vmem>> -> memref<1x64xi32, #tpu.memory_space<vmem>>
        %dma_start3A_144 = tpu.memref_squeeze %dma_start3A_143 : memref<1x64xi32, #tpu.memory_space<vmem>> -> memref<64xi32, #tpu.memory_space<vmem>>
        %dma_start3A_145 = arith.constant 0 : i32
        %dma_start3A_146 = arith.constant 0 : i32
        %dma_start3A_147 = tpu.memref_slice %arg2[%dma_start3A_145, %dma_start3A_146] : memref<20000x128xf32, #tpu.memory_space<hbm>> -> memref<20000x128xf32, #tpu.memory_space<hbm>>
        tpu.enqueue_indirect_dma source(%dma_start3A_147 : memref<20000x128xf32, #tpu.memory_space<hbm>>) target(%dma_start3A_141 : memref<64x128xf32, #tpu.memory_space<vmem>>) offsets(%dma_start3A_144 : memref<64xi32, #tpu.memory_space<vmem>>) semaphore(%arg12 : memref<!tpu.dma_semaphore, #tpu.memory_space<semaphore_mem>>)
      } else {
      }
      %add3A_106 = arith.constant 1 : i32
      %add3A_107 = arith.addi %mul3A_63, %add3A_106 : i32
      %dma_wait3A_108 = arith.constant 0 : i32
      %dma_wait3A_109 = arith.constant 0 : i32
      %dma_wait3A_110 = tpu.memref_slice %arg10[%dma_wait3A_108, %dma_wait3A_109] : memref<128x128xf32, #tpu.memory_space<vmem>> -> memref<64x128xf32, #tpu.memory_space<vmem>>
      %dma_wait3A_111 = arith.constant 0 : i32
      %dma_wait3A_112 = tpu.memref_slice %arg7[%add3A_107, %dma_wait3A_111] : memref<40x128xi32, #tpu.memory_space<vmem>> -> memref<1x64xi32, #tpu.memory_space<vmem>>
      %dma_wait3A_113 = tpu.memref_squeeze %dma_wait3A_112 : memref<1x64xi32, #tpu.memory_space<vmem>> -> memref<64xi32, #tpu.memory_space<vmem>>
      %dma_wait3A_114 = arith.constant 0 : i32
      %dma_wait3A_115 = arith.constant 0 : i32
      %dma_wait3A_116 = tpu.memref_slice %arg2[%dma_wait3A_114, %dma_wait3A_115] : memref<20000x128xf32, #tpu.memory_space<hbm>> -> memref<20000x128xf32, #tpu.memory_space<hbm>>
      tpu.wait_indirect_dma semaphore(%arg13 : memref<!tpu.dma_semaphore, #tpu.memory_space<semaphore_mem>>) src(%dma_wait3A_116 : memref<20000x128xf32, #tpu.memory_space<hbm>>) dst(%dma_wait3A_110 : memref<64x128xf32, #tpu.memory_space<vmem>>)
      %dma_wait3A_117 = arith.constant 64 : i32
      %dma_wait3A_118 = arith.constant 0 : i32
      %dma_wait3A_119 = tpu.memref_slice %arg10[%dma_wait3A_117, %dma_wait3A_118] : memref<128x128xf32, #tpu.memory_space<vmem>> -> memref<64x128xf32, #tpu.memory_space<vmem>>
      %dma_wait3A_120 = arith.constant 64 : i32
      %dma_wait3A_121 = tpu.memref_slice %arg7[%add3A_107, %dma_wait3A_120] : memref<40x128xi32, #tpu.memory_space<vmem>> -> memref<1x64xi32, #tpu.memory_space<vmem>>
      %dma_wait3A_122 = tpu.memref_squeeze %dma_wait3A_121 : memref<1x64xi32, #tpu.memory_space<vmem>> -> memref<64xi32, #tpu.memory_space<vmem>>
      %dma_wait3A_123 = arith.constant 0 : i32
      %dma_wait3A_124 = arith.constant 0 : i32
      %dma_wait3A_125 = tpu.memref_slice %arg2[%dma_wait3A_123, %dma_wait3A_124] : memref<20000x128xf32, #tpu.memory_space<hbm>> -> memref<20000x128xf32, #tpu.memory_space<hbm>>
      tpu.wait_indirect_dma semaphore(%arg13 : memref<!tpu.dma_semaphore, #tpu.memory_space<semaphore_mem>>) src(%dma_wait3A_125 : memref<20000x128xf32, #tpu.memory_space<hbm>>) dst(%dma_wait3A_119 : memref<64x128xf32, #tpu.memory_space<vmem>>)
      %add3A_126 = arith.constant 1 : i32
      %add3A_127 = arith.addi %mul3A_63, %add3A_126 : i32
      "tpu.region"() ({
        %run_scoped3A_128 = tpu.sem_alloc : memref<!tpu.dma_semaphore, #tpu.memory_space<semaphore_mem>>
        %dma_start3A_129 = arith.constant 0 : i32
        %dma_start3A_130 = tpu.memref_slice %arg8[%add3A_127, %dma_start3A_129] : memref<40x128xi32, #tpu.memory_space<vmem>> -> memref<1x128xi32, #tpu.memory_space<vmem>>
        %dma_start3A_131 = tpu.memref_squeeze %dma_start3A_130 : memref<1x128xi32, #tpu.memory_space<vmem>> -> memref<128xi32, #tpu.memory_space<vmem>>
        %dma_start3A_132 = arith.constant 0 : i32
        %dma_start3A_133 = arith.constant 0 : i32
        %dma_start3A_134 = tpu.memref_slice %arg11[%dma_start3A_132, %dma_start3A_133] : memref<10112x128xf32, #tpu.memory_space<vmem_shared>> -> memref<10112x128xf32, #tpu.memory_space<vmem_shared>>
        tpu.enqueue_indirect_dma source(%arg10 : memref<128x128xf32, #tpu.memory_space<vmem>>) target(%dma_start3A_134 : memref<10112x128xf32, #tpu.memory_space<vmem_shared>>) offsets(%dma_start3A_131 : memref<128xi32, #tpu.memory_space<vmem>>) semaphore(%run_scoped3A_128 : memref<!tpu.dma_semaphore, #tpu.memory_space<semaphore_mem>>) {add = true}
        %dma_wait3A_135 = arith.constant 0 : i32
        %dma_wait3A_136 = tpu.memref_slice %arg8[%add3A_127, %dma_wait3A_135] : memref<40x128xi32, #tpu.memory_space<vmem>> -> memref<1x128xi32, #tpu.memory_space<vmem>>
        %dma_wait3A_137 = tpu.memref_squeeze %dma_wait3A_136 : memref<1x128xi32, #tpu.memory_space<vmem>> -> memref<128xi32, #tpu.memory_space<vmem>>
        %dma_wait3A_138 = arith.constant 0 : i32
        %dma_wait3A_139 = arith.constant 0 : i32
        %dma_wait3A_140 = tpu.memref_slice %arg11[%dma_wait3A_138, %dma_wait3A_139] : memref<10112x128xf32, #tpu.memory_space<vmem_shared>> -> memref<10112x128xf32, #tpu.memory_space<vmem_shared>>
        tpu.wait_indirect_dma semaphore(%run_scoped3A_128 : memref<!tpu.dma_semaphore, #tpu.memory_space<semaphore_mem>>) src(%arg10 : memref<128x128xf32, #tpu.memory_space<vmem>>) dst(%dma_wait3A_140 : memref<10112x128xf32, #tpu.memory_space<vmem_shared>>)
        tpu.yield
      }) : () -> ()
    }
    %scan3A_25 = arith.constant 20 : i32
    %run_scoped3A_26 = arith.constant 1 : i32
    "tpu.region"() ({
      %run_scoped3A_61 = tpu.sem_alloc : memref<!tpu.dma_semaphore, #tpu.memory_space<semaphore_mem>>
      %dma_start3A_62 = arith.constant 0 : i32
      %dma_start3A_63 = arith.constant 0 : i32
      %dma_start3A_64 = tpu.memref_slice %arg3[%arg0, %arg1, %run_scoped3A_26, %dma_start3A_62, %dma_start3A_63] : memref<2x16x2x40x128xi32, #tpu.memory_space<hbm>> -> memref<1x1x1x40x128xi32, #tpu.memory_space<hbm>>
      %dma_start3A_65 = tpu.memref_squeeze %dma_start3A_64 : memref<1x1x1x40x128xi32, #tpu.memory_space<hbm>> -> memref<40x128xi32, #tpu.memory_space<hbm>>
      %dma_start3A_66 = arith.constant 0 : i32
      %dma_start3A_67 = arith.constant 0 : i32
      %dma_start3A_68 = tpu.memref_slice %arg3[%arg0, %arg1, %run_scoped3A_26, %dma_start3A_66, %dma_start3A_67] : memref<2x16x2x40x128xi32, #tpu.memory_space<hbm>> -> memref<1x1x1x40x128xi32, #tpu.memory_space<hbm>>
      %dma_start3A_69 = tpu.memref_squeeze %dma_start3A_68 : memref<1x1x1x40x128xi32, #tpu.memory_space<hbm>> -> memref<40x128xi32, #tpu.memory_space<hbm>>
      tpu.enqueue_dma source(%dma_start3A_69 : memref<40x128xi32, #tpu.memory_space<hbm>>) target(%arg7 : memref<40x128xi32, #tpu.memory_space<vmem>>) target_semaphore(%run_scoped3A_61 : memref<!tpu.dma_semaphore, #tpu.memory_space<semaphore_mem>>)
      %dma_wait3A = arith.constant 0 : i32
      %dma_wait3A_70 = arith.constant 0 : i32
      %dma_wait3A_71 = tpu.memref_slice %arg3[%arg0, %arg1, %run_scoped3A_26, %dma_wait3A, %dma_wait3A_70] : memref<2x16x2x40x128xi32, #tpu.memory_space<hbm>> -> memref<1x1x1x40x128xi32, #tpu.memory_space<hbm>>
      %dma_wait3A_72 = tpu.memref_squeeze %dma_wait3A_71 : memref<1x1x1x40x128xi32, #tpu.memory_space<hbm>> -> memref<40x128xi32, #tpu.memory_space<hbm>>
      %dma_wait3A_73 = arith.constant 0 : i32
      %dma_wait3A_74 = arith.constant 0 : i32
      %dma_wait3A_75 = tpu.memref_slice %arg3[%arg0, %arg1, %run_scoped3A_26, %dma_wait3A_73, %dma_wait3A_74] : memref<2x16x2x40x128xi32, #tpu.memory_space<hbm>> -> memref<1x1x1x40x128xi32, #tpu.memory_space<hbm>>
      %dma_wait3A_76 = tpu.memref_squeeze %dma_wait3A_75 : memref<1x1x1x40x128xi32, #tpu.memory_space<hbm>> -> memref<40x128xi32, #tpu.memory_space<hbm>>
      tpu.wait_dma2 semaphore(%run_scoped3A_61 : memref<!tpu.dma_semaphore, #tpu.memory_space<semaphore_mem>>) src(%dma_wait3A_76 : memref<40x128xi32, #tpu.memory_space<hbm>>) dst(%arg7 : memref<40x128xi32, #tpu.memory_space<vmem>>)
      tpu.yield
    }) : () -> ()
    %run_scoped3A_27 = arith.constant 1 : i32
    "tpu.region"() ({
      %run_scoped3A_61 = tpu.sem_alloc : memref<!tpu.dma_semaphore, #tpu.memory_space<semaphore_mem>>
      %dma_start3A_62 = arith.constant 0 : i32
      %dma_start3A_63 = arith.constant 0 : i32
      %dma_start3A_64 = tpu.memref_slice %arg4[%arg1, %run_scoped3A_27, %dma_start3A_62, %dma_start3A_63] : memref<16x2x40x128xi32, #tpu.memory_space<hbm>> -> memref<1x1x40x128xi32, #tpu.memory_space<hbm>>
      %dma_start3A_65 = tpu.memref_squeeze %dma_start3A_64 : memref<1x1x40x128xi32, #tpu.memory_space<hbm>> -> memref<40x128xi32, #tpu.memory_space<hbm>>
      %dma_start3A_66 = arith.constant 0 : i32
      %dma_start3A_67 = arith.constant 0 : i32
      %dma_start3A_68 = tpu.memref_slice %arg4[%arg1, %run_scoped3A_27, %dma_start3A_66, %dma_start3A_67] : memref<16x2x40x128xi32, #tpu.memory_space<hbm>> -> memref<1x1x40x128xi32, #tpu.memory_space<hbm>>
      %dma_start3A_69 = tpu.memref_squeeze %dma_start3A_68 : memref<1x1x40x128xi32, #tpu.memory_space<hbm>> -> memref<40x128xi32, #tpu.memory_space<hbm>>
      tpu.enqueue_dma source(%dma_start3A_69 : memref<40x128xi32, #tpu.memory_space<hbm>>) target(%arg8 : memref<40x128xi32, #tpu.memory_space<vmem>>) target_semaphore(%run_scoped3A_61 : memref<!tpu.dma_semaphore, #tpu.memory_space<semaphore_mem>>)
      %dma_wait3A = arith.constant 0 : i32
      %dma_wait3A_70 = arith.constant 0 : i32
      %dma_wait3A_71 = tpu.memref_slice %arg4[%arg1, %run_scoped3A_27, %dma_wait3A, %dma_wait3A_70] : memref<16x2x40x128xi32, #tpu.memory_space<hbm>> -> memref<1x1x40x128xi32, #tpu.memory_space<hbm>>
      %dma_wait3A_72 = tpu.memref_squeeze %dma_wait3A_71 : memref<1x1x40x128xi32, #tpu.memory_space<hbm>> -> memref<40x128xi32, #tpu.memory_space<hbm>>
      %dma_wait3A_73 = arith.constant 0 : i32
      %dma_wait3A_74 = arith.constant 0 : i32
      %dma_wait3A_75 = tpu.memref_slice %arg4[%arg1, %run_scoped3A_27, %dma_wait3A_73, %dma_wait3A_74] : memref<16x2x40x128xi32, #tpu.memory_space<hbm>> -> memref<1x1x40x128xi32, #tpu.memory_space<hbm>>
      %dma_wait3A_76 = tpu.memref_squeeze %dma_wait3A_75 : memref<1x1x40x128xi32, #tpu.memory_space<hbm>> -> memref<40x128xi32, #tpu.memory_space<hbm>>
      tpu.wait_dma2 semaphore(%run_scoped3A_61 : memref<!tpu.dma_semaphore, #tpu.memory_space<semaphore_mem>>) src(%dma_wait3A_76 : memref<40x128xi32, #tpu.memory_space<hbm>>) dst(%arg8 : memref<40x128xi32, #tpu.memory_space<vmem>>)
      tpu.yield
    }) : () -> ()
    %dma_start3A_28 = arith.constant 0 : i32
    %dma_start3A_29 = arith.constant 0 : i32
    %dma_start3A_30 = arith.constant 0 : i32
    %dma_start3A_31 = tpu.memref_slice %arg9[%dma_start3A_29, %dma_start3A_30] : memref<128x128xf32, #tpu.memory_space<vmem>> -> memref<64x128xf32, #tpu.memory_space<vmem>>
    %dma_start3A_32 = arith.constant 0 : i32
    %dma_start3A_33 = tpu.memref_slice %arg7[%dma_start3A_28, %dma_start3A_32] : memref<40x128xi32, #tpu.memory_space<vmem>> -> memref<1x64xi32, #tpu.memory_space<vmem>>
    %dma_start3A_34 = tpu.memref_squeeze %dma_start3A_33 : memref<1x64xi32, #tpu.memory_space<vmem>> -> memref<64xi32, #tpu.memory_space<vmem>>
    %dma_start3A_35 = arith.constant 0 : i32
    %dma_start3A_36 = arith.constant 0 : i32
    %dma_start3A_37 = tpu.memref_slice %arg2[%dma_start3A_35, %dma_start3A_36] : memref<20000x128xf32, #tpu.memory_space<hbm>> -> memref<20000x128xf32, #tpu.memory_space<hbm>>
    tpu.enqueue_indirect_dma source(%dma_start3A_37 : memref<20000x128xf32, #tpu.memory_space<hbm>>) target(%dma_start3A_31 : memref<64x128xf32, #tpu.memory_space<vmem>>) offsets(%dma_start3A_34 : memref<64xi32, #tpu.memory_space<vmem>>) semaphore(%arg12 : memref<!tpu.dma_semaphore, #tpu.memory_space<semaphore_mem>>)
    %dma_start3A_38 = arith.constant 0 : i32
    %dma_start3A_39 = arith.constant 64 : i32
    %dma_start3A_40 = arith.constant 0 : i32
    %dma_start3A_41 = tpu.memref_slice %arg9[%dma_start3A_39, %dma_start3A_40] : memref<128x128xf32, #tpu.memory_space<vmem>> -> memref<64x128xf32, #tpu.memory_space<vmem>>
    %dma_start3A_42 = arith.constant 64 : i32
    %dma_start3A_43 = tpu.memref_slice %arg7[%dma_start3A_38, %dma_start3A_42] : memref<40x128xi32, #tpu.memory_space<vmem>> -> memref<1x64xi32, #tpu.memory_space<vmem>>
    %dma_start3A_44 = tpu.memref_squeeze %dma_start3A_43 : memref<1x64xi32, #tpu.memory_space<vmem>> -> memref<64xi32, #tpu.memory_space<vmem>>
    %dma_start3A_45 = arith.constant 0 : i32
    %dma_start3A_46 = arith.constant 0 : i32
    %dma_start3A_47 = tpu.memref_slice %arg2[%dma_start3A_45, %dma_start3A_46] : memref<20000x128xf32, #tpu.memory_space<hbm>> -> memref<20000x128xf32, #tpu.memory_space<hbm>>
    tpu.enqueue_indirect_dma source(%dma_start3A_47 : memref<20000x128xf32, #tpu.memory_space<hbm>>) target(%dma_start3A_41 : memref<64x128xf32, #tpu.memory_space<vmem>>) offsets(%dma_start3A_44 : memref<64xi32, #tpu.memory_space<vmem>>) semaphore(%arg12 : memref<!tpu.dma_semaphore, #tpu.memory_space<semaphore_mem>>)
    %scan3A_48 = arith.constant 0 : i32
    %scan3A_49 = arith.constant 0 : i32
    %scan3A_50 = arith.constant 20 : i32
    %scan3A_51 = arith.addi %scan3A_49, %scan3A_50 : i32
    %scan3A_52 = arith.constant 1 : i32
    scf.for %scan3A_61 = %scan3A_49 to %scan3A_51 step %scan3A_52  : i32 {
      %mul3A_62 = arith.constant 2 : i32
      %mul3A_63 = arith.muli %mul3A_62, %scan3A_61 : i32
      %add3A = arith.constant 1 : i32
      %add3A_64 = arith.addi %mul3A_63, %add3A : i32
      %dma_start3A_65 = arith.constant 0 : i32
      %dma_start3A_66 = arith.constant 0 : i32
      %dma_start3A_67 = tpu.memref_slice %arg10[%dma_start3A_65, %dma_start3A_66] : memref<128x128xf32, #tpu.memory_space<vmem>> -> memref<64x128xf32, #tpu.memory_space<vmem>>
      %dma_start3A_68 = arith.constant 0 : i32
      %dma_start3A_69 = tpu.memref_slice %arg7[%add3A_64, %dma_start3A_68] : memref<40x128xi32, #tpu.memory_space<vmem>> -> memref<1x64xi32, #tpu.memory_space<vmem>>
      %dma_start3A_70 = tpu.memref_squeeze %dma_start3A_69 : memref<1x64xi32, #tpu.memory_space<vmem>> -> memref<64xi32, #tpu.memory_space<vmem>>
      %dma_start3A_71 = arith.constant 0 : i32
      %dma_start3A_72 = arith.constant 0 : i32
      %dma_start3A_73 = tpu.memref_slice %arg2[%dma_start3A_71, %dma_start3A_72] : memref<20000x128xf32, #tpu.memory_space<hbm>> -> memref<20000x128xf32, #tpu.memory_space<hbm>>
      tpu.enqueue_indirect_dma source(%dma_start3A_73 : memref<20000x128xf32, #tpu.memory_space<hbm>>) target(%dma_start3A_67 : memref<64x128xf32, #tpu.memory_space<vmem>>) offsets(%dma_start3A_70 : memref<64xi32, #tpu.memory_space<vmem>>) semaphore(%arg13 : memref<!tpu.dma_semaphore, #tpu.memory_space<semaphore_mem>>)
      %dma_start3A_74 = arith.constant 64 : i32
      %dma_start3A_75 = arith.constant 0 : i32
      %dma_start3A_76 = tpu.memref_slice %arg10[%dma_start3A_74, %dma_start3A_75] : memref<128x128xf32, #tpu.memory_space<vmem>> -> memref<64x128xf32, #tpu.memory_space<vmem>>
      %dma_start3A_77 = arith.constant 64 : i32
      %dma_start3A_78 = tpu.memref_slice %arg7[%add3A_64, %dma_start3A_77] : memref<40x128xi32, #tpu.memory_space<vmem>> -> memref<1x64xi32, #tpu.memory_space<vmem>>
      %dma_start3A_79 = tpu.memref_squeeze %dma_start3A_78 : memref<1x64xi32, #tpu.memory_space<vmem>> -> memref<64xi32, #tpu.memory_space<vmem>>
      %dma_start3A_80 = arith.constant 0 : i32
      %dma_start3A_81 = arith.constant 0 : i32
      %dma_start3A_82 = tpu.memref_slice %arg2[%dma_start3A_80, %dma_start3A_81] : memref<20000x128xf32, #tpu.memory_space<hbm>> -> memref<20000x128xf32, #tpu.memory_space<hbm>>
      tpu.enqueue_indirect_dma source(%dma_start3A_82 : memref<20000x128xf32, #tpu.memory_space<hbm>>) target(%dma_start3A_76 : memref<64x128xf32, #tpu.memory_space<vmem>>) offsets(%dma_start3A_79 : memref<64xi32, #tpu.memory_space<vmem>>) semaphore(%arg13 : memref<!tpu.dma_semaphore, #tpu.memory_space<semaphore_mem>>)
      %dma_wait3A = arith.constant 0 : i32
      %dma_wait3A_83 = arith.constant 0 : i32
      %dma_wait3A_84 = tpu.memref_slice %arg9[%dma_wait3A, %dma_wait3A_83] : memref<128x128xf32, #tpu.memory_space<vmem>> -> memref<64x128xf32, #tpu.memory_space<vmem>>
      %dma_wait3A_85 = arith.constant 0 : i32
      %dma_wait3A_86 = tpu.memref_slice %arg7[%mul3A_63, %dma_wait3A_85] : memref<40x128xi32, #tpu.memory_space<vmem>> -> memref<1x64xi32, #tpu.memory_space<vmem>>
      %dma_wait3A_87 = tpu.memref_squeeze %dma_wait3A_86 : memref<1x64xi32, #tpu.memory_space<vmem>> -> memref<64xi32, #tpu.memory_space<vmem>>
      %dma_wait3A_88 = arith.constant 0 : i32
      %dma_wait3A_89 = arith.constant 0 : i32
      %dma_wait3A_90 = tpu.memref_slice %arg2[%dma_wait3A_88, %dma_wait3A_89] : memref<20000x128xf32, #tpu.memory_space<hbm>> -> memref<20000x128xf32, #tpu.memory_space<hbm>>
      tpu.wait_indirect_dma semaphore(%arg12 : memref<!tpu.dma_semaphore, #tpu.memory_space<semaphore_mem>>) src(%dma_wait3A_90 : memref<20000x128xf32, #tpu.memory_space<hbm>>) dst(%dma_wait3A_84 : memref<64x128xf32, #tpu.memory_space<vmem>>)
      %dma_wait3A_91 = arith.constant 64 : i32
      %dma_wait3A_92 = arith.constant 0 : i32
      %dma_wait3A_93 = tpu.memref_slice %arg9[%dma_wait3A_91, %dma_wait3A_92] : memref<128x128xf32, #tpu.memory_space<vmem>> -> memref<64x128xf32, #tpu.memory_space<vmem>>
      %dma_wait3A_94 = arith.constant 64 : i32
      %dma_wait3A_95 = tpu.memref_slice %arg7[%mul3A_63, %dma_wait3A_94] : memref<40x128xi32, #tpu.memory_space<vmem>> -> memref<1x64xi32, #tpu.memory_space<vmem>>
      %dma_wait3A_96 = tpu.memref_squeeze %dma_wait3A_95 : memref<1x64xi32, #tpu.memory_space<vmem>> -> memref<64xi32, #tpu.memory_space<vmem>>
      %dma_wait3A_97 = arith.constant 0 : i32
      %dma_wait3A_98 = arith.constant 0 : i32
      %dma_wait3A_99 = tpu.memref_slice %arg2[%dma_wait3A_97, %dma_wait3A_98] : memref<20000x128xf32, #tpu.memory_space<hbm>> -> memref<20000x128xf32, #tpu.memory_space<hbm>>
      tpu.wait_indirect_dma semaphore(%arg12 : memref<!tpu.dma_semaphore, #tpu.memory_space<semaphore_mem>>) src(%dma_wait3A_99 : memref<20000x128xf32, #tpu.memory_space<hbm>>) dst(%dma_wait3A_93 : memref<64x128xf32, #tpu.memory_space<vmem>>)
      "tpu.region"() ({
        %run_scoped3A_128 = tpu.sem_alloc : memref<!tpu.dma_semaphore, #tpu.memory_space<semaphore_mem>>
        %dma_start3A_129 = arith.constant 0 : i32
        %dma_start3A_130 = tpu.memref_slice %arg8[%mul3A_63, %dma_start3A_129] : memref<40x128xi32, #tpu.memory_space<vmem>> -> memref<1x128xi32, #tpu.memory_space<vmem>>
        %dma_start3A_131 = tpu.memref_squeeze %dma_start3A_130 : memref<1x128xi32, #tpu.memory_space<vmem>> -> memref<128xi32, #tpu.memory_space<vmem>>
        %dma_start3A_132 = arith.constant 0 : i32
        %dma_start3A_133 = arith.constant 0 : i32
        %dma_start3A_134 = tpu.memref_slice %arg11[%dma_start3A_132, %dma_start3A_133] : memref<10112x128xf32, #tpu.memory_space<vmem_shared>> -> memref<10112x128xf32, #tpu.memory_space<vmem_shared>>
        tpu.enqueue_indirect_dma source(%arg9 : memref<128x128xf32, #tpu.memory_space<vmem>>) target(%dma_start3A_134 : memref<10112x128xf32, #tpu.memory_space<vmem_shared>>) offsets(%dma_start3A_131 : memref<128xi32, #tpu.memory_space<vmem>>) semaphore(%run_scoped3A_128 : memref<!tpu.dma_semaphore, #tpu.memory_space<semaphore_mem>>) {add = true}
        %dma_wait3A_135 = arith.constant 0 : i32
        %dma_wait3A_136 = tpu.memref_slice %arg8[%mul3A_63, %dma_wait3A_135] : memref<40x128xi32, #tpu.memory_space<vmem>> -> memref<1x128xi32, #tpu.memory_space<vmem>>
        %dma_wait3A_137 = tpu.memref_squeeze %dma_wait3A_136 : memref<1x128xi32, #tpu.memory_space<vmem>> -> memref<128xi32, #tpu.memory_space<vmem>>
        %dma_wait3A_138 = arith.constant 0 : i32
        %dma_wait3A_139 = arith.constant 0 : i32
        %dma_wait3A_140 = tpu.memref_slice %arg11[%dma_wait3A_138, %dma_wait3A_139] : memref<10112x128xf32, #tpu.memory_space<vmem_shared>> -> memref<10112x128xf32, #tpu.memory_space<vmem_shared>>
        tpu.wait_indirect_dma semaphore(%run_scoped3A_128 : memref<!tpu.dma_semaphore, #tpu.memory_space<semaphore_mem>>) src(%arg9 : memref<128x128xf32, #tpu.memory_space<vmem>>) dst(%dma_wait3A_140 : memref<10112x128xf32, #tpu.memory_space<vmem_shared>>)
        tpu.yield
      }) : () -> ()
      %add3A_100 = arith.constant 2 : i32
      %add3A_101 = arith.addi %mul3A_63, %add3A_100 : i32
      %lt3A = arith.constant 40 : i32
      %lt3A_102 = arith.cmpi slt, %add3A_101, %lt3A : i32
      %convert_element_type3A_103 = arith.extui %lt3A_102 : i1 to i32
      %cond3A_104 = arith.constant 0 : i32
      %cond3A_105 = arith.cmpi ne, %convert_element_type3A_103, %cond3A_104 : i32
      scf.if %cond3A_105 {
        %add3A_128 = arith.constant 2 : i32
        %add3A_129 = arith.addi %mul3A_63, %add3A_128 : i32
        %dma_start3A_130 = arith.constant 0 : i32
        %dma_start3A_131 = arith.constant 0 : i32
        %dma_start3A_132 = tpu.memref_slice %arg9[%dma_start3A_130, %dma_start3A_131] : memref<128x128xf32, #tpu.memory_space<vmem>> -> memref<64x128xf32, #tpu.memory_space<vmem>>
        %dma_start3A_133 = arith.constant 0 : i32
        %dma_start3A_134 = tpu.memref_slice %arg7[%add3A_129, %dma_start3A_133] : memref<40x128xi32, #tpu.memory_space<vmem>> -> memref<1x64xi32, #tpu.memory_space<vmem>>
        %dma_start3A_135 = tpu.memref_squeeze %dma_start3A_134 : memref<1x64xi32, #tpu.memory_space<vmem>> -> memref<64xi32, #tpu.memory_space<vmem>>
        %dma_start3A_136 = arith.constant 0 : i32
        %dma_start3A_137 = arith.constant 0 : i32
        %dma_start3A_138 = tpu.memref_slice %arg2[%dma_start3A_136, %dma_start3A_137] : memref<20000x128xf32, #tpu.memory_space<hbm>> -> memref<20000x128xf32, #tpu.memory_space<hbm>>
        tpu.enqueue_indirect_dma source(%dma_start3A_138 : memref<20000x128xf32, #tpu.memory_space<hbm>>) target(%dma_start3A_132 : memref<64x128xf32, #tpu.memory_space<vmem>>) offsets(%dma_start3A_135 : memref<64xi32, #tpu.memory_space<vmem>>) semaphore(%arg12 : memref<!tpu.dma_semaphore, #tpu.memory_space<semaphore_mem>>)
        %dma_start3A_139 = arith.constant 64 : i32
        %dma_start3A_140 = arith.constant 0 : i32
        %dma_start3A_141 = tpu.memref_slice %arg9[%dma_start3A_139, %dma_start3A_140] : memref<128x128xf32, #tpu.memory_space<vmem>> -> memref<64x128xf32, #tpu.memory_space<vmem>>
        %dma_start3A_142 = arith.constant 64 : i32
        %dma_start3A_143 = tpu.memref_slice %arg7[%add3A_129, %dma_start3A_142] : memref<40x128xi32, #tpu.memory_space<vmem>> -> memref<1x64xi32, #tpu.memory_space<vmem>>
        %dma_start3A_144 = tpu.memref_squeeze %dma_start3A_143 : memref<1x64xi32, #tpu.memory_space<vmem>> -> memref<64xi32, #tpu.memory_space<vmem>>
        %dma_start3A_145 = arith.constant 0 : i32
        %dma_start3A_146 = arith.constant 0 : i32
        %dma_start3A_147 = tpu.memref_slice %arg2[%dma_start3A_145, %dma_start3A_146] : memref<20000x128xf32, #tpu.memory_space<hbm>> -> memref<20000x128xf32, #tpu.memory_space<hbm>>
        tpu.enqueue_indirect_dma source(%dma_start3A_147 : memref<20000x128xf32, #tpu.memory_space<hbm>>) target(%dma_start3A_141 : memref<64x128xf32, #tpu.memory_space<vmem>>) offsets(%dma_start3A_144 : memref<64xi32, #tpu.memory_space<vmem>>) semaphore(%arg12 : memref<!tpu.dma_semaphore, #tpu.memory_space<semaphore_mem>>)
      } else {
      }
      %add3A_106 = arith.constant 1 : i32
      %add3A_107 = arith.addi %mul3A_63, %add3A_106 : i32
      %dma_wait3A_108 = arith.constant 0 : i32
      %dma_wait3A_109 = arith.constant 0 : i32
      %dma_wait3A_110 = tpu.memref_slice %arg10[%dma_wait3A_108, %dma_wait3A_109] : memref<128x128xf32, #tpu.memory_space<vmem>> -> memref<64x128xf32, #tpu.memory_space<vmem>>
      %dma_wait3A_111 = arith.constant 0 : i32
      %dma_wait3A_112 = tpu.memref_slice %arg7[%add3A_107, %dma_wait3A_111] : memref<40x128xi32, #tpu.memory_space<vmem>> -> memref<1x64xi32, #tpu.memory_space<vmem>>
      %dma_wait3A_113 = tpu.memref_squeeze %dma_wait3A_112 : memref<1x64xi32, #tpu.memory_space<vmem>> -> memref<64xi32, #tpu.memory_space<vmem>>
      %dma_wait3A_114 = arith.constant 0 : i32
      %dma_wait3A_115 = arith.constant 0 : i32
      %dma_wait3A_116 = tpu.memref_slice %arg2[%dma_wait3A_114, %dma_wait3A_115] : memref<20000x128xf32, #tpu.memory_space<hbm>> -> memref<20000x128xf32, #tpu.memory_space<hbm>>
      tpu.wait_indirect_dma semaphore(%arg13 : memref<!tpu.dma_semaphore, #tpu.memory_space<semaphore_mem>>) src(%dma_wait3A_116 : memref<20000x128xf32, #tpu.memory_space<hbm>>) dst(%dma_wait3A_110 : memref<64x128xf32, #tpu.memory_space<vmem>>)
      %dma_wait3A_117 = arith.constant 64 : i32
      %dma_wait3A_118 = arith.constant 0 : i32
      %dma_wait3A_119 = tpu.memref_slice %arg10[%dma_wait3A_117, %dma_wait3A_118] : memref<128x128xf32, #tpu.memory_space<vmem>> -> memref<64x128xf32, #tpu.memory_space<vmem>>
      %dma_wait3A_120 = arith.constant 64 : i32
      %dma_wait3A_121 = tpu.memref_slice %arg7[%add3A_107, %dma_wait3A_120] : memref<40x128xi32, #tpu.memory_space<vmem>> -> memref<1x64xi32, #tpu.memory_space<vmem>>
      %dma_wait3A_122 = tpu.memref_squeeze %dma_wait3A_121 : memref<1x64xi32, #tpu.memory_space<vmem>> -> memref<64xi32, #tpu.memory_space<vmem>>
      %dma_wait3A_123 = arith.constant 0 : i32
      %dma_wait3A_124 = arith.constant 0 : i32
      %dma_wait3A_125 = tpu.memref_slice %arg2[%dma_wait3A_123, %dma_wait3A_124] : memref<20000x128xf32, #tpu.memory_space<hbm>> -> memref<20000x128xf32, #tpu.memory_space<hbm>>
      tpu.wait_indirect_dma semaphore(%arg13 : memref<!tpu.dma_semaphore, #tpu.memory_space<semaphore_mem>>) src(%dma_wait3A_125 : memref<20000x128xf32, #tpu.memory_space<hbm>>) dst(%dma_wait3A_119 : memref<64x128xf32, #tpu.memory_space<vmem>>)
      %add3A_126 = arith.constant 1 : i32
      %add3A_127 = arith.addi %mul3A_63, %add3A_126 : i32
      "tpu.region"() ({
        %run_scoped3A_128 = tpu.sem_alloc : memref<!tpu.dma_semaphore, #tpu.memory_space<semaphore_mem>>
        %dma_start3A_129 = arith.constant 0 : i32
        %dma_start3A_130 = tpu.memref_slice %arg8[%add3A_127, %dma_start3A_129] : memref<40x128xi32, #tpu.memory_space<vmem>> -> memref<1x128xi32, #tpu.memory_space<vmem>>
        %dma_start3A_131 = tpu.memref_squeeze %dma_start3A_130 : memref<1x128xi32, #tpu.memory_space<vmem>> -> memref<128xi32, #tpu.memory_space<vmem>>
        %dma_start3A_132 = arith.constant 0 : i32
        %dma_start3A_133 = arith.constant 0 : i32
        %dma_start3A_134 = tpu.memref_slice %arg11[%dma_start3A_132, %dma_start3A_133] : memref<10112x128xf32, #tpu.memory_space<vmem_shared>> -> memref<10112x128xf32, #tpu.memory_space<vmem_shared>>
        tpu.enqueue_indirect_dma source(%arg10 : memref<128x128xf32, #tpu.memory_space<vmem>>) target(%dma_start3A_134 : memref<10112x128xf32, #tpu.memory_space<vmem_shared>>) offsets(%dma_start3A_131 : memref<128xi32, #tpu.memory_space<vmem>>) semaphore(%run_scoped3A_128 : memref<!tpu.dma_semaphore, #tpu.memory_space<semaphore_mem>>) {add = true}
        %dma_wait3A_135 = arith.constant 0 : i32
        %dma_wait3A_136 = tpu.memref_slice %arg8[%add3A_127, %dma_wait3A_135] : memref<40x128xi32, #tpu.memory_space<vmem>> -> memref<1x128xi32, #tpu.memory_space<vmem>>
        %dma_wait3A_137 = tpu.memref_squeeze %dma_wait3A_136 : memref<1x128xi32, #tpu.memory_space<vmem>> -> memref<128xi32, #tpu.memory_space<vmem>>
        %dma_wait3A_138 = arith.constant 0 : i32
        %dma_wait3A_139 = arith.constant 0 : i32
        %dma_wait3A_140 = tpu.memref_slice %arg11[%dma_wait3A_138, %dma_wait3A_139] : memref<10112x128xf32, #tpu.memory_space<vmem_shared>> -> memref<10112x128xf32, #tpu.memory_space<vmem_shared>>
        tpu.wait_indirect_dma semaphore(%run_scoped3A_128 : memref<!tpu.dma_semaphore, #tpu.memory_space<semaphore_mem>>) src(%arg10 : memref<128x128xf32, #tpu.memory_space<vmem>>) dst(%dma_wait3A_140 : memref<10112x128xf32, #tpu.memory_space<vmem_shared>>)
        tpu.yield
      }) : () -> ()
    }
    %scan3A_53 = arith.constant 20 : i32
    %barrier3A_54 = arith.constant 0 : index
    tpu.barrier barrier_id(%barrier3A_54)
    %mul3A_55 = arith.constant 624 : i32
    %mul3A_56 = arith.muli %arg1, %mul3A_55 : i32
    %mul3A_57 = arith.constant 624 : i32
    %mul3A_58 = arith.muli %arg1, %mul3A_57 : i32
    "tpu.region"() ({
      %run_scoped3A_61 = tpu.sem_alloc : memref<!tpu.dma_semaphore, #tpu.memory_space<semaphore_mem>>
      %dma_start3A_62 = arith.constant 0 : i32
      %dma_start3A_63 = tpu.memref_slice %arg6[%arg0, %mul3A_58, %dma_start3A_62] : memref<2x10000x128xf32, #tpu.memory_space<hbm>> -> memref<1x624x128xf32, #tpu.memory_space<hbm>>
      %dma_start3A_64 = tpu.memref_squeeze %dma_start3A_63 : memref<1x624x128xf32, #tpu.memory_space<hbm>> -> memref<624x128xf32, #tpu.memory_space<hbm>>
      %dma_start3A_65 = arith.constant 0 : i32
      %dma_start3A_66 = tpu.memref_slice %arg11[%mul3A_56, %dma_start3A_65] : memref<10112x128xf32, #tpu.memory_space<vmem_shared>> -> memref<624x128xf32, #tpu.memory_space<vmem_shared>>
      tpu.enqueue_dma source(%dma_start3A_66 : memref<624x128xf32, #tpu.memory_space<vmem_shared>>) target(%dma_start3A_64 : memref<624x128xf32, #tpu.memory_space<hbm>>) target_semaphore(%run_scoped3A_61 : memref<!tpu.dma_semaphore, #tpu.memory_space<semaphore_mem>>)
      %dma_wait3A = arith.constant 0 : i32
      %dma_wait3A_67 = tpu.memref_slice %arg6[%arg0, %mul3A_58, %dma_wait3A] : memref<2x10000x128xf32, #tpu.memory_space<hbm>> -> memref<1x624x128xf32, #tpu.memory_space<hbm>>
      %dma_wait3A_68 = tpu.memref_squeeze %dma_wait3A_67 : memref<1x624x128xf32, #tpu.memory_space<hbm>> -> memref<624x128xf32, #tpu.memory_space<hbm>>
      %dma_wait3A_69 = arith.constant 0 : i32
      %dma_wait3A_70 = tpu.memref_slice %arg11[%mul3A_56, %dma_wait3A_69] : memref<10112x128xf32, #tpu.memory_space<vmem_shared>> -> memref<624x128xf32, #tpu.memory_space<vmem_shared>>
      tpu.wait_dma2 semaphore(%run_scoped3A_61 : memref<!tpu.dma_semaphore, #tpu.memory_space<semaphore_mem>>) src(%dma_wait3A_70 : memref<624x128xf32, #tpu.memory_space<vmem_shared>>) dst(%dma_wait3A_68 : memref<624x128xf32, #tpu.memory_space<hbm>>)
      tpu.yield
    }) : () -> ()
    %eq3A = arith.constant 15 : i32
    %eq3A_59 = arith.cmpi eq, %arg1, %eq3A : i32
    %convert_element_type3A = arith.extui %eq3A_59 : i1 to i32
    %cond3A = arith.constant 0 : i32
    %cond3A_60 = arith.cmpi ne, %convert_element_type3A, %cond3A : i32
    scf.if %cond3A_60 {
      "tpu.region"() ({
        %run_scoped3A_61 = tpu.sem_alloc : memref<!tpu.dma_semaphore, #tpu.memory_space<semaphore_mem>>
        %dma_start3A_62 = arith.constant 9984 : i32
        %dma_start3A_63 = arith.constant 0 : i32
        %dma_start3A_64 = tpu.memref_slice %arg6[%arg0, %dma_start3A_62, %dma_start3A_63] : memref<2x10000x128xf32, #tpu.memory_space<hbm>> -> memref<1x16x128xf32, #tpu.memory_space<hbm>>
        %dma_start3A_65 = tpu.memref_squeeze %dma_start3A_64 : memref<1x16x128xf32, #tpu.memory_space<hbm>> -> memref<16x128xf32, #tpu.memory_space<hbm>>
        %dma_start3A_66 = arith.constant 9984 : i32
        %dma_start3A_67 = arith.constant 0 : i32
        %dma_start3A_68 = tpu.memref_slice %arg11[%dma_start3A_66, %dma_start3A_67] : memref<10112x128xf32, #tpu.memory_space<vmem_shared>> -> memref<16x128xf32, #tpu.memory_space<vmem_shared>>
        tpu.enqueue_dma source(%dma_start3A_68 : memref<16x128xf32, #tpu.memory_space<vmem_shared>>) target(%dma_start3A_65 : memref<16x128xf32, #tpu.memory_space<hbm>>) target_semaphore(%run_scoped3A_61 : memref<!tpu.dma_semaphore, #tpu.memory_space<semaphore_mem>>)
        %dma_wait3A = arith.constant 9984 : i32
        %dma_wait3A_69 = arith.constant 0 : i32
        %dma_wait3A_70 = tpu.memref_slice %arg6[%arg0, %dma_wait3A, %dma_wait3A_69] : memref<2x10000x128xf32, #tpu.memory_space<hbm>> -> memref<1x16x128xf32, #tpu.memory_space<hbm>>
        %dma_wait3A_71 = tpu.memref_squeeze %dma_wait3A_70 : memref<1x16x128xf32, #tpu.memory_space<hbm>> -> memref<16x128xf32, #tpu.memory_space<hbm>>
        %dma_wait3A_72 = arith.constant 9984 : i32
        %dma_wait3A_73 = arith.constant 0 : i32
        %dma_wait3A_74 = tpu.memref_slice %arg11[%dma_wait3A_72, %dma_wait3A_73] : memref<10112x128xf32, #tpu.memory_space<vmem_shared>> -> memref<16x128xf32, #tpu.memory_space<vmem_shared>>
        tpu.wait_dma2 semaphore(%run_scoped3A_61 : memref<!tpu.dma_semaphore, #tpu.memory_space<semaphore_mem>>) src(%dma_wait3A_74 : memref<16x128xf32, #tpu.memory_space<vmem_shared>>) dst(%dma_wait3A_71 : memref<16x128xf32, #tpu.memory_space<hbm>>)
        tpu.yield
      }) : () -> ()
    } else {
    }
    return
  }
}

#map = affine_map<(d0, d1) -> (0, 0, 0, 0)>
#map1 = affine_map<(d0, d1) -> (0, 0)>
#map2 = affine_map<(d0, d1) -> (0, 0, 0)>
module attributes {stable_mosaic.version = 14 : i64} {
  func.func @_deg_sc(%arg0: i32, %arg1: i32, %arg2: memref<16x2x40x128xi32, #tpu.memory_space<hbm>>, %arg3: memref<128x128xf32, #tpu.memory_space<hbm>>, %arg4: memref<632x128xf32, #tpu.memory_space<hbm>>, %arg5: memref<2x10000x128xf32, #tpu.memory_space<hbm>>, %arg6: memref<40x128xi32, #tpu.memory_space<vmem>>, %arg7: memref<128x128xf32, #tpu.memory_space<vmem>>, %arg8: memref<10112x128xf32, #tpu.memory_space<vmem_shared>>, %arg9: memref<!tpu.dma_semaphore, #tpu.memory_space<semaphore_mem>>) attributes {dimension_semantics = [#tpu.dimension_semantics<core_parallel>, #tpu.dimension_semantics<subcore_parallel>], iteration_bounds = array<i64: 2, 16>, scalar_prefetch = 0 : i64, scratch_operands = 4 : i64, tpu.core_type = #tpu.core_type<sc_vector_subcore>, window_params = [{transform_indices = #map}, {transform_indices = #map1}, {transform_indices = #map1}, {transform_indices = #map2}]} {
    "tpu.region"() ({
      %run_scoped3A_20 = tpu.sem_alloc : memref<!tpu.dma_semaphore, #tpu.memory_space<semaphore_mem>>
      tpu.enqueue_dma source(%arg3 : memref<128x128xf32, #tpu.memory_space<hbm>>) target(%arg7 : memref<128x128xf32, #tpu.memory_space<vmem>>) target_semaphore(%run_scoped3A_20 : memref<!tpu.dma_semaphore, #tpu.memory_space<semaphore_mem>>)
      tpu.wait_dma2 semaphore(%run_scoped3A_20 : memref<!tpu.dma_semaphore, #tpu.memory_space<semaphore_mem>>) src(%arg3 : memref<128x128xf32, #tpu.memory_space<hbm>>) dst(%arg7 : memref<128x128xf32, #tpu.memory_space<vmem>>)
      tpu.yield
    }) : () -> ()
    %mul3A = arith.constant 632 : i32
    %mul3A_0 = arith.muli %arg1, %mul3A : i32
    "tpu.region"() ({
      %run_scoped3A_20 = tpu.sem_alloc : memref<!tpu.dma_semaphore, #tpu.memory_space<semaphore_mem>>
      %dma_start3A = arith.constant 0 : i32
      %dma_start3A_21 = tpu.memref_slice %arg8[%mul3A_0, %dma_start3A] : memref<10112x128xf32, #tpu.memory_space<vmem_shared>> -> memref<632x128xf32, #tpu.memory_space<vmem_shared>>
      tpu.enqueue_dma source(%arg4 : memref<632x128xf32, #tpu.memory_space<hbm>>) target(%dma_start3A_21 : memref<632x128xf32, #tpu.memory_space<vmem_shared>>) target_semaphore(%run_scoped3A_20 : memref<!tpu.dma_semaphore, #tpu.memory_space<semaphore_mem>>)
      %dma_wait3A = arith.constant 0 : i32
      %dma_wait3A_22 = tpu.memref_slice %arg8[%mul3A_0, %dma_wait3A] : memref<10112x128xf32, #tpu.memory_space<vmem_shared>> -> memref<632x128xf32, #tpu.memory_space<vmem_shared>>
      tpu.wait_dma2 semaphore(%run_scoped3A_20 : memref<!tpu.dma_semaphore, #tpu.memory_space<semaphore_mem>>) src(%arg4 : memref<632x128xf32, #tpu.memory_space<hbm>>) dst(%dma_wait3A_22 : memref<632x128xf32, #tpu.memory_space<vmem_shared>>)
      tpu.yield
    }) : () -> ()
    %barrier3A = arith.constant 0 : index
    tpu.barrier barrier_id(%barrier3A)
    %run_scoped3A = arith.constant 0 : i32
    "tpu.region"() ({
      %run_scoped3A_20 = tpu.sem_alloc : memref<!tpu.dma_semaphore, #tpu.memory_space<semaphore_mem>>
      %dma_start3A = arith.constant 0 : i32
      %dma_start3A_21 = arith.constant 0 : i32
      %dma_start3A_22 = tpu.memref_slice %arg2[%arg1, %run_scoped3A, %dma_start3A, %dma_start3A_21] : memref<16x2x40x128xi32, #tpu.memory_space<hbm>> -> memref<1x1x40x128xi32, #tpu.memory_space<hbm>>
      %dma_start3A_23 = tpu.memref_squeeze %dma_start3A_22 : memref<1x1x40x128xi32, #tpu.memory_space<hbm>> -> memref<40x128xi32, #tpu.memory_space<hbm>>
      %dma_start3A_24 = arith.constant 0 : i32
      %dma_start3A_25 = arith.constant 0 : i32
      %dma_start3A_26 = tpu.memref_slice %arg2[%arg1, %run_scoped3A, %dma_start3A_24, %dma_start3A_25] : memref<16x2x40x128xi32, #tpu.memory_space<hbm>> -> memref<1x1x40x128xi32, #tpu.memory_space<hbm>>
      %dma_start3A_27 = tpu.memref_squeeze %dma_start3A_26 : memref<1x1x40x128xi32, #tpu.memory_space<hbm>> -> memref<40x128xi32, #tpu.memory_space<hbm>>
      tpu.enqueue_dma source(%dma_start3A_27 : memref<40x128xi32, #tpu.memory_space<hbm>>) target(%arg6 : memref<40x128xi32, #tpu.memory_space<vmem>>) target_semaphore(%run_scoped3A_20 : memref<!tpu.dma_semaphore, #tpu.memory_space<semaphore_mem>>)
      %dma_wait3A = arith.constant 0 : i32
      %dma_wait3A_28 = arith.constant 0 : i32
      %dma_wait3A_29 = tpu.memref_slice %arg2[%arg1, %run_scoped3A, %dma_wait3A, %dma_wait3A_28] : memref<16x2x40x128xi32, #tpu.memory_space<hbm>> -> memref<1x1x40x128xi32, #tpu.memory_space<hbm>>
      %dma_wait3A_30 = tpu.memref_squeeze %dma_wait3A_29 : memref<1x1x40x128xi32, #tpu.memory_space<hbm>> -> memref<40x128xi32, #tpu.memory_space<hbm>>
      %dma_wait3A_31 = arith.constant 0 : i32
      %dma_wait3A_32 = arith.constant 0 : i32
      %dma_wait3A_33 = tpu.memref_slice %arg2[%arg1, %run_scoped3A, %dma_wait3A_31, %dma_wait3A_32] : memref<16x2x40x128xi32, #tpu.memory_space<hbm>> -> memref<1x1x40x128xi32, #tpu.memory_space<hbm>>
      %dma_wait3A_34 = tpu.memref_squeeze %dma_wait3A_33 : memref<1x1x40x128xi32, #tpu.memory_space<hbm>> -> memref<40x128xi32, #tpu.memory_space<hbm>>
      tpu.wait_dma2 semaphore(%run_scoped3A_20 : memref<!tpu.dma_semaphore, #tpu.memory_space<semaphore_mem>>) src(%dma_wait3A_34 : memref<40x128xi32, #tpu.memory_space<hbm>>) dst(%arg6 : memref<40x128xi32, #tpu.memory_space<vmem>>)
      tpu.yield
    }) : () -> ()
    %scan3A = arith.constant 0 : i32
    %scan3A_1 = arith.constant 0 : i32
    %scan3A_2 = arith.constant 40 : i32
    %scan3A_3 = arith.addi %scan3A_1, %scan3A_2 : i32
    %scan3A_4 = arith.constant 1 : i32
    scf.for %scan3A_20 = %scan3A_1 to %scan3A_3 step %scan3A_4  : i32 {
      "tpu.region"() ({
        %run_scoped3A_21 = tpu.sem_alloc : memref<!tpu.dma_semaphore, #tpu.memory_space<semaphore_mem>>
        %dma_start3A = arith.constant 0 : i32
        %dma_start3A_22 = tpu.memref_slice %arg6[%scan3A_20, %dma_start3A] : memref<40x128xi32, #tpu.memory_space<vmem>> -> memref<1x128xi32, #tpu.memory_space<vmem>>
        %dma_start3A_23 = tpu.memref_squeeze %dma_start3A_22 : memref<1x128xi32, #tpu.memory_space<vmem>> -> memref<128xi32, #tpu.memory_space<vmem>>
        %dma_start3A_24 = arith.constant 0 : i32
        %dma_start3A_25 = arith.constant 0 : i32
        %dma_start3A_26 = tpu.memref_slice %arg8[%dma_start3A_24, %dma_start3A_25] : memref<10112x128xf32, #tpu.memory_space<vmem_shared>> -> memref<10112x128xf32, #tpu.memory_space<vmem_shared>>
        tpu.enqueue_indirect_dma source(%arg7 : memref<128x128xf32, #tpu.memory_space<vmem>>) target(%dma_start3A_26 : memref<10112x128xf32, #tpu.memory_space<vmem_shared>>) offsets(%dma_start3A_23 : memref<128xi32, #tpu.memory_space<vmem>>) semaphore(%run_scoped3A_21 : memref<!tpu.dma_semaphore, #tpu.memory_space<semaphore_mem>>) {add = true}
        %dma_wait3A = arith.constant 0 : i32
        %dma_wait3A_27 = tpu.memref_slice %arg6[%scan3A_20, %dma_wait3A] : memref<40x128xi32, #tpu.memory_space<vmem>> -> memref<1x128xi32, #tpu.memory_space<vmem>>
        %dma_wait3A_28 = tpu.memref_squeeze %dma_wait3A_27 : memref<1x128xi32, #tpu.memory_space<vmem>> -> memref<128xi32, #tpu.memory_space<vmem>>
        %dma_wait3A_29 = arith.constant 0 : i32
        %dma_wait3A_30 = arith.constant 0 : i32
        %dma_wait3A_31 = tpu.memref_slice %arg8[%dma_wait3A_29, %dma_wait3A_30] : memref<10112x128xf32, #tpu.memory_space<vmem_shared>> -> memref<10112x128xf32, #tpu.memory_space<vmem_shared>>
        tpu.wait_indirect_dma semaphore(%run_scoped3A_21 : memref<!tpu.dma_semaphore, #tpu.memory_space<semaphore_mem>>) src(%arg7 : memref<128x128xf32, #tpu.memory_space<vmem>>) dst(%dma_wait3A_31 : memref<10112x128xf32, #tpu.memory_space<vmem_shared>>)
        tpu.yield
      }) : () -> ()
    }
    %scan3A_5 = arith.constant 40 : i32
    %run_scoped3A_6 = arith.constant 1 : i32
    "tpu.region"() ({
      %run_scoped3A_20 = tpu.sem_alloc : memref<!tpu.dma_semaphore, #tpu.memory_space<semaphore_mem>>
      %dma_start3A = arith.constant 0 : i32
      %dma_start3A_21 = arith.constant 0 : i32
      %dma_start3A_22 = tpu.memref_slice %arg2[%arg1, %run_scoped3A_6, %dma_start3A, %dma_start3A_21] : memref<16x2x40x128xi32, #tpu.memory_space<hbm>> -> memref<1x1x40x128xi32, #tpu.memory_space<hbm>>
      %dma_start3A_23 = tpu.memref_squeeze %dma_start3A_22 : memref<1x1x40x128xi32, #tpu.memory_space<hbm>> -> memref<40x128xi32, #tpu.memory_space<hbm>>
      %dma_start3A_24 = arith.constant 0 : i32
      %dma_start3A_25 = arith.constant 0 : i32
      %dma_start3A_26 = tpu.memref_slice %arg2[%arg1, %run_scoped3A_6, %dma_start3A_24, %dma_start3A_25] : memref<16x2x40x128xi32, #tpu.memory_space<hbm>> -> memref<1x1x40x128xi32, #tpu.memory_space<hbm>>
      %dma_start3A_27 = tpu.memref_squeeze %dma_start3A_26 : memref<1x1x40x128xi32, #tpu.memory_space<hbm>> -> memref<40x128xi32, #tpu.memory_space<hbm>>
      tpu.enqueue_dma source(%dma_start3A_27 : memref<40x128xi32, #tpu.memory_space<hbm>>) target(%arg6 : memref<40x128xi32, #tpu.memory_space<vmem>>) target_semaphore(%run_scoped3A_20 : memref<!tpu.dma_semaphore, #tpu.memory_space<semaphore_mem>>)
      %dma_wait3A = arith.constant 0 : i32
      %dma_wait3A_28 = arith.constant 0 : i32
      %dma_wait3A_29 = tpu.memref_slice %arg2[%arg1, %run_scoped3A_6, %dma_wait3A, %dma_wait3A_28] : memref<16x2x40x128xi32, #tpu.memory_space<hbm>> -> memref<1x1x40x128xi32, #tpu.memory_space<hbm>>
      %dma_wait3A_30 = tpu.memref_squeeze %dma_wait3A_29 : memref<1x1x40x128xi32, #tpu.memory_space<hbm>> -> memref<40x128xi32, #tpu.memory_space<hbm>>
      %dma_wait3A_31 = arith.constant 0 : i32
      %dma_wait3A_32 = arith.constant 0 : i32
      %dma_wait3A_33 = tpu.memref_slice %arg2[%arg1, %run_scoped3A_6, %dma_wait3A_31, %dma_wait3A_32] : memref<16x2x40x128xi32, #tpu.memory_space<hbm>> -> memref<1x1x40x128xi32, #tpu.memory_space<hbm>>
      %dma_wait3A_34 = tpu.memref_squeeze %dma_wait3A_33 : memref<1x1x40x128xi32, #tpu.memory_space<hbm>> -> memref<40x128xi32, #tpu.memory_space<hbm>>
      tpu.wait_dma2 semaphore(%run_scoped3A_20 : memref<!tpu.dma_semaphore, #tpu.memory_space<semaphore_mem>>) src(%dma_wait3A_34 : memref<40x128xi32, #tpu.memory_space<hbm>>) dst(%arg6 : memref<40x128xi32, #tpu.memory_space<vmem>>)
      tpu.yield
    }) : () -> ()
    %scan3A_7 = arith.constant 0 : i32
    %scan3A_8 = arith.constant 0 : i32
    %scan3A_9 = arith.constant 40 : i32
    %scan3A_10 = arith.addi %scan3A_8, %scan3A_9 : i32
    %scan3A_11 = arith.constant 1 : i32
    scf.for %scan3A_20 = %scan3A_8 to %scan3A_10 step %scan3A_11  : i32 {
      "tpu.region"() ({
        %run_scoped3A_21 = tpu.sem_alloc : memref<!tpu.dma_semaphore, #tpu.memory_space<semaphore_mem>>
        %dma_start3A = arith.constant 0 : i32
        %dma_start3A_22 = tpu.memref_slice %arg6[%scan3A_20, %dma_start3A] : memref<40x128xi32, #tpu.memory_space<vmem>> -> memref<1x128xi32, #tpu.memory_space<vmem>>
        %dma_start3A_23 = tpu.memref_squeeze %dma_start3A_22 : memref<1x128xi32, #tpu.memory_space<vmem>> -> memref<128xi32, #tpu.memory_space<vmem>>
        %dma_start3A_24 = arith.constant 0 : i32
        %dma_start3A_25 = arith.constant 0 : i32
        %dma_start3A_26 = tpu.memref_slice %arg8[%dma_start3A_24, %dma_start3A_25] : memref<10112x128xf32, #tpu.memory_space<vmem_shared>> -> memref<10112x128xf32, #tpu.memory_space<vmem_shared>>
        tpu.enqueue_indirect_dma source(%arg7 : memref<128x128xf32, #tpu.memory_space<vmem>>) target(%dma_start3A_26 : memref<10112x128xf32, #tpu.memory_space<vmem_shared>>) offsets(%dma_start3A_23 : memref<128xi32, #tpu.memory_space<vmem>>) semaphore(%run_scoped3A_21 : memref<!tpu.dma_semaphore, #tpu.memory_space<semaphore_mem>>) {add = true}
        %dma_wait3A = arith.constant 0 : i32
        %dma_wait3A_27 = tpu.memref_slice %arg6[%scan3A_20, %dma_wait3A] : memref<40x128xi32, #tpu.memory_space<vmem>> -> memref<1x128xi32, #tpu.memory_space<vmem>>
        %dma_wait3A_28 = tpu.memref_squeeze %dma_wait3A_27 : memref<1x128xi32, #tpu.memory_space<vmem>> -> memref<128xi32, #tpu.memory_space<vmem>>
        %dma_wait3A_29 = arith.constant 0 : i32
        %dma_wait3A_30 = arith.constant 0 : i32
        %dma_wait3A_31 = tpu.memref_slice %arg8[%dma_wait3A_29, %dma_wait3A_30] : memref<10112x128xf32, #tpu.memory_space<vmem_shared>> -> memref<10112x128xf32, #tpu.memory_space<vmem_shared>>
        tpu.wait_indirect_dma semaphore(%run_scoped3A_21 : memref<!tpu.dma_semaphore, #tpu.memory_space<semaphore_mem>>) src(%arg7 : memref<128x128xf32, #tpu.memory_space<vmem>>) dst(%dma_wait3A_31 : memref<10112x128xf32, #tpu.memory_space<vmem_shared>>)
        tpu.yield
      }) : () -> ()
    }
    %scan3A_12 = arith.constant 40 : i32
    %barrier3A_13 = arith.constant 0 : index
    tpu.barrier barrier_id(%barrier3A_13)
    %mul3A_14 = arith.constant 624 : i32
    %mul3A_15 = arith.muli %arg1, %mul3A_14 : i32
    %mul3A_16 = arith.constant 624 : i32
    %mul3A_17 = arith.muli %arg1, %mul3A_16 : i32
    "tpu.region"() ({
      %run_scoped3A_20 = tpu.sem_alloc : memref<!tpu.dma_semaphore, #tpu.memory_space<semaphore_mem>>
      %dma_start3A = arith.constant 0 : i32
      %dma_start3A_21 = tpu.memref_slice %arg5[%arg0, %mul3A_17, %dma_start3A] : memref<2x10000x128xf32, #tpu.memory_space<hbm>> -> memref<1x624x128xf32, #tpu.memory_space<hbm>>
      %dma_start3A_22 = tpu.memref_squeeze %dma_start3A_21 : memref<1x624x128xf32, #tpu.memory_space<hbm>> -> memref<624x128xf32, #tpu.memory_space<hbm>>
      %dma_start3A_23 = arith.constant 0 : i32
      %dma_start3A_24 = tpu.memref_slice %arg8[%mul3A_15, %dma_start3A_23] : memref<10112x128xf32, #tpu.memory_space<vmem_shared>> -> memref<624x128xf32, #tpu.memory_space<vmem_shared>>
      tpu.enqueue_dma source(%dma_start3A_24 : memref<624x128xf32, #tpu.memory_space<vmem_shared>>) target(%dma_start3A_22 : memref<624x128xf32, #tpu.memory_space<hbm>>) target_semaphore(%run_scoped3A_20 : memref<!tpu.dma_semaphore, #tpu.memory_space<semaphore_mem>>)
      %dma_wait3A = arith.constant 0 : i32
      %dma_wait3A_25 = tpu.memref_slice %arg5[%arg0, %mul3A_17, %dma_wait3A] : memref<2x10000x128xf32, #tpu.memory_space<hbm>> -> memref<1x624x128xf32, #tpu.memory_space<hbm>>
      %dma_wait3A_26 = tpu.memref_squeeze %dma_wait3A_25 : memref<1x624x128xf32, #tpu.memory_space<hbm>> -> memref<624x128xf32, #tpu.memory_space<hbm>>
      %dma_wait3A_27 = arith.constant 0 : i32
      %dma_wait3A_28 = tpu.memref_slice %arg8[%mul3A_15, %dma_wait3A_27] : memref<10112x128xf32, #tpu.memory_space<vmem_shared>> -> memref<624x128xf32, #tpu.memory_space<vmem_shared>>
      tpu.wait_dma2 semaphore(%run_scoped3A_20 : memref<!tpu.dma_semaphore, #tpu.memory_space<semaphore_mem>>) src(%dma_wait3A_28 : memref<624x128xf32, #tpu.memory_space<vmem_shared>>) dst(%dma_wait3A_26 : memref<624x128xf32, #tpu.memory_space<hbm>>)
      tpu.yield
    }) : () -> ()
    %eq3A = arith.constant 15 : i32
    %eq3A_18 = arith.cmpi eq, %arg1, %eq3A : i32
    %convert_element_type3A = arith.extui %eq3A_18 : i1 to i32
    %cond3A = arith.constant 0 : i32
    %cond3A_19 = arith.cmpi ne, %convert_element_type3A, %cond3A : i32
    scf.if %cond3A_19 {
      "tpu.region"() ({
        %run_scoped3A_20 = tpu.sem_alloc : memref<!tpu.dma_semaphore, #tpu.memory_space<semaphore_mem>>
        %dma_start3A = arith.constant 9984 : i32
        %dma_start3A_21 = arith.constant 0 : i32
        %dma_start3A_22 = tpu.memref_slice %arg5[%arg0, %dma_start3A, %dma_start3A_21] : memref<2x10000x128xf32, #tpu.memory_space<hbm>> -> memref<1x16x128xf32, #tpu.memory_space<hbm>>
        %dma_start3A_23 = tpu.memref_squeeze %dma_start3A_22 : memref<1x16x128xf32, #tpu.memory_space<hbm>> -> memref<16x128xf32, #tpu.memory_space<hbm>>
        %dma_start3A_24 = arith.constant 9984 : i32
        %dma_start3A_25 = arith.constant 0 : i32
        %dma_start3A_26 = tpu.memref_slice %arg8[%dma_start3A_24, %dma_start3A_25] : memref<10112x128xf32, #tpu.memory_space<vmem_shared>> -> memref<16x128xf32, #tpu.memory_space<vmem_shared>>
        tpu.enqueue_dma source(%dma_start3A_26 : memref<16x128xf32, #tpu.memory_space<vmem_shared>>) target(%dma_start3A_23 : memref<16x128xf32, #tpu.memory_space<hbm>>) target_semaphore(%run_scoped3A_20 : memref<!tpu.dma_semaphore, #tpu.memory_space<semaphore_mem>>)
        %dma_wait3A = arith.constant 9984 : i32
        %dma_wait3A_27 = arith.constant 0 : i32
        %dma_wait3A_28 = tpu.memref_slice %arg5[%arg0, %dma_wait3A, %dma_wait3A_27] : memref<2x10000x128xf32, #tpu.memory_space<hbm>> -> memref<1x16x128xf32, #tpu.memory_space<hbm>>
        %dma_wait3A_29 = tpu.memref_squeeze %dma_wait3A_28 : memref<1x16x128xf32, #tpu.memory_space<hbm>> -> memref<16x128xf32, #tpu.memory_space<hbm>>
        %dma_wait3A_30 = arith.constant 9984 : i32
        %dma_wait3A_31 = arith.constant 0 : i32
        %dma_wait3A_32 = tpu.memref_slice %arg8[%dma_wait3A_30, %dma_wait3A_31] : memref<10112x128xf32, #tpu.memory_space<vmem_shared>> -> memref<16x128xf32, #tpu.memory_space<vmem_shared>>
        tpu.wait_dma2 semaphore(%run_scoped3A_20 : memref<!tpu.dma_semaphore, #tpu.memory_space<semaphore_mem>>) src(%dma_wait3A_32 : memref<16x128xf32, #tpu.memory_space<vmem_shared>>) dst(%dma_wait3A_29 : memref<16x128xf32, #tpu.memory_space<hbm>>)
        tpu.yield
      }) : () -> ()
    } else {
    }
    return
  }
}

#map = affine_map<(d0, d1) -> (0, 0)>
#map1 = affine_map<(d0, d1) -> (0, 0, 0, 0, 0)>
#map2 = affine_map<(d0, d1) -> (0, 0, 0, 0)>
#map3 = affine_map<(d0, d1) -> (0, 0, 0)>
module attributes {stable_mosaic.version = 14 : i64} {
  func.func @_agg_sc(%arg0: i32, %arg1: i32, %arg2: memref<20000x128xf32, #tpu.memory_space<hbm>>, %arg3: memref<2x16x2x40x128xi32, #tpu.memory_space<hbm>>, %arg4: memref<16x2x40x128xi32, #tpu.memory_space<hbm>>, %arg5: memref<632x128xf32, #tpu.memory_space<hbm>>, %arg6: memref<2x10000x128xf32, #tpu.memory_space<hbm>>, %arg7: memref<40x128xi32, #tpu.memory_space<vmem>>, %arg8: memref<40x128xi32, #tpu.memory_space<vmem>>, %arg9: memref<128x128xf32, #tpu.memory_space<vmem>>, %arg10: memref<128x128xf32, #tpu.memory_space<vmem>>, %arg11: memref<10112x128xf32, #tpu.memory_space<vmem_shared>>, %arg12: memref<!tpu.dma_semaphore, #tpu.memory_space<semaphore_mem>>, %arg13: memref<!tpu.dma_semaphore, #tpu.memory_space<semaphore_mem>>) attributes {dimension_semantics = [#tpu.dimension_semantics<core_parallel>, #tpu.dimension_semantics<subcore_parallel>], iteration_bounds = array<i64: 2, 16>, scalar_prefetch = 0 : i64, scratch_operands = 7 : i64, tpu.core_type = #tpu.core_type<sc_vector_subcore>, window_params = [{transform_indices = #map}, {transform_indices = #map1}, {transform_indices = #map2}, {transform_indices = #map}, {transform_indices = #map3}]} {
    %mul3A = arith.constant 632 : i32
    %mul3A_0 = arith.muli %arg1, %mul3A : i32
    "tpu.region"() ({
      %run_scoped3A_61 = tpu.sem_alloc : memref<!tpu.dma_semaphore, #tpu.memory_space<semaphore_mem>>
      %dma_start3A_62 = arith.constant 0 : i32
      %dma_start3A_63 = tpu.memref_slice %arg11[%mul3A_0, %dma_start3A_62] : memref<10112x128xf32, #tpu.memory_space<vmem_shared>> -> memref<632x128xf32, #tpu.memory_space<vmem_shared>>
      tpu.enqueue_dma source(%arg5 : memref<632x128xf32, #tpu.memory_space<hbm>>) target(%dma_start3A_63 : memref<632x128xf32, #tpu.memory_space<vmem_shared>>) target_semaphore(%run_scoped3A_61 : memref<!tpu.dma_semaphore, #tpu.memory_space<semaphore_mem>>)
      %dma_wait3A = arith.constant 0 : i32
      %dma_wait3A_64 = tpu.memref_slice %arg11[%mul3A_0, %dma_wait3A] : memref<10112x128xf32, #tpu.memory_space<vmem_shared>> -> memref<632x128xf32, #tpu.memory_space<vmem_shared>>
      tpu.wait_dma2 semaphore(%run_scoped3A_61 : memref<!tpu.dma_semaphore, #tpu.memory_space<semaphore_mem>>) src(%arg5 : memref<632x128xf32, #tpu.memory_space<hbm>>) dst(%dma_wait3A_64 : memref<632x128xf32, #tpu.memory_space<vmem_shared>>)
      tpu.yield
    }) : () -> ()
    %barrier3A = arith.constant 0 : index
    tpu.barrier barrier_id(%barrier3A)
    %run_scoped3A = arith.constant 0 : i32
    "tpu.region"() ({
      %run_scoped3A_61 = tpu.sem_alloc : memref<!tpu.dma_semaphore, #tpu.memory_space<semaphore_mem>>
      %dma_start3A_62 = arith.constant 0 : i32
      %dma_start3A_63 = arith.constant 0 : i32
      %dma_start3A_64 = tpu.memref_slice %arg3[%arg0, %arg1, %run_scoped3A, %dma_start3A_62, %dma_start3A_63] : memref<2x16x2x40x128xi32, #tpu.memory_space<hbm>> -> memref<1x1x1x40x128xi32, #tpu.memory_space<hbm>>
      %dma_start3A_65 = tpu.memref_squeeze %dma_start3A_64 : memref<1x1x1x40x128xi32, #tpu.memory_space<hbm>> -> memref<40x128xi32, #tpu.memory_space<hbm>>
      %dma_start3A_66 = arith.constant 0 : i32
      %dma_start3A_67 = arith.constant 0 : i32
      %dma_start3A_68 = tpu.memref_slice %arg3[%arg0, %arg1, %run_scoped3A, %dma_start3A_66, %dma_start3A_67] : memref<2x16x2x40x128xi32, #tpu.memory_space<hbm>> -> memref<1x1x1x40x128xi32, #tpu.memory_space<hbm>>
      %dma_start3A_69 = tpu.memref_squeeze %dma_start3A_68 : memref<1x1x1x40x128xi32, #tpu.memory_space<hbm>> -> memref<40x128xi32, #tpu.memory_space<hbm>>
      tpu.enqueue_dma source(%dma_start3A_69 : memref<40x128xi32, #tpu.memory_space<hbm>>) target(%arg7 : memref<40x128xi32, #tpu.memory_space<vmem>>) target_semaphore(%run_scoped3A_61 : memref<!tpu.dma_semaphore, #tpu.memory_space<semaphore_mem>>)
      %dma_wait3A = arith.constant 0 : i32
      %dma_wait3A_70 = arith.constant 0 : i32
      %dma_wait3A_71 = tpu.memref_slice %arg3[%arg0, %arg1, %run_scoped3A, %dma_wait3A, %dma_wait3A_70] : memref<2x16x2x40x128xi32, #tpu.memory_space<hbm>> -> memref<1x1x1x40x128xi32, #tpu.memory_space<hbm>>
      %dma_wait3A_72 = tpu.memref_squeeze %dma_wait3A_71 : memref<1x1x1x40x128xi32, #tpu.memory_space<hbm>> -> memref<40x128xi32, #tpu.memory_space<hbm>>
      %dma_wait3A_73 = arith.constant 0 : i32
      %dma_wait3A_74 = arith.constant 0 : i32
      %dma_wait3A_75 = tpu.memref_slice %arg3[%arg0, %arg1, %run_scoped3A, %dma_wait3A_73, %dma_wait3A_74] : memref<2x16x2x40x128xi32, #tpu.memory_space<hbm>> -> memref<1x1x1x40x128xi32, #tpu.memory_space<hbm>>
      %dma_wait3A_76 = tpu.memref_squeeze %dma_wait3A_75 : memref<1x1x1x40x128xi32, #tpu.memory_space<hbm>> -> memref<40x128xi32, #tpu.memory_space<hbm>>
      tpu.wait_dma2 semaphore(%run_scoped3A_61 : memref<!tpu.dma_semaphore, #tpu.memory_space<semaphore_mem>>) src(%dma_wait3A_76 : memref<40x128xi32, #tpu.memory_space<hbm>>) dst(%arg7 : memref<40x128xi32, #tpu.memory_space<vmem>>)
      tpu.yield
    }) : () -> ()
    %run_scoped3A_1 = arith.constant 0 : i32
    "tpu.region"() ({
      %run_scoped3A_61 = tpu.sem_alloc : memref<!tpu.dma_semaphore, #tpu.memory_space<semaphore_mem>>
      %dma_start3A_62 = arith.constant 0 : i32
      %dma_start3A_63 = arith.constant 0 : i32
      %dma_start3A_64 = tpu.memref_slice %arg4[%arg1, %run_scoped3A_1, %dma_start3A_62, %dma_start3A_63] : memref<16x2x40x128xi32, #tpu.memory_space<hbm>> -> memref<1x1x40x128xi32, #tpu.memory_space<hbm>>
      %dma_start3A_65 = tpu.memref_squeeze %dma_start3A_64 : memref<1x1x40x128xi32, #tpu.memory_space<hbm>> -> memref<40x128xi32, #tpu.memory_space<hbm>>
      %dma_start3A_66 = arith.constant 0 : i32
      %dma_start3A_67 = arith.constant 0 : i32
      %dma_start3A_68 = tpu.memref_slice %arg4[%arg1, %run_scoped3A_1, %dma_start3A_66, %dma_start3A_67] : memref<16x2x40x128xi32, #tpu.memory_space<hbm>> -> memref<1x1x40x128xi32, #tpu.memory_space<hbm>>
      %dma_start3A_69 = tpu.memref_squeeze %dma_start3A_68 : memref<1x1x40x128xi32, #tpu.memory_space<hbm>> -> memref<40x128xi32, #tpu.memory_space<hbm>>
      tpu.enqueue_dma source(%dma_start3A_69 : memref<40x128xi32, #tpu.memory_space<hbm>>) target(%arg8 : memref<40x128xi32, #tpu.memory_space<vmem>>) target_semaphore(%run_scoped3A_61 : memref<!tpu.dma_semaphore, #tpu.memory_space<semaphore_mem>>)
      %dma_wait3A = arith.constant 0 : i32
      %dma_wait3A_70 = arith.constant 0 : i32
      %dma_wait3A_71 = tpu.memref_slice %arg4[%arg1, %run_scoped3A_1, %dma_wait3A, %dma_wait3A_70] : memref<16x2x40x128xi32, #tpu.memory_space<hbm>> -> memref<1x1x40x128xi32, #tpu.memory_space<hbm>>
      %dma_wait3A_72 = tpu.memref_squeeze %dma_wait3A_71 : memref<1x1x40x128xi32, #tpu.memory_space<hbm>> -> memref<40x128xi32, #tpu.memory_space<hbm>>
      %dma_wait3A_73 = arith.constant 0 : i32
      %dma_wait3A_74 = arith.constant 0 : i32
      %dma_wait3A_75 = tpu.memref_slice %arg4[%arg1, %run_scoped3A_1, %dma_wait3A_73, %dma_wait3A_74] : memref<16x2x40x128xi32, #tpu.memory_space<hbm>> -> memref<1x1x40x128xi32, #tpu.memory_space<hbm>>
      %dma_wait3A_76 = tpu.memref_squeeze %dma_wait3A_75 : memref<1x1x40x128xi32, #tpu.memory_space<hbm>> -> memref<40x128xi32, #tpu.memory_space<hbm>>
      tpu.wait_dma2 semaphore(%run_scoped3A_61 : memref<!tpu.dma_semaphore, #tpu.memory_space<semaphore_mem>>) src(%dma_wait3A_76 : memref<40x128xi32, #tpu.memory_space<hbm>>) dst(%arg8 : memref<40x128xi32, #tpu.memory_space<vmem>>)
      tpu.yield
    }) : () -> ()
    %dma_start3A = arith.constant 0 : i32
    %dma_start3A_2 = arith.constant 0 : i32
    %dma_start3A_3 = arith.constant 0 : i32
    %dma_start3A_4 = tpu.memref_slice %arg9[%dma_start3A_2, %dma_start3A_3] : memref<128x128xf32, #tpu.memory_space<vmem>> -> memref<64x128xf32, #tpu.memory_space<vmem>>
    %dma_start3A_5 = arith.constant 0 : i32
    %dma_start3A_6 = tpu.memref_slice %arg7[%dma_start3A, %dma_start3A_5] : memref<40x128xi32, #tpu.memory_space<vmem>> -> memref<1x64xi32, #tpu.memory_space<vmem>>
    %dma_start3A_7 = tpu.memref_squeeze %dma_start3A_6 : memref<1x64xi32, #tpu.memory_space<vmem>> -> memref<64xi32, #tpu.memory_space<vmem>>
    %dma_start3A_8 = arith.constant 0 : i32
    %dma_start3A_9 = arith.constant 0 : i32
    %dma_start3A_10 = tpu.memref_slice %arg2[%dma_start3A_8, %dma_start3A_9] : memref<20000x128xf32, #tpu.memory_space<hbm>> -> memref<20000x128xf32, #tpu.memory_space<hbm>>
    tpu.enqueue_indirect_dma source(%dma_start3A_10 : memref<20000x128xf32, #tpu.memory_space<hbm>>) target(%dma_start3A_4 : memref<64x128xf32, #tpu.memory_space<vmem>>) offsets(%dma_start3A_7 : memref<64xi32, #tpu.memory_space<vmem>>) semaphore(%arg12 : memref<!tpu.dma_semaphore, #tpu.memory_space<semaphore_mem>>)
    %dma_start3A_11 = arith.constant 0 : i32
    %dma_start3A_12 = arith.constant 64 : i32
    %dma_start3A_13 = arith.constant 0 : i32
    %dma_start3A_14 = tpu.memref_slice %arg9[%dma_start3A_12, %dma_start3A_13] : memref<128x128xf32, #tpu.memory_space<vmem>> -> memref<64x128xf32, #tpu.memory_space<vmem>>
    %dma_start3A_15 = arith.constant 64 : i32
    %dma_start3A_16 = tpu.memref_slice %arg7[%dma_start3A_11, %dma_start3A_15] : memref<40x128xi32, #tpu.memory_space<vmem>> -> memref<1x64xi32, #tpu.memory_space<vmem>>
    %dma_start3A_17 = tpu.memref_squeeze %dma_start3A_16 : memref<1x64xi32, #tpu.memory_space<vmem>> -> memref<64xi32, #tpu.memory_space<vmem>>
    %dma_start3A_18 = arith.constant 0 : i32
    %dma_start3A_19 = arith.constant 0 : i32
    %dma_start3A_20 = tpu.memref_slice %arg2[%dma_start3A_18, %dma_start3A_19] : memref<20000x128xf32, #tpu.memory_space<hbm>> -> memref<20000x128xf32, #tpu.memory_space<hbm>>
    tpu.enqueue_indirect_dma source(%dma_start3A_20 : memref<20000x128xf32, #tpu.memory_space<hbm>>) target(%dma_start3A_14 : memref<64x128xf32, #tpu.memory_space<vmem>>) offsets(%dma_start3A_17 : memref<64xi32, #tpu.memory_space<vmem>>) semaphore(%arg12 : memref<!tpu.dma_semaphore, #tpu.memory_space<semaphore_mem>>)
    %scan3A = arith.constant 0 : i32
    %scan3A_21 = arith.constant 0 : i32
    %scan3A_22 = arith.constant 20 : i32
    %scan3A_23 = arith.addi %scan3A_21, %scan3A_22 : i32
    %scan3A_24 = arith.constant 1 : i32
    scf.for %scan3A_61 = %scan3A_21 to %scan3A_23 step %scan3A_24  : i32 {
      %mul3A_62 = arith.constant 2 : i32
      %mul3A_63 = arith.muli %mul3A_62, %scan3A_61 : i32
      %add3A = arith.constant 1 : i32
      %add3A_64 = arith.addi %mul3A_63, %add3A : i32
      %dma_start3A_65 = arith.constant 0 : i32
      %dma_start3A_66 = arith.constant 0 : i32
      %dma_start3A_67 = tpu.memref_slice %arg10[%dma_start3A_65, %dma_start3A_66] : memref<128x128xf32, #tpu.memory_space<vmem>> -> memref<64x128xf32, #tpu.memory_space<vmem>>
      %dma_start3A_68 = arith.constant 0 : i32
      %dma_start3A_69 = tpu.memref_slice %arg7[%add3A_64, %dma_start3A_68] : memref<40x128xi32, #tpu.memory_space<vmem>> -> memref<1x64xi32, #tpu.memory_space<vmem>>
      %dma_start3A_70 = tpu.memref_squeeze %dma_start3A_69 : memref<1x64xi32, #tpu.memory_space<vmem>> -> memref<64xi32, #tpu.memory_space<vmem>>
      %dma_start3A_71 = arith.constant 0 : i32
      %dma_start3A_72 = arith.constant 0 : i32
      %dma_start3A_73 = tpu.memref_slice %arg2[%dma_start3A_71, %dma_start3A_72] : memref<20000x128xf32, #tpu.memory_space<hbm>> -> memref<20000x128xf32, #tpu.memory_space<hbm>>
      tpu.enqueue_indirect_dma source(%dma_start3A_73 : memref<20000x128xf32, #tpu.memory_space<hbm>>) target(%dma_start3A_67 : memref<64x128xf32, #tpu.memory_space<vmem>>) offsets(%dma_start3A_70 : memref<64xi32, #tpu.memory_space<vmem>>) semaphore(%arg13 : memref<!tpu.dma_semaphore, #tpu.memory_space<semaphore_mem>>)
      %dma_start3A_74 = arith.constant 64 : i32
      %dma_start3A_75 = arith.constant 0 : i32
      %dma_start3A_76 = tpu.memref_slice %arg10[%dma_start3A_74, %dma_start3A_75] : memref<128x128xf32, #tpu.memory_space<vmem>> -> memref<64x128xf32, #tpu.memory_space<vmem>>
      %dma_start3A_77 = arith.constant 64 : i32
      %dma_start3A_78 = tpu.memref_slice %arg7[%add3A_64, %dma_start3A_77] : memref<40x128xi32, #tpu.memory_space<vmem>> -> memref<1x64xi32, #tpu.memory_space<vmem>>
      %dma_start3A_79 = tpu.memref_squeeze %dma_start3A_78 : memref<1x64xi32, #tpu.memory_space<vmem>> -> memref<64xi32, #tpu.memory_space<vmem>>
      %dma_start3A_80 = arith.constant 0 : i32
      %dma_start3A_81 = arith.constant 0 : i32
      %dma_start3A_82 = tpu.memref_slice %arg2[%dma_start3A_80, %dma_start3A_81] : memref<20000x128xf32, #tpu.memory_space<hbm>> -> memref<20000x128xf32, #tpu.memory_space<hbm>>
      tpu.enqueue_indirect_dma source(%dma_start3A_82 : memref<20000x128xf32, #tpu.memory_space<hbm>>) target(%dma_start3A_76 : memref<64x128xf32, #tpu.memory_space<vmem>>) offsets(%dma_start3A_79 : memref<64xi32, #tpu.memory_space<vmem>>) semaphore(%arg13 : memref<!tpu.dma_semaphore, #tpu.memory_space<semaphore_mem>>)
      %dma_wait3A = arith.constant 0 : i32
      %dma_wait3A_83 = arith.constant 0 : i32
      %dma_wait3A_84 = tpu.memref_slice %arg9[%dma_wait3A, %dma_wait3A_83] : memref<128x128xf32, #tpu.memory_space<vmem>> -> memref<64x128xf32, #tpu.memory_space<vmem>>
      %dma_wait3A_85 = arith.constant 0 : i32
      %dma_wait3A_86 = tpu.memref_slice %arg7[%mul3A_63, %dma_wait3A_85] : memref<40x128xi32, #tpu.memory_space<vmem>> -> memref<1x64xi32, #tpu.memory_space<vmem>>
      %dma_wait3A_87 = tpu.memref_squeeze %dma_wait3A_86 : memref<1x64xi32, #tpu.memory_space<vmem>> -> memref<64xi32, #tpu.memory_space<vmem>>
      %dma_wait3A_88 = arith.constant 0 : i32
      %dma_wait3A_89 = arith.constant 0 : i32
      %dma_wait3A_90 = tpu.memref_slice %arg2[%dma_wait3A_88, %dma_wait3A_89] : memref<20000x128xf32, #tpu.memory_space<hbm>> -> memref<20000x128xf32, #tpu.memory_space<hbm>>
      tpu.wait_indirect_dma semaphore(%arg12 : memref<!tpu.dma_semaphore, #tpu.memory_space<semaphore_mem>>) src(%dma_wait3A_90 : memref<20000x128xf32, #tpu.memory_space<hbm>>) dst(%dma_wait3A_84 : memref<64x128xf32, #tpu.memory_space<vmem>>)
      %dma_wait3A_91 = arith.constant 64 : i32
      %dma_wait3A_92 = arith.constant 0 : i32
      %dma_wait3A_93 = tpu.memref_slice %arg9[%dma_wait3A_91, %dma_wait3A_92] : memref<128x128xf32, #tpu.memory_space<vmem>> -> memref<64x128xf32, #tpu.memory_space<vmem>>
      %dma_wait3A_94 = arith.constant 64 : i32
      %dma_wait3A_95 = tpu.memref_slice %arg7[%mul3A_63, %dma_wait3A_94] : memref<40x128xi32, #tpu.memory_space<vmem>> -> memref<1x64xi32, #tpu.memory_space<vmem>>
      %dma_wait3A_96 = tpu.memref_squeeze %dma_wait3A_95 : memref<1x64xi32, #tpu.memory_space<vmem>> -> memref<64xi32, #tpu.memory_space<vmem>>
      %dma_wait3A_97 = arith.constant 0 : i32
      %dma_wait3A_98 = arith.constant 0 : i32
      %dma_wait3A_99 = tpu.memref_slice %arg2[%dma_wait3A_97, %dma_wait3A_98] : memref<20000x128xf32, #tpu.memory_space<hbm>> -> memref<20000x128xf32, #tpu.memory_space<hbm>>
      tpu.wait_indirect_dma semaphore(%arg12 : memref<!tpu.dma_semaphore, #tpu.memory_space<semaphore_mem>>) src(%dma_wait3A_99 : memref<20000x128xf32, #tpu.memory_space<hbm>>) dst(%dma_wait3A_93 : memref<64x128xf32, #tpu.memory_space<vmem>>)
      "tpu.region"() ({
        %run_scoped3A_128 = tpu.sem_alloc : memref<!tpu.dma_semaphore, #tpu.memory_space<semaphore_mem>>
        %dma_start3A_129 = arith.constant 0 : i32
        %dma_start3A_130 = tpu.memref_slice %arg8[%mul3A_63, %dma_start3A_129] : memref<40x128xi32, #tpu.memory_space<vmem>> -> memref<1x128xi32, #tpu.memory_space<vmem>>
        %dma_start3A_131 = tpu.memref_squeeze %dma_start3A_130 : memref<1x128xi32, #tpu.memory_space<vmem>> -> memref<128xi32, #tpu.memory_space<vmem>>
        %dma_start3A_132 = arith.constant 0 : i32
        %dma_start3A_133 = arith.constant 0 : i32
        %dma_start3A_134 = tpu.memref_slice %arg11[%dma_start3A_132, %dma_start3A_133] : memref<10112x128xf32, #tpu.memory_space<vmem_shared>> -> memref<10112x128xf32, #tpu.memory_space<vmem_shared>>
        tpu.enqueue_indirect_dma source(%arg9 : memref<128x128xf32, #tpu.memory_space<vmem>>) target(%dma_start3A_134 : memref<10112x128xf32, #tpu.memory_space<vmem_shared>>) offsets(%dma_start3A_131 : memref<128xi32, #tpu.memory_space<vmem>>) semaphore(%run_scoped3A_128 : memref<!tpu.dma_semaphore, #tpu.memory_space<semaphore_mem>>) {add = true}
        %dma_wait3A_135 = arith.constant 0 : i32
        %dma_wait3A_136 = tpu.memref_slice %arg8[%mul3A_63, %dma_wait3A_135] : memref<40x128xi32, #tpu.memory_space<vmem>> -> memref<1x128xi32, #tpu.memory_space<vmem>>
        %dma_wait3A_137 = tpu.memref_squeeze %dma_wait3A_136 : memref<1x128xi32, #tpu.memory_space<vmem>> -> memref<128xi32, #tpu.memory_space<vmem>>
        %dma_wait3A_138 = arith.constant 0 : i32
        %dma_wait3A_139 = arith.constant 0 : i32
        %dma_wait3A_140 = tpu.memref_slice %arg11[%dma_wait3A_138, %dma_wait3A_139] : memref<10112x128xf32, #tpu.memory_space<vmem_shared>> -> memref<10112x128xf32, #tpu.memory_space<vmem_shared>>
        tpu.wait_indirect_dma semaphore(%run_scoped3A_128 : memref<!tpu.dma_semaphore, #tpu.memory_space<semaphore_mem>>) src(%arg9 : memref<128x128xf32, #tpu.memory_space<vmem>>) dst(%dma_wait3A_140 : memref<10112x128xf32, #tpu.memory_space<vmem_shared>>)
        tpu.yield
      }) : () -> ()
      %add3A_100 = arith.constant 2 : i32
      %add3A_101 = arith.addi %mul3A_63, %add3A_100 : i32
      %lt3A = arith.constant 40 : i32
      %lt3A_102 = arith.cmpi slt, %add3A_101, %lt3A : i32
      %convert_element_type3A_103 = arith.extui %lt3A_102 : i1 to i32
      %cond3A_104 = arith.constant 0 : i32
      %cond3A_105 = arith.cmpi ne, %convert_element_type3A_103, %cond3A_104 : i32
      scf.if %cond3A_105 {
        %add3A_128 = arith.constant 2 : i32
        %add3A_129 = arith.addi %mul3A_63, %add3A_128 : i32
        %dma_start3A_130 = arith.constant 0 : i32
        %dma_start3A_131 = arith.constant 0 : i32
        %dma_start3A_132 = tpu.memref_slice %arg9[%dma_start3A_130, %dma_start3A_131] : memref<128x128xf32, #tpu.memory_space<vmem>> -> memref<64x128xf32, #tpu.memory_space<vmem>>
        %dma_start3A_133 = arith.constant 0 : i32
        %dma_start3A_134 = tpu.memref_slice %arg7[%add3A_129, %dma_start3A_133] : memref<40x128xi32, #tpu.memory_space<vmem>> -> memref<1x64xi32, #tpu.memory_space<vmem>>
        %dma_start3A_135 = tpu.memref_squeeze %dma_start3A_134 : memref<1x64xi32, #tpu.memory_space<vmem>> -> memref<64xi32, #tpu.memory_space<vmem>>
        %dma_start3A_136 = arith.constant 0 : i32
        %dma_start3A_137 = arith.constant 0 : i32
        %dma_start3A_138 = tpu.memref_slice %arg2[%dma_start3A_136, %dma_start3A_137] : memref<20000x128xf32, #tpu.memory_space<hbm>> -> memref<20000x128xf32, #tpu.memory_space<hbm>>
        tpu.enqueue_indirect_dma source(%dma_start3A_138 : memref<20000x128xf32, #tpu.memory_space<hbm>>) target(%dma_start3A_132 : memref<64x128xf32, #tpu.memory_space<vmem>>) offsets(%dma_start3A_135 : memref<64xi32, #tpu.memory_space<vmem>>) semaphore(%arg12 : memref<!tpu.dma_semaphore, #tpu.memory_space<semaphore_mem>>)
        %dma_start3A_139 = arith.constant 64 : i32
        %dma_start3A_140 = arith.constant 0 : i32
        %dma_start3A_141 = tpu.memref_slice %arg9[%dma_start3A_139, %dma_start3A_140] : memref<128x128xf32, #tpu.memory_space<vmem>> -> memref<64x128xf32, #tpu.memory_space<vmem>>
        %dma_start3A_142 = arith.constant 64 : i32
        %dma_start3A_143 = tpu.memref_slice %arg7[%add3A_129, %dma_start3A_142] : memref<40x128xi32, #tpu.memory_space<vmem>> -> memref<1x64xi32, #tpu.memory_space<vmem>>
        %dma_start3A_144 = tpu.memref_squeeze %dma_start3A_143 : memref<1x64xi32, #tpu.memory_space<vmem>> -> memref<64xi32, #tpu.memory_space<vmem>>
        %dma_start3A_145 = arith.constant 0 : i32
        %dma_start3A_146 = arith.constant 0 : i32
        %dma_start3A_147 = tpu.memref_slice %arg2[%dma_start3A_145, %dma_start3A_146] : memref<20000x128xf32, #tpu.memory_space<hbm>> -> memref<20000x128xf32, #tpu.memory_space<hbm>>
        tpu.enqueue_indirect_dma source(%dma_start3A_147 : memref<20000x128xf32, #tpu.memory_space<hbm>>) target(%dma_start3A_141 : memref<64x128xf32, #tpu.memory_space<vmem>>) offsets(%dma_start3A_144 : memref<64xi32, #tpu.memory_space<vmem>>) semaphore(%arg12 : memref<!tpu.dma_semaphore, #tpu.memory_space<semaphore_mem>>)
      } else {
      }
      %add3A_106 = arith.constant 1 : i32
      %add3A_107 = arith.addi %mul3A_63, %add3A_106 : i32
      %dma_wait3A_108 = arith.constant 0 : i32
      %dma_wait3A_109 = arith.constant 0 : i32
      %dma_wait3A_110 = tpu.memref_slice %arg10[%dma_wait3A_108, %dma_wait3A_109] : memref<128x128xf32, #tpu.memory_space<vmem>> -> memref<64x128xf32, #tpu.memory_space<vmem>>
      %dma_wait3A_111 = arith.constant 0 : i32
      %dma_wait3A_112 = tpu.memref_slice %arg7[%add3A_107, %dma_wait3A_111] : memref<40x128xi32, #tpu.memory_space<vmem>> -> memref<1x64xi32, #tpu.memory_space<vmem>>
      %dma_wait3A_113 = tpu.memref_squeeze %dma_wait3A_112 : memref<1x64xi32, #tpu.memory_space<vmem>> -> memref<64xi32, #tpu.memory_space<vmem>>
      %dma_wait3A_114 = arith.constant 0 : i32
      %dma_wait3A_115 = arith.constant 0 : i32
      %dma_wait3A_116 = tpu.memref_slice %arg2[%dma_wait3A_114, %dma_wait3A_115] : memref<20000x128xf32, #tpu.memory_space<hbm>> -> memref<20000x128xf32, #tpu.memory_space<hbm>>
      tpu.wait_indirect_dma semaphore(%arg13 : memref<!tpu.dma_semaphore, #tpu.memory_space<semaphore_mem>>) src(%dma_wait3A_116 : memref<20000x128xf32, #tpu.memory_space<hbm>>) dst(%dma_wait3A_110 : memref<64x128xf32, #tpu.memory_space<vmem>>)
      %dma_wait3A_117 = arith.constant 64 : i32
      %dma_wait3A_118 = arith.constant 0 : i32
      %dma_wait3A_119 = tpu.memref_slice %arg10[%dma_wait3A_117, %dma_wait3A_118] : memref<128x128xf32, #tpu.memory_space<vmem>> -> memref<64x128xf32, #tpu.memory_space<vmem>>
      %dma_wait3A_120 = arith.constant 64 : i32
      %dma_wait3A_121 = tpu.memref_slice %arg7[%add3A_107, %dma_wait3A_120] : memref<40x128xi32, #tpu.memory_space<vmem>> -> memref<1x64xi32, #tpu.memory_space<vmem>>
      %dma_wait3A_122 = tpu.memref_squeeze %dma_wait3A_121 : memref<1x64xi32, #tpu.memory_space<vmem>> -> memref<64xi32, #tpu.memory_space<vmem>>
      %dma_wait3A_123 = arith.constant 0 : i32
      %dma_wait3A_124 = arith.constant 0 : i32
      %dma_wait3A_125 = tpu.memref_slice %arg2[%dma_wait3A_123, %dma_wait3A_124] : memref<20000x128xf32, #tpu.memory_space<hbm>> -> memref<20000x128xf32, #tpu.memory_space<hbm>>
      tpu.wait_indirect_dma semaphore(%arg13 : memref<!tpu.dma_semaphore, #tpu.memory_space<semaphore_mem>>) src(%dma_wait3A_125 : memref<20000x128xf32, #tpu.memory_space<hbm>>) dst(%dma_wait3A_119 : memref<64x128xf32, #tpu.memory_space<vmem>>)
      %add3A_126 = arith.constant 1 : i32
      %add3A_127 = arith.addi %mul3A_63, %add3A_126 : i32
      "tpu.region"() ({
        %run_scoped3A_128 = tpu.sem_alloc : memref<!tpu.dma_semaphore, #tpu.memory_space<semaphore_mem>>
        %dma_start3A_129 = arith.constant 0 : i32
        %dma_start3A_130 = tpu.memref_slice %arg8[%add3A_127, %dma_start3A_129] : memref<40x128xi32, #tpu.memory_space<vmem>> -> memref<1x128xi32, #tpu.memory_space<vmem>>
        %dma_start3A_131 = tpu.memref_squeeze %dma_start3A_130 : memref<1x128xi32, #tpu.memory_space<vmem>> -> memref<128xi32, #tpu.memory_space<vmem>>
        %dma_start3A_132 = arith.constant 0 : i32
        %dma_start3A_133 = arith.constant 0 : i32
        %dma_start3A_134 = tpu.memref_slice %arg11[%dma_start3A_132, %dma_start3A_133] : memref<10112x128xf32, #tpu.memory_space<vmem_shared>> -> memref<10112x128xf32, #tpu.memory_space<vmem_shared>>
        tpu.enqueue_indirect_dma source(%arg10 : memref<128x128xf32, #tpu.memory_space<vmem>>) target(%dma_start3A_134 : memref<10112x128xf32, #tpu.memory_space<vmem_shared>>) offsets(%dma_start3A_131 : memref<128xi32, #tpu.memory_space<vmem>>) semaphore(%run_scoped3A_128 : memref<!tpu.dma_semaphore, #tpu.memory_space<semaphore_mem>>) {add = true}
        %dma_wait3A_135 = arith.constant 0 : i32
        %dma_wait3A_136 = tpu.memref_slice %arg8[%add3A_127, %dma_wait3A_135] : memref<40x128xi32, #tpu.memory_space<vmem>> -> memref<1x128xi32, #tpu.memory_space<vmem>>
        %dma_wait3A_137 = tpu.memref_squeeze %dma_wait3A_136 : memref<1x128xi32, #tpu.memory_space<vmem>> -> memref<128xi32, #tpu.memory_space<vmem>>
        %dma_wait3A_138 = arith.constant 0 : i32
        %dma_wait3A_139 = arith.constant 0 : i32
        %dma_wait3A_140 = tpu.memref_slice %arg11[%dma_wait3A_138, %dma_wait3A_139] : memref<10112x128xf32, #tpu.memory_space<vmem_shared>> -> memref<10112x128xf32, #tpu.memory_space<vmem_shared>>
        tpu.wait_indirect_dma semaphore(%run_scoped3A_128 : memref<!tpu.dma_semaphore, #tpu.memory_space<semaphore_mem>>) src(%arg10 : memref<128x128xf32, #tpu.memory_space<vmem>>) dst(%dma_wait3A_140 : memref<10112x128xf32, #tpu.memory_space<vmem_shared>>)
        tpu.yield
      }) : () -> ()
    }
    %scan3A_25 = arith.constant 20 : i32
    %run_scoped3A_26 = arith.constant 1 : i32
    "tpu.region"() ({
      %run_scoped3A_61 = tpu.sem_alloc : memref<!tpu.dma_semaphore, #tpu.memory_space<semaphore_mem>>
      %dma_start3A_62 = arith.constant 0 : i32
      %dma_start3A_63 = arith.constant 0 : i32
      %dma_start3A_64 = tpu.memref_slice %arg3[%arg0, %arg1, %run_scoped3A_26, %dma_start3A_62, %dma_start3A_63] : memref<2x16x2x40x128xi32, #tpu.memory_space<hbm>> -> memref<1x1x1x40x128xi32, #tpu.memory_space<hbm>>
      %dma_start3A_65 = tpu.memref_squeeze %dma_start3A_64 : memref<1x1x1x40x128xi32, #tpu.memory_space<hbm>> -> memref<40x128xi32, #tpu.memory_space<hbm>>
      %dma_start3A_66 = arith.constant 0 : i32
      %dma_start3A_67 = arith.constant 0 : i32
      %dma_start3A_68 = tpu.memref_slice %arg3[%arg0, %arg1, %run_scoped3A_26, %dma_start3A_66, %dma_start3A_67] : memref<2x16x2x40x128xi32, #tpu.memory_space<hbm>> -> memref<1x1x1x40x128xi32, #tpu.memory_space<hbm>>
      %dma_start3A_69 = tpu.memref_squeeze %dma_start3A_68 : memref<1x1x1x40x128xi32, #tpu.memory_space<hbm>> -> memref<40x128xi32, #tpu.memory_space<hbm>>
      tpu.enqueue_dma source(%dma_start3A_69 : memref<40x128xi32, #tpu.memory_space<hbm>>) target(%arg7 : memref<40x128xi32, #tpu.memory_space<vmem>>) target_semaphore(%run_scoped3A_61 : memref<!tpu.dma_semaphore, #tpu.memory_space<semaphore_mem>>)
      %dma_wait3A = arith.constant 0 : i32
      %dma_wait3A_70 = arith.constant 0 : i32
      %dma_wait3A_71 = tpu.memref_slice %arg3[%arg0, %arg1, %run_scoped3A_26, %dma_wait3A, %dma_wait3A_70] : memref<2x16x2x40x128xi32, #tpu.memory_space<hbm>> -> memref<1x1x1x40x128xi32, #tpu.memory_space<hbm>>
      %dma_wait3A_72 = tpu.memref_squeeze %dma_wait3A_71 : memref<1x1x1x40x128xi32, #tpu.memory_space<hbm>> -> memref<40x128xi32, #tpu.memory_space<hbm>>
      %dma_wait3A_73 = arith.constant 0 : i32
      %dma_wait3A_74 = arith.constant 0 : i32
      %dma_wait3A_75 = tpu.memref_slice %arg3[%arg0, %arg1, %run_scoped3A_26, %dma_wait3A_73, %dma_wait3A_74] : memref<2x16x2x40x128xi32, #tpu.memory_space<hbm>> -> memref<1x1x1x40x128xi32, #tpu.memory_space<hbm>>
      %dma_wait3A_76 = tpu.memref_squeeze %dma_wait3A_75 : memref<1x1x1x40x128xi32, #tpu.memory_space<hbm>> -> memref<40x128xi32, #tpu.memory_space<hbm>>
      tpu.wait_dma2 semaphore(%run_scoped3A_61 : memref<!tpu.dma_semaphore, #tpu.memory_space<semaphore_mem>>) src(%dma_wait3A_76 : memref<40x128xi32, #tpu.memory_space<hbm>>) dst(%arg7 : memref<40x128xi32, #tpu.memory_space<vmem>>)
      tpu.yield
    }) : () -> ()
    %run_scoped3A_27 = arith.constant 1 : i32
    "tpu.region"() ({
      %run_scoped3A_61 = tpu.sem_alloc : memref<!tpu.dma_semaphore, #tpu.memory_space<semaphore_mem>>
      %dma_start3A_62 = arith.constant 0 : i32
      %dma_start3A_63 = arith.constant 0 : i32
      %dma_start3A_64 = tpu.memref_slice %arg4[%arg1, %run_scoped3A_27, %dma_start3A_62, %dma_start3A_63] : memref<16x2x40x128xi32, #tpu.memory_space<hbm>> -> memref<1x1x40x128xi32, #tpu.memory_space<hbm>>
      %dma_start3A_65 = tpu.memref_squeeze %dma_start3A_64 : memref<1x1x40x128xi32, #tpu.memory_space<hbm>> -> memref<40x128xi32, #tpu.memory_space<hbm>>
      %dma_start3A_66 = arith.constant 0 : i32
      %dma_start3A_67 = arith.constant 0 : i32
      %dma_start3A_68 = tpu.memref_slice %arg4[%arg1, %run_scoped3A_27, %dma_start3A_66, %dma_start3A_67] : memref<16x2x40x128xi32, #tpu.memory_space<hbm>> -> memref<1x1x40x128xi32, #tpu.memory_space<hbm>>
      %dma_start3A_69 = tpu.memref_squeeze %dma_start3A_68 : memref<1x1x40x128xi32, #tpu.memory_space<hbm>> -> memref<40x128xi32, #tpu.memory_space<hbm>>
      tpu.enqueue_dma source(%dma_start3A_69 : memref<40x128xi32, #tpu.memory_space<hbm>>) target(%arg8 : memref<40x128xi32, #tpu.memory_space<vmem>>) target_semaphore(%run_scoped3A_61 : memref<!tpu.dma_semaphore, #tpu.memory_space<semaphore_mem>>)
      %dma_wait3A = arith.constant 0 : i32
      %dma_wait3A_70 = arith.constant 0 : i32
      %dma_wait3A_71 = tpu.memref_slice %arg4[%arg1, %run_scoped3A_27, %dma_wait3A, %dma_wait3A_70] : memref<16x2x40x128xi32, #tpu.memory_space<hbm>> -> memref<1x1x40x128xi32, #tpu.memory_space<hbm>>
      %dma_wait3A_72 = tpu.memref_squeeze %dma_wait3A_71 : memref<1x1x40x128xi32, #tpu.memory_space<hbm>> -> memref<40x128xi32, #tpu.memory_space<hbm>>
      %dma_wait3A_73 = arith.constant 0 : i32
      %dma_wait3A_74 = arith.constant 0 : i32
      %dma_wait3A_75 = tpu.memref_slice %arg4[%arg1, %run_scoped3A_27, %dma_wait3A_73, %dma_wait3A_74] : memref<16x2x40x128xi32, #tpu.memory_space<hbm>> -> memref<1x1x40x128xi32, #tpu.memory_space<hbm>>
      %dma_wait3A_76 = tpu.memref_squeeze %dma_wait3A_75 : memref<1x1x40x128xi32, #tpu.memory_space<hbm>> -> memref<40x128xi32, #tpu.memory_space<hbm>>
      tpu.wait_dma2 semaphore(%run_scoped3A_61 : memref<!tpu.dma_semaphore, #tpu.memory_space<semaphore_mem>>) src(%dma_wait3A_76 : memref<40x128xi32, #tpu.memory_space<hbm>>) dst(%arg8 : memref<40x128xi32, #tpu.memory_space<vmem>>)
      tpu.yield
    }) : () -> ()
    %dma_start3A_28 = arith.constant 0 : i32
    %dma_start3A_29 = arith.constant 0 : i32
    %dma_start3A_30 = arith.constant 0 : i32
    %dma_start3A_31 = tpu.memref_slice %arg9[%dma_start3A_29, %dma_start3A_30] : memref<128x128xf32, #tpu.memory_space<vmem>> -> memref<64x128xf32, #tpu.memory_space<vmem>>
    %dma_start3A_32 = arith.constant 0 : i32
    %dma_start3A_33 = tpu.memref_slice %arg7[%dma_start3A_28, %dma_start3A_32] : memref<40x128xi32, #tpu.memory_space<vmem>> -> memref<1x64xi32, #tpu.memory_space<vmem>>
    %dma_start3A_34 = tpu.memref_squeeze %dma_start3A_33 : memref<1x64xi32, #tpu.memory_space<vmem>> -> memref<64xi32, #tpu.memory_space<vmem>>
    %dma_start3A_35 = arith.constant 0 : i32
    %dma_start3A_36 = arith.constant 0 : i32
    %dma_start3A_37 = tpu.memref_slice %arg2[%dma_start3A_35, %dma_start3A_36] : memref<20000x128xf32, #tpu.memory_space<hbm>> -> memref<20000x128xf32, #tpu.memory_space<hbm>>
    tpu.enqueue_indirect_dma source(%dma_start3A_37 : memref<20000x128xf32, #tpu.memory_space<hbm>>) target(%dma_start3A_31 : memref<64x128xf32, #tpu.memory_space<vmem>>) offsets(%dma_start3A_34 : memref<64xi32, #tpu.memory_space<vmem>>) semaphore(%arg12 : memref<!tpu.dma_semaphore, #tpu.memory_space<semaphore_mem>>)
    %dma_start3A_38 = arith.constant 0 : i32
    %dma_start3A_39 = arith.constant 64 : i32
    %dma_start3A_40 = arith.constant 0 : i32
    %dma_start3A_41 = tpu.memref_slice %arg9[%dma_start3A_39, %dma_start3A_40] : memref<128x128xf32, #tpu.memory_space<vmem>> -> memref<64x128xf32, #tpu.memory_space<vmem>>
    %dma_start3A_42 = arith.constant 64 : i32
    %dma_start3A_43 = tpu.memref_slice %arg7[%dma_start3A_38, %dma_start3A_42] : memref<40x128xi32, #tpu.memory_space<vmem>> -> memref<1x64xi32, #tpu.memory_space<vmem>>
    %dma_start3A_44 = tpu.memref_squeeze %dma_start3A_43 : memref<1x64xi32, #tpu.memory_space<vmem>> -> memref<64xi32, #tpu.memory_space<vmem>>
    %dma_start3A_45 = arith.constant 0 : i32
    %dma_start3A_46 = arith.constant 0 : i32
    %dma_start3A_47 = tpu.memref_slice %arg2[%dma_start3A_45, %dma_start3A_46] : memref<20000x128xf32, #tpu.memory_space<hbm>> -> memref<20000x128xf32, #tpu.memory_space<hbm>>
    tpu.enqueue_indirect_dma source(%dma_start3A_47 : memref<20000x128xf32, #tpu.memory_space<hbm>>) target(%dma_start3A_41 : memref<64x128xf32, #tpu.memory_space<vmem>>) offsets(%dma_start3A_44 : memref<64xi32, #tpu.memory_space<vmem>>) semaphore(%arg12 : memref<!tpu.dma_semaphore, #tpu.memory_space<semaphore_mem>>)
    %scan3A_48 = arith.constant 0 : i32
    %scan3A_49 = arith.constant 0 : i32
    %scan3A_50 = arith.constant 20 : i32
    %scan3A_51 = arith.addi %scan3A_49, %scan3A_50 : i32
    %scan3A_52 = arith.constant 1 : i32
    scf.for %scan3A_61 = %scan3A_49 to %scan3A_51 step %scan3A_52  : i32 {
      %mul3A_62 = arith.constant 2 : i32
      %mul3A_63 = arith.muli %mul3A_62, %scan3A_61 : i32
      %add3A = arith.constant 1 : i32
      %add3A_64 = arith.addi %mul3A_63, %add3A : i32
      %dma_start3A_65 = arith.constant 0 : i32
      %dma_start3A_66 = arith.constant 0 : i32
      %dma_start3A_67 = tpu.memref_slice %arg10[%dma_start3A_65, %dma_start3A_66] : memref<128x128xf32, #tpu.memory_space<vmem>> -> memref<64x128xf32, #tpu.memory_space<vmem>>
      %dma_start3A_68 = arith.constant 0 : i32
      %dma_start3A_69 = tpu.memref_slice %arg7[%add3A_64, %dma_start3A_68] : memref<40x128xi32, #tpu.memory_space<vmem>> -> memref<1x64xi32, #tpu.memory_space<vmem>>
      %dma_start3A_70 = tpu.memref_squeeze %dma_start3A_69 : memref<1x64xi32, #tpu.memory_space<vmem>> -> memref<64xi32, #tpu.memory_space<vmem>>
      %dma_start3A_71 = arith.constant 0 : i32
      %dma_start3A_72 = arith.constant 0 : i32
      %dma_start3A_73 = tpu.memref_slice %arg2[%dma_start3A_71, %dma_start3A_72] : memref<20000x128xf32, #tpu.memory_space<hbm>> -> memref<20000x128xf32, #tpu.memory_space<hbm>>
      tpu.enqueue_indirect_dma source(%dma_start3A_73 : memref<20000x128xf32, #tpu.memory_space<hbm>>) target(%dma_start3A_67 : memref<64x128xf32, #tpu.memory_space<vmem>>) offsets(%dma_start3A_70 : memref<64xi32, #tpu.memory_space<vmem>>) semaphore(%arg13 : memref<!tpu.dma_semaphore, #tpu.memory_space<semaphore_mem>>)
      %dma_start3A_74 = arith.constant 64 : i32
      %dma_start3A_75 = arith.constant 0 : i32
      %dma_start3A_76 = tpu.memref_slice %arg10[%dma_start3A_74, %dma_start3A_75] : memref<128x128xf32, #tpu.memory_space<vmem>> -> memref<64x128xf32, #tpu.memory_space<vmem>>
      %dma_start3A_77 = arith.constant 64 : i32
      %dma_start3A_78 = tpu.memref_slice %arg7[%add3A_64, %dma_start3A_77] : memref<40x128xi32, #tpu.memory_space<vmem>> -> memref<1x64xi32, #tpu.memory_space<vmem>>
      %dma_start3A_79 = tpu.memref_squeeze %dma_start3A_78 : memref<1x64xi32, #tpu.memory_space<vmem>> -> memref<64xi32, #tpu.memory_space<vmem>>
      %dma_start3A_80 = arith.constant 0 : i32
      %dma_start3A_81 = arith.constant 0 : i32
      %dma_start3A_82 = tpu.memref_slice %arg2[%dma_start3A_80, %dma_start3A_81] : memref<20000x128xf32, #tpu.memory_space<hbm>> -> memref<20000x128xf32, #tpu.memory_space<hbm>>
      tpu.enqueue_indirect_dma source(%dma_start3A_82 : memref<20000x128xf32, #tpu.memory_space<hbm>>) target(%dma_start3A_76 : memref<64x128xf32, #tpu.memory_space<vmem>>) offsets(%dma_start3A_79 : memref<64xi32, #tpu.memory_space<vmem>>) semaphore(%arg13 : memref<!tpu.dma_semaphore, #tpu.memory_space<semaphore_mem>>)
      %dma_wait3A = arith.constant 0 : i32
      %dma_wait3A_83 = arith.constant 0 : i32
      %dma_wait3A_84 = tpu.memref_slice %arg9[%dma_wait3A, %dma_wait3A_83] : memref<128x128xf32, #tpu.memory_space<vmem>> -> memref<64x128xf32, #tpu.memory_space<vmem>>
      %dma_wait3A_85 = arith.constant 0 : i32
      %dma_wait3A_86 = tpu.memref_slice %arg7[%mul3A_63, %dma_wait3A_85] : memref<40x128xi32, #tpu.memory_space<vmem>> -> memref<1x64xi32, #tpu.memory_space<vmem>>
      %dma_wait3A_87 = tpu.memref_squeeze %dma_wait3A_86 : memref<1x64xi32, #tpu.memory_space<vmem>> -> memref<64xi32, #tpu.memory_space<vmem>>
      %dma_wait3A_88 = arith.constant 0 : i32
      %dma_wait3A_89 = arith.constant 0 : i32
      %dma_wait3A_90 = tpu.memref_slice %arg2[%dma_wait3A_88, %dma_wait3A_89] : memref<20000x128xf32, #tpu.memory_space<hbm>> -> memref<20000x128xf32, #tpu.memory_space<hbm>>
      tpu.wait_indirect_dma semaphore(%arg12 : memref<!tpu.dma_semaphore, #tpu.memory_space<semaphore_mem>>) src(%dma_wait3A_90 : memref<20000x128xf32, #tpu.memory_space<hbm>>) dst(%dma_wait3A_84 : memref<64x128xf32, #tpu.memory_space<vmem>>)
      %dma_wait3A_91 = arith.constant 64 : i32
      %dma_wait3A_92 = arith.constant 0 : i32
      %dma_wait3A_93 = tpu.memref_slice %arg9[%dma_wait3A_91, %dma_wait3A_92] : memref<128x128xf32, #tpu.memory_space<vmem>> -> memref<64x128xf32, #tpu.memory_space<vmem>>
      %dma_wait3A_94 = arith.constant 64 : i32
      %dma_wait3A_95 = tpu.memref_slice %arg7[%mul3A_63, %dma_wait3A_94] : memref<40x128xi32, #tpu.memory_space<vmem>> -> memref<1x64xi32, #tpu.memory_space<vmem>>
      %dma_wait3A_96 = tpu.memref_squeeze %dma_wait3A_95 : memref<1x64xi32, #tpu.memory_space<vmem>> -> memref<64xi32, #tpu.memory_space<vmem>>
      %dma_wait3A_97 = arith.constant 0 : i32
      %dma_wait3A_98 = arith.constant 0 : i32
      %dma_wait3A_99 = tpu.memref_slice %arg2[%dma_wait3A_97, %dma_wait3A_98] : memref<20000x128xf32, #tpu.memory_space<hbm>> -> memref<20000x128xf32, #tpu.memory_space<hbm>>
      tpu.wait_indirect_dma semaphore(%arg12 : memref<!tpu.dma_semaphore, #tpu.memory_space<semaphore_mem>>) src(%dma_wait3A_99 : memref<20000x128xf32, #tpu.memory_space<hbm>>) dst(%dma_wait3A_93 : memref<64x128xf32, #tpu.memory_space<vmem>>)
      "tpu.region"() ({
        %run_scoped3A_128 = tpu.sem_alloc : memref<!tpu.dma_semaphore, #tpu.memory_space<semaphore_mem>>
        %dma_start3A_129 = arith.constant 0 : i32
        %dma_start3A_130 = tpu.memref_slice %arg8[%mul3A_63, %dma_start3A_129] : memref<40x128xi32, #tpu.memory_space<vmem>> -> memref<1x128xi32, #tpu.memory_space<vmem>>
        %dma_start3A_131 = tpu.memref_squeeze %dma_start3A_130 : memref<1x128xi32, #tpu.memory_space<vmem>> -> memref<128xi32, #tpu.memory_space<vmem>>
        %dma_start3A_132 = arith.constant 0 : i32
        %dma_start3A_133 = arith.constant 0 : i32
        %dma_start3A_134 = tpu.memref_slice %arg11[%dma_start3A_132, %dma_start3A_133] : memref<10112x128xf32, #tpu.memory_space<vmem_shared>> -> memref<10112x128xf32, #tpu.memory_space<vmem_shared>>
        tpu.enqueue_indirect_dma source(%arg9 : memref<128x128xf32, #tpu.memory_space<vmem>>) target(%dma_start3A_134 : memref<10112x128xf32, #tpu.memory_space<vmem_shared>>) offsets(%dma_start3A_131 : memref<128xi32, #tpu.memory_space<vmem>>) semaphore(%run_scoped3A_128 : memref<!tpu.dma_semaphore, #tpu.memory_space<semaphore_mem>>) {add = true}
        %dma_wait3A_135 = arith.constant 0 : i32
        %dma_wait3A_136 = tpu.memref_slice %arg8[%mul3A_63, %dma_wait3A_135] : memref<40x128xi32, #tpu.memory_space<vmem>> -> memref<1x128xi32, #tpu.memory_space<vmem>>
        %dma_wait3A_137 = tpu.memref_squeeze %dma_wait3A_136 : memref<1x128xi32, #tpu.memory_space<vmem>> -> memref<128xi32, #tpu.memory_space<vmem>>
        %dma_wait3A_138 = arith.constant 0 : i32
        %dma_wait3A_139 = arith.constant 0 : i32
        %dma_wait3A_140 = tpu.memref_slice %arg11[%dma_wait3A_138, %dma_wait3A_139] : memref<10112x128xf32, #tpu.memory_space<vmem_shared>> -> memref<10112x128xf32, #tpu.memory_space<vmem_shared>>
        tpu.wait_indirect_dma semaphore(%run_scoped3A_128 : memref<!tpu.dma_semaphore, #tpu.memory_space<semaphore_mem>>) src(%arg9 : memref<128x128xf32, #tpu.memory_space<vmem>>) dst(%dma_wait3A_140 : memref<10112x128xf32, #tpu.memory_space<vmem_shared>>)
        tpu.yield
      }) : () -> ()
      %add3A_100 = arith.constant 2 : i32
      %add3A_101 = arith.addi %mul3A_63, %add3A_100 : i32
      %lt3A = arith.constant 40 : i32
      %lt3A_102 = arith.cmpi slt, %add3A_101, %lt3A : i32
      %convert_element_type3A_103 = arith.extui %lt3A_102 : i1 to i32
      %cond3A_104 = arith.constant 0 : i32
      %cond3A_105 = arith.cmpi ne, %convert_element_type3A_103, %cond3A_104 : i32
      scf.if %cond3A_105 {
        %add3A_128 = arith.constant 2 : i32
        %add3A_129 = arith.addi %mul3A_63, %add3A_128 : i32
        %dma_start3A_130 = arith.constant 0 : i32
        %dma_start3A_131 = arith.constant 0 : i32
        %dma_start3A_132 = tpu.memref_slice %arg9[%dma_start3A_130, %dma_start3A_131] : memref<128x128xf32, #tpu.memory_space<vmem>> -> memref<64x128xf32, #tpu.memory_space<vmem>>
        %dma_start3A_133 = arith.constant 0 : i32
        %dma_start3A_134 = tpu.memref_slice %arg7[%add3A_129, %dma_start3A_133] : memref<40x128xi32, #tpu.memory_space<vmem>> -> memref<1x64xi32, #tpu.memory_space<vmem>>
        %dma_start3A_135 = tpu.memref_squeeze %dma_start3A_134 : memref<1x64xi32, #tpu.memory_space<vmem>> -> memref<64xi32, #tpu.memory_space<vmem>>
        %dma_start3A_136 = arith.constant 0 : i32
        %dma_start3A_137 = arith.constant 0 : i32
        %dma_start3A_138 = tpu.memref_slice %arg2[%dma_start3A_136, %dma_start3A_137] : memref<20000x128xf32, #tpu.memory_space<hbm>> -> memref<20000x128xf32, #tpu.memory_space<hbm>>
        tpu.enqueue_indirect_dma source(%dma_start3A_138 : memref<20000x128xf32, #tpu.memory_space<hbm>>) target(%dma_start3A_132 : memref<64x128xf32, #tpu.memory_space<vmem>>) offsets(%dma_start3A_135 : memref<64xi32, #tpu.memory_space<vmem>>) semaphore(%arg12 : memref<!tpu.dma_semaphore, #tpu.memory_space<semaphore_mem>>)
        %dma_start3A_139 = arith.constant 64 : i32
        %dma_start3A_140 = arith.constant 0 : i32
        %dma_start3A_141 = tpu.memref_slice %arg9[%dma_start3A_139, %dma_start3A_140] : memref<128x128xf32, #tpu.memory_space<vmem>> -> memref<64x128xf32, #tpu.memory_space<vmem>>
        %dma_start3A_142 = arith.constant 64 : i32
        %dma_start3A_143 = tpu.memref_slice %arg7[%add3A_129, %dma_start3A_142] : memref<40x128xi32, #tpu.memory_space<vmem>> -> memref<1x64xi32, #tpu.memory_space<vmem>>
        %dma_start3A_144 = tpu.memref_squeeze %dma_start3A_143 : memref<1x64xi32, #tpu.memory_space<vmem>> -> memref<64xi32, #tpu.memory_space<vmem>>
        %dma_start3A_145 = arith.constant 0 : i32
        %dma_start3A_146 = arith.constant 0 : i32
        %dma_start3A_147 = tpu.memref_slice %arg2[%dma_start3A_145, %dma_start3A_146] : memref<20000x128xf32, #tpu.memory_space<hbm>> -> memref<20000x128xf32, #tpu.memory_space<hbm>>
        tpu.enqueue_indirect_dma source(%dma_start3A_147 : memref<20000x128xf32, #tpu.memory_space<hbm>>) target(%dma_start3A_141 : memref<64x128xf32, #tpu.memory_space<vmem>>) offsets(%dma_start3A_144 : memref<64xi32, #tpu.memory_space<vmem>>) semaphore(%arg12 : memref<!tpu.dma_semaphore, #tpu.memory_space<semaphore_mem>>)
      } else {
      }
      %add3A_106 = arith.constant 1 : i32
      %add3A_107 = arith.addi %mul3A_63, %add3A_106 : i32
      %dma_wait3A_108 = arith.constant 0 : i32
      %dma_wait3A_109 = arith.constant 0 : i32
      %dma_wait3A_110 = tpu.memref_slice %arg10[%dma_wait3A_108, %dma_wait3A_109] : memref<128x128xf32, #tpu.memory_space<vmem>> -> memref<64x128xf32, #tpu.memory_space<vmem>>
      %dma_wait3A_111 = arith.constant 0 : i32
      %dma_wait3A_112 = tpu.memref_slice %arg7[%add3A_107, %dma_wait3A_111] : memref<40x128xi32, #tpu.memory_space<vmem>> -> memref<1x64xi32, #tpu.memory_space<vmem>>
      %dma_wait3A_113 = tpu.memref_squeeze %dma_wait3A_112 : memref<1x64xi32, #tpu.memory_space<vmem>> -> memref<64xi32, #tpu.memory_space<vmem>>
      %dma_wait3A_114 = arith.constant 0 : i32
      %dma_wait3A_115 = arith.constant 0 : i32
      %dma_wait3A_116 = tpu.memref_slice %arg2[%dma_wait3A_114, %dma_wait3A_115] : memref<20000x128xf32, #tpu.memory_space<hbm>> -> memref<20000x128xf32, #tpu.memory_space<hbm>>
      tpu.wait_indirect_dma semaphore(%arg13 : memref<!tpu.dma_semaphore, #tpu.memory_space<semaphore_mem>>) src(%dma_wait3A_116 : memref<20000x128xf32, #tpu.memory_space<hbm>>) dst(%dma_wait3A_110 : memref<64x128xf32, #tpu.memory_space<vmem>>)
      %dma_wait3A_117 = arith.constant 64 : i32
      %dma_wait3A_118 = arith.constant 0 : i32
      %dma_wait3A_119 = tpu.memref_slice %arg10[%dma_wait3A_117, %dma_wait3A_118] : memref<128x128xf32, #tpu.memory_space<vmem>> -> memref<64x128xf32, #tpu.memory_space<vmem>>
      %dma_wait3A_120 = arith.constant 64 : i32
      %dma_wait3A_121 = tpu.memref_slice %arg7[%add3A_107, %dma_wait3A_120] : memref<40x128xi32, #tpu.memory_space<vmem>> -> memref<1x64xi32, #tpu.memory_space<vmem>>
      %dma_wait3A_122 = tpu.memref_squeeze %dma_wait3A_121 : memref<1x64xi32, #tpu.memory_space<vmem>> -> memref<64xi32, #tpu.memory_space<vmem>>
      %dma_wait3A_123 = arith.constant 0 : i32
      %dma_wait3A_124 = arith.constant 0 : i32
      %dma_wait3A_125 = tpu.memref_slice %arg2[%dma_wait3A_123, %dma_wait3A_124] : memref<20000x128xf32, #tpu.memory_space<hbm>> -> memref<20000x128xf32, #tpu.memory_space<hbm>>
      tpu.wait_indirect_dma semaphore(%arg13 : memref<!tpu.dma_semaphore, #tpu.memory_space<semaphore_mem>>) src(%dma_wait3A_125 : memref<20000x128xf32, #tpu.memory_space<hbm>>) dst(%dma_wait3A_119 : memref<64x128xf32, #tpu.memory_space<vmem>>)
      %add3A_126 = arith.constant 1 : i32
      %add3A_127 = arith.addi %mul3A_63, %add3A_126 : i32
      "tpu.region"() ({
        %run_scoped3A_128 = tpu.sem_alloc : memref<!tpu.dma_semaphore, #tpu.memory_space<semaphore_mem>>
        %dma_start3A_129 = arith.constant 0 : i32
        %dma_start3A_130 = tpu.memref_slice %arg8[%add3A_127, %dma_start3A_129] : memref<40x128xi32, #tpu.memory_space<vmem>> -> memref<1x128xi32, #tpu.memory_space<vmem>>
        %dma_start3A_131 = tpu.memref_squeeze %dma_start3A_130 : memref<1x128xi32, #tpu.memory_space<vmem>> -> memref<128xi32, #tpu.memory_space<vmem>>
        %dma_start3A_132 = arith.constant 0 : i32
        %dma_start3A_133 = arith.constant 0 : i32
        %dma_start3A_134 = tpu.memref_slice %arg11[%dma_start3A_132, %dma_start3A_133] : memref<10112x128xf32, #tpu.memory_space<vmem_shared>> -> memref<10112x128xf32, #tpu.memory_space<vmem_shared>>
        tpu.enqueue_indirect_dma source(%arg10 : memref<128x128xf32, #tpu.memory_space<vmem>>) target(%dma_start3A_134 : memref<10112x128xf32, #tpu.memory_space<vmem_shared>>) offsets(%dma_start3A_131 : memref<128xi32, #tpu.memory_space<vmem>>) semaphore(%run_scoped3A_128 : memref<!tpu.dma_semaphore, #tpu.memory_space<semaphore_mem>>) {add = true}
        %dma_wait3A_135 = arith.constant 0 : i32
        %dma_wait3A_136 = tpu.memref_slice %arg8[%add3A_127, %dma_wait3A_135] : memref<40x128xi32, #tpu.memory_space<vmem>> -> memref<1x128xi32, #tpu.memory_space<vmem>>
        %dma_wait3A_137 = tpu.memref_squeeze %dma_wait3A_136 : memref<1x128xi32, #tpu.memory_space<vmem>> -> memref<128xi32, #tpu.memory_space<vmem>>
        %dma_wait3A_138 = arith.constant 0 : i32
        %dma_wait3A_139 = arith.constant 0 : i32
        %dma_wait3A_140 = tpu.memref_slice %arg11[%dma_wait3A_138, %dma_wait3A_139] : memref<10112x128xf32, #tpu.memory_space<vmem_shared>> -> memref<10112x128xf32, #tpu.memory_space<vmem_shared>>
        tpu.wait_indirect_dma semaphore(%run_scoped3A_128 : memref<!tpu.dma_semaphore, #tpu.memory_space<semaphore_mem>>) src(%arg10 : memref<128x128xf32, #tpu.memory_space<vmem>>) dst(%dma_wait3A_140 : memref<10112x128xf32, #tpu.memory_space<vmem_shared>>)
        tpu.yield
      }) : () -> ()
    }
    %scan3A_53 = arith.constant 20 : i32
    %barrier3A_54 = arith.constant 0 : index
    tpu.barrier barrier_id(%barrier3A_54)
    %mul3A_55 = arith.constant 624 : i32
    %mul3A_56 = arith.muli %arg1, %mul3A_55 : i32
    %mul3A_57 = arith.constant 624 : i32
    %mul3A_58 = arith.muli %arg1, %mul3A_57 : i32
    "tpu.region"() ({
      %run_scoped3A_61 = tpu.sem_alloc : memref<!tpu.dma_semaphore, #tpu.memory_space<semaphore_mem>>
      %dma_start3A_62 = arith.constant 0 : i32
      %dma_start3A_63 = tpu.memref_slice %arg6[%arg0, %mul3A_58, %dma_start3A_62] : memref<2x10000x128xf32, #tpu.memory_space<hbm>> -> memref<1x624x128xf32, #tpu.memory_space<hbm>>
      %dma_start3A_64 = tpu.memref_squeeze %dma_start3A_63 : memref<1x624x128xf32, #tpu.memory_space<hbm>> -> memref<624x128xf32, #tpu.memory_space<hbm>>
      %dma_start3A_65 = arith.constant 0 : i32
      %dma_start3A_66 = tpu.memref_slice %arg11[%mul3A_56, %dma_start3A_65] : memref<10112x128xf32, #tpu.memory_space<vmem_shared>> -> memref<624x128xf32, #tpu.memory_space<vmem_shared>>
      tpu.enqueue_dma source(%dma_start3A_66 : memref<624x128xf32, #tpu.memory_space<vmem_shared>>) target(%dma_start3A_64 : memref<624x128xf32, #tpu.memory_space<hbm>>) target_semaphore(%run_scoped3A_61 : memref<!tpu.dma_semaphore, #tpu.memory_space<semaphore_mem>>)
      %dma_wait3A = arith.constant 0 : i32
      %dma_wait3A_67 = tpu.memref_slice %arg6[%arg0, %mul3A_58, %dma_wait3A] : memref<2x10000x128xf32, #tpu.memory_space<hbm>> -> memref<1x624x128xf32, #tpu.memory_space<hbm>>
      %dma_wait3A_68 = tpu.memref_squeeze %dma_wait3A_67 : memref<1x624x128xf32, #tpu.memory_space<hbm>> -> memref<624x128xf32, #tpu.memory_space<hbm>>
      %dma_wait3A_69 = arith.constant 0 : i32
      %dma_wait3A_70 = tpu.memref_slice %arg11[%mul3A_56, %dma_wait3A_69] : memref<10112x128xf32, #tpu.memory_space<vmem_shared>> -> memref<624x128xf32, #tpu.memory_space<vmem_shared>>
      tpu.wait_dma2 semaphore(%run_scoped3A_61 : memref<!tpu.dma_semaphore, #tpu.memory_space<semaphore_mem>>) src(%dma_wait3A_70 : memref<624x128xf32, #tpu.memory_space<vmem_shared>>) dst(%dma_wait3A_68 : memref<624x128xf32, #tpu.memory_space<hbm>>)
      tpu.yield
    }) : () -> ()
    %eq3A = arith.constant 15 : i32
    %eq3A_59 = arith.cmpi eq, %arg1, %eq3A : i32
    %convert_element_type3A = arith.extui %eq3A_59 : i1 to i32
    %cond3A = arith.constant 0 : i32
    %cond3A_60 = arith.cmpi ne, %convert_element_type3A, %cond3A : i32
    scf.if %cond3A_60 {
      "tpu.region"() ({
        %run_scoped3A_61 = tpu.sem_alloc : memref<!tpu.dma_semaphore, #tpu.memory_space<semaphore_mem>>
        %dma_start3A_62 = arith.constant 9984 : i32
        %dma_start3A_63 = arith.constant 0 : i32
        %dma_start3A_64 = tpu.memref_slice %arg6[%arg0, %dma_start3A_62, %dma_start3A_63] : memref<2x10000x128xf32, #tpu.memory_space<hbm>> -> memref<1x16x128xf32, #tpu.memory_space<hbm>>
        %dma_start3A_65 = tpu.memref_squeeze %dma_start3A_64 : memref<1x16x128xf32, #tpu.memory_space<hbm>> -> memref<16x128xf32, #tpu.memory_space<hbm>>
        %dma_start3A_66 = arith.constant 9984 : i32
        %dma_start3A_67 = arith.constant 0 : i32
        %dma_start3A_68 = tpu.memref_slice %arg11[%dma_start3A_66, %dma_start3A_67] : memref<10112x128xf32, #tpu.memory_space<vmem_shared>> -> memref<16x128xf32, #tpu.memory_space<vmem_shared>>
        tpu.enqueue_dma source(%dma_start3A_68 : memref<16x128xf32, #tpu.memory_space<vmem_shared>>) target(%dma_start3A_65 : memref<16x128xf32, #tpu.memory_space<hbm>>) target_semaphore(%run_scoped3A_61 : memref<!tpu.dma_semaphore, #tpu.memory_space<semaphore_mem>>)
        %dma_wait3A = arith.constant 9984 : i32
        %dma_wait3A_69 = arith.constant 0 : i32
        %dma_wait3A_70 = tpu.memref_slice %arg6[%arg0, %dma_wait3A, %dma_wait3A_69] : memref<2x10000x128xf32, #tpu.memory_space<hbm>> -> memref<1x16x128xf32, #tpu.memory_space<hbm>>
        %dma_wait3A_71 = tpu.memref_squeeze %dma_wait3A_70 : memref<1x16x128xf32, #tpu.memory_space<hbm>> -> memref<16x128xf32, #tpu.memory_space<hbm>>
        %dma_wait3A_72 = arith.constant 9984 : i32
        %dma_wait3A_73 = arith.constant 0 : i32
        %dma_wait3A_74 = tpu.memref_slice %arg11[%dma_wait3A_72, %dma_wait3A_73] : memref<10112x128xf32, #tpu.memory_space<vmem_shared>> -> memref<16x128xf32, #tpu.memory_space<vmem_shared>>
        tpu.wait_dma2 semaphore(%run_scoped3A_61 : memref<!tpu.dma_semaphore, #tpu.memory_space<semaphore_mem>>) src(%dma_wait3A_74 : memref<16x128xf32, #tpu.memory_space<vmem_shared>>) dst(%dma_wait3A_71 : memref<16x128xf32, #tpu.memory_space<hbm>>)
        tpu.yield
      }) : () -> ()
    } else {
    }
    return
  }
}

#map = affine_map<(d0, d1) -> (0, 0)>
#map1 = affine_map<(d0, d1) -> (0, 0, 0, 0, 0)>
#map2 = affine_map<(d0, d1) -> (0, 0, 0, 0)>
#map3 = affine_map<(d0, d1) -> (0, 0, 0)>
module attributes {stable_mosaic.version = 14 : i64} {
  func.func @_agg_sc(%arg0: i32, %arg1: i32, %arg2: memref<20000x128xf32, #tpu.memory_space<hbm>>, %arg3: memref<2x16x2x40x128xi32, #tpu.memory_space<hbm>>, %arg4: memref<16x2x40x128xi32, #tpu.memory_space<hbm>>, %arg5: memref<632x128xf32, #tpu.memory_space<hbm>>, %arg6: memref<2x10000x128xf32, #tpu.memory_space<hbm>>, %arg7: memref<40x128xi32, #tpu.memory_space<vmem>>, %arg8: memref<40x128xi32, #tpu.memory_space<vmem>>, %arg9: memref<128x128xf32, #tpu.memory_space<vmem>>, %arg10: memref<128x128xf32, #tpu.memory_space<vmem>>, %arg11: memref<10112x128xf32, #tpu.memory_space<vmem_shared>>, %arg12: memref<!tpu.dma_semaphore, #tpu.memory_space<semaphore_mem>>, %arg13: memref<!tpu.dma_semaphore, #tpu.memory_space<semaphore_mem>>) attributes {dimension_semantics = [#tpu.dimension_semantics<core_parallel>, #tpu.dimension_semantics<subcore_parallel>], iteration_bounds = array<i64: 2, 16>, scalar_prefetch = 0 : i64, scratch_operands = 7 : i64, tpu.core_type = #tpu.core_type<sc_vector_subcore>, window_params = [{transform_indices = #map}, {transform_indices = #map1}, {transform_indices = #map2}, {transform_indices = #map}, {transform_indices = #map3}]} {
    %mul3A = arith.constant 632 : i32
    %mul3A_0 = arith.muli %arg1, %mul3A : i32
    "tpu.region"() ({
      %run_scoped3A_61 = tpu.sem_alloc : memref<!tpu.dma_semaphore, #tpu.memory_space<semaphore_mem>>
      %dma_start3A_62 = arith.constant 0 : i32
      %dma_start3A_63 = tpu.memref_slice %arg11[%mul3A_0, %dma_start3A_62] : memref<10112x128xf32, #tpu.memory_space<vmem_shared>> -> memref<632x128xf32, #tpu.memory_space<vmem_shared>>
      tpu.enqueue_dma source(%arg5 : memref<632x128xf32, #tpu.memory_space<hbm>>) target(%dma_start3A_63 : memref<632x128xf32, #tpu.memory_space<vmem_shared>>) target_semaphore(%run_scoped3A_61 : memref<!tpu.dma_semaphore, #tpu.memory_space<semaphore_mem>>)
      %dma_wait3A = arith.constant 0 : i32
      %dma_wait3A_64 = tpu.memref_slice %arg11[%mul3A_0, %dma_wait3A] : memref<10112x128xf32, #tpu.memory_space<vmem_shared>> -> memref<632x128xf32, #tpu.memory_space<vmem_shared>>
      tpu.wait_dma2 semaphore(%run_scoped3A_61 : memref<!tpu.dma_semaphore, #tpu.memory_space<semaphore_mem>>) src(%arg5 : memref<632x128xf32, #tpu.memory_space<hbm>>) dst(%dma_wait3A_64 : memref<632x128xf32, #tpu.memory_space<vmem_shared>>)
      tpu.yield
    }) : () -> ()
    %barrier3A = arith.constant 0 : index
    tpu.barrier barrier_id(%barrier3A)
    %run_scoped3A = arith.constant 0 : i32
    "tpu.region"() ({
      %run_scoped3A_61 = tpu.sem_alloc : memref<!tpu.dma_semaphore, #tpu.memory_space<semaphore_mem>>
      %dma_start3A_62 = arith.constant 0 : i32
      %dma_start3A_63 = arith.constant 0 : i32
      %dma_start3A_64 = tpu.memref_slice %arg3[%arg0, %arg1, %run_scoped3A, %dma_start3A_62, %dma_start3A_63] : memref<2x16x2x40x128xi32, #tpu.memory_space<hbm>> -> memref<1x1x1x40x128xi32, #tpu.memory_space<hbm>>
      %dma_start3A_65 = tpu.memref_squeeze %dma_start3A_64 : memref<1x1x1x40x128xi32, #tpu.memory_space<hbm>> -> memref<40x128xi32, #tpu.memory_space<hbm>>
      %dma_start3A_66 = arith.constant 0 : i32
      %dma_start3A_67 = arith.constant 0 : i32
      %dma_start3A_68 = tpu.memref_slice %arg3[%arg0, %arg1, %run_scoped3A, %dma_start3A_66, %dma_start3A_67] : memref<2x16x2x40x128xi32, #tpu.memory_space<hbm>> -> memref<1x1x1x40x128xi32, #tpu.memory_space<hbm>>
      %dma_start3A_69 = tpu.memref_squeeze %dma_start3A_68 : memref<1x1x1x40x128xi32, #tpu.memory_space<hbm>> -> memref<40x128xi32, #tpu.memory_space<hbm>>
      tpu.enqueue_dma source(%dma_start3A_69 : memref<40x128xi32, #tpu.memory_space<hbm>>) target(%arg7 : memref<40x128xi32, #tpu.memory_space<vmem>>) target_semaphore(%run_scoped3A_61 : memref<!tpu.dma_semaphore, #tpu.memory_space<semaphore_mem>>)
      %dma_wait3A = arith.constant 0 : i32
      %dma_wait3A_70 = arith.constant 0 : i32
      %dma_wait3A_71 = tpu.memref_slice %arg3[%arg0, %arg1, %run_scoped3A, %dma_wait3A, %dma_wait3A_70] : memref<2x16x2x40x128xi32, #tpu.memory_space<hbm>> -> memref<1x1x1x40x128xi32, #tpu.memory_space<hbm>>
      %dma_wait3A_72 = tpu.memref_squeeze %dma_wait3A_71 : memref<1x1x1x40x128xi32, #tpu.memory_space<hbm>> -> memref<40x128xi32, #tpu.memory_space<hbm>>
      %dma_wait3A_73 = arith.constant 0 : i32
      %dma_wait3A_74 = arith.constant 0 : i32
      %dma_wait3A_75 = tpu.memref_slice %arg3[%arg0, %arg1, %run_scoped3A, %dma_wait3A_73, %dma_wait3A_74] : memref<2x16x2x40x128xi32, #tpu.memory_space<hbm>> -> memref<1x1x1x40x128xi32, #tpu.memory_space<hbm>>
      %dma_wait3A_76 = tpu.memref_squeeze %dma_wait3A_75 : memref<1x1x1x40x128xi32, #tpu.memory_space<hbm>> -> memref<40x128xi32, #tpu.memory_space<hbm>>
      tpu.wait_dma2 semaphore(%run_scoped3A_61 : memref<!tpu.dma_semaphore, #tpu.memory_space<semaphore_mem>>) src(%dma_wait3A_76 : memref<40x128xi32, #tpu.memory_space<hbm>>) dst(%arg7 : memref<40x128xi32, #tpu.memory_space<vmem>>)
      tpu.yield
    }) : () -> ()
    %run_scoped3A_1 = arith.constant 0 : i32
    "tpu.region"() ({
      %run_scoped3A_61 = tpu.sem_alloc : memref<!tpu.dma_semaphore, #tpu.memory_space<semaphore_mem>>
      %dma_start3A_62 = arith.constant 0 : i32
      %dma_start3A_63 = arith.constant 0 : i32
      %dma_start3A_64 = tpu.memref_slice %arg4[%arg1, %run_scoped3A_1, %dma_start3A_62, %dma_start3A_63] : memref<16x2x40x128xi32, #tpu.memory_space<hbm>> -> memref<1x1x40x128xi32, #tpu.memory_space<hbm>>
      %dma_start3A_65 = tpu.memref_squeeze %dma_start3A_64 : memref<1x1x40x128xi32, #tpu.memory_space<hbm>> -> memref<40x128xi32, #tpu.memory_space<hbm>>
      %dma_start3A_66 = arith.constant 0 : i32
      %dma_start3A_67 = arith.constant 0 : i32
      %dma_start3A_68 = tpu.memref_slice %arg4[%arg1, %run_scoped3A_1, %dma_start3A_66, %dma_start3A_67] : memref<16x2x40x128xi32, #tpu.memory_space<hbm>> -> memref<1x1x40x128xi32, #tpu.memory_space<hbm>>
      %dma_start3A_69 = tpu.memref_squeeze %dma_start3A_68 : memref<1x1x40x128xi32, #tpu.memory_space<hbm>> -> memref<40x128xi32, #tpu.memory_space<hbm>>
      tpu.enqueue_dma source(%dma_start3A_69 : memref<40x128xi32, #tpu.memory_space<hbm>>) target(%arg8 : memref<40x128xi32, #tpu.memory_space<vmem>>) target_semaphore(%run_scoped3A_61 : memref<!tpu.dma_semaphore, #tpu.memory_space<semaphore_mem>>)
      %dma_wait3A = arith.constant 0 : i32
      %dma_wait3A_70 = arith.constant 0 : i32
      %dma_wait3A_71 = tpu.memref_slice %arg4[%arg1, %run_scoped3A_1, %dma_wait3A, %dma_wait3A_70] : memref<16x2x40x128xi32, #tpu.memory_space<hbm>> -> memref<1x1x40x128xi32, #tpu.memory_space<hbm>>
      %dma_wait3A_72 = tpu.memref_squeeze %dma_wait3A_71 : memref<1x1x40x128xi32, #tpu.memory_space<hbm>> -> memref<40x128xi32, #tpu.memory_space<hbm>>
      %dma_wait3A_73 = arith.constant 0 : i32
      %dma_wait3A_74 = arith.constant 0 : i32
      %dma_wait3A_75 = tpu.memref_slice %arg4[%arg1, %run_scoped3A_1, %dma_wait3A_73, %dma_wait3A_74] : memref<16x2x40x128xi32, #tpu.memory_space<hbm>> -> memref<1x1x40x128xi32, #tpu.memory_space<hbm>>
      %dma_wait3A_76 = tpu.memref_squeeze %dma_wait3A_75 : memref<1x1x40x128xi32, #tpu.memory_space<hbm>> -> memref<40x128xi32, #tpu.memory_space<hbm>>
      tpu.wait_dma2 semaphore(%run_scoped3A_61 : memref<!tpu.dma_semaphore, #tpu.memory_space<semaphore_mem>>) src(%dma_wait3A_76 : memref<40x128xi32, #tpu.memory_space<hbm>>) dst(%arg8 : memref<40x128xi32, #tpu.memory_space<vmem>>)
      tpu.yield
    }) : () -> ()
    %dma_start3A = arith.constant 0 : i32
    %dma_start3A_2 = arith.constant 0 : i32
    %dma_start3A_3 = arith.constant 0 : i32
    %dma_start3A_4 = tpu.memref_slice %arg9[%dma_start3A_2, %dma_start3A_3] : memref<128x128xf32, #tpu.memory_space<vmem>> -> memref<64x128xf32, #tpu.memory_space<vmem>>
    %dma_start3A_5 = arith.constant 0 : i32
    %dma_start3A_6 = tpu.memref_slice %arg7[%dma_start3A, %dma_start3A_5] : memref<40x128xi32, #tpu.memory_space<vmem>> -> memref<1x64xi32, #tpu.memory_space<vmem>>
    %dma_start3A_7 = tpu.memref_squeeze %dma_start3A_6 : memref<1x64xi32, #tpu.memory_space<vmem>> -> memref<64xi32, #tpu.memory_space<vmem>>
    %dma_start3A_8 = arith.constant 0 : i32
    %dma_start3A_9 = arith.constant 0 : i32
    %dma_start3A_10 = tpu.memref_slice %arg2[%dma_start3A_8, %dma_start3A_9] : memref<20000x128xf32, #tpu.memory_space<hbm>> -> memref<20000x128xf32, #tpu.memory_space<hbm>>
    tpu.enqueue_indirect_dma source(%dma_start3A_10 : memref<20000x128xf32, #tpu.memory_space<hbm>>) target(%dma_start3A_4 : memref<64x128xf32, #tpu.memory_space<vmem>>) offsets(%dma_start3A_7 : memref<64xi32, #tpu.memory_space<vmem>>) semaphore(%arg12 : memref<!tpu.dma_semaphore, #tpu.memory_space<semaphore_mem>>)
    %dma_start3A_11 = arith.constant 0 : i32
    %dma_start3A_12 = arith.constant 64 : i32
    %dma_start3A_13 = arith.constant 0 : i32
    %dma_start3A_14 = tpu.memref_slice %arg9[%dma_start3A_12, %dma_start3A_13] : memref<128x128xf32, #tpu.memory_space<vmem>> -> memref<64x128xf32, #tpu.memory_space<vmem>>
    %dma_start3A_15 = arith.constant 64 : i32
    %dma_start3A_16 = tpu.memref_slice %arg7[%dma_start3A_11, %dma_start3A_15] : memref<40x128xi32, #tpu.memory_space<vmem>> -> memref<1x64xi32, #tpu.memory_space<vmem>>
    %dma_start3A_17 = tpu.memref_squeeze %dma_start3A_16 : memref<1x64xi32, #tpu.memory_space<vmem>> -> memref<64xi32, #tpu.memory_space<vmem>>
    %dma_start3A_18 = arith.constant 0 : i32
    %dma_start3A_19 = arith.constant 0 : i32
    %dma_start3A_20 = tpu.memref_slice %arg2[%dma_start3A_18, %dma_start3A_19] : memref<20000x128xf32, #tpu.memory_space<hbm>> -> memref<20000x128xf32, #tpu.memory_space<hbm>>
    tpu.enqueue_indirect_dma source(%dma_start3A_20 : memref<20000x128xf32, #tpu.memory_space<hbm>>) target(%dma_start3A_14 : memref<64x128xf32, #tpu.memory_space<vmem>>) offsets(%dma_start3A_17 : memref<64xi32, #tpu.memory_space<vmem>>) semaphore(%arg12 : memref<!tpu.dma_semaphore, #tpu.memory_space<semaphore_mem>>)
    %scan3A = arith.constant 0 : i32
    %scan3A_21 = arith.constant 0 : i32
    %scan3A_22 = arith.constant 20 : i32
    %scan3A_23 = arith.addi %scan3A_21, %scan3A_22 : i32
    %scan3A_24 = arith.constant 1 : i32
    scf.for %scan3A_61 = %scan3A_21 to %scan3A_23 step %scan3A_24  : i32 {
      %mul3A_62 = arith.constant 2 : i32
      %mul3A_63 = arith.muli %mul3A_62, %scan3A_61 : i32
      %add3A = arith.constant 1 : i32
      %add3A_64 = arith.addi %mul3A_63, %add3A : i32
      %dma_start3A_65 = arith.constant 0 : i32
      %dma_start3A_66 = arith.constant 0 : i32
      %dma_start3A_67 = tpu.memref_slice %arg10[%dma_start3A_65, %dma_start3A_66] : memref<128x128xf32, #tpu.memory_space<vmem>> -> memref<64x128xf32, #tpu.memory_space<vmem>>
      %dma_start3A_68 = arith.constant 0 : i32
      %dma_start3A_69 = tpu.memref_slice %arg7[%add3A_64, %dma_start3A_68] : memref<40x128xi32, #tpu.memory_space<vmem>> -> memref<1x64xi32, #tpu.memory_space<vmem>>
      %dma_start3A_70 = tpu.memref_squeeze %dma_start3A_69 : memref<1x64xi32, #tpu.memory_space<vmem>> -> memref<64xi32, #tpu.memory_space<vmem>>
      %dma_start3A_71 = arith.constant 0 : i32
      %dma_start3A_72 = arith.constant 0 : i32
      %dma_start3A_73 = tpu.memref_slice %arg2[%dma_start3A_71, %dma_start3A_72] : memref<20000x128xf32, #tpu.memory_space<hbm>> -> memref<20000x128xf32, #tpu.memory_space<hbm>>
      tpu.enqueue_indirect_dma source(%dma_start3A_73 : memref<20000x128xf32, #tpu.memory_space<hbm>>) target(%dma_start3A_67 : memref<64x128xf32, #tpu.memory_space<vmem>>) offsets(%dma_start3A_70 : memref<64xi32, #tpu.memory_space<vmem>>) semaphore(%arg13 : memref<!tpu.dma_semaphore, #tpu.memory_space<semaphore_mem>>)
      %dma_start3A_74 = arith.constant 64 : i32
      %dma_start3A_75 = arith.constant 0 : i32
      %dma_start3A_76 = tpu.memref_slice %arg10[%dma_start3A_74, %dma_start3A_75] : memref<128x128xf32, #tpu.memory_space<vmem>> -> memref<64x128xf32, #tpu.memory_space<vmem>>
      %dma_start3A_77 = arith.constant 64 : i32
      %dma_start3A_78 = tpu.memref_slice %arg7[%add3A_64, %dma_start3A_77] : memref<40x128xi32, #tpu.memory_space<vmem>> -> memref<1x64xi32, #tpu.memory_space<vmem>>
      %dma_start3A_79 = tpu.memref_squeeze %dma_start3A_78 : memref<1x64xi32, #tpu.memory_space<vmem>> -> memref<64xi32, #tpu.memory_space<vmem>>
      %dma_start3A_80 = arith.constant 0 : i32
      %dma_start3A_81 = arith.constant 0 : i32
      %dma_start3A_82 = tpu.memref_slice %arg2[%dma_start3A_80, %dma_start3A_81] : memref<20000x128xf32, #tpu.memory_space<hbm>> -> memref<20000x128xf32, #tpu.memory_space<hbm>>
      tpu.enqueue_indirect_dma source(%dma_start3A_82 : memref<20000x128xf32, #tpu.memory_space<hbm>>) target(%dma_start3A_76 : memref<64x128xf32, #tpu.memory_space<vmem>>) offsets(%dma_start3A_79 : memref<64xi32, #tpu.memory_space<vmem>>) semaphore(%arg13 : memref<!tpu.dma_semaphore, #tpu.memory_space<semaphore_mem>>)
      %dma_wait3A = arith.constant 0 : i32
      %dma_wait3A_83 = arith.constant 0 : i32
      %dma_wait3A_84 = tpu.memref_slice %arg9[%dma_wait3A, %dma_wait3A_83] : memref<128x128xf32, #tpu.memory_space<vmem>> -> memref<64x128xf32, #tpu.memory_space<vmem>>
      %dma_wait3A_85 = arith.constant 0 : i32
      %dma_wait3A_86 = tpu.memref_slice %arg7[%mul3A_63, %dma_wait3A_85] : memref<40x128xi32, #tpu.memory_space<vmem>> -> memref<1x64xi32, #tpu.memory_space<vmem>>
      %dma_wait3A_87 = tpu.memref_squeeze %dma_wait3A_86 : memref<1x64xi32, #tpu.memory_space<vmem>> -> memref<64xi32, #tpu.memory_space<vmem>>
      %dma_wait3A_88 = arith.constant 0 : i32
      %dma_wait3A_89 = arith.constant 0 : i32
      %dma_wait3A_90 = tpu.memref_slice %arg2[%dma_wait3A_88, %dma_wait3A_89] : memref<20000x128xf32, #tpu.memory_space<hbm>> -> memref<20000x128xf32, #tpu.memory_space<hbm>>
      tpu.wait_indirect_dma semaphore(%arg12 : memref<!tpu.dma_semaphore, #tpu.memory_space<semaphore_mem>>) src(%dma_wait3A_90 : memref<20000x128xf32, #tpu.memory_space<hbm>>) dst(%dma_wait3A_84 : memref<64x128xf32, #tpu.memory_space<vmem>>)
      %dma_wait3A_91 = arith.constant 64 : i32
      %dma_wait3A_92 = arith.constant 0 : i32
      %dma_wait3A_93 = tpu.memref_slice %arg9[%dma_wait3A_91, %dma_wait3A_92] : memref<128x128xf32, #tpu.memory_space<vmem>> -> memref<64x128xf32, #tpu.memory_space<vmem>>
      %dma_wait3A_94 = arith.constant 64 : i32
      %dma_wait3A_95 = tpu.memref_slice %arg7[%mul3A_63, %dma_wait3A_94] : memref<40x128xi32, #tpu.memory_space<vmem>> -> memref<1x64xi32, #tpu.memory_space<vmem>>
      %dma_wait3A_96 = tpu.memref_squeeze %dma_wait3A_95 : memref<1x64xi32, #tpu.memory_space<vmem>> -> memref<64xi32, #tpu.memory_space<vmem>>
      %dma_wait3A_97 = arith.constant 0 : i32
      %dma_wait3A_98 = arith.constant 0 : i32
      %dma_wait3A_99 = tpu.memref_slice %arg2[%dma_wait3A_97, %dma_wait3A_98] : memref<20000x128xf32, #tpu.memory_space<hbm>> -> memref<20000x128xf32, #tpu.memory_space<hbm>>
      tpu.wait_indirect_dma semaphore(%arg12 : memref<!tpu.dma_semaphore, #tpu.memory_space<semaphore_mem>>) src(%dma_wait3A_99 : memref<20000x128xf32, #tpu.memory_space<hbm>>) dst(%dma_wait3A_93 : memref<64x128xf32, #tpu.memory_space<vmem>>)
      "tpu.region"() ({
        %run_scoped3A_128 = tpu.sem_alloc : memref<!tpu.dma_semaphore, #tpu.memory_space<semaphore_mem>>
        %dma_start3A_129 = arith.constant 0 : i32
        %dma_start3A_130 = tpu.memref_slice %arg8[%mul3A_63, %dma_start3A_129] : memref<40x128xi32, #tpu.memory_space<vmem>> -> memref<1x128xi32, #tpu.memory_space<vmem>>
        %dma_start3A_131 = tpu.memref_squeeze %dma_start3A_130 : memref<1x128xi32, #tpu.memory_space<vmem>> -> memref<128xi32, #tpu.memory_space<vmem>>
        %dma_start3A_132 = arith.constant 0 : i32
        %dma_start3A_133 = arith.constant 0 : i32
        %dma_start3A_134 = tpu.memref_slice %arg11[%dma_start3A_132, %dma_start3A_133] : memref<10112x128xf32, #tpu.memory_space<vmem_shared>> -> memref<10112x128xf32, #tpu.memory_space<vmem_shared>>
        tpu.enqueue_indirect_dma source(%arg9 : memref<128x128xf32, #tpu.memory_space<vmem>>) target(%dma_start3A_134 : memref<10112x128xf32, #tpu.memory_space<vmem_shared>>) offsets(%dma_start3A_131 : memref<128xi32, #tpu.memory_space<vmem>>) semaphore(%run_scoped3A_128 : memref<!tpu.dma_semaphore, #tpu.memory_space<semaphore_mem>>) {add = true}
        %dma_wait3A_135 = arith.constant 0 : i32
        %dma_wait3A_136 = tpu.memref_slice %arg8[%mul3A_63, %dma_wait3A_135] : memref<40x128xi32, #tpu.memory_space<vmem>> -> memref<1x128xi32, #tpu.memory_space<vmem>>
        %dma_wait3A_137 = tpu.memref_squeeze %dma_wait3A_136 : memref<1x128xi32, #tpu.memory_space<vmem>> -> memref<128xi32, #tpu.memory_space<vmem>>
        %dma_wait3A_138 = arith.constant 0 : i32
        %dma_wait3A_139 = arith.constant 0 : i32
        %dma_wait3A_140 = tpu.memref_slice %arg11[%dma_wait3A_138, %dma_wait3A_139] : memref<10112x128xf32, #tpu.memory_space<vmem_shared>> -> memref<10112x128xf32, #tpu.memory_space<vmem_shared>>
        tpu.wait_indirect_dma semaphore(%run_scoped3A_128 : memref<!tpu.dma_semaphore, #tpu.memory_space<semaphore_mem>>) src(%arg9 : memref<128x128xf32, #tpu.memory_space<vmem>>) dst(%dma_wait3A_140 : memref<10112x128xf32, #tpu.memory_space<vmem_shared>>)
        tpu.yield
      }) : () -> ()
      %add3A_100 = arith.constant 2 : i32
      %add3A_101 = arith.addi %mul3A_63, %add3A_100 : i32
      %lt3A = arith.constant 40 : i32
      %lt3A_102 = arith.cmpi slt, %add3A_101, %lt3A : i32
      %convert_element_type3A_103 = arith.extui %lt3A_102 : i1 to i32
      %cond3A_104 = arith.constant 0 : i32
      %cond3A_105 = arith.cmpi ne, %convert_element_type3A_103, %cond3A_104 : i32
      scf.if %cond3A_105 {
        %add3A_128 = arith.constant 2 : i32
        %add3A_129 = arith.addi %mul3A_63, %add3A_128 : i32
        %dma_start3A_130 = arith.constant 0 : i32
        %dma_start3A_131 = arith.constant 0 : i32
        %dma_start3A_132 = tpu.memref_slice %arg9[%dma_start3A_130, %dma_start3A_131] : memref<128x128xf32, #tpu.memory_space<vmem>> -> memref<64x128xf32, #tpu.memory_space<vmem>>
        %dma_start3A_133 = arith.constant 0 : i32
        %dma_start3A_134 = tpu.memref_slice %arg7[%add3A_129, %dma_start3A_133] : memref<40x128xi32, #tpu.memory_space<vmem>> -> memref<1x64xi32, #tpu.memory_space<vmem>>
        %dma_start3A_135 = tpu.memref_squeeze %dma_start3A_134 : memref<1x64xi32, #tpu.memory_space<vmem>> -> memref<64xi32, #tpu.memory_space<vmem>>
        %dma_start3A_136 = arith.constant 0 : i32
        %dma_start3A_137 = arith.constant 0 : i32
        %dma_start3A_138 = tpu.memref_slice %arg2[%dma_start3A_136, %dma_start3A_137] : memref<20000x128xf32, #tpu.memory_space<hbm>> -> memref<20000x128xf32, #tpu.memory_space<hbm>>
        tpu.enqueue_indirect_dma source(%dma_start3A_138 : memref<20000x128xf32, #tpu.memory_space<hbm>>) target(%dma_start3A_132 : memref<64x128xf32, #tpu.memory_space<vmem>>) offsets(%dma_start3A_135 : memref<64xi32, #tpu.memory_space<vmem>>) semaphore(%arg12 : memref<!tpu.dma_semaphore, #tpu.memory_space<semaphore_mem>>)
        %dma_start3A_139 = arith.constant 64 : i32
        %dma_start3A_140 = arith.constant 0 : i32
        %dma_start3A_141 = tpu.memref_slice %arg9[%dma_start3A_139, %dma_start3A_140] : memref<128x128xf32, #tpu.memory_space<vmem>> -> memref<64x128xf32, #tpu.memory_space<vmem>>
        %dma_start3A_142 = arith.constant 64 : i32
        %dma_start3A_143 = tpu.memref_slice %arg7[%add3A_129, %dma_start3A_142] : memref<40x128xi32, #tpu.memory_space<vmem>> -> memref<1x64xi32, #tpu.memory_space<vmem>>
        %dma_start3A_144 = tpu.memref_squeeze %dma_start3A_143 : memref<1x64xi32, #tpu.memory_space<vmem>> -> memref<64xi32, #tpu.memory_space<vmem>>
        %dma_start3A_145 = arith.constant 0 : i32
        %dma_start3A_146 = arith.constant 0 : i32
        %dma_start3A_147 = tpu.memref_slice %arg2[%dma_start3A_145, %dma_start3A_146] : memref<20000x128xf32, #tpu.memory_space<hbm>> -> memref<20000x128xf32, #tpu.memory_space<hbm>>
        tpu.enqueue_indirect_dma source(%dma_start3A_147 : memref<20000x128xf32, #tpu.memory_space<hbm>>) target(%dma_start3A_141 : memref<64x128xf32, #tpu.memory_space<vmem>>) offsets(%dma_start3A_144 : memref<64xi32, #tpu.memory_space<vmem>>) semaphore(%arg12 : memref<!tpu.dma_semaphore, #tpu.memory_space<semaphore_mem>>)
      } else {
      }
      %add3A_106 = arith.constant 1 : i32
      %add3A_107 = arith.addi %mul3A_63, %add3A_106 : i32
      %dma_wait3A_108 = arith.constant 0 : i32
      %dma_wait3A_109 = arith.constant 0 : i32
      %dma_wait3A_110 = tpu.memref_slice %arg10[%dma_wait3A_108, %dma_wait3A_109] : memref<128x128xf32, #tpu.memory_space<vmem>> -> memref<64x128xf32, #tpu.memory_space<vmem>>
      %dma_wait3A_111 = arith.constant 0 : i32
      %dma_wait3A_112 = tpu.memref_slice %arg7[%add3A_107, %dma_wait3A_111] : memref<40x128xi32, #tpu.memory_space<vmem>> -> memref<1x64xi32, #tpu.memory_space<vmem>>
      %dma_wait3A_113 = tpu.memref_squeeze %dma_wait3A_112 : memref<1x64xi32, #tpu.memory_space<vmem>> -> memref<64xi32, #tpu.memory_space<vmem>>
      %dma_wait3A_114 = arith.constant 0 : i32
      %dma_wait3A_115 = arith.constant 0 : i32
      %dma_wait3A_116 = tpu.memref_slice %arg2[%dma_wait3A_114, %dma_wait3A_115] : memref<20000x128xf32, #tpu.memory_space<hbm>> -> memref<20000x128xf32, #tpu.memory_space<hbm>>
      tpu.wait_indirect_dma semaphore(%arg13 : memref<!tpu.dma_semaphore, #tpu.memory_space<semaphore_mem>>) src(%dma_wait3A_116 : memref<20000x128xf32, #tpu.memory_space<hbm>>) dst(%dma_wait3A_110 : memref<64x128xf32, #tpu.memory_space<vmem>>)
      %dma_wait3A_117 = arith.constant 64 : i32
      %dma_wait3A_118 = arith.constant 0 : i32
      %dma_wait3A_119 = tpu.memref_slice %arg10[%dma_wait3A_117, %dma_wait3A_118] : memref<128x128xf32, #tpu.memory_space<vmem>> -> memref<64x128xf32, #tpu.memory_space<vmem>>
      %dma_wait3A_120 = arith.constant 64 : i32
      %dma_wait3A_121 = tpu.memref_slice %arg7[%add3A_107, %dma_wait3A_120] : memref<40x128xi32, #tpu.memory_space<vmem>> -> memref<1x64xi32, #tpu.memory_space<vmem>>
      %dma_wait3A_122 = tpu.memref_squeeze %dma_wait3A_121 : memref<1x64xi32, #tpu.memory_space<vmem>> -> memref<64xi32, #tpu.memory_space<vmem>>
      %dma_wait3A_123 = arith.constant 0 : i32
      %dma_wait3A_124 = arith.constant 0 : i32
      %dma_wait3A_125 = tpu.memref_slice %arg2[%dma_wait3A_123, %dma_wait3A_124] : memref<20000x128xf32, #tpu.memory_space<hbm>> -> memref<20000x128xf32, #tpu.memory_space<hbm>>
      tpu.wait_indirect_dma semaphore(%arg13 : memref<!tpu.dma_semaphore, #tpu.memory_space<semaphore_mem>>) src(%dma_wait3A_125 : memref<20000x128xf32, #tpu.memory_space<hbm>>) dst(%dma_wait3A_119 : memref<64x128xf32, #tpu.memory_space<vmem>>)
      %add3A_126 = arith.constant 1 : i32
      %add3A_127 = arith.addi %mul3A_63, %add3A_126 : i32
      "tpu.region"() ({
        %run_scoped3A_128 = tpu.sem_alloc : memref<!tpu.dma_semaphore, #tpu.memory_space<semaphore_mem>>
        %dma_start3A_129 = arith.constant 0 : i32
        %dma_start3A_130 = tpu.memref_slice %arg8[%add3A_127, %dma_start3A_129] : memref<40x128xi32, #tpu.memory_space<vmem>> -> memref<1x128xi32, #tpu.memory_space<vmem>>
        %dma_start3A_131 = tpu.memref_squeeze %dma_start3A_130 : memref<1x128xi32, #tpu.memory_space<vmem>> -> memref<128xi32, #tpu.memory_space<vmem>>
        %dma_start3A_132 = arith.constant 0 : i32
        %dma_start3A_133 = arith.constant 0 : i32
        %dma_start3A_134 = tpu.memref_slice %arg11[%dma_start3A_132, %dma_start3A_133] : memref<10112x128xf32, #tpu.memory_space<vmem_shared>> -> memref<10112x128xf32, #tpu.memory_space<vmem_shared>>
        tpu.enqueue_indirect_dma source(%arg10 : memref<128x128xf32, #tpu.memory_space<vmem>>) target(%dma_start3A_134 : memref<10112x128xf32, #tpu.memory_space<vmem_shared>>) offsets(%dma_start3A_131 : memref<128xi32, #tpu.memory_space<vmem>>) semaphore(%run_scoped3A_128 : memref<!tpu.dma_semaphore, #tpu.memory_space<semaphore_mem>>) {add = true}
        %dma_wait3A_135 = arith.constant 0 : i32
        %dma_wait3A_136 = tpu.memref_slice %arg8[%add3A_127, %dma_wait3A_135] : memref<40x128xi32, #tpu.memory_space<vmem>> -> memref<1x128xi32, #tpu.memory_space<vmem>>
        %dma_wait3A_137 = tpu.memref_squeeze %dma_wait3A_136 : memref<1x128xi32, #tpu.memory_space<vmem>> -> memref<128xi32, #tpu.memory_space<vmem>>
        %dma_wait3A_138 = arith.constant 0 : i32
        %dma_wait3A_139 = arith.constant 0 : i32
        %dma_wait3A_140 = tpu.memref_slice %arg11[%dma_wait3A_138, %dma_wait3A_139] : memref<10112x128xf32, #tpu.memory_space<vmem_shared>> -> memref<10112x128xf32, #tpu.memory_space<vmem_shared>>
        tpu.wait_indirect_dma semaphore(%run_scoped3A_128 : memref<!tpu.dma_semaphore, #tpu.memory_space<semaphore_mem>>) src(%arg10 : memref<128x128xf32, #tpu.memory_space<vmem>>) dst(%dma_wait3A_140 : memref<10112x128xf32, #tpu.memory_space<vmem_shared>>)
        tpu.yield
      }) : () -> ()
    }
    %scan3A_25 = arith.constant 20 : i32
    %run_scoped3A_26 = arith.constant 1 : i32
    "tpu.region"() ({
      %run_scoped3A_61 = tpu.sem_alloc : memref<!tpu.dma_semaphore, #tpu.memory_space<semaphore_mem>>
      %dma_start3A_62 = arith.constant 0 : i32
      %dma_start3A_63 = arith.constant 0 : i32
      %dma_start3A_64 = tpu.memref_slice %arg3[%arg0, %arg1, %run_scoped3A_26, %dma_start3A_62, %dma_start3A_63] : memref<2x16x2x40x128xi32, #tpu.memory_space<hbm>> -> memref<1x1x1x40x128xi32, #tpu.memory_space<hbm>>
      %dma_start3A_65 = tpu.memref_squeeze %dma_start3A_64 : memref<1x1x1x40x128xi32, #tpu.memory_space<hbm>> -> memref<40x128xi32, #tpu.memory_space<hbm>>
      %dma_start3A_66 = arith.constant 0 : i32
      %dma_start3A_67 = arith.constant 0 : i32
      %dma_start3A_68 = tpu.memref_slice %arg3[%arg0, %arg1, %run_scoped3A_26, %dma_start3A_66, %dma_start3A_67] : memref<2x16x2x40x128xi32, #tpu.memory_space<hbm>> -> memref<1x1x1x40x128xi32, #tpu.memory_space<hbm>>
      %dma_start3A_69 = tpu.memref_squeeze %dma_start3A_68 : memref<1x1x1x40x128xi32, #tpu.memory_space<hbm>> -> memref<40x128xi32, #tpu.memory_space<hbm>>
      tpu.enqueue_dma source(%dma_start3A_69 : memref<40x128xi32, #tpu.memory_space<hbm>>) target(%arg7 : memref<40x128xi32, #tpu.memory_space<vmem>>) target_semaphore(%run_scoped3A_61 : memref<!tpu.dma_semaphore, #tpu.memory_space<semaphore_mem>>)
      %dma_wait3A = arith.constant 0 : i32
      %dma_wait3A_70 = arith.constant 0 : i32
      %dma_wait3A_71 = tpu.memref_slice %arg3[%arg0, %arg1, %run_scoped3A_26, %dma_wait3A, %dma_wait3A_70] : memref<2x16x2x40x128xi32, #tpu.memory_space<hbm>> -> memref<1x1x1x40x128xi32, #tpu.memory_space<hbm>>
      %dma_wait3A_72 = tpu.memref_squeeze %dma_wait3A_71 : memref<1x1x1x40x128xi32, #tpu.memory_space<hbm>> -> memref<40x128xi32, #tpu.memory_space<hbm>>
      %dma_wait3A_73 = arith.constant 0 : i32
      %dma_wait3A_74 = arith.constant 0 : i32
      %dma_wait3A_75 = tpu.memref_slice %arg3[%arg0, %arg1, %run_scoped3A_26, %dma_wait3A_73, %dma_wait3A_74] : memref<2x16x2x40x128xi32, #tpu.memory_space<hbm>> -> memref<1x1x1x40x128xi32, #tpu.memory_space<hbm>>
      %dma_wait3A_76 = tpu.memref_squeeze %dma_wait3A_75 : memref<1x1x1x40x128xi32, #tpu.memory_space<hbm>> -> memref<40x128xi32, #tpu.memory_space<hbm>>
      tpu.wait_dma2 semaphore(%run_scoped3A_61 : memref<!tpu.dma_semaphore, #tpu.memory_space<semaphore_mem>>) src(%dma_wait3A_76 : memref<40x128xi32, #tpu.memory_space<hbm>>) dst(%arg7 : memref<40x128xi32, #tpu.memory_space<vmem>>)
      tpu.yield
    }) : () -> ()
    %run_scoped3A_27 = arith.constant 1 : i32
    "tpu.region"() ({
      %run_scoped3A_61 = tpu.sem_alloc : memref<!tpu.dma_semaphore, #tpu.memory_space<semaphore_mem>>
      %dma_start3A_62 = arith.constant 0 : i32
      %dma_start3A_63 = arith.constant 0 : i32
      %dma_start3A_64 = tpu.memref_slice %arg4[%arg1, %run_scoped3A_27, %dma_start3A_62, %dma_start3A_63] : memref<16x2x40x128xi32, #tpu.memory_space<hbm>> -> memref<1x1x40x128xi32, #tpu.memory_space<hbm>>
      %dma_start3A_65 = tpu.memref_squeeze %dma_start3A_64 : memref<1x1x40x128xi32, #tpu.memory_space<hbm>> -> memref<40x128xi32, #tpu.memory_space<hbm>>
      %dma_start3A_66 = arith.constant 0 : i32
      %dma_start3A_67 = arith.constant 0 : i32
      %dma_start3A_68 = tpu.memref_slice %arg4[%arg1, %run_scoped3A_27, %dma_start3A_66, %dma_start3A_67] : memref<16x2x40x128xi32, #tpu.memory_space<hbm>> -> memref<1x1x40x128xi32, #tpu.memory_space<hbm>>
      %dma_start3A_69 = tpu.memref_squeeze %dma_start3A_68 : memref<1x1x40x128xi32, #tpu.memory_space<hbm>> -> memref<40x128xi32, #tpu.memory_space<hbm>>
      tpu.enqueue_dma source(%dma_start3A_69 : memref<40x128xi32, #tpu.memory_space<hbm>>) target(%arg8 : memref<40x128xi32, #tpu.memory_space<vmem>>) target_semaphore(%run_scoped3A_61 : memref<!tpu.dma_semaphore, #tpu.memory_space<semaphore_mem>>)
      %dma_wait3A = arith.constant 0 : i32
      %dma_wait3A_70 = arith.constant 0 : i32
      %dma_wait3A_71 = tpu.memref_slice %arg4[%arg1, %run_scoped3A_27, %dma_wait3A, %dma_wait3A_70] : memref<16x2x40x128xi32, #tpu.memory_space<hbm>> -> memref<1x1x40x128xi32, #tpu.memory_space<hbm>>
      %dma_wait3A_72 = tpu.memref_squeeze %dma_wait3A_71 : memref<1x1x40x128xi32, #tpu.memory_space<hbm>> -> memref<40x128xi32, #tpu.memory_space<hbm>>
      %dma_wait3A_73 = arith.constant 0 : i32
      %dma_wait3A_74 = arith.constant 0 : i32
      %dma_wait3A_75 = tpu.memref_slice %arg4[%arg1, %run_scoped3A_27, %dma_wait3A_73, %dma_wait3A_74] : memref<16x2x40x128xi32, #tpu.memory_space<hbm>> -> memref<1x1x40x128xi32, #tpu.memory_space<hbm>>
      %dma_wait3A_76 = tpu.memref_squeeze %dma_wait3A_75 : memref<1x1x40x128xi32, #tpu.memory_space<hbm>> -> memref<40x128xi32, #tpu.memory_space<hbm>>
      tpu.wait_dma2 semaphore(%run_scoped3A_61 : memref<!tpu.dma_semaphore, #tpu.memory_space<semaphore_mem>>) src(%dma_wait3A_76 : memref<40x128xi32, #tpu.memory_space<hbm>>) dst(%arg8 : memref<40x128xi32, #tpu.memory_space<vmem>>)
      tpu.yield
    }) : () -> ()
    %dma_start3A_28 = arith.constant 0 : i32
    %dma_start3A_29 = arith.constant 0 : i32
    %dma_start3A_30 = arith.constant 0 : i32
    %dma_start3A_31 = tpu.memref_slice %arg9[%dma_start3A_29, %dma_start3A_30] : memref<128x128xf32, #tpu.memory_space<vmem>> -> memref<64x128xf32, #tpu.memory_space<vmem>>
    %dma_start3A_32 = arith.constant 0 : i32
    %dma_start3A_33 = tpu.memref_slice %arg7[%dma_start3A_28, %dma_start3A_32] : memref<40x128xi32, #tpu.memory_space<vmem>> -> memref<1x64xi32, #tpu.memory_space<vmem>>
    %dma_start3A_34 = tpu.memref_squeeze %dma_start3A_33 : memref<1x64xi32, #tpu.memory_space<vmem>> -> memref<64xi32, #tpu.memory_space<vmem>>
    %dma_start3A_35 = arith.constant 0 : i32
    %dma_start3A_36 = arith.constant 0 : i32
    %dma_start3A_37 = tpu.memref_slice %arg2[%dma_start3A_35, %dma_start3A_36] : memref<20000x128xf32, #tpu.memory_space<hbm>> -> memref<20000x128xf32, #tpu.memory_space<hbm>>
    tpu.enqueue_indirect_dma source(%dma_start3A_37 : memref<20000x128xf32, #tpu.memory_space<hbm>>) target(%dma_start3A_31 : memref<64x128xf32, #tpu.memory_space<vmem>>) offsets(%dma_start3A_34 : memref<64xi32, #tpu.memory_space<vmem>>) semaphore(%arg12 : memref<!tpu.dma_semaphore, #tpu.memory_space<semaphore_mem>>)
    %dma_start3A_38 = arith.constant 0 : i32
    %dma_start3A_39 = arith.constant 64 : i32
    %dma_start3A_40 = arith.constant 0 : i32
    %dma_start3A_41 = tpu.memref_slice %arg9[%dma_start3A_39, %dma_start3A_40] : memref<128x128xf32, #tpu.memory_space<vmem>> -> memref<64x128xf32, #tpu.memory_space<vmem>>
    %dma_start3A_42 = arith.constant 64 : i32
    %dma_start3A_43 = tpu.memref_slice %arg7[%dma_start3A_38, %dma_start3A_42] : memref<40x128xi32, #tpu.memory_space<vmem>> -> memref<1x64xi32, #tpu.memory_space<vmem>>
    %dma_start3A_44 = tpu.memref_squeeze %dma_start3A_43 : memref<1x64xi32, #tpu.memory_space<vmem>> -> memref<64xi32, #tpu.memory_space<vmem>>
    %dma_start3A_45 = arith.constant 0 : i32
    %dma_start3A_46 = arith.constant 0 : i32
    %dma_start3A_47 = tpu.memref_slice %arg2[%dma_start3A_45, %dma_start3A_46] : memref<20000x128xf32, #tpu.memory_space<hbm>> -> memref<20000x128xf32, #tpu.memory_space<hbm>>
    tpu.enqueue_indirect_dma source(%dma_start3A_47 : memref<20000x128xf32, #tpu.memory_space<hbm>>) target(%dma_start3A_41 : memref<64x128xf32, #tpu.memory_space<vmem>>) offsets(%dma_start3A_44 : memref<64xi32, #tpu.memory_space<vmem>>) semaphore(%arg12 : memref<!tpu.dma_semaphore, #tpu.memory_space<semaphore_mem>>)
    %scan3A_48 = arith.constant 0 : i32
    %scan3A_49 = arith.constant 0 : i32
    %scan3A_50 = arith.constant 20 : i32
    %scan3A_51 = arith.addi %scan3A_49, %scan3A_50 : i32
    %scan3A_52 = arith.constant 1 : i32
    scf.for %scan3A_61 = %scan3A_49 to %scan3A_51 step %scan3A_52  : i32 {
      %mul3A_62 = arith.constant 2 : i32
      %mul3A_63 = arith.muli %mul3A_62, %scan3A_61 : i32
      %add3A = arith.constant 1 : i32
      %add3A_64 = arith.addi %mul3A_63, %add3A : i32
      %dma_start3A_65 = arith.constant 0 : i32
      %dma_start3A_66 = arith.constant 0 : i32
      %dma_start3A_67 = tpu.memref_slice %arg10[%dma_start3A_65, %dma_start3A_66] : memref<128x128xf32, #tpu.memory_space<vmem>> -> memref<64x128xf32, #tpu.memory_space<vmem>>
      %dma_start3A_68 = arith.constant 0 : i32
      %dma_start3A_69 = tpu.memref_slice %arg7[%add3A_64, %dma_start3A_68] : memref<40x128xi32, #tpu.memory_space<vmem>> -> memref<1x64xi32, #tpu.memory_space<vmem>>
      %dma_start3A_70 = tpu.memref_squeeze %dma_start3A_69 : memref<1x64xi32, #tpu.memory_space<vmem>> -> memref<64xi32, #tpu.memory_space<vmem>>
      %dma_start3A_71 = arith.constant 0 : i32
      %dma_start3A_72 = arith.constant 0 : i32
      %dma_start3A_73 = tpu.memref_slice %arg2[%dma_start3A_71, %dma_start3A_72] : memref<20000x128xf32, #tpu.memory_space<hbm>> -> memref<20000x128xf32, #tpu.memory_space<hbm>>
      tpu.enqueue_indirect_dma source(%dma_start3A_73 : memref<20000x128xf32, #tpu.memory_space<hbm>>) target(%dma_start3A_67 : memref<64x128xf32, #tpu.memory_space<vmem>>) offsets(%dma_start3A_70 : memref<64xi32, #tpu.memory_space<vmem>>) semaphore(%arg13 : memref<!tpu.dma_semaphore, #tpu.memory_space<semaphore_mem>>)
      %dma_start3A_74 = arith.constant 64 : i32
      %dma_start3A_75 = arith.constant 0 : i32
      %dma_start3A_76 = tpu.memref_slice %arg10[%dma_start3A_74, %dma_start3A_75] : memref<128x128xf32, #tpu.memory_space<vmem>> -> memref<64x128xf32, #tpu.memory_space<vmem>>
      %dma_start3A_77 = arith.constant 64 : i32
      %dma_start3A_78 = tpu.memref_slice %arg7[%add3A_64, %dma_start3A_77] : memref<40x128xi32, #tpu.memory_space<vmem>> -> memref<1x64xi32, #tpu.memory_space<vmem>>
      %dma_start3A_79 = tpu.memref_squeeze %dma_start3A_78 : memref<1x64xi32, #tpu.memory_space<vmem>> -> memref<64xi32, #tpu.memory_space<vmem>>
      %dma_start3A_80 = arith.constant 0 : i32
      %dma_start3A_81 = arith.constant 0 : i32
      %dma_start3A_82 = tpu.memref_slice %arg2[%dma_start3A_80, %dma_start3A_81] : memref<20000x128xf32, #tpu.memory_space<hbm>> -> memref<20000x128xf32, #tpu.memory_space<hbm>>
      tpu.enqueue_indirect_dma source(%dma_start3A_82 : memref<20000x128xf32, #tpu.memory_space<hbm>>) target(%dma_start3A_76 : memref<64x128xf32, #tpu.memory_space<vmem>>) offsets(%dma_start3A_79 : memref<64xi32, #tpu.memory_space<vmem>>) semaphore(%arg13 : memref<!tpu.dma_semaphore, #tpu.memory_space<semaphore_mem>>)
      %dma_wait3A = arith.constant 0 : i32
      %dma_wait3A_83 = arith.constant 0 : i32
      %dma_wait3A_84 = tpu.memref_slice %arg9[%dma_wait3A, %dma_wait3A_83] : memref<128x128xf32, #tpu.memory_space<vmem>> -> memref<64x128xf32, #tpu.memory_space<vmem>>
      %dma_wait3A_85 = arith.constant 0 : i32
      %dma_wait3A_86 = tpu.memref_slice %arg7[%mul3A_63, %dma_wait3A_85] : memref<40x128xi32, #tpu.memory_space<vmem>> -> memref<1x64xi32, #tpu.memory_space<vmem>>
      %dma_wait3A_87 = tpu.memref_squeeze %dma_wait3A_86 : memref<1x64xi32, #tpu.memory_space<vmem>> -> memref<64xi32, #tpu.memory_space<vmem>>
      %dma_wait3A_88 = arith.constant 0 : i32
      %dma_wait3A_89 = arith.constant 0 : i32
      %dma_wait3A_90 = tpu.memref_slice %arg2[%dma_wait3A_88, %dma_wait3A_89] : memref<20000x128xf32, #tpu.memory_space<hbm>> -> memref<20000x128xf32, #tpu.memory_space<hbm>>
      tpu.wait_indirect_dma semaphore(%arg12 : memref<!tpu.dma_semaphore, #tpu.memory_space<semaphore_mem>>) src(%dma_wait3A_90 : memref<20000x128xf32, #tpu.memory_space<hbm>>) dst(%dma_wait3A_84 : memref<64x128xf32, #tpu.memory_space<vmem>>)
      %dma_wait3A_91 = arith.constant 64 : i32
      %dma_wait3A_92 = arith.constant 0 : i32
      %dma_wait3A_93 = tpu.memref_slice %arg9[%dma_wait3A_91, %dma_wait3A_92] : memref<128x128xf32, #tpu.memory_space<vmem>> -> memref<64x128xf32, #tpu.memory_space<vmem>>
      %dma_wait3A_94 = arith.constant 64 : i32
      %dma_wait3A_95 = tpu.memref_slice %arg7[%mul3A_63, %dma_wait3A_94] : memref<40x128xi32, #tpu.memory_space<vmem>> -> memref<1x64xi32, #tpu.memory_space<vmem>>
      %dma_wait3A_96 = tpu.memref_squeeze %dma_wait3A_95 : memref<1x64xi32, #tpu.memory_space<vmem>> -> memref<64xi32, #tpu.memory_space<vmem>>
      %dma_wait3A_97 = arith.constant 0 : i32
      %dma_wait3A_98 = arith.constant 0 : i32
      %dma_wait3A_99 = tpu.memref_slice %arg2[%dma_wait3A_97, %dma_wait3A_98] : memref<20000x128xf32, #tpu.memory_space<hbm>> -> memref<20000x128xf32, #tpu.memory_space<hbm>>
      tpu.wait_indirect_dma semaphore(%arg12 : memref<!tpu.dma_semaphore, #tpu.memory_space<semaphore_mem>>) src(%dma_wait3A_99 : memref<20000x128xf32, #tpu.memory_space<hbm>>) dst(%dma_wait3A_93 : memref<64x128xf32, #tpu.memory_space<vmem>>)
      "tpu.region"() ({
        %run_scoped3A_128 = tpu.sem_alloc : memref<!tpu.dma_semaphore, #tpu.memory_space<semaphore_mem>>
        %dma_start3A_129 = arith.constant 0 : i32
        %dma_start3A_130 = tpu.memref_slice %arg8[%mul3A_63, %dma_start3A_129] : memref<40x128xi32, #tpu.memory_space<vmem>> -> memref<1x128xi32, #tpu.memory_space<vmem>>
        %dma_start3A_131 = tpu.memref_squeeze %dma_start3A_130 : memref<1x128xi32, #tpu.memory_space<vmem>> -> memref<128xi32, #tpu.memory_space<vmem>>
        %dma_start3A_132 = arith.constant 0 : i32
        %dma_start3A_133 = arith.constant 0 : i32
        %dma_start3A_134 = tpu.memref_slice %arg11[%dma_start3A_132, %dma_start3A_133] : memref<10112x128xf32, #tpu.memory_space<vmem_shared>> -> memref<10112x128xf32, #tpu.memory_space<vmem_shared>>
        tpu.enqueue_indirect_dma source(%arg9 : memref<128x128xf32, #tpu.memory_space<vmem>>) target(%dma_start3A_134 : memref<10112x128xf32, #tpu.memory_space<vmem_shared>>) offsets(%dma_start3A_131 : memref<128xi32, #tpu.memory_space<vmem>>) semaphore(%run_scoped3A_128 : memref<!tpu.dma_semaphore, #tpu.memory_space<semaphore_mem>>) {add = true}
        %dma_wait3A_135 = arith.constant 0 : i32
        %dma_wait3A_136 = tpu.memref_slice %arg8[%mul3A_63, %dma_wait3A_135] : memref<40x128xi32, #tpu.memory_space<vmem>> -> memref<1x128xi32, #tpu.memory_space<vmem>>
        %dma_wait3A_137 = tpu.memref_squeeze %dma_wait3A_136 : memref<1x128xi32, #tpu.memory_space<vmem>> -> memref<128xi32, #tpu.memory_space<vmem>>
        %dma_wait3A_138 = arith.constant 0 : i32
        %dma_wait3A_139 = arith.constant 0 : i32
        %dma_wait3A_140 = tpu.memref_slice %arg11[%dma_wait3A_138, %dma_wait3A_139] : memref<10112x128xf32, #tpu.memory_space<vmem_shared>> -> memref<10112x128xf32, #tpu.memory_space<vmem_shared>>
        tpu.wait_indirect_dma semaphore(%run_scoped3A_128 : memref<!tpu.dma_semaphore, #tpu.memory_space<semaphore_mem>>) src(%arg9 : memref<128x128xf32, #tpu.memory_space<vmem>>) dst(%dma_wait3A_140 : memref<10112x128xf32, #tpu.memory_space<vmem_shared>>)
        tpu.yield
      }) : () -> ()
      %add3A_100 = arith.constant 2 : i32
      %add3A_101 = arith.addi %mul3A_63, %add3A_100 : i32
      %lt3A = arith.constant 40 : i32
      %lt3A_102 = arith.cmpi slt, %add3A_101, %lt3A : i32
      %convert_element_type3A_103 = arith.extui %lt3A_102 : i1 to i32
      %cond3A_104 = arith.constant 0 : i32
      %cond3A_105 = arith.cmpi ne, %convert_element_type3A_103, %cond3A_104 : i32
      scf.if %cond3A_105 {
        %add3A_128 = arith.constant 2 : i32
        %add3A_129 = arith.addi %mul3A_63, %add3A_128 : i32
        %dma_start3A_130 = arith.constant 0 : i32
        %dma_start3A_131 = arith.constant 0 : i32
        %dma_start3A_132 = tpu.memref_slice %arg9[%dma_start3A_130, %dma_start3A_131] : memref<128x128xf32, #tpu.memory_space<vmem>> -> memref<64x128xf32, #tpu.memory_space<vmem>>
        %dma_start3A_133 = arith.constant 0 : i32
        %dma_start3A_134 = tpu.memref_slice %arg7[%add3A_129, %dma_start3A_133] : memref<40x128xi32, #tpu.memory_space<vmem>> -> memref<1x64xi32, #tpu.memory_space<vmem>>
        %dma_start3A_135 = tpu.memref_squeeze %dma_start3A_134 : memref<1x64xi32, #tpu.memory_space<vmem>> -> memref<64xi32, #tpu.memory_space<vmem>>
        %dma_start3A_136 = arith.constant 0 : i32
        %dma_start3A_137 = arith.constant 0 : i32
        %dma_start3A_138 = tpu.memref_slice %arg2[%dma_start3A_136, %dma_start3A_137] : memref<20000x128xf32, #tpu.memory_space<hbm>> -> memref<20000x128xf32, #tpu.memory_space<hbm>>
        tpu.enqueue_indirect_dma source(%dma_start3A_138 : memref<20000x128xf32, #tpu.memory_space<hbm>>) target(%dma_start3A_132 : memref<64x128xf32, #tpu.memory_space<vmem>>) offsets(%dma_start3A_135 : memref<64xi32, #tpu.memory_space<vmem>>) semaphore(%arg12 : memref<!tpu.dma_semaphore, #tpu.memory_space<semaphore_mem>>)
        %dma_start3A_139 = arith.constant 64 : i32
        %dma_start3A_140 = arith.constant 0 : i32
        %dma_start3A_141 = tpu.memref_slice %arg9[%dma_start3A_139, %dma_start3A_140] : memref<128x128xf32, #tpu.memory_space<vmem>> -> memref<64x128xf32, #tpu.memory_space<vmem>>
        %dma_start3A_142 = arith.constant 64 : i32
        %dma_start3A_143 = tpu.memref_slice %arg7[%add3A_129, %dma_start3A_142] : memref<40x128xi32, #tpu.memory_space<vmem>> -> memref<1x64xi32, #tpu.memory_space<vmem>>
        %dma_start3A_144 = tpu.memref_squeeze %dma_start3A_143 : memref<1x64xi32, #tpu.memory_space<vmem>> -> memref<64xi32, #tpu.memory_space<vmem>>
        %dma_start3A_145 = arith.constant 0 : i32
        %dma_start3A_146 = arith.constant 0 : i32
        %dma_start3A_147 = tpu.memref_slice %arg2[%dma_start3A_145, %dma_start3A_146] : memref<20000x128xf32, #tpu.memory_space<hbm>> -> memref<20000x128xf32, #tpu.memory_space<hbm>>
        tpu.enqueue_indirect_dma source(%dma_start3A_147 : memref<20000x128xf32, #tpu.memory_space<hbm>>) target(%dma_start3A_141 : memref<64x128xf32, #tpu.memory_space<vmem>>) offsets(%dma_start3A_144 : memref<64xi32, #tpu.memory_space<vmem>>) semaphore(%arg12 : memref<!tpu.dma_semaphore, #tpu.memory_space<semaphore_mem>>)
      } else {
      }
      %add3A_106 = arith.constant 1 : i32
      %add3A_107 = arith.addi %mul3A_63, %add3A_106 : i32
      %dma_wait3A_108 = arith.constant 0 : i32
      %dma_wait3A_109 = arith.constant 0 : i32
      %dma_wait3A_110 = tpu.memref_slice %arg10[%dma_wait3A_108, %dma_wait3A_109] : memref<128x128xf32, #tpu.memory_space<vmem>> -> memref<64x128xf32, #tpu.memory_space<vmem>>
      %dma_wait3A_111 = arith.constant 0 : i32
      %dma_wait3A_112 = tpu.memref_slice %arg7[%add3A_107, %dma_wait3A_111] : memref<40x128xi32, #tpu.memory_space<vmem>> -> memref<1x64xi32, #tpu.memory_space<vmem>>
      %dma_wait3A_113 = tpu.memref_squeeze %dma_wait3A_112 : memref<1x64xi32, #tpu.memory_space<vmem>> -> memref<64xi32, #tpu.memory_space<vmem>>
      %dma_wait3A_114 = arith.constant 0 : i32
      %dma_wait3A_115 = arith.constant 0 : i32
      %dma_wait3A_116 = tpu.memref_slice %arg2[%dma_wait3A_114, %dma_wait3A_115] : memref<20000x128xf32, #tpu.memory_space<hbm>> -> memref<20000x128xf32, #tpu.memory_space<hbm>>
      tpu.wait_indirect_dma semaphore(%arg13 : memref<!tpu.dma_semaphore, #tpu.memory_space<semaphore_mem>>) src(%dma_wait3A_116 : memref<20000x128xf32, #tpu.memory_space<hbm>>) dst(%dma_wait3A_110 : memref<64x128xf32, #tpu.memory_space<vmem>>)
      %dma_wait3A_117 = arith.constant 64 : i32
      %dma_wait3A_118 = arith.constant 0 : i32
      %dma_wait3A_119 = tpu.memref_slice %arg10[%dma_wait3A_117, %dma_wait3A_118] : memref<128x128xf32, #tpu.memory_space<vmem>> -> memref<64x128xf32, #tpu.memory_space<vmem>>
      %dma_wait3A_120 = arith.constant 64 : i32
      %dma_wait3A_121 = tpu.memref_slice %arg7[%add3A_107, %dma_wait3A_120] : memref<40x128xi32, #tpu.memory_space<vmem>> -> memref<1x64xi32, #tpu.memory_space<vmem>>
      %dma_wait3A_122 = tpu.memref_squeeze %dma_wait3A_121 : memref<1x64xi32, #tpu.memory_space<vmem>> -> memref<64xi32, #tpu.memory_space<vmem>>
      %dma_wait3A_123 = arith.constant 0 : i32
      %dma_wait3A_124 = arith.constant 0 : i32
      %dma_wait3A_125 = tpu.memref_slice %arg2[%dma_wait3A_123, %dma_wait3A_124] : memref<20000x128xf32, #tpu.memory_space<hbm>> -> memref<20000x128xf32, #tpu.memory_space<hbm>>
      tpu.wait_indirect_dma semaphore(%arg13 : memref<!tpu.dma_semaphore, #tpu.memory_space<semaphore_mem>>) src(%dma_wait3A_125 : memref<20000x128xf32, #tpu.memory_space<hbm>>) dst(%dma_wait3A_119 : memref<64x128xf32, #tpu.memory_space<vmem>>)
      %add3A_126 = arith.constant 1 : i32
      %add3A_127 = arith.addi %mul3A_63, %add3A_126 : i32
      "tpu.region"() ({
        %run_scoped3A_128 = tpu.sem_alloc : memref<!tpu.dma_semaphore, #tpu.memory_space<semaphore_mem>>
        %dma_start3A_129 = arith.constant 0 : i32
        %dma_start3A_130 = tpu.memref_slice %arg8[%add3A_127, %dma_start3A_129] : memref<40x128xi32, #tpu.memory_space<vmem>> -> memref<1x128xi32, #tpu.memory_space<vmem>>
        %dma_start3A_131 = tpu.memref_squeeze %dma_start3A_130 : memref<1x128xi32, #tpu.memory_space<vmem>> -> memref<128xi32, #tpu.memory_space<vmem>>
        %dma_start3A_132 = arith.constant 0 : i32
        %dma_start3A_133 = arith.constant 0 : i32
        %dma_start3A_134 = tpu.memref_slice %arg11[%dma_start3A_132, %dma_start3A_133] : memref<10112x128xf32, #tpu.memory_space<vmem_shared>> -> memref<10112x128xf32, #tpu.memory_space<vmem_shared>>
        tpu.enqueue_indirect_dma source(%arg10 : memref<128x128xf32, #tpu.memory_space<vmem>>) target(%dma_start3A_134 : memref<10112x128xf32, #tpu.memory_space<vmem_shared>>) offsets(%dma_start3A_131 : memref<128xi32, #tpu.memory_space<vmem>>) semaphore(%run_scoped3A_128 : memref<!tpu.dma_semaphore, #tpu.memory_space<semaphore_mem>>) {add = true}
        %dma_wait3A_135 = arith.constant 0 : i32
        %dma_wait3A_136 = tpu.memref_slice %arg8[%add3A_127, %dma_wait3A_135] : memref<40x128xi32, #tpu.memory_space<vmem>> -> memref<1x128xi32, #tpu.memory_space<vmem>>
        %dma_wait3A_137 = tpu.memref_squeeze %dma_wait3A_136 : memref<1x128xi32, #tpu.memory_space<vmem>> -> memref<128xi32, #tpu.memory_space<vmem>>
        %dma_wait3A_138 = arith.constant 0 : i32
        %dma_wait3A_139 = arith.constant 0 : i32
        %dma_wait3A_140 = tpu.memref_slice %arg11[%dma_wait3A_138, %dma_wait3A_139] : memref<10112x128xf32, #tpu.memory_space<vmem_shared>> -> memref<10112x128xf32, #tpu.memory_space<vmem_shared>>
        tpu.wait_indirect_dma semaphore(%run_scoped3A_128 : memref<!tpu.dma_semaphore, #tpu.memory_space<semaphore_mem>>) src(%arg10 : memref<128x128xf32, #tpu.memory_space<vmem>>) dst(%dma_wait3A_140 : memref<10112x128xf32, #tpu.memory_space<vmem_shared>>)
        tpu.yield
      }) : () -> ()
    }
    %scan3A_53 = arith.constant 20 : i32
    %barrier3A_54 = arith.constant 0 : index
    tpu.barrier barrier_id(%barrier3A_54)
    %mul3A_55 = arith.constant 624 : i32
    %mul3A_56 = arith.muli %arg1, %mul3A_55 : i32
    %mul3A_57 = arith.constant 624 : i32
    %mul3A_58 = arith.muli %arg1, %mul3A_57 : i32
    "tpu.region"() ({
      %run_scoped3A_61 = tpu.sem_alloc : memref<!tpu.dma_semaphore, #tpu.memory_space<semaphore_mem>>
      %dma_start3A_62 = arith.constant 0 : i32
      %dma_start3A_63 = tpu.memref_slice %arg6[%arg0, %mul3A_58, %dma_start3A_62] : memref<2x10000x128xf32, #tpu.memory_space<hbm>> -> memref<1x624x128xf32, #tpu.memory_space<hbm>>
      %dma_start3A_64 = tpu.memref_squeeze %dma_start3A_63 : memref<1x624x128xf32, #tpu.memory_space<hbm>> -> memref<624x128xf32, #tpu.memory_space<hbm>>
      %dma_start3A_65 = arith.constant 0 : i32
      %dma_start3A_66 = tpu.memref_slice %arg11[%mul3A_56, %dma_start3A_65] : memref<10112x128xf32, #tpu.memory_space<vmem_shared>> -> memref<624x128xf32, #tpu.memory_space<vmem_shared>>
      tpu.enqueue_dma source(%dma_start3A_66 : memref<624x128xf32, #tpu.memory_space<vmem_shared>>) target(%dma_start3A_64 : memref<624x128xf32, #tpu.memory_space<hbm>>) target_semaphore(%run_scoped3A_61 : memref<!tpu.dma_semaphore, #tpu.memory_space<semaphore_mem>>)
      %dma_wait3A = arith.constant 0 : i32
      %dma_wait3A_67 = tpu.memref_slice %arg6[%arg0, %mul3A_58, %dma_wait3A] : memref<2x10000x128xf32, #tpu.memory_space<hbm>> -> memref<1x624x128xf32, #tpu.memory_space<hbm>>
      %dma_wait3A_68 = tpu.memref_squeeze %dma_wait3A_67 : memref<1x624x128xf32, #tpu.memory_space<hbm>> -> memref<624x128xf32, #tpu.memory_space<hbm>>
      %dma_wait3A_69 = arith.constant 0 : i32
      %dma_wait3A_70 = tpu.memref_slice %arg11[%mul3A_56, %dma_wait3A_69] : memref<10112x128xf32, #tpu.memory_space<vmem_shared>> -> memref<624x128xf32, #tpu.memory_space<vmem_shared>>
      tpu.wait_dma2 semaphore(%run_scoped3A_61 : memref<!tpu.dma_semaphore, #tpu.memory_space<semaphore_mem>>) src(%dma_wait3A_70 : memref<624x128xf32, #tpu.memory_space<vmem_shared>>) dst(%dma_wait3A_68 : memref<624x128xf32, #tpu.memory_space<hbm>>)
      tpu.yield
    }) : () -> ()
    %eq3A = arith.constant 15 : i32
    %eq3A_59 = arith.cmpi eq, %arg1, %eq3A : i32
    %convert_element_type3A = arith.extui %eq3A_59 : i1 to i32
    %cond3A = arith.constant 0 : i32
    %cond3A_60 = arith.cmpi ne, %convert_element_type3A, %cond3A : i32
    scf.if %cond3A_60 {
      "tpu.region"() ({
        %run_scoped3A_61 = tpu.sem_alloc : memref<!tpu.dma_semaphore, #tpu.memory_space<semaphore_mem>>
        %dma_start3A_62 = arith.constant 9984 : i32
        %dma_start3A_63 = arith.constant 0 : i32
        %dma_start3A_64 = tpu.memref_slice %arg6[%arg0, %dma_start3A_62, %dma_start3A_63] : memref<2x10000x128xf32, #tpu.memory_space<hbm>> -> memref<1x16x128xf32, #tpu.memory_space<hbm>>
        %dma_start3A_65 = tpu.memref_squeeze %dma_start3A_64 : memref<1x16x128xf32, #tpu.memory_space<hbm>> -> memref<16x128xf32, #tpu.memory_space<hbm>>
        %dma_start3A_66 = arith.constant 9984 : i32
        %dma_start3A_67 = arith.constant 0 : i32
        %dma_start3A_68 = tpu.memref_slice %arg11[%dma_start3A_66, %dma_start3A_67] : memref<10112x128xf32, #tpu.memory_space<vmem_shared>> -> memref<16x128xf32, #tpu.memory_space<vmem_shared>>
        tpu.enqueue_dma source(%dma_start3A_68 : memref<16x128xf32, #tpu.memory_space<vmem_shared>>) target(%dma_start3A_65 : memref<16x128xf32, #tpu.memory_space<hbm>>) target_semaphore(%run_scoped3A_61 : memref<!tpu.dma_semaphore, #tpu.memory_space<semaphore_mem>>)
        %dma_wait3A = arith.constant 9984 : i32
        %dma_wait3A_69 = arith.constant 0 : i32
        %dma_wait3A_70 = tpu.memref_slice %arg6[%arg0, %dma_wait3A, %dma_wait3A_69] : memref<2x10000x128xf32, #tpu.memory_space<hbm>> -> memref<1x16x128xf32, #tpu.memory_space<hbm>>
        %dma_wait3A_71 = tpu.memref_squeeze %dma_wait3A_70 : memref<1x16x128xf32, #tpu.memory_space<hbm>> -> memref<16x128xf32, #tpu.memory_space<hbm>>
        %dma_wait3A_72 = arith.constant 9984 : i32
        %dma_wait3A_73 = arith.constant 0 : i32
        %dma_wait3A_74 = tpu.memref_slice %arg11[%dma_wait3A_72, %dma_wait3A_73] : memref<10112x128xf32, #tpu.memory_space<vmem_shared>> -> memref<16x128xf32, #tpu.memory_space<vmem_shared>>
        tpu.wait_dma2 semaphore(%run_scoped3A_61 : memref<!tpu.dma_semaphore, #tpu.memory_space<semaphore_mem>>) src(%dma_wait3A_74 : memref<16x128xf32, #tpu.memory_space<vmem_shared>>) dst(%dma_wait3A_71 : memref<16x128xf32, #tpu.memory_space<hbm>>)
        tpu.yield
      }) : () -> ()
    } else {
    }
    return
  }
}

#map = affine_map<(d0, d1) -> (0, 0)>
#map1 = affine_map<(d0, d1) -> (0, 0, 0, 0, 0)>
#map2 = affine_map<(d0, d1) -> (0, 0, 0, 0)>
#map3 = affine_map<(d0, d1) -> (0, 0, 0)>
module attributes {stable_mosaic.version = 14 : i64} {
  func.func @_agg_sc(%arg0: i32, %arg1: i32, %arg2: memref<20000x128xf32, #tpu.memory_space<hbm>>, %arg3: memref<2x16x2x40x128xi32, #tpu.memory_space<hbm>>, %arg4: memref<16x2x40x128xi32, #tpu.memory_space<hbm>>, %arg5: memref<632x128xf32, #tpu.memory_space<hbm>>, %arg6: memref<2x10000x128xf32, #tpu.memory_space<hbm>>, %arg7: memref<40x128xi32, #tpu.memory_space<vmem>>, %arg8: memref<40x128xi32, #tpu.memory_space<vmem>>, %arg9: memref<128x128xf32, #tpu.memory_space<vmem>>, %arg10: memref<128x128xf32, #tpu.memory_space<vmem>>, %arg11: memref<10112x128xf32, #tpu.memory_space<vmem_shared>>, %arg12: memref<!tpu.dma_semaphore, #tpu.memory_space<semaphore_mem>>, %arg13: memref<!tpu.dma_semaphore, #tpu.memory_space<semaphore_mem>>) attributes {dimension_semantics = [#tpu.dimension_semantics<core_parallel>, #tpu.dimension_semantics<subcore_parallel>], iteration_bounds = array<i64: 2, 16>, scalar_prefetch = 0 : i64, scratch_operands = 7 : i64, tpu.core_type = #tpu.core_type<sc_vector_subcore>, window_params = [{transform_indices = #map}, {transform_indices = #map1}, {transform_indices = #map2}, {transform_indices = #map}, {transform_indices = #map3}]} {
    %mul3A = arith.constant 632 : i32
    %mul3A_0 = arith.muli %arg1, %mul3A : i32
    "tpu.region"() ({
      %run_scoped3A_61 = tpu.sem_alloc : memref<!tpu.dma_semaphore, #tpu.memory_space<semaphore_mem>>
      %dma_start3A_62 = arith.constant 0 : i32
      %dma_start3A_63 = tpu.memref_slice %arg11[%mul3A_0, %dma_start3A_62] : memref<10112x128xf32, #tpu.memory_space<vmem_shared>> -> memref<632x128xf32, #tpu.memory_space<vmem_shared>>
      tpu.enqueue_dma source(%arg5 : memref<632x128xf32, #tpu.memory_space<hbm>>) target(%dma_start3A_63 : memref<632x128xf32, #tpu.memory_space<vmem_shared>>) target_semaphore(%run_scoped3A_61 : memref<!tpu.dma_semaphore, #tpu.memory_space<semaphore_mem>>)
      %dma_wait3A = arith.constant 0 : i32
      %dma_wait3A_64 = tpu.memref_slice %arg11[%mul3A_0, %dma_wait3A] : memref<10112x128xf32, #tpu.memory_space<vmem_shared>> -> memref<632x128xf32, #tpu.memory_space<vmem_shared>>
      tpu.wait_dma2 semaphore(%run_scoped3A_61 : memref<!tpu.dma_semaphore, #tpu.memory_space<semaphore_mem>>) src(%arg5 : memref<632x128xf32, #tpu.memory_space<hbm>>) dst(%dma_wait3A_64 : memref<632x128xf32, #tpu.memory_space<vmem_shared>>)
      tpu.yield
    }) : () -> ()
    %barrier3A = arith.constant 0 : index
    tpu.barrier barrier_id(%barrier3A)
    %run_scoped3A = arith.constant 0 : i32
    "tpu.region"() ({
      %run_scoped3A_61 = tpu.sem_alloc : memref<!tpu.dma_semaphore, #tpu.memory_space<semaphore_mem>>
      %dma_start3A_62 = arith.constant 0 : i32
      %dma_start3A_63 = arith.constant 0 : i32
      %dma_start3A_64 = tpu.memref_slice %arg3[%arg0, %arg1, %run_scoped3A, %dma_start3A_62, %dma_start3A_63] : memref<2x16x2x40x128xi32, #tpu.memory_space<hbm>> -> memref<1x1x1x40x128xi32, #tpu.memory_space<hbm>>
      %dma_start3A_65 = tpu.memref_squeeze %dma_start3A_64 : memref<1x1x1x40x128xi32, #tpu.memory_space<hbm>> -> memref<40x128xi32, #tpu.memory_space<hbm>>
      %dma_start3A_66 = arith.constant 0 : i32
      %dma_start3A_67 = arith.constant 0 : i32
      %dma_start3A_68 = tpu.memref_slice %arg3[%arg0, %arg1, %run_scoped3A, %dma_start3A_66, %dma_start3A_67] : memref<2x16x2x40x128xi32, #tpu.memory_space<hbm>> -> memref<1x1x1x40x128xi32, #tpu.memory_space<hbm>>
      %dma_start3A_69 = tpu.memref_squeeze %dma_start3A_68 : memref<1x1x1x40x128xi32, #tpu.memory_space<hbm>> -> memref<40x128xi32, #tpu.memory_space<hbm>>
      tpu.enqueue_dma source(%dma_start3A_69 : memref<40x128xi32, #tpu.memory_space<hbm>>) target(%arg7 : memref<40x128xi32, #tpu.memory_space<vmem>>) target_semaphore(%run_scoped3A_61 : memref<!tpu.dma_semaphore, #tpu.memory_space<semaphore_mem>>)
      %dma_wait3A = arith.constant 0 : i32
      %dma_wait3A_70 = arith.constant 0 : i32
      %dma_wait3A_71 = tpu.memref_slice %arg3[%arg0, %arg1, %run_scoped3A, %dma_wait3A, %dma_wait3A_70] : memref<2x16x2x40x128xi32, #tpu.memory_space<hbm>> -> memref<1x1x1x40x128xi32, #tpu.memory_space<hbm>>
      %dma_wait3A_72 = tpu.memref_squeeze %dma_wait3A_71 : memref<1x1x1x40x128xi32, #tpu.memory_space<hbm>> -> memref<40x128xi32, #tpu.memory_space<hbm>>
      %dma_wait3A_73 = arith.constant 0 : i32
      %dma_wait3A_74 = arith.constant 0 : i32
      %dma_wait3A_75 = tpu.memref_slice %arg3[%arg0, %arg1, %run_scoped3A, %dma_wait3A_73, %dma_wait3A_74] : memref<2x16x2x40x128xi32, #tpu.memory_space<hbm>> -> memref<1x1x1x40x128xi32, #tpu.memory_space<hbm>>
      %dma_wait3A_76 = tpu.memref_squeeze %dma_wait3A_75 : memref<1x1x1x40x128xi32, #tpu.memory_space<hbm>> -> memref<40x128xi32, #tpu.memory_space<hbm>>
      tpu.wait_dma2 semaphore(%run_scoped3A_61 : memref<!tpu.dma_semaphore, #tpu.memory_space<semaphore_mem>>) src(%dma_wait3A_76 : memref<40x128xi32, #tpu.memory_space<hbm>>) dst(%arg7 : memref<40x128xi32, #tpu.memory_space<vmem>>)
      tpu.yield
    }) : () -> ()
    %run_scoped3A_1 = arith.constant 0 : i32
    "tpu.region"() ({
      %run_scoped3A_61 = tpu.sem_alloc : memref<!tpu.dma_semaphore, #tpu.memory_space<semaphore_mem>>
      %dma_start3A_62 = arith.constant 0 : i32
      %dma_start3A_63 = arith.constant 0 : i32
      %dma_start3A_64 = tpu.memref_slice %arg4[%arg1, %run_scoped3A_1, %dma_start3A_62, %dma_start3A_63] : memref<16x2x40x128xi32, #tpu.memory_space<hbm>> -> memref<1x1x40x128xi32, #tpu.memory_space<hbm>>
      %dma_start3A_65 = tpu.memref_squeeze %dma_start3A_64 : memref<1x1x40x128xi32, #tpu.memory_space<hbm>> -> memref<40x128xi32, #tpu.memory_space<hbm>>
      %dma_start3A_66 = arith.constant 0 : i32
      %dma_start3A_67 = arith.constant 0 : i32
      %dma_start3A_68 = tpu.memref_slice %arg4[%arg1, %run_scoped3A_1, %dma_start3A_66, %dma_start3A_67] : memref<16x2x40x128xi32, #tpu.memory_space<hbm>> -> memref<1x1x40x128xi32, #tpu.memory_space<hbm>>
      %dma_start3A_69 = tpu.memref_squeeze %dma_start3A_68 : memref<1x1x40x128xi32, #tpu.memory_space<hbm>> -> memref<40x128xi32, #tpu.memory_space<hbm>>
      tpu.enqueue_dma source(%dma_start3A_69 : memref<40x128xi32, #tpu.memory_space<hbm>>) target(%arg8 : memref<40x128xi32, #tpu.memory_space<vmem>>) target_semaphore(%run_scoped3A_61 : memref<!tpu.dma_semaphore, #tpu.memory_space<semaphore_mem>>)
      %dma_wait3A = arith.constant 0 : i32
      %dma_wait3A_70 = arith.constant 0 : i32
      %dma_wait3A_71 = tpu.memref_slice %arg4[%arg1, %run_scoped3A_1, %dma_wait3A, %dma_wait3A_70] : memref<16x2x40x128xi32, #tpu.memory_space<hbm>> -> memref<1x1x40x128xi32, #tpu.memory_space<hbm>>
      %dma_wait3A_72 = tpu.memref_squeeze %dma_wait3A_71 : memref<1x1x40x128xi32, #tpu.memory_space<hbm>> -> memref<40x128xi32, #tpu.memory_space<hbm>>
      %dma_wait3A_73 = arith.constant 0 : i32
      %dma_wait3A_74 = arith.constant 0 : i32
      %dma_wait3A_75 = tpu.memref_slice %arg4[%arg1, %run_scoped3A_1, %dma_wait3A_73, %dma_wait3A_74] : memref<16x2x40x128xi32, #tpu.memory_space<hbm>> -> memref<1x1x40x128xi32, #tpu.memory_space<hbm>>
      %dma_wait3A_76 = tpu.memref_squeeze %dma_wait3A_75 : memref<1x1x40x128xi32, #tpu.memory_space<hbm>> -> memref<40x128xi32, #tpu.memory_space<hbm>>
      tpu.wait_dma2 semaphore(%run_scoped3A_61 : memref<!tpu.dma_semaphore, #tpu.memory_space<semaphore_mem>>) src(%dma_wait3A_76 : memref<40x128xi32, #tpu.memory_space<hbm>>) dst(%arg8 : memref<40x128xi32, #tpu.memory_space<vmem>>)
      tpu.yield
    }) : () -> ()
    %dma_start3A = arith.constant 0 : i32
    %dma_start3A_2 = arith.constant 0 : i32
    %dma_start3A_3 = arith.constant 0 : i32
    %dma_start3A_4 = tpu.memref_slice %arg9[%dma_start3A_2, %dma_start3A_3] : memref<128x128xf32, #tpu.memory_space<vmem>> -> memref<64x128xf32, #tpu.memory_space<vmem>>
    %dma_start3A_5 = arith.constant 0 : i32
    %dma_start3A_6 = tpu.memref_slice %arg7[%dma_start3A, %dma_start3A_5] : memref<40x128xi32, #tpu.memory_space<vmem>> -> memref<1x64xi32, #tpu.memory_space<vmem>>
    %dma_start3A_7 = tpu.memref_squeeze %dma_start3A_6 : memref<1x64xi32, #tpu.memory_space<vmem>> -> memref<64xi32, #tpu.memory_space<vmem>>
    %dma_start3A_8 = arith.constant 0 : i32
    %dma_start3A_9 = arith.constant 0 : i32
    %dma_start3A_10 = tpu.memref_slice %arg2[%dma_start3A_8, %dma_start3A_9] : memref<20000x128xf32, #tpu.memory_space<hbm>> -> memref<20000x128xf32, #tpu.memory_space<hbm>>
    tpu.enqueue_indirect_dma source(%dma_start3A_10 : memref<20000x128xf32, #tpu.memory_space<hbm>>) target(%dma_start3A_4 : memref<64x128xf32, #tpu.memory_space<vmem>>) offsets(%dma_start3A_7 : memref<64xi32, #tpu.memory_space<vmem>>) semaphore(%arg12 : memref<!tpu.dma_semaphore, #tpu.memory_space<semaphore_mem>>)
    %dma_start3A_11 = arith.constant 0 : i32
    %dma_start3A_12 = arith.constant 64 : i32
    %dma_start3A_13 = arith.constant 0 : i32
    %dma_start3A_14 = tpu.memref_slice %arg9[%dma_start3A_12, %dma_start3A_13] : memref<128x128xf32, #tpu.memory_space<vmem>> -> memref<64x128xf32, #tpu.memory_space<vmem>>
    %dma_start3A_15 = arith.constant 64 : i32
    %dma_start3A_16 = tpu.memref_slice %arg7[%dma_start3A_11, %dma_start3A_15] : memref<40x128xi32, #tpu.memory_space<vmem>> -> memref<1x64xi32, #tpu.memory_space<vmem>>
    %dma_start3A_17 = tpu.memref_squeeze %dma_start3A_16 : memref<1x64xi32, #tpu.memory_space<vmem>> -> memref<64xi32, #tpu.memory_space<vmem>>
    %dma_start3A_18 = arith.constant 0 : i32
    %dma_start3A_19 = arith.constant 0 : i32
    %dma_start3A_20 = tpu.memref_slice %arg2[%dma_start3A_18, %dma_start3A_19] : memref<20000x128xf32, #tpu.memory_space<hbm>> -> memref<20000x128xf32, #tpu.memory_space<hbm>>
    tpu.enqueue_indirect_dma source(%dma_start3A_20 : memref<20000x128xf32, #tpu.memory_space<hbm>>) target(%dma_start3A_14 : memref<64x128xf32, #tpu.memory_space<vmem>>) offsets(%dma_start3A_17 : memref<64xi32, #tpu.memory_space<vmem>>) semaphore(%arg12 : memref<!tpu.dma_semaphore, #tpu.memory_space<semaphore_mem>>)
    %scan3A = arith.constant 0 : i32
    %scan3A_21 = arith.constant 0 : i32
    %scan3A_22 = arith.constant 20 : i32
    %scan3A_23 = arith.addi %scan3A_21, %scan3A_22 : i32
    %scan3A_24 = arith.constant 1 : i32
    scf.for %scan3A_61 = %scan3A_21 to %scan3A_23 step %scan3A_24  : i32 {
      %mul3A_62 = arith.constant 2 : i32
      %mul3A_63 = arith.muli %mul3A_62, %scan3A_61 : i32
      %add3A = arith.constant 1 : i32
      %add3A_64 = arith.addi %mul3A_63, %add3A : i32
      %dma_start3A_65 = arith.constant 0 : i32
      %dma_start3A_66 = arith.constant 0 : i32
      %dma_start3A_67 = tpu.memref_slice %arg10[%dma_start3A_65, %dma_start3A_66] : memref<128x128xf32, #tpu.memory_space<vmem>> -> memref<64x128xf32, #tpu.memory_space<vmem>>
      %dma_start3A_68 = arith.constant 0 : i32
      %dma_start3A_69 = tpu.memref_slice %arg7[%add3A_64, %dma_start3A_68] : memref<40x128xi32, #tpu.memory_space<vmem>> -> memref<1x64xi32, #tpu.memory_space<vmem>>
      %dma_start3A_70 = tpu.memref_squeeze %dma_start3A_69 : memref<1x64xi32, #tpu.memory_space<vmem>> -> memref<64xi32, #tpu.memory_space<vmem>>
      %dma_start3A_71 = arith.constant 0 : i32
      %dma_start3A_72 = arith.constant 0 : i32
      %dma_start3A_73 = tpu.memref_slice %arg2[%dma_start3A_71, %dma_start3A_72] : memref<20000x128xf32, #tpu.memory_space<hbm>> -> memref<20000x128xf32, #tpu.memory_space<hbm>>
      tpu.enqueue_indirect_dma source(%dma_start3A_73 : memref<20000x128xf32, #tpu.memory_space<hbm>>) target(%dma_start3A_67 : memref<64x128xf32, #tpu.memory_space<vmem>>) offsets(%dma_start3A_70 : memref<64xi32, #tpu.memory_space<vmem>>) semaphore(%arg13 : memref<!tpu.dma_semaphore, #tpu.memory_space<semaphore_mem>>)
      %dma_start3A_74 = arith.constant 64 : i32
      %dma_start3A_75 = arith.constant 0 : i32
      %dma_start3A_76 = tpu.memref_slice %arg10[%dma_start3A_74, %dma_start3A_75] : memref<128x128xf32, #tpu.memory_space<vmem>> -> memref<64x128xf32, #tpu.memory_space<vmem>>
      %dma_start3A_77 = arith.constant 64 : i32
      %dma_start3A_78 = tpu.memref_slice %arg7[%add3A_64, %dma_start3A_77] : memref<40x128xi32, #tpu.memory_space<vmem>> -> memref<1x64xi32, #tpu.memory_space<vmem>>
      %dma_start3A_79 = tpu.memref_squeeze %dma_start3A_78 : memref<1x64xi32, #tpu.memory_space<vmem>> -> memref<64xi32, #tpu.memory_space<vmem>>
      %dma_start3A_80 = arith.constant 0 : i32
      %dma_start3A_81 = arith.constant 0 : i32
      %dma_start3A_82 = tpu.memref_slice %arg2[%dma_start3A_80, %dma_start3A_81] : memref<20000x128xf32, #tpu.memory_space<hbm>> -> memref<20000x128xf32, #tpu.memory_space<hbm>>
      tpu.enqueue_indirect_dma source(%dma_start3A_82 : memref<20000x128xf32, #tpu.memory_space<hbm>>) target(%dma_start3A_76 : memref<64x128xf32, #tpu.memory_space<vmem>>) offsets(%dma_start3A_79 : memref<64xi32, #tpu.memory_space<vmem>>) semaphore(%arg13 : memref<!tpu.dma_semaphore, #tpu.memory_space<semaphore_mem>>)
      %dma_wait3A = arith.constant 0 : i32
      %dma_wait3A_83 = arith.constant 0 : i32
      %dma_wait3A_84 = tpu.memref_slice %arg9[%dma_wait3A, %dma_wait3A_83] : memref<128x128xf32, #tpu.memory_space<vmem>> -> memref<64x128xf32, #tpu.memory_space<vmem>>
      %dma_wait3A_85 = arith.constant 0 : i32
      %dma_wait3A_86 = tpu.memref_slice %arg7[%mul3A_63, %dma_wait3A_85] : memref<40x128xi32, #tpu.memory_space<vmem>> -> memref<1x64xi32, #tpu.memory_space<vmem>>
      %dma_wait3A_87 = tpu.memref_squeeze %dma_wait3A_86 : memref<1x64xi32, #tpu.memory_space<vmem>> -> memref<64xi32, #tpu.memory_space<vmem>>
      %dma_wait3A_88 = arith.constant 0 : i32
      %dma_wait3A_89 = arith.constant 0 : i32
      %dma_wait3A_90 = tpu.memref_slice %arg2[%dma_wait3A_88, %dma_wait3A_89] : memref<20000x128xf32, #tpu.memory_space<hbm>> -> memref<20000x128xf32, #tpu.memory_space<hbm>>
      tpu.wait_indirect_dma semaphore(%arg12 : memref<!tpu.dma_semaphore, #tpu.memory_space<semaphore_mem>>) src(%dma_wait3A_90 : memref<20000x128xf32, #tpu.memory_space<hbm>>) dst(%dma_wait3A_84 : memref<64x128xf32, #tpu.memory_space<vmem>>)
      %dma_wait3A_91 = arith.constant 64 : i32
      %dma_wait3A_92 = arith.constant 0 : i32
      %dma_wait3A_93 = tpu.memref_slice %arg9[%dma_wait3A_91, %dma_wait3A_92] : memref<128x128xf32, #tpu.memory_space<vmem>> -> memref<64x128xf32, #tpu.memory_space<vmem>>
      %dma_wait3A_94 = arith.constant 64 : i32
      %dma_wait3A_95 = tpu.memref_slice %arg7[%mul3A_63, %dma_wait3A_94] : memref<40x128xi32, #tpu.memory_space<vmem>> -> memref<1x64xi32, #tpu.memory_space<vmem>>
      %dma_wait3A_96 = tpu.memref_squeeze %dma_wait3A_95 : memref<1x64xi32, #tpu.memory_space<vmem>> -> memref<64xi32, #tpu.memory_space<vmem>>
      %dma_wait3A_97 = arith.constant 0 : i32
      %dma_wait3A_98 = arith.constant 0 : i32
      %dma_wait3A_99 = tpu.memref_slice %arg2[%dma_wait3A_97, %dma_wait3A_98] : memref<20000x128xf32, #tpu.memory_space<hbm>> -> memref<20000x128xf32, #tpu.memory_space<hbm>>
      tpu.wait_indirect_dma semaphore(%arg12 : memref<!tpu.dma_semaphore, #tpu.memory_space<semaphore_mem>>) src(%dma_wait3A_99 : memref<20000x128xf32, #tpu.memory_space<hbm>>) dst(%dma_wait3A_93 : memref<64x128xf32, #tpu.memory_space<vmem>>)
      "tpu.region"() ({
        %run_scoped3A_128 = tpu.sem_alloc : memref<!tpu.dma_semaphore, #tpu.memory_space<semaphore_mem>>
        %dma_start3A_129 = arith.constant 0 : i32
        %dma_start3A_130 = tpu.memref_slice %arg8[%mul3A_63, %dma_start3A_129] : memref<40x128xi32, #tpu.memory_space<vmem>> -> memref<1x128xi32, #tpu.memory_space<vmem>>
        %dma_start3A_131 = tpu.memref_squeeze %dma_start3A_130 : memref<1x128xi32, #tpu.memory_space<vmem>> -> memref<128xi32, #tpu.memory_space<vmem>>
        %dma_start3A_132 = arith.constant 0 : i32
        %dma_start3A_133 = arith.constant 0 : i32
        %dma_start3A_134 = tpu.memref_slice %arg11[%dma_start3A_132, %dma_start3A_133] : memref<10112x128xf32, #tpu.memory_space<vmem_shared>> -> memref<10112x128xf32, #tpu.memory_space<vmem_shared>>
        tpu.enqueue_indirect_dma source(%arg9 : memref<128x128xf32, #tpu.memory_space<vmem>>) target(%dma_start3A_134 : memref<10112x128xf32, #tpu.memory_space<vmem_shared>>) offsets(%dma_start3A_131 : memref<128xi32, #tpu.memory_space<vmem>>) semaphore(%run_scoped3A_128 : memref<!tpu.dma_semaphore, #tpu.memory_space<semaphore_mem>>) {add = true}
        %dma_wait3A_135 = arith.constant 0 : i32
        %dma_wait3A_136 = tpu.memref_slice %arg8[%mul3A_63, %dma_wait3A_135] : memref<40x128xi32, #tpu.memory_space<vmem>> -> memref<1x128xi32, #tpu.memory_space<vmem>>
        %dma_wait3A_137 = tpu.memref_squeeze %dma_wait3A_136 : memref<1x128xi32, #tpu.memory_space<vmem>> -> memref<128xi32, #tpu.memory_space<vmem>>
        %dma_wait3A_138 = arith.constant 0 : i32
        %dma_wait3A_139 = arith.constant 0 : i32
        %dma_wait3A_140 = tpu.memref_slice %arg11[%dma_wait3A_138, %dma_wait3A_139] : memref<10112x128xf32, #tpu.memory_space<vmem_shared>> -> memref<10112x128xf32, #tpu.memory_space<vmem_shared>>
        tpu.wait_indirect_dma semaphore(%run_scoped3A_128 : memref<!tpu.dma_semaphore, #tpu.memory_space<semaphore_mem>>) src(%arg9 : memref<128x128xf32, #tpu.memory_space<vmem>>) dst(%dma_wait3A_140 : memref<10112x128xf32, #tpu.memory_space<vmem_shared>>)
        tpu.yield
      }) : () -> ()
      %add3A_100 = arith.constant 2 : i32
      %add3A_101 = arith.addi %mul3A_63, %add3A_100 : i32
      %lt3A = arith.constant 40 : i32
      %lt3A_102 = arith.cmpi slt, %add3A_101, %lt3A : i32
      %convert_element_type3A_103 = arith.extui %lt3A_102 : i1 to i32
      %cond3A_104 = arith.constant 0 : i32
      %cond3A_105 = arith.cmpi ne, %convert_element_type3A_103, %cond3A_104 : i32
      scf.if %cond3A_105 {
        %add3A_128 = arith.constant 2 : i32
        %add3A_129 = arith.addi %mul3A_63, %add3A_128 : i32
        %dma_start3A_130 = arith.constant 0 : i32
        %dma_start3A_131 = arith.constant 0 : i32
        %dma_start3A_132 = tpu.memref_slice %arg9[%dma_start3A_130, %dma_start3A_131] : memref<128x128xf32, #tpu.memory_space<vmem>> -> memref<64x128xf32, #tpu.memory_space<vmem>>
        %dma_start3A_133 = arith.constant 0 : i32
        %dma_start3A_134 = tpu.memref_slice %arg7[%add3A_129, %dma_start3A_133] : memref<40x128xi32, #tpu.memory_space<vmem>> -> memref<1x64xi32, #tpu.memory_space<vmem>>
        %dma_start3A_135 = tpu.memref_squeeze %dma_start3A_134 : memref<1x64xi32, #tpu.memory_space<vmem>> -> memref<64xi32, #tpu.memory_space<vmem>>
        %dma_start3A_136 = arith.constant 0 : i32
        %dma_start3A_137 = arith.constant 0 : i32
        %dma_start3A_138 = tpu.memref_slice %arg2[%dma_start3A_136, %dma_start3A_137] : memref<20000x128xf32, #tpu.memory_space<hbm>> -> memref<20000x128xf32, #tpu.memory_space<hbm>>
        tpu.enqueue_indirect_dma source(%dma_start3A_138 : memref<20000x128xf32, #tpu.memory_space<hbm>>) target(%dma_start3A_132 : memref<64x128xf32, #tpu.memory_space<vmem>>) offsets(%dma_start3A_135 : memref<64xi32, #tpu.memory_space<vmem>>) semaphore(%arg12 : memref<!tpu.dma_semaphore, #tpu.memory_space<semaphore_mem>>)
        %dma_start3A_139 = arith.constant 64 : i32
        %dma_start3A_140 = arith.constant 0 : i32
        %dma_start3A_141 = tpu.memref_slice %arg9[%dma_start3A_139, %dma_start3A_140] : memref<128x128xf32, #tpu.memory_space<vmem>> -> memref<64x128xf32, #tpu.memory_space<vmem>>
        %dma_start3A_142 = arith.constant 64 : i32
        %dma_start3A_143 = tpu.memref_slice %arg7[%add3A_129, %dma_start3A_142] : memref<40x128xi32, #tpu.memory_space<vmem>> -> memref<1x64xi32, #tpu.memory_space<vmem>>
        %dma_start3A_144 = tpu.memref_squeeze %dma_start3A_143 : memref<1x64xi32, #tpu.memory_space<vmem>> -> memref<64xi32, #tpu.memory_space<vmem>>
        %dma_start3A_145 = arith.constant 0 : i32
        %dma_start3A_146 = arith.constant 0 : i32
        %dma_start3A_147 = tpu.memref_slice %arg2[%dma_start3A_145, %dma_start3A_146] : memref<20000x128xf32, #tpu.memory_space<hbm>> -> memref<20000x128xf32, #tpu.memory_space<hbm>>
        tpu.enqueue_indirect_dma source(%dma_start3A_147 : memref<20000x128xf32, #tpu.memory_space<hbm>>) target(%dma_start3A_141 : memref<64x128xf32, #tpu.memory_space<vmem>>) offsets(%dma_start3A_144 : memref<64xi32, #tpu.memory_space<vmem>>) semaphore(%arg12 : memref<!tpu.dma_semaphore, #tpu.memory_space<semaphore_mem>>)
      } else {
      }
      %add3A_106 = arith.constant 1 : i32
      %add3A_107 = arith.addi %mul3A_63, %add3A_106 : i32
      %dma_wait3A_108 = arith.constant 0 : i32
      %dma_wait3A_109 = arith.constant 0 : i32
      %dma_wait3A_110 = tpu.memref_slice %arg10[%dma_wait3A_108, %dma_wait3A_109] : memref<128x128xf32, #tpu.memory_space<vmem>> -> memref<64x128xf32, #tpu.memory_space<vmem>>
      %dma_wait3A_111 = arith.constant 0 : i32
      %dma_wait3A_112 = tpu.memref_slice %arg7[%add3A_107, %dma_wait3A_111] : memref<40x128xi32, #tpu.memory_space<vmem>> -> memref<1x64xi32, #tpu.memory_space<vmem>>
      %dma_wait3A_113 = tpu.memref_squeeze %dma_wait3A_112 : memref<1x64xi32, #tpu.memory_space<vmem>> -> memref<64xi32, #tpu.memory_space<vmem>>
      %dma_wait3A_114 = arith.constant 0 : i32
      %dma_wait3A_115 = arith.constant 0 : i32
      %dma_wait3A_116 = tpu.memref_slice %arg2[%dma_wait3A_114, %dma_wait3A_115] : memref<20000x128xf32, #tpu.memory_space<hbm>> -> memref<20000x128xf32, #tpu.memory_space<hbm>>
      tpu.wait_indirect_dma semaphore(%arg13 : memref<!tpu.dma_semaphore, #tpu.memory_space<semaphore_mem>>) src(%dma_wait3A_116 : memref<20000x128xf32, #tpu.memory_space<hbm>>) dst(%dma_wait3A_110 : memref<64x128xf32, #tpu.memory_space<vmem>>)
      %dma_wait3A_117 = arith.constant 64 : i32
      %dma_wait3A_118 = arith.constant 0 : i32
      %dma_wait3A_119 = tpu.memref_slice %arg10[%dma_wait3A_117, %dma_wait3A_118] : memref<128x128xf32, #tpu.memory_space<vmem>> -> memref<64x128xf32, #tpu.memory_space<vmem>>
      %dma_wait3A_120 = arith.constant 64 : i32
      %dma_wait3A_121 = tpu.memref_slice %arg7[%add3A_107, %dma_wait3A_120] : memref<40x128xi32, #tpu.memory_space<vmem>> -> memref<1x64xi32, #tpu.memory_space<vmem>>
      %dma_wait3A_122 = tpu.memref_squeeze %dma_wait3A_121 : memref<1x64xi32, #tpu.memory_space<vmem>> -> memref<64xi32, #tpu.memory_space<vmem>>
      %dma_wait3A_123 = arith.constant 0 : i32
      %dma_wait3A_124 = arith.constant 0 : i32
      %dma_wait3A_125 = tpu.memref_slice %arg2[%dma_wait3A_123, %dma_wait3A_124] : memref<20000x128xf32, #tpu.memory_space<hbm>> -> memref<20000x128xf32, #tpu.memory_space<hbm>>
      tpu.wait_indirect_dma semaphore(%arg13 : memref<!tpu.dma_semaphore, #tpu.memory_space<semaphore_mem>>) src(%dma_wait3A_125 : memref<20000x128xf32, #tpu.memory_space<hbm>>) dst(%dma_wait3A_119 : memref<64x128xf32, #tpu.memory_space<vmem>>)
      %add3A_126 = arith.constant 1 : i32
      %add3A_127 = arith.addi %mul3A_63, %add3A_126 : i32
      "tpu.region"() ({
        %run_scoped3A_128 = tpu.sem_alloc : memref<!tpu.dma_semaphore, #tpu.memory_space<semaphore_mem>>
        %dma_start3A_129 = arith.constant 0 : i32
        %dma_start3A_130 = tpu.memref_slice %arg8[%add3A_127, %dma_start3A_129] : memref<40x128xi32, #tpu.memory_space<vmem>> -> memref<1x128xi32, #tpu.memory_space<vmem>>
        %dma_start3A_131 = tpu.memref_squeeze %dma_start3A_130 : memref<1x128xi32, #tpu.memory_space<vmem>> -> memref<128xi32, #tpu.memory_space<vmem>>
        %dma_start3A_132 = arith.constant 0 : i32
        %dma_start3A_133 = arith.constant 0 : i32
        %dma_start3A_134 = tpu.memref_slice %arg11[%dma_start3A_132, %dma_start3A_133] : memref<10112x128xf32, #tpu.memory_space<vmem_shared>> -> memref<10112x128xf32, #tpu.memory_space<vmem_shared>>
        tpu.enqueue_indirect_dma source(%arg10 : memref<128x128xf32, #tpu.memory_space<vmem>>) target(%dma_start3A_134 : memref<10112x128xf32, #tpu.memory_space<vmem_shared>>) offsets(%dma_start3A_131 : memref<128xi32, #tpu.memory_space<vmem>>) semaphore(%run_scoped3A_128 : memref<!tpu.dma_semaphore, #tpu.memory_space<semaphore_mem>>) {add = true}
        %dma_wait3A_135 = arith.constant 0 : i32
        %dma_wait3A_136 = tpu.memref_slice %arg8[%add3A_127, %dma_wait3A_135] : memref<40x128xi32, #tpu.memory_space<vmem>> -> memref<1x128xi32, #tpu.memory_space<vmem>>
        %dma_wait3A_137 = tpu.memref_squeeze %dma_wait3A_136 : memref<1x128xi32, #tpu.memory_space<vmem>> -> memref<128xi32, #tpu.memory_space<vmem>>
        %dma_wait3A_138 = arith.constant 0 : i32
        %dma_wait3A_139 = arith.constant 0 : i32
        %dma_wait3A_140 = tpu.memref_slice %arg11[%dma_wait3A_138, %dma_wait3A_139] : memref<10112x128xf32, #tpu.memory_space<vmem_shared>> -> memref<10112x128xf32, #tpu.memory_space<vmem_shared>>
        tpu.wait_indirect_dma semaphore(%run_scoped3A_128 : memref<!tpu.dma_semaphore, #tpu.memory_space<semaphore_mem>>) src(%arg10 : memref<128x128xf32, #tpu.memory_space<vmem>>) dst(%dma_wait3A_140 : memref<10112x128xf32, #tpu.memory_space<vmem_shared>>)
        tpu.yield
      }) : () -> ()
    }
    %scan3A_25 = arith.constant 20 : i32
    %run_scoped3A_26 = arith.constant 1 : i32
    "tpu.region"() ({
      %run_scoped3A_61 = tpu.sem_alloc : memref<!tpu.dma_semaphore, #tpu.memory_space<semaphore_mem>>
      %dma_start3A_62 = arith.constant 0 : i32
      %dma_start3A_63 = arith.constant 0 : i32
      %dma_start3A_64 = tpu.memref_slice %arg3[%arg0, %arg1, %run_scoped3A_26, %dma_start3A_62, %dma_start3A_63] : memref<2x16x2x40x128xi32, #tpu.memory_space<hbm>> -> memref<1x1x1x40x128xi32, #tpu.memory_space<hbm>>
      %dma_start3A_65 = tpu.memref_squeeze %dma_start3A_64 : memref<1x1x1x40x128xi32, #tpu.memory_space<hbm>> -> memref<40x128xi32, #tpu.memory_space<hbm>>
      %dma_start3A_66 = arith.constant 0 : i32
      %dma_start3A_67 = arith.constant 0 : i32
      %dma_start3A_68 = tpu.memref_slice %arg3[%arg0, %arg1, %run_scoped3A_26, %dma_start3A_66, %dma_start3A_67] : memref<2x16x2x40x128xi32, #tpu.memory_space<hbm>> -> memref<1x1x1x40x128xi32, #tpu.memory_space<hbm>>
      %dma_start3A_69 = tpu.memref_squeeze %dma_start3A_68 : memref<1x1x1x40x128xi32, #tpu.memory_space<hbm>> -> memref<40x128xi32, #tpu.memory_space<hbm>>
      tpu.enqueue_dma source(%dma_start3A_69 : memref<40x128xi32, #tpu.memory_space<hbm>>) target(%arg7 : memref<40x128xi32, #tpu.memory_space<vmem>>) target_semaphore(%run_scoped3A_61 : memref<!tpu.dma_semaphore, #tpu.memory_space<semaphore_mem>>)
      %dma_wait3A = arith.constant 0 : i32
      %dma_wait3A_70 = arith.constant 0 : i32
      %dma_wait3A_71 = tpu.memref_slice %arg3[%arg0, %arg1, %run_scoped3A_26, %dma_wait3A, %dma_wait3A_70] : memref<2x16x2x40x128xi32, #tpu.memory_space<hbm>> -> memref<1x1x1x40x128xi32, #tpu.memory_space<hbm>>
      %dma_wait3A_72 = tpu.memref_squeeze %dma_wait3A_71 : memref<1x1x1x40x128xi32, #tpu.memory_space<hbm>> -> memref<40x128xi32, #tpu.memory_space<hbm>>
      %dma_wait3A_73 = arith.constant 0 : i32
      %dma_wait3A_74 = arith.constant 0 : i32
      %dma_wait3A_75 = tpu.memref_slice %arg3[%arg0, %arg1, %run_scoped3A_26, %dma_wait3A_73, %dma_wait3A_74] : memref<2x16x2x40x128xi32, #tpu.memory_space<hbm>> -> memref<1x1x1x40x128xi32, #tpu.memory_space<hbm>>
      %dma_wait3A_76 = tpu.memref_squeeze %dma_wait3A_75 : memref<1x1x1x40x128xi32, #tpu.memory_space<hbm>> -> memref<40x128xi32, #tpu.memory_space<hbm>>
      tpu.wait_dma2 semaphore(%run_scoped3A_61 : memref<!tpu.dma_semaphore, #tpu.memory_space<semaphore_mem>>) src(%dma_wait3A_76 : memref<40x128xi32, #tpu.memory_space<hbm>>) dst(%arg7 : memref<40x128xi32, #tpu.memory_space<vmem>>)
      tpu.yield
    }) : () -> ()
    %run_scoped3A_27 = arith.constant 1 : i32
    "tpu.region"() ({
      %run_scoped3A_61 = tpu.sem_alloc : memref<!tpu.dma_semaphore, #tpu.memory_space<semaphore_mem>>
      %dma_start3A_62 = arith.constant 0 : i32
      %dma_start3A_63 = arith.constant 0 : i32
      %dma_start3A_64 = tpu.memref_slice %arg4[%arg1, %run_scoped3A_27, %dma_start3A_62, %dma_start3A_63] : memref<16x2x40x128xi32, #tpu.memory_space<hbm>> -> memref<1x1x40x128xi32, #tpu.memory_space<hbm>>
      %dma_start3A_65 = tpu.memref_squeeze %dma_start3A_64 : memref<1x1x40x128xi32, #tpu.memory_space<hbm>> -> memref<40x128xi32, #tpu.memory_space<hbm>>
      %dma_start3A_66 = arith.constant 0 : i32
      %dma_start3A_67 = arith.constant 0 : i32
      %dma_start3A_68 = tpu.memref_slice %arg4[%arg1, %run_scoped3A_27, %dma_start3A_66, %dma_start3A_67] : memref<16x2x40x128xi32, #tpu.memory_space<hbm>> -> memref<1x1x40x128xi32, #tpu.memory_space<hbm>>
      %dma_start3A_69 = tpu.memref_squeeze %dma_start3A_68 : memref<1x1x40x128xi32, #tpu.memory_space<hbm>> -> memref<40x128xi32, #tpu.memory_space<hbm>>
      tpu.enqueue_dma source(%dma_start3A_69 : memref<40x128xi32, #tpu.memory_space<hbm>>) target(%arg8 : memref<40x128xi32, #tpu.memory_space<vmem>>) target_semaphore(%run_scoped3A_61 : memref<!tpu.dma_semaphore, #tpu.memory_space<semaphore_mem>>)
      %dma_wait3A = arith.constant 0 : i32
      %dma_wait3A_70 = arith.constant 0 : i32
      %dma_wait3A_71 = tpu.memref_slice %arg4[%arg1, %run_scoped3A_27, %dma_wait3A, %dma_wait3A_70] : memref<16x2x40x128xi32, #tpu.memory_space<hbm>> -> memref<1x1x40x128xi32, #tpu.memory_space<hbm>>
      %dma_wait3A_72 = tpu.memref_squeeze %dma_wait3A_71 : memref<1x1x40x128xi32, #tpu.memory_space<hbm>> -> memref<40x128xi32, #tpu.memory_space<hbm>>
      %dma_wait3A_73 = arith.constant 0 : i32
      %dma_wait3A_74 = arith.constant 0 : i32
      %dma_wait3A_75 = tpu.memref_slice %arg4[%arg1, %run_scoped3A_27, %dma_wait3A_73, %dma_wait3A_74] : memref<16x2x40x128xi32, #tpu.memory_space<hbm>> -> memref<1x1x40x128xi32, #tpu.memory_space<hbm>>
      %dma_wait3A_76 = tpu.memref_squeeze %dma_wait3A_75 : memref<1x1x40x128xi32, #tpu.memory_space<hbm>> -> memref<40x128xi32, #tpu.memory_space<hbm>>
      tpu.wait_dma2 semaphore(%run_scoped3A_61 : memref<!tpu.dma_semaphore, #tpu.memory_space<semaphore_mem>>) src(%dma_wait3A_76 : memref<40x128xi32, #tpu.memory_space<hbm>>) dst(%arg8 : memref<40x128xi32, #tpu.memory_space<vmem>>)
      tpu.yield
    }) : () -> ()
    %dma_start3A_28 = arith.constant 0 : i32
    %dma_start3A_29 = arith.constant 0 : i32
    %dma_start3A_30 = arith.constant 0 : i32
    %dma_start3A_31 = tpu.memref_slice %arg9[%dma_start3A_29, %dma_start3A_30] : memref<128x128xf32, #tpu.memory_space<vmem>> -> memref<64x128xf32, #tpu.memory_space<vmem>>
    %dma_start3A_32 = arith.constant 0 : i32
    %dma_start3A_33 = tpu.memref_slice %arg7[%dma_start3A_28, %dma_start3A_32] : memref<40x128xi32, #tpu.memory_space<vmem>> -> memref<1x64xi32, #tpu.memory_space<vmem>>
    %dma_start3A_34 = tpu.memref_squeeze %dma_start3A_33 : memref<1x64xi32, #tpu.memory_space<vmem>> -> memref<64xi32, #tpu.memory_space<vmem>>
    %dma_start3A_35 = arith.constant 0 : i32
    %dma_start3A_36 = arith.constant 0 : i32
    %dma_start3A_37 = tpu.memref_slice %arg2[%dma_start3A_35, %dma_start3A_36] : memref<20000x128xf32, #tpu.memory_space<hbm>> -> memref<20000x128xf32, #tpu.memory_space<hbm>>
    tpu.enqueue_indirect_dma source(%dma_start3A_37 : memref<20000x128xf32, #tpu.memory_space<hbm>>) target(%dma_start3A_31 : memref<64x128xf32, #tpu.memory_space<vmem>>) offsets(%dma_start3A_34 : memref<64xi32, #tpu.memory_space<vmem>>) semaphore(%arg12 : memref<!tpu.dma_semaphore, #tpu.memory_space<semaphore_mem>>)
    %dma_start3A_38 = arith.constant 0 : i32
    %dma_start3A_39 = arith.constant 64 : i32
    %dma_start3A_40 = arith.constant 0 : i32
    %dma_start3A_41 = tpu.memref_slice %arg9[%dma_start3A_39, %dma_start3A_40] : memref<128x128xf32, #tpu.memory_space<vmem>> -> memref<64x128xf32, #tpu.memory_space<vmem>>
    %dma_start3A_42 = arith.constant 64 : i32
    %dma_start3A_43 = tpu.memref_slice %arg7[%dma_start3A_38, %dma_start3A_42] : memref<40x128xi32, #tpu.memory_space<vmem>> -> memref<1x64xi32, #tpu.memory_space<vmem>>
    %dma_start3A_44 = tpu.memref_squeeze %dma_start3A_43 : memref<1x64xi32, #tpu.memory_space<vmem>> -> memref<64xi32, #tpu.memory_space<vmem>>
    %dma_start3A_45 = arith.constant 0 : i32
    %dma_start3A_46 = arith.constant 0 : i32
    %dma_start3A_47 = tpu.memref_slice %arg2[%dma_start3A_45, %dma_start3A_46] : memref<20000x128xf32, #tpu.memory_space<hbm>> -> memref<20000x128xf32, #tpu.memory_space<hbm>>
    tpu.enqueue_indirect_dma source(%dma_start3A_47 : memref<20000x128xf32, #tpu.memory_space<hbm>>) target(%dma_start3A_41 : memref<64x128xf32, #tpu.memory_space<vmem>>) offsets(%dma_start3A_44 : memref<64xi32, #tpu.memory_space<vmem>>) semaphore(%arg12 : memref<!tpu.dma_semaphore, #tpu.memory_space<semaphore_mem>>)
    %scan3A_48 = arith.constant 0 : i32
    %scan3A_49 = arith.constant 0 : i32
    %scan3A_50 = arith.constant 20 : i32
    %scan3A_51 = arith.addi %scan3A_49, %scan3A_50 : i32
    %scan3A_52 = arith.constant 1 : i32
    scf.for %scan3A_61 = %scan3A_49 to %scan3A_51 step %scan3A_52  : i32 {
      %mul3A_62 = arith.constant 2 : i32
      %mul3A_63 = arith.muli %mul3A_62, %scan3A_61 : i32
      %add3A = arith.constant 1 : i32
      %add3A_64 = arith.addi %mul3A_63, %add3A : i32
      %dma_start3A_65 = arith.constant 0 : i32
      %dma_start3A_66 = arith.constant 0 : i32
      %dma_start3A_67 = tpu.memref_slice %arg10[%dma_start3A_65, %dma_start3A_66] : memref<128x128xf32, #tpu.memory_space<vmem>> -> memref<64x128xf32, #tpu.memory_space<vmem>>
      %dma_start3A_68 = arith.constant 0 : i32
      %dma_start3A_69 = tpu.memref_slice %arg7[%add3A_64, %dma_start3A_68] : memref<40x128xi32, #tpu.memory_space<vmem>> -> memref<1x64xi32, #tpu.memory_space<vmem>>
      %dma_start3A_70 = tpu.memref_squeeze %dma_start3A_69 : memref<1x64xi32, #tpu.memory_space<vmem>> -> memref<64xi32, #tpu.memory_space<vmem>>
      %dma_start3A_71 = arith.constant 0 : i32
      %dma_start3A_72 = arith.constant 0 : i32
      %dma_start3A_73 = tpu.memref_slice %arg2[%dma_start3A_71, %dma_start3A_72] : memref<20000x128xf32, #tpu.memory_space<hbm>> -> memref<20000x128xf32, #tpu.memory_space<hbm>>
      tpu.enqueue_indirect_dma source(%dma_start3A_73 : memref<20000x128xf32, #tpu.memory_space<hbm>>) target(%dma_start3A_67 : memref<64x128xf32, #tpu.memory_space<vmem>>) offsets(%dma_start3A_70 : memref<64xi32, #tpu.memory_space<vmem>>) semaphore(%arg13 : memref<!tpu.dma_semaphore, #tpu.memory_space<semaphore_mem>>)
      %dma_start3A_74 = arith.constant 64 : i32
      %dma_start3A_75 = arith.constant 0 : i32
      %dma_start3A_76 = tpu.memref_slice %arg10[%dma_start3A_74, %dma_start3A_75] : memref<128x128xf32, #tpu.memory_space<vmem>> -> memref<64x128xf32, #tpu.memory_space<vmem>>
      %dma_start3A_77 = arith.constant 64 : i32
      %dma_start3A_78 = tpu.memref_slice %arg7[%add3A_64, %dma_start3A_77] : memref<40x128xi32, #tpu.memory_space<vmem>> -> memref<1x64xi32, #tpu.memory_space<vmem>>
      %dma_start3A_79 = tpu.memref_squeeze %dma_start3A_78 : memref<1x64xi32, #tpu.memory_space<vmem>> -> memref<64xi32, #tpu.memory_space<vmem>>
      %dma_start3A_80 = arith.constant 0 : i32
      %dma_start3A_81 = arith.constant 0 : i32
      %dma_start3A_82 = tpu.memref_slice %arg2[%dma_start3A_80, %dma_start3A_81] : memref<20000x128xf32, #tpu.memory_space<hbm>> -> memref<20000x128xf32, #tpu.memory_space<hbm>>
      tpu.enqueue_indirect_dma source(%dma_start3A_82 : memref<20000x128xf32, #tpu.memory_space<hbm>>) target(%dma_start3A_76 : memref<64x128xf32, #tpu.memory_space<vmem>>) offsets(%dma_start3A_79 : memref<64xi32, #tpu.memory_space<vmem>>) semaphore(%arg13 : memref<!tpu.dma_semaphore, #tpu.memory_space<semaphore_mem>>)
      %dma_wait3A = arith.constant 0 : i32
      %dma_wait3A_83 = arith.constant 0 : i32
      %dma_wait3A_84 = tpu.memref_slice %arg9[%dma_wait3A, %dma_wait3A_83] : memref<128x128xf32, #tpu.memory_space<vmem>> -> memref<64x128xf32, #tpu.memory_space<vmem>>
      %dma_wait3A_85 = arith.constant 0 : i32
      %dma_wait3A_86 = tpu.memref_slice %arg7[%mul3A_63, %dma_wait3A_85] : memref<40x128xi32, #tpu.memory_space<vmem>> -> memref<1x64xi32, #tpu.memory_space<vmem>>
      %dma_wait3A_87 = tpu.memref_squeeze %dma_wait3A_86 : memref<1x64xi32, #tpu.memory_space<vmem>> -> memref<64xi32, #tpu.memory_space<vmem>>
      %dma_wait3A_88 = arith.constant 0 : i32
      %dma_wait3A_89 = arith.constant 0 : i32
      %dma_wait3A_90 = tpu.memref_slice %arg2[%dma_wait3A_88, %dma_wait3A_89] : memref<20000x128xf32, #tpu.memory_space<hbm>> -> memref<20000x128xf32, #tpu.memory_space<hbm>>
      tpu.wait_indirect_dma semaphore(%arg12 : memref<!tpu.dma_semaphore, #tpu.memory_space<semaphore_mem>>) src(%dma_wait3A_90 : memref<20000x128xf32, #tpu.memory_space<hbm>>) dst(%dma_wait3A_84 : memref<64x128xf32, #tpu.memory_space<vmem>>)
      %dma_wait3A_91 = arith.constant 64 : i32
      %dma_wait3A_92 = arith.constant 0 : i32
      %dma_wait3A_93 = tpu.memref_slice %arg9[%dma_wait3A_91, %dma_wait3A_92] : memref<128x128xf32, #tpu.memory_space<vmem>> -> memref<64x128xf32, #tpu.memory_space<vmem>>
      %dma_wait3A_94 = arith.constant 64 : i32
      %dma_wait3A_95 = tpu.memref_slice %arg7[%mul3A_63, %dma_wait3A_94] : memref<40x128xi32, #tpu.memory_space<vmem>> -> memref<1x64xi32, #tpu.memory_space<vmem>>
      %dma_wait3A_96 = tpu.memref_squeeze %dma_wait3A_95 : memref<1x64xi32, #tpu.memory_space<vmem>> -> memref<64xi32, #tpu.memory_space<vmem>>
      %dma_wait3A_97 = arith.constant 0 : i32
      %dma_wait3A_98 = arith.constant 0 : i32
      %dma_wait3A_99 = tpu.memref_slice %arg2[%dma_wait3A_97, %dma_wait3A_98] : memref<20000x128xf32, #tpu.memory_space<hbm>> -> memref<20000x128xf32, #tpu.memory_space<hbm>>
      tpu.wait_indirect_dma semaphore(%arg12 : memref<!tpu.dma_semaphore, #tpu.memory_space<semaphore_mem>>) src(%dma_wait3A_99 : memref<20000x128xf32, #tpu.memory_space<hbm>>) dst(%dma_wait3A_93 : memref<64x128xf32, #tpu.memory_space<vmem>>)
      "tpu.region"() ({
        %run_scoped3A_128 = tpu.sem_alloc : memref<!tpu.dma_semaphore, #tpu.memory_space<semaphore_mem>>
        %dma_start3A_129 = arith.constant 0 : i32
        %dma_start3A_130 = tpu.memref_slice %arg8[%mul3A_63, %dma_start3A_129] : memref<40x128xi32, #tpu.memory_space<vmem>> -> memref<1x128xi32, #tpu.memory_space<vmem>>
        %dma_start3A_131 = tpu.memref_squeeze %dma_start3A_130 : memref<1x128xi32, #tpu.memory_space<vmem>> -> memref<128xi32, #tpu.memory_space<vmem>>
        %dma_start3A_132 = arith.constant 0 : i32
        %dma_start3A_133 = arith.constant 0 : i32
        %dma_start3A_134 = tpu.memref_slice %arg11[%dma_start3A_132, %dma_start3A_133] : memref<10112x128xf32, #tpu.memory_space<vmem_shared>> -> memref<10112x128xf32, #tpu.memory_space<vmem_shared>>
        tpu.enqueue_indirect_dma source(%arg9 : memref<128x128xf32, #tpu.memory_space<vmem>>) target(%dma_start3A_134 : memref<10112x128xf32, #tpu.memory_space<vmem_shared>>) offsets(%dma_start3A_131 : memref<128xi32, #tpu.memory_space<vmem>>) semaphore(%run_scoped3A_128 : memref<!tpu.dma_semaphore, #tpu.memory_space<semaphore_mem>>) {add = true}
        %dma_wait3A_135 = arith.constant 0 : i32
        %dma_wait3A_136 = tpu.memref_slice %arg8[%mul3A_63, %dma_wait3A_135] : memref<40x128xi32, #tpu.memory_space<vmem>> -> memref<1x128xi32, #tpu.memory_space<vmem>>
        %dma_wait3A_137 = tpu.memref_squeeze %dma_wait3A_136 : memref<1x128xi32, #tpu.memory_space<vmem>> -> memref<128xi32, #tpu.memory_space<vmem>>
        %dma_wait3A_138 = arith.constant 0 : i32
        %dma_wait3A_139 = arith.constant 0 : i32
        %dma_wait3A_140 = tpu.memref_slice %arg11[%dma_wait3A_138, %dma_wait3A_139] : memref<10112x128xf32, #tpu.memory_space<vmem_shared>> -> memref<10112x128xf32, #tpu.memory_space<vmem_shared>>
        tpu.wait_indirect_dma semaphore(%run_scoped3A_128 : memref<!tpu.dma_semaphore, #tpu.memory_space<semaphore_mem>>) src(%arg9 : memref<128x128xf32, #tpu.memory_space<vmem>>) dst(%dma_wait3A_140 : memref<10112x128xf32, #tpu.memory_space<vmem_shared>>)
        tpu.yield
      }) : () -> ()
      %add3A_100 = arith.constant 2 : i32
      %add3A_101 = arith.addi %mul3A_63, %add3A_100 : i32
      %lt3A = arith.constant 40 : i32
      %lt3A_102 = arith.cmpi slt, %add3A_101, %lt3A : i32
      %convert_element_type3A_103 = arith.extui %lt3A_102 : i1 to i32
      %cond3A_104 = arith.constant 0 : i32
      %cond3A_105 = arith.cmpi ne, %convert_element_type3A_103, %cond3A_104 : i32
      scf.if %cond3A_105 {
        %add3A_128 = arith.constant 2 : i32
        %add3A_129 = arith.addi %mul3A_63, %add3A_128 : i32
        %dma_start3A_130 = arith.constant 0 : i32
        %dma_start3A_131 = arith.constant 0 : i32
        %dma_start3A_132 = tpu.memref_slice %arg9[%dma_start3A_130, %dma_start3A_131] : memref<128x128xf32, #tpu.memory_space<vmem>> -> memref<64x128xf32, #tpu.memory_space<vmem>>
        %dma_start3A_133 = arith.constant 0 : i32
        %dma_start3A_134 = tpu.memref_slice %arg7[%add3A_129, %dma_start3A_133] : memref<40x128xi32, #tpu.memory_space<vmem>> -> memref<1x64xi32, #tpu.memory_space<vmem>>
        %dma_start3A_135 = tpu.memref_squeeze %dma_start3A_134 : memref<1x64xi32, #tpu.memory_space<vmem>> -> memref<64xi32, #tpu.memory_space<vmem>>
        %dma_start3A_136 = arith.constant 0 : i32
        %dma_start3A_137 = arith.constant 0 : i32
        %dma_start3A_138 = tpu.memref_slice %arg2[%dma_start3A_136, %dma_start3A_137] : memref<20000x128xf32, #tpu.memory_space<hbm>> -> memref<20000x128xf32, #tpu.memory_space<hbm>>
        tpu.enqueue_indirect_dma source(%dma_start3A_138 : memref<20000x128xf32, #tpu.memory_space<hbm>>) target(%dma_start3A_132 : memref<64x128xf32, #tpu.memory_space<vmem>>) offsets(%dma_start3A_135 : memref<64xi32, #tpu.memory_space<vmem>>) semaphore(%arg12 : memref<!tpu.dma_semaphore, #tpu.memory_space<semaphore_mem>>)
        %dma_start3A_139 = arith.constant 64 : i32
        %dma_start3A_140 = arith.constant 0 : i32
        %dma_start3A_141 = tpu.memref_slice %arg9[%dma_start3A_139, %dma_start3A_140] : memref<128x128xf32, #tpu.memory_space<vmem>> -> memref<64x128xf32, #tpu.memory_space<vmem>>
        %dma_start3A_142 = arith.constant 64 : i32
        %dma_start3A_143 = tpu.memref_slice %arg7[%add3A_129, %dma_start3A_142] : memref<40x128xi32, #tpu.memory_space<vmem>> -> memref<1x64xi32, #tpu.memory_space<vmem>>
        %dma_start3A_144 = tpu.memref_squeeze %dma_start3A_143 : memref<1x64xi32, #tpu.memory_space<vmem>> -> memref<64xi32, #tpu.memory_space<vmem>>
        %dma_start3A_145 = arith.constant 0 : i32
        %dma_start3A_146 = arith.constant 0 : i32
        %dma_start3A_147 = tpu.memref_slice %arg2[%dma_start3A_145, %dma_start3A_146] : memref<20000x128xf32, #tpu.memory_space<hbm>> -> memref<20000x128xf32, #tpu.memory_space<hbm>>
        tpu.enqueue_indirect_dma source(%dma_start3A_147 : memref<20000x128xf32, #tpu.memory_space<hbm>>) target(%dma_start3A_141 : memref<64x128xf32, #tpu.memory_space<vmem>>) offsets(%dma_start3A_144 : memref<64xi32, #tpu.memory_space<vmem>>) semaphore(%arg12 : memref<!tpu.dma_semaphore, #tpu.memory_space<semaphore_mem>>)
      } else {
      }
      %add3A_106 = arith.constant 1 : i32
      %add3A_107 = arith.addi %mul3A_63, %add3A_106 : i32
      %dma_wait3A_108 = arith.constant 0 : i32
      %dma_wait3A_109 = arith.constant 0 : i32
      %dma_wait3A_110 = tpu.memref_slice %arg10[%dma_wait3A_108, %dma_wait3A_109] : memref<128x128xf32, #tpu.memory_space<vmem>> -> memref<64x128xf32, #tpu.memory_space<vmem>>
      %dma_wait3A_111 = arith.constant 0 : i32
      %dma_wait3A_112 = tpu.memref_slice %arg7[%add3A_107, %dma_wait3A_111] : memref<40x128xi32, #tpu.memory_space<vmem>> -> memref<1x64xi32, #tpu.memory_space<vmem>>
      %dma_wait3A_113 = tpu.memref_squeeze %dma_wait3A_112 : memref<1x64xi32, #tpu.memory_space<vmem>> -> memref<64xi32, #tpu.memory_space<vmem>>
      %dma_wait3A_114 = arith.constant 0 : i32
      %dma_wait3A_115 = arith.constant 0 : i32
      %dma_wait3A_116 = tpu.memref_slice %arg2[%dma_wait3A_114, %dma_wait3A_115] : memref<20000x128xf32, #tpu.memory_space<hbm>> -> memref<20000x128xf32, #tpu.memory_space<hbm>>
      tpu.wait_indirect_dma semaphore(%arg13 : memref<!tpu.dma_semaphore, #tpu.memory_space<semaphore_mem>>) src(%dma_wait3A_116 : memref<20000x128xf32, #tpu.memory_space<hbm>>) dst(%dma_wait3A_110 : memref<64x128xf32, #tpu.memory_space<vmem>>)
      %dma_wait3A_117 = arith.constant 64 : i32
      %dma_wait3A_118 = arith.constant 0 : i32
      %dma_wait3A_119 = tpu.memref_slice %arg10[%dma_wait3A_117, %dma_wait3A_118] : memref<128x128xf32, #tpu.memory_space<vmem>> -> memref<64x128xf32, #tpu.memory_space<vmem>>
      %dma_wait3A_120 = arith.constant 64 : i32
      %dma_wait3A_121 = tpu.memref_slice %arg7[%add3A_107, %dma_wait3A_120] : memref<40x128xi32, #tpu.memory_space<vmem>> -> memref<1x64xi32, #tpu.memory_space<vmem>>
      %dma_wait3A_122 = tpu.memref_squeeze %dma_wait3A_121 : memref<1x64xi32, #tpu.memory_space<vmem>> -> memref<64xi32, #tpu.memory_space<vmem>>
      %dma_wait3A_123 = arith.constant 0 : i32
      %dma_wait3A_124 = arith.constant 0 : i32
      %dma_wait3A_125 = tpu.memref_slice %arg2[%dma_wait3A_123, %dma_wait3A_124] : memref<20000x128xf32, #tpu.memory_space<hbm>> -> memref<20000x128xf32, #tpu.memory_space<hbm>>
      tpu.wait_indirect_dma semaphore(%arg13 : memref<!tpu.dma_semaphore, #tpu.memory_space<semaphore_mem>>) src(%dma_wait3A_125 : memref<20000x128xf32, #tpu.memory_space<hbm>>) dst(%dma_wait3A_119 : memref<64x128xf32, #tpu.memory_space<vmem>>)
      %add3A_126 = arith.constant 1 : i32
      %add3A_127 = arith.addi %mul3A_63, %add3A_126 : i32
      "tpu.region"() ({
        %run_scoped3A_128 = tpu.sem_alloc : memref<!tpu.dma_semaphore, #tpu.memory_space<semaphore_mem>>
        %dma_start3A_129 = arith.constant 0 : i32
        %dma_start3A_130 = tpu.memref_slice %arg8[%add3A_127, %dma_start3A_129] : memref<40x128xi32, #tpu.memory_space<vmem>> -> memref<1x128xi32, #tpu.memory_space<vmem>>
        %dma_start3A_131 = tpu.memref_squeeze %dma_start3A_130 : memref<1x128xi32, #tpu.memory_space<vmem>> -> memref<128xi32, #tpu.memory_space<vmem>>
        %dma_start3A_132 = arith.constant 0 : i32
        %dma_start3A_133 = arith.constant 0 : i32
        %dma_start3A_134 = tpu.memref_slice %arg11[%dma_start3A_132, %dma_start3A_133] : memref<10112x128xf32, #tpu.memory_space<vmem_shared>> -> memref<10112x128xf32, #tpu.memory_space<vmem_shared>>
        tpu.enqueue_indirect_dma source(%arg10 : memref<128x128xf32, #tpu.memory_space<vmem>>) target(%dma_start3A_134 : memref<10112x128xf32, #tpu.memory_space<vmem_shared>>) offsets(%dma_start3A_131 : memref<128xi32, #tpu.memory_space<vmem>>) semaphore(%run_scoped3A_128 : memref<!tpu.dma_semaphore, #tpu.memory_space<semaphore_mem>>) {add = true}
        %dma_wait3A_135 = arith.constant 0 : i32
        %dma_wait3A_136 = tpu.memref_slice %arg8[%add3A_127, %dma_wait3A_135] : memref<40x128xi32, #tpu.memory_space<vmem>> -> memref<1x128xi32, #tpu.memory_space<vmem>>
        %dma_wait3A_137 = tpu.memref_squeeze %dma_wait3A_136 : memref<1x128xi32, #tpu.memory_space<vmem>> -> memref<128xi32, #tpu.memory_space<vmem>>
        %dma_wait3A_138 = arith.constant 0 : i32
        %dma_wait3A_139 = arith.constant 0 : i32
        %dma_wait3A_140 = tpu.memref_slice %arg11[%dma_wait3A_138, %dma_wait3A_139] : memref<10112x128xf32, #tpu.memory_space<vmem_shared>> -> memref<10112x128xf32, #tpu.memory_space<vmem_shared>>
        tpu.wait_indirect_dma semaphore(%run_scoped3A_128 : memref<!tpu.dma_semaphore, #tpu.memory_space<semaphore_mem>>) src(%arg10 : memref<128x128xf32, #tpu.memory_space<vmem>>) dst(%dma_wait3A_140 : memref<10112x128xf32, #tpu.memory_space<vmem_shared>>)
        tpu.yield
      }) : () -> ()
    }
    %scan3A_53 = arith.constant 20 : i32
    %barrier3A_54 = arith.constant 0 : index
    tpu.barrier barrier_id(%barrier3A_54)
    %mul3A_55 = arith.constant 624 : i32
    %mul3A_56 = arith.muli %arg1, %mul3A_55 : i32
    %mul3A_57 = arith.constant 624 : i32
    %mul3A_58 = arith.muli %arg1, %mul3A_57 : i32
    "tpu.region"() ({
      %run_scoped3A_61 = tpu.sem_alloc : memref<!tpu.dma_semaphore, #tpu.memory_space<semaphore_mem>>
      %dma_start3A_62 = arith.constant 0 : i32
      %dma_start3A_63 = tpu.memref_slice %arg6[%arg0, %mul3A_58, %dma_start3A_62] : memref<2x10000x128xf32, #tpu.memory_space<hbm>> -> memref<1x624x128xf32, #tpu.memory_space<hbm>>
      %dma_start3A_64 = tpu.memref_squeeze %dma_start3A_63 : memref<1x624x128xf32, #tpu.memory_space<hbm>> -> memref<624x128xf32, #tpu.memory_space<hbm>>
      %dma_start3A_65 = arith.constant 0 : i32
      %dma_start3A_66 = tpu.memref_slice %arg11[%mul3A_56, %dma_start3A_65] : memref<10112x128xf32, #tpu.memory_space<vmem_shared>> -> memref<624x128xf32, #tpu.memory_space<vmem_shared>>
      tpu.enqueue_dma source(%dma_start3A_66 : memref<624x128xf32, #tpu.memory_space<vmem_shared>>) target(%dma_start3A_64 : memref<624x128xf32, #tpu.memory_space<hbm>>) target_semaphore(%run_scoped3A_61 : memref<!tpu.dma_semaphore, #tpu.memory_space<semaphore_mem>>)
      %dma_wait3A = arith.constant 0 : i32
      %dma_wait3A_67 = tpu.memref_slice %arg6[%arg0, %mul3A_58, %dma_wait3A] : memref<2x10000x128xf32, #tpu.memory_space<hbm>> -> memref<1x624x128xf32, #tpu.memory_space<hbm>>
      %dma_wait3A_68 = tpu.memref_squeeze %dma_wait3A_67 : memref<1x624x128xf32, #tpu.memory_space<hbm>> -> memref<624x128xf32, #tpu.memory_space<hbm>>
      %dma_wait3A_69 = arith.constant 0 : i32
      %dma_wait3A_70 = tpu.memref_slice %arg11[%mul3A_56, %dma_wait3A_69] : memref<10112x128xf32, #tpu.memory_space<vmem_shared>> -> memref<624x128xf32, #tpu.memory_space<vmem_shared>>
      tpu.wait_dma2 semaphore(%run_scoped3A_61 : memref<!tpu.dma_semaphore, #tpu.memory_space<semaphore_mem>>) src(%dma_wait3A_70 : memref<624x128xf32, #tpu.memory_space<vmem_shared>>) dst(%dma_wait3A_68 : memref<624x128xf32, #tpu.memory_space<hbm>>)
      tpu.yield
    }) : () -> ()
    %eq3A = arith.constant 15 : i32
    %eq3A_59 = arith.cmpi eq, %arg1, %eq3A : i32
    %convert_element_type3A = arith.extui %eq3A_59 : i1 to i32
    %cond3A = arith.constant 0 : i32
    %cond3A_60 = arith.cmpi ne, %convert_element_type3A, %cond3A : i32
    scf.if %cond3A_60 {
      "tpu.region"() ({
        %run_scoped3A_61 = tpu.sem_alloc : memref<!tpu.dma_semaphore, #tpu.memory_space<semaphore_mem>>
        %dma_start3A_62 = arith.constant 9984 : i32
        %dma_start3A_63 = arith.constant 0 : i32
        %dma_start3A_64 = tpu.memref_slice %arg6[%arg0, %dma_start3A_62, %dma_start3A_63] : memref<2x10000x128xf32, #tpu.memory_space<hbm>> -> memref<1x16x128xf32, #tpu.memory_space<hbm>>
        %dma_start3A_65 = tpu.memref_squeeze %dma_start3A_64 : memref<1x16x128xf32, #tpu.memory_space<hbm>> -> memref<16x128xf32, #tpu.memory_space<hbm>>
        %dma_start3A_66 = arith.constant 9984 : i32
        %dma_start3A_67 = arith.constant 0 : i32
        %dma_start3A_68 = tpu.memref_slice %arg11[%dma_start3A_66, %dma_start3A_67] : memref<10112x128xf32, #tpu.memory_space<vmem_shared>> -> memref<16x128xf32, #tpu.memory_space<vmem_shared>>
        tpu.enqueue_dma source(%dma_start3A_68 : memref<16x128xf32, #tpu.memory_space<vmem_shared>>) target(%dma_start3A_65 : memref<16x128xf32, #tpu.memory_space<hbm>>) target_semaphore(%run_scoped3A_61 : memref<!tpu.dma_semaphore, #tpu.memory_space<semaphore_mem>>)
        %dma_wait3A = arith.constant 9984 : i32
        %dma_wait3A_69 = arith.constant 0 : i32
        %dma_wait3A_70 = tpu.memref_slice %arg6[%arg0, %dma_wait3A, %dma_wait3A_69] : memref<2x10000x128xf32, #tpu.memory_space<hbm>> -> memref<1x16x128xf32, #tpu.memory_space<hbm>>
        %dma_wait3A_71 = tpu.memref_squeeze %dma_wait3A_70 : memref<1x16x128xf32, #tpu.memory_space<hbm>> -> memref<16x128xf32, #tpu.memory_space<hbm>>
        %dma_wait3A_72 = arith.constant 9984 : i32
        %dma_wait3A_73 = arith.constant 0 : i32
        %dma_wait3A_74 = tpu.memref_slice %arg11[%dma_wait3A_72, %dma_wait3A_73] : memref<10112x128xf32, #tpu.memory_space<vmem_shared>> -> memref<16x128xf32, #tpu.memory_space<vmem_shared>>
        tpu.wait_dma2 semaphore(%run_scoped3A_61 : memref<!tpu.dma_semaphore, #tpu.memory_space<semaphore_mem>>) src(%dma_wait3A_74 : memref<16x128xf32, #tpu.memory_space<vmem_shared>>) dst(%dma_wait3A_71 : memref<16x128xf32, #tpu.memory_space<hbm>>)
        tpu.yield
      }) : () -> ()
    } else {
    }
    return
  }
}

module attributes {stable_mosaic.version = 14 : i64} {
  func.func @_dinv_body(%arg0: i32, %arg1: memref<2x1000x128xf32, #tpu.memory_space<vmem>>, %arg2: memref<1000x1xf32, #tpu.memory_space<vmem>>) attributes {dimension_semantics = [#tpu.dimension_semantics<arbitrary>], iteration_bounds = array<i64: 10>, scalar_prefetch = 0 : i64, scratch_operands = 0 : i64, tpu.core_type = #tpu.core_type<tc>, window_params = [{transform_indices = @transform_0, window_bounds = array<i64: 2, 1000, 128>}, {transform_indices = @transform_1, window_bounds = array<i64: 1000, 1>}]} {
    %get3A = arith.constant 0 : index
    %get3A_0 = arith.constant 0 : index
    %get3A_1 = arith.constant 0 : index
    %get3A_2 = vector.load %arg1[%get3A, %get3A_0, %get3A_1] : memref<2x1000x128xf32, #tpu.memory_space<vmem>>, vector<2x1000x128xf32>
    %reduce_sum3A = arith.constant dense<0.000000e+00> : vector<1000xf32>
    %reduce_sum3A_3 = vector.multi_reduction <add>, %get3A_2, %reduce_sum3A [0, 2] : vector<2x1000x128xf32> to vector<1000xf32>
    %mul3A = arith.constant 3.906250e-03 : f32
    %mul3A_4 = vector.broadcast %mul3A : f32 to vector<1000xf32>
    %mul3A_5 = arith.mulf %reduce_sum3A_3, %mul3A_4 : vector<1000xf32>
    %add3A = arith.constant 1.000000e+00 : f32
    %add3A_6 = vector.broadcast %add3A : f32 to vector<1000xf32>
    %add3A_7 = arith.addf %mul3A_5, %add3A_6 : vector<1000xf32>
    %rsqrt3A = math.rsqrt %add3A_7 : vector<1000xf32>
    %broadcast_in_dim3A = vector.shape_cast %rsqrt3A : vector<1000xf32> to vector<1000x1xf32>
    %swap3A = arith.constant 0 : index
    %swap3A_8 = arith.constant 0 : index
    %swap3A_9 = vector.load %arg2[%swap3A, %swap3A_8] : memref<1000x1xf32, #tpu.memory_space<vmem>>, vector<1000x1xf32>
    tpu.vector_store %arg2[%swap3A, %swap3A_8], %broadcast_in_dim3A {strides = array<i32>} : memref<1000x1xf32, #tpu.memory_space<vmem>>, vector<1000x1xf32>,
    return
  }
  func.func @transform_0(%arg0: i32) -> (i32, i32, i32) {
    %c0_i32 = arith.constant 0 : i32
    %c0_i32_0 = arith.constant 0 : i32
    %c0_i32_1 = arith.constant 0 : i32
    return %c0_i32, %arg0, %c0_i32_0 : i32, i32, i32
  }
  func.func @transform_1(%arg0: i32) -> (i32, i32) {
    %c0_i32 = arith.constant 0 : i32
    %c0_i32_0 = arith.constant 0 : i32
    return %arg0, %c0_i32 : i32, i32
  }
}

module attributes {stable_mosaic.version = 14 : i64} {
  func.func @_mm_body(%arg0: i32, %arg1: memref<1000x256xf32, #tpu.memory_space<vmem>>, %arg2: memref<256x256xf32, #tpu.memory_space<vmem>>, %arg3: memref<1000x1xf32, #tpu.memory_space<vmem>>, %arg4: memref<2x1000x128xf32, #tpu.memory_space<vmem>>) attributes {dimension_semantics = [#tpu.dimension_semantics<arbitrary>], iteration_bounds = array<i64: 10>, scalar_prefetch = 0 : i64, scratch_operands = 0 : i64, tpu.core_type = #tpu.core_type<tc>, window_params = [{transform_indices = @transform_0, window_bounds = array<i64: 1000, 256>}, {pipeline_mode = #tpu.pipeline_mode<synchronous>, transform_indices = @transform_1, window_bounds = array<i64: 256, 256>}, {transform_indices = @transform_2, window_bounds = array<i64: 1000, 1>}, {transform_indices = @transform_3, window_bounds = array<i64: 2, 1000, 128>}]} {
    %get3A = arith.constant 0 : index
    %get3A_0 = arith.constant 0 : index
    %get3A_1 = vector.load %arg1[%get3A, %get3A_0] : memref<1000x256xf32, #tpu.memory_space<vmem>>, vector<1000x256xf32>
    %get3A_2 = arith.constant 0 : index
    %get3A_3 = arith.constant 0 : index
    %get3A_4 = vector.load %arg2[%get3A_2, %get3A_3] : memref<256x256xf32, #tpu.memory_space<vmem>>, vector<256x256xf32>
    %dot_general3A = arith.constant dense<0.000000e+00> : vector<1000x256xf32>
    %dot_general3A_5 = tpu.matmul %get3A_1, %get3A_4, %dot_general3A {dimension_numbers = #tpu.dot_dimension_numbers<[1], [0], [0], [1], [0, 0, 1, 1], [], []>, transpose_lhs_hint = false} : vector<1000x256xf32>, vector<256x256xf32>, vector<1000x256xf32> -> vector<1000x256xf32>
    %get3A_6 = arith.constant 0 : index
    %get3A_7 = arith.constant 0 : index
    %get3A_8 = vector.load %arg3[%get3A_6, %get3A_7] : memref<1000x1xf32, #tpu.memory_space<vmem>>, vector<1000x1xf32>
    %mul3A = vector.broadcast %get3A_8 : vector<1000x1xf32> to vector<1000x256xf32>
    %mul3A_9 = arith.mulf %dot_general3A_5, %mul3A : vector<1000x256xf32>
    %slice3A = vector.extract_strided_slice %mul3A_9 {offsets = [0, 0], sizes = [1000, 128], strides = [1, 1]} : vector<1000x256xf32> to vector<1000x128xf32>
    %swap3A = arith.constant 0 : index
    %swap3A_10 = arith.constant 0 : index
    %swap3A_11 = arith.constant 0 : index
    %swap3A_12 = vector.load %arg4[%swap3A, %swap3A_10, %swap3A_11] : memref<2x1000x128xf32, #tpu.memory_space<vmem>>, vector<1x1000x128xf32>
    %swap3A_13 = vector.shape_cast %swap3A_12 : vector<1x1000x128xf32> to vector<1000x128xf32>
    %swap3A_14 = vector.shape_cast %slice3A : vector<1000x128xf32> to vector<1x1000x128xf32>
    tpu.vector_store %arg4[%swap3A, %swap3A_10, %swap3A_11], %swap3A_14 {strides = array<i32>} : memref<2x1000x128xf32, #tpu.memory_space<vmem>>, vector<1x1000x128xf32>,
    %slice3A_15 = vector.extract_strided_slice %mul3A_9 {offsets = [0, 128], sizes = [1000, 128], strides = [1, 1]} : vector<1000x256xf32> to vector<1000x128xf32>
    %swap3A_16 = arith.constant 1 : index
    %swap3A_17 = arith.constant 0 : index
    %swap3A_18 = arith.constant 0 : index
    %swap3A_19 = vector.load %arg4[%swap3A_16, %swap3A_17, %swap3A_18] : memref<2x1000x128xf32, #tpu.memory_space<vmem>>, vector<1x1000x128xf32>
    %swap3A_20 = vector.shape_cast %swap3A_19 : vector<1x1000x128xf32> to vector<1000x128xf32>
    %swap3A_21 = vector.shape_cast %slice3A_15 : vector<1000x128xf32> to vector<1x1000x128xf32>
    tpu.vector_store %arg4[%swap3A_16, %swap3A_17, %swap3A_18], %swap3A_21 {strides = array<i32>} : memref<2x1000x128xf32, #tpu.memory_space<vmem>>, vector<1x1000x128xf32>,
    return
  }
  func.func @transform_0(%arg0: i32) -> (i32, i32) {
    %c0_i32 = arith.constant 0 : i32
    %c0_i32_0 = arith.constant 0 : i32
    return %arg0, %c0_i32 : i32, i32
  }
  func.func @transform_1(%arg0: i32) -> (i32, i32) {
    %c0_i32 = arith.constant 0 : i32
    %c0_i32_0 = arith.constant 0 : i32
    %c0_i32_1 = arith.constant 0 : i32
    return %c0_i32, %c0_i32_0 : i32, i32
  }
  func.func @transform_2(%arg0: i32) -> (i32, i32) {
    %c0_i32 = arith.constant 0 : i32
    %c0_i32_0 = arith.constant 0 : i32
    return %arg0, %c0_i32 : i32, i32
  }
  func.func @transform_3(%arg0: i32) -> (i32, i32, i32) {
    %c0_i32 = arith.constant 0 : i32
    %c0_i32_0 = arith.constant 0 : i32
    %c0_i32_1 = arith.constant 0 : i32
    return %c0_i32, %arg0, %c0_i32_0 : i32, i32, i32
  }
}

module attributes {stable_mosaic.version = 14 : i64} {
  func.func @_updmm_body(%arg0: i32, %arg1: memref<2x1000x128xf32, #tpu.memory_space<vmem>>, %arg2: memref<2x1000x128xf32, #tpu.memory_space<vmem>>, %arg3: memref<1000x1xf32, #tpu.memory_space<vmem>>, %arg4: memref<256xf32, #tpu.memory_space<vmem>>, %arg5: memref<1000x256xf32, #tpu.memory_space<vmem>>, %arg6: memref<1000x256xf32, #tpu.memory_space<vmem>>, %arg7: memref<256x256xf32, #tpu.memory_space<vmem>>, %arg8: memref<1000x256xf32, #tpu.memory_space<vmem>>, %arg9: memref<1000x256xf32, #tpu.memory_space<vmem>>, %arg10: memref<2x1000x128xf32, #tpu.memory_space<vmem>>) attributes {dimension_semantics = [#tpu.dimension_semantics<arbitrary>], iteration_bounds = array<i64: 10>, scalar_prefetch = 0 : i64, scratch_operands = 0 : i64, tpu.core_type = #tpu.core_type<tc>, window_params = [{transform_indices = @transform_0, window_bounds = array<i64: 2, 1000, 128>}, {transform_indices = @transform_1, window_bounds = array<i64: 2, 1000, 128>}, {transform_indices = @transform_2, window_bounds = array<i64: 1000, 1>}, {pipeline_mode = #tpu.pipeline_mode<synchronous>, transform_indices = @transform_3, window_bounds = array<i64: 256>}, {transform_indices = @transform_4, window_bounds = array<i64: 1000, 256>}, {transform_indices = @transform_5, window_bounds = array<i64: 1000, 256>}, {pipeline_mode = #tpu.pipeline_mode<synchronous>, transform_indices = @transform_6, window_bounds = array<i64: 256, 256>}, {transform_indices = @transform_7, window_bounds = array<i64: 1000, 256>}, {transform_indices = @transform_8, window_bounds = array<i64: 1000, 256>}, {transform_indices = @transform_9, window_bounds = array<i64: 2, 1000, 128>}]} {
    %get3A = arith.constant 0 : index
    %get3A_0 = arith.constant 0 : index
    %get3A_1 = arith.constant 0 : index
    %get3A_2 = vector.load %arg1[%get3A, %get3A_0, %get3A_1] : memref<2x1000x128xf32, #tpu.memory_space<vmem>>, vector<1x1000x128xf32>
    %get3A_3 = vector.shape_cast %get3A_2 : vector<1x1000x128xf32> to vector<1000x128xf32>
    %get3A_4 = arith.constant 0 : index
    %get3A_5 = arith.constant 0 : index
    %get3A_6 = arith.constant 0 : index
    %get3A_7 = vector.load %arg2[%get3A_4, %get3A_5, %get3A_6] : memref<2x1000x128xf32, #tpu.memory_space<vmem>>, vector<1x1000x128xf32>
    %get3A_8 = vector.shape_cast %get3A_7 : vector<1x1000x128xf32> to vector<1000x128xf32>
    %add3A = arith.addf %get3A_3, %get3A_8 : vector<1000x128xf32>
    %get3A_9 = arith.constant 1 : index
    %get3A_10 = arith.constant 0 : index
    %get3A_11 = arith.constant 0 : index
    %get3A_12 = vector.load %arg1[%get3A_9, %get3A_10, %get3A_11] : memref<2x1000x128xf32, #tpu.memory_space<vmem>>, vector<1x1000x128xf32>
    %get3A_13 = vector.shape_cast %get3A_12 : vector<1x1000x128xf32> to vector<1000x128xf32>
    %get3A_14 = arith.constant 1 : index
    %get3A_15 = arith.constant 0 : index
    %get3A_16 = arith.constant 0 : index
    %get3A_17 = vector.load %arg2[%get3A_14, %get3A_15, %get3A_16] : memref<2x1000x128xf32, #tpu.memory_space<vmem>>, vector<1x1000x128xf32>
    %get3A_18 = vector.shape_cast %get3A_17 : vector<1x1000x128xf32> to vector<1000x128xf32>
    %add3A_19 = arith.addf %get3A_13, %get3A_18 : vector<1000x128xf32>
    %concatenate3A = tpu.concatenate %add3A, %add3A_19 in 1 : vector<1000x128xf32>, vector<1000x128xf32> -> vector<1000x256xf32>
    %get3A_20 = arith.constant 0 : index
    %get3A_21 = arith.constant 0 : index
    %get3A_22 = vector.load %arg3[%get3A_20, %get3A_21] : memref<1000x1xf32, #tpu.memory_space<vmem>>, vector<1000x1xf32>
    %mul3A = vector.broadcast %get3A_22 : vector<1000x1xf32> to vector<1000x256xf32>
    %mul3A_23 = arith.mulf %concatenate3A, %mul3A : vector<1000x256xf32>
    %get3A_24 = arith.constant 0 : index
    %get3A_25 = vector.load %arg4[%get3A_24] : memref<256xf32, #tpu.memory_space<vmem>>, vector<256xf32>
    %broadcast_in_dim3A = vector.shape_cast %get3A_25 : vector<256xf32> to vector<1x256xf32>
    %add3A_26 = vector.broadcast %broadcast_in_dim3A : vector<1x256xf32> to vector<1000x256xf32>
    %add3A_27 = arith.addf %mul3A_23, %add3A_26 : vector<1000x256xf32>
    %max3A = arith.constant 0.000000e+00 : f32
    %max3A_28 = vector.broadcast %max3A : f32 to vector<1000x256xf32>
    %max3A_29 = arith.maximumf %add3A_27, %max3A_28 : vector<1000x256xf32>
    %get3A_30 = arith.constant 0 : index
    %get3A_31 = arith.constant 0 : index
    %get3A_32 = vector.load %arg5[%get3A_30, %get3A_31] : memref<1000x256xf32, #tpu.memory_space<vmem>>, vector<1000x256xf32>
    %get3A_33 = arith.constant 0 : index
    %get3A_34 = arith.constant 0 : index
    %get3A_35 = vector.load %arg6[%get3A_33, %get3A_34] : memref<1000x256xf32, #tpu.memory_space<vmem>>, vector<1000x256xf32>
    %mul3A_36 = arith.constant 1.000000e+00 : f32
    %mul3A_37 = vector.broadcast %mul3A_36 : f32 to vector<1000x256xf32>
    %mul3A_38 = arith.mulf %mul3A_37, %get3A_35 : vector<1000x256xf32>
    %sub3A = arith.subf %max3A_29, %mul3A_38 : vector<1000x256xf32>
    %mul3A_39 = arith.constant 1.000000e+00 : f32
    %mul3A_40 = vector.broadcast %mul3A_39 : f32 to vector<1000x256xf32>
    %mul3A_41 = arith.mulf %mul3A_40, %get3A_32 : vector<1000x256xf32>
    %sub3A_42 = arith.subf %sub3A, %mul3A_41 : vector<1000x256xf32>
    %mul3A_43 = arith.constant 1.000000e+00 : f32
    %mul3A_44 = vector.broadcast %mul3A_43 : f32 to vector<1000x256xf32>
    %mul3A_45 = arith.mulf %mul3A_44, %sub3A_42 : vector<1000x256xf32>
    %add3A_46 = arith.addf %get3A_35, %mul3A_45 : vector<1000x256xf32>
    %mul3A_47 = arith.constant 1.000000e+00 : f32
    %mul3A_48 = vector.broadcast %mul3A_47 : f32 to vector<1000x256xf32>
    %mul3A_49 = arith.mulf %mul3A_48, %add3A_46 : vector<1000x256xf32>
    %add3A_50 = arith.addf %get3A_32, %mul3A_49 : vector<1000x256xf32>
    %swap3A = arith.constant 0 : index
    %swap3A_51 = arith.constant 0 : index
    %swap3A_52 = vector.load %arg9[%swap3A, %swap3A_51] : memref<1000x256xf32, #tpu.memory_space<vmem>>, vector<1000x256xf32>
    tpu.vector_store %arg9[%swap3A, %swap3A_51], %add3A_46 {strides = array<i32>} : memref<1000x256xf32, #tpu.memory_space<vmem>>, vector<1000x256xf32>,
    %swap3A_53 = arith.constant 0 : index
    %swap3A_54 = arith.constant 0 : index
    %swap3A_55 = vector.load %arg8[%swap3A_53, %swap3A_54] : memref<1000x256xf32, #tpu.memory_space<vmem>>, vector<1000x256xf32>
    tpu.vector_store %arg8[%swap3A_53, %swap3A_54], %add3A_50 {strides = array<i32>} : memref<1000x256xf32, #tpu.memory_space<vmem>>, vector<1000x256xf32>,
    %get3A_56 = arith.constant 0 : index
    %get3A_57 = arith.constant 0 : index
    %get3A_58 = vector.load %arg7[%get3A_56, %get3A_57] : memref<256x256xf32, #tpu.memory_space<vmem>>, vector<256x256xf32>
    %dot_general3A = arith.constant dense<0.000000e+00> : vector<1000x256xf32>
    %dot_general3A_59 = tpu.matmul %add3A_50, %get3A_58, %dot_general3A {dimension_numbers = #tpu.dot_dimension_numbers<[1], [0], [0], [1], [0, 0, 1, 1], [], []>, transpose_lhs_hint = false} : vector<1000x256xf32>, vector<256x256xf32>, vector<1000x256xf32> -> vector<1000x256xf32>
    %get3A_60 = arith.constant 0 : index
    %get3A_61 = arith.constant 0 : index
    %get3A_62 = vector.load %arg3[%get3A_60, %get3A_61] : memref<1000x1xf32, #tpu.memory_space<vmem>>, vector<1000x1xf32>
    %mul3A_63 = vector.broadcast %get3A_62 : vector<1000x1xf32> to vector<1000x256xf32>
    %mul3A_64 = arith.mulf %dot_general3A_59, %mul3A_63 : vector<1000x256xf32>
    %slice3A = vector.extract_strided_slice %mul3A_64 {offsets = [0, 0], sizes = [1000, 128], strides = [1, 1]} : vector<1000x256xf32> to vector<1000x128xf32>
    %swap3A_65 = arith.constant 0 : index
    %swap3A_66 = arith.constant 0 : index
    %swap3A_67 = arith.constant 0 : index
    %swap3A_68 = vector.load %arg10[%swap3A_65, %swap3A_66, %swap3A_67] : memref<2x1000x128xf32, #tpu.memory_space<vmem>>, vector<1x1000x128xf32>
    %swap3A_69 = vector.shape_cast %swap3A_68 : vector<1x1000x128xf32> to vector<1000x128xf32>
    %swap3A_70 = vector.shape_cast %slice3A : vector<1000x128xf32> to vector<1x1000x128xf32>
    tpu.vector_store %arg10[%swap3A_65, %swap3A_66, %swap3A_67], %swap3A_70 {strides = array<i32>} : memref<2x1000x128xf32, #tpu.memory_space<vmem>>, vector<1x1000x128xf32>,
    %slice3A_71 = vector.extract_strided_slice %mul3A_64 {offsets = [0, 128], sizes = [1000, 128], strides = [1, 1]} : vector<1000x256xf32> to vector<1000x128xf32>
    %swap3A_72 = arith.constant 1 : index
    %swap3A_73 = arith.constant 0 : index
    %swap3A_74 = arith.constant 0 : index
    %swap3A_75 = vector.load %arg10[%swap3A_72, %swap3A_73, %swap3A_74] : memref<2x1000x128xf32, #tpu.memory_space<vmem>>, vector<1x1000x128xf32>
    %swap3A_76 = vector.shape_cast %swap3A_75 : vector<1x1000x128xf32> to vector<1000x128xf32>
    %swap3A_77 = vector.shape_cast %slice3A_71 : vector<1000x128xf32> to vector<1x1000x128xf32>
    tpu.vector_store %arg10[%swap3A_72, %swap3A_73, %swap3A_74], %swap3A_77 {strides = array<i32>} : memref<2x1000x128xf32, #tpu.memory_space<vmem>>, vector<1x1000x128xf32>,
    return
  }
  func.func @transform_0(%arg0: i32) -> (i32, i32, i32) {
    %c0_i32 = arith.constant 0 : i32
    %c0_i32_0 = arith.constant 0 : i32
    %c0_i32_1 = arith.constant 0 : i32
    return %c0_i32, %arg0, %c0_i32_0 : i32, i32, i32
  }
  func.func @transform_1(%arg0: i32) -> (i32, i32, i32) {
    %c0_i32 = arith.constant 0 : i32
    %c0_i32_0 = arith.constant 0 : i32
    %c0_i32_1 = arith.constant 0 : i32
    return %c0_i32, %arg0, %c0_i32_0 : i32, i32, i32
  }
  func.func @transform_2(%arg0: i32) -> (i32, i32) {
    %c0_i32 = arith.constant 0 : i32
    %c0_i32_0 = arith.constant 0 : i32
    return %arg0, %c0_i32 : i32, i32
  }
  func.func @transform_3(%arg0: i32) -> i32 {
    %c0_i32 = arith.constant 0 : i32
    %c0_i32_0 = arith.constant 0 : i32
    return %c0_i32 : i32
  }
  func.func @transform_4(%arg0: i32) -> (i32, i32) {
    %c0_i32 = arith.constant 0 : i32
    %c0_i32_0 = arith.constant 0 : i32
    return %arg0, %c0_i32 : i32, i32
  }
  func.func @transform_5(%arg0: i32) -> (i32, i32) {
    %c0_i32 = arith.constant 0 : i32
    %c0_i32_0 = arith.constant 0 : i32
    return %arg0, %c0_i32 : i32, i32
  }
  func.func @transform_6(%arg0: i32) -> (i32, i32) {
    %c0_i32 = arith.constant 0 : i32
    %c0_i32_0 = arith.constant 0 : i32
    %c0_i32_1 = arith.constant 0 : i32
    return %c0_i32, %c0_i32_0 : i32, i32
  }
  func.func @transform_7(%arg0: i32) -> (i32, i32) {
    %c0_i32 = arith.constant 0 : i32
    %c0_i32_0 = arith.constant 0 : i32
    return %arg0, %c0_i32 : i32, i32
  }
  func.func @transform_8(%arg0: i32) -> (i32, i32) {
    %c0_i32 = arith.constant 0 : i32
    %c0_i32_0 = arith.constant 0 : i32
    return %arg0, %c0_i32 : i32, i32
  }
  func.func @transform_9(%arg0: i32) -> (i32, i32, i32) {
    %c0_i32 = arith.constant 0 : i32
    %c0_i32_0 = arith.constant 0 : i32
    %c0_i32_1 = arith.constant 0 : i32
    return %c0_i32, %arg0, %c0_i32_0 : i32, i32, i32
  }
}

module attributes {stable_mosaic.version = 14 : i64} {
  func.func @_updro_body(%arg0: i32, %arg1: memref<2x1000x128xf32, #tpu.memory_space<vmem>>, %arg2: memref<2x1000x128xf32, #tpu.memory_space<vmem>>, %arg3: memref<1000x1xf32, #tpu.memory_space<vmem>>, %arg4: memref<256xf32, #tpu.memory_space<vmem>>, %arg5: memref<1000x256xf32, #tpu.memory_space<vmem>>, %arg6: memref<1000x256xf32, #tpu.memory_space<vmem>>, %arg7: memref<256x128xf32, #tpu.memory_space<vmem>>, %arg8: memref<128xf32, #tpu.memory_space<vmem>>, %arg9: memref<1000x256xf32, #tpu.memory_space<vmem>>, %arg10: memref<1000x256xf32, #tpu.memory_space<vmem>>, %arg11: memref<1000x128xf32, #tpu.memory_space<vmem>>) attributes {dimension_semantics = [#tpu.dimension_semantics<arbitrary>], iteration_bounds = array<i64: 10>, scalar_prefetch = 0 : i64, scratch_operands = 0 : i64, tpu.core_type = #tpu.core_type<tc>, window_params = [{transform_indices = @transform_0, window_bounds = array<i64: 2, 1000, 128>}, {transform_indices = @transform_1, window_bounds = array<i64: 2, 1000, 128>}, {transform_indices = @transform_2, window_bounds = array<i64: 1000, 1>}, {pipeline_mode = #tpu.pipeline_mode<synchronous>, transform_indices = @transform_3, window_bounds = array<i64: 256>}, {transform_indices = @transform_4, window_bounds = array<i64: 1000, 256>}, {transform_indices = @transform_5, window_bounds = array<i64: 1000, 256>}, {pipeline_mode = #tpu.pipeline_mode<synchronous>, transform_indices = @transform_6, window_bounds = array<i64: 256, 128>}, {pipeline_mode = #tpu.pipeline_mode<synchronous>, transform_indices = @transform_7, window_bounds = array<i64: 128>}, {transform_indices = @transform_8, window_bounds = array<i64: 1000, 256>}, {transform_indices = @transform_9, window_bounds = array<i64: 1000, 256>}, {transform_indices = @transform_10, window_bounds = array<i64: 1000, 128>}]} {
    %get3A = arith.constant 0 : index
    %get3A_0 = arith.constant 0 : index
    %get3A_1 = arith.constant 0 : index
    %get3A_2 = vector.load %arg1[%get3A, %get3A_0, %get3A_1] : memref<2x1000x128xf32, #tpu.memory_space<vmem>>, vector<1x1000x128xf32>
    %get3A_3 = vector.shape_cast %get3A_2 : vector<1x1000x128xf32> to vector<1000x128xf32>
    %get3A_4 = arith.constant 0 : index
    %get3A_5 = arith.constant 0 : index
    %get3A_6 = arith.constant 0 : index
    %get3A_7 = vector.load %arg2[%get3A_4, %get3A_5, %get3A_6] : memref<2x1000x128xf32, #tpu.memory_space<vmem>>, vector<1x1000x128xf32>
    %get3A_8 = vector.shape_cast %get3A_7 : vector<1x1000x128xf32> to vector<1000x128xf32>
    %add3A = arith.addf %get3A_3, %get3A_8 : vector<1000x128xf32>
    %get3A_9 = arith.constant 1 : index
    %get3A_10 = arith.constant 0 : index
    %get3A_11 = arith.constant 0 : index
    %get3A_12 = vector.load %arg1[%get3A_9, %get3A_10, %get3A_11] : memref<2x1000x128xf32, #tpu.memory_space<vmem>>, vector<1x1000x128xf32>
    %get3A_13 = vector.shape_cast %get3A_12 : vector<1x1000x128xf32> to vector<1000x128xf32>
    %get3A_14 = arith.constant 1 : index
    %get3A_15 = arith.constant 0 : index
    %get3A_16 = arith.constant 0 : index
    %get3A_17 = vector.load %arg2[%get3A_14, %get3A_15, %get3A_16] : memref<2x1000x128xf32, #tpu.memory_space<vmem>>, vector<1x1000x128xf32>
    %get3A_18 = vector.shape_cast %get3A_17 : vector<1x1000x128xf32> to vector<1000x128xf32>
    %add3A_19 = arith.addf %get3A_13, %get3A_18 : vector<1000x128xf32>
    %concatenate3A = tpu.concatenate %add3A, %add3A_19 in 1 : vector<1000x128xf32>, vector<1000x128xf32> -> vector<1000x256xf32>
    %get3A_20 = arith.constant 0 : index
    %get3A_21 = arith.constant 0 : index
    %get3A_22 = vector.load %arg3[%get3A_20, %get3A_21] : memref<1000x1xf32, #tpu.memory_space<vmem>>, vector<1000x1xf32>
    %mul3A = vector.broadcast %get3A_22 : vector<1000x1xf32> to vector<1000x256xf32>
    %mul3A_23 = arith.mulf %concatenate3A, %mul3A : vector<1000x256xf32>
    %get3A_24 = arith.constant 0 : index
    %get3A_25 = vector.load %arg4[%get3A_24] : memref<256xf32, #tpu.memory_space<vmem>>, vector<256xf32>
    %broadcast_in_dim3A = vector.shape_cast %get3A_25 : vector<256xf32> to vector<1x256xf32>
    %add3A_26 = vector.broadcast %broadcast_in_dim3A : vector<1x256xf32> to vector<1000x256xf32>
    %add3A_27 = arith.addf %mul3A_23, %add3A_26 : vector<1000x256xf32>
    %max3A = arith.constant 0.000000e+00 : f32
    %max3A_28 = vector.broadcast %max3A : f32 to vector<1000x256xf32>
    %max3A_29 = arith.maximumf %add3A_27, %max3A_28 : vector<1000x256xf32>
    %get3A_30 = arith.constant 0 : index
    %get3A_31 = arith.constant 0 : index
    %get3A_32 = vector.load %arg5[%get3A_30, %get3A_31] : memref<1000x256xf32, #tpu.memory_space<vmem>>, vector<1000x256xf32>
    %get3A_33 = arith.constant 0 : index
    %get3A_34 = arith.constant 0 : index
    %get3A_35 = vector.load %arg6[%get3A_33, %get3A_34] : memref<1000x256xf32, #tpu.memory_space<vmem>>, vector<1000x256xf32>
    %mul3A_36 = arith.constant 1.000000e+00 : f32
    %mul3A_37 = vector.broadcast %mul3A_36 : f32 to vector<1000x256xf32>
    %mul3A_38 = arith.mulf %mul3A_37, %get3A_35 : vector<1000x256xf32>
    %sub3A = arith.subf %max3A_29, %mul3A_38 : vector<1000x256xf32>
    %mul3A_39 = arith.constant 1.000000e+00 : f32
    %mul3A_40 = vector.broadcast %mul3A_39 : f32 to vector<1000x256xf32>
    %mul3A_41 = arith.mulf %mul3A_40, %get3A_32 : vector<1000x256xf32>
    %sub3A_42 = arith.subf %sub3A, %mul3A_41 : vector<1000x256xf32>
    %mul3A_43 = arith.constant 1.000000e+00 : f32
    %mul3A_44 = vector.broadcast %mul3A_43 : f32 to vector<1000x256xf32>
    %mul3A_45 = arith.mulf %mul3A_44, %sub3A_42 : vector<1000x256xf32>
    %add3A_46 = arith.addf %get3A_35, %mul3A_45 : vector<1000x256xf32>
    %mul3A_47 = arith.constant 1.000000e+00 : f32
    %mul3A_48 = vector.broadcast %mul3A_47 : f32 to vector<1000x256xf32>
    %mul3A_49 = arith.mulf %mul3A_48, %add3A_46 : vector<1000x256xf32>
    %add3A_50 = arith.addf %get3A_32, %mul3A_49 : vector<1000x256xf32>
    %swap3A = arith.constant 0 : index
    %swap3A_51 = arith.constant 0 : index
    %swap3A_52 = vector.load %arg10[%swap3A, %swap3A_51] : memref<1000x256xf32, #tpu.memory_space<vmem>>, vector<1000x256xf32>
    tpu.vector_store %arg10[%swap3A, %swap3A_51], %add3A_46 {strides = array<i32>} : memref<1000x256xf32, #tpu.memory_space<vmem>>, vector<1000x256xf32>,
    %swap3A_53 = arith.constant 0 : index
    %swap3A_54 = arith.constant 0 : index
    %swap3A_55 = vector.load %arg9[%swap3A_53, %swap3A_54] : memref<1000x256xf32, #tpu.memory_space<vmem>>, vector<1000x256xf32>
    tpu.vector_store %arg9[%swap3A_53, %swap3A_54], %add3A_50 {strides = array<i32>} : memref<1000x256xf32, #tpu.memory_space<vmem>>, vector<1000x256xf32>,
    %get3A_56 = arith.constant 0 : index
    %get3A_57 = arith.constant 0 : index
    %get3A_58 = vector.load %arg7[%get3A_56, %get3A_57] : memref<256x128xf32, #tpu.memory_space<vmem>>, vector<256x128xf32>
    %dot_general3A = arith.constant dense<0.000000e+00> : vector<1000x128xf32>
    %dot_general3A_59 = tpu.matmul %add3A_50, %get3A_58, %dot_general3A {dimension_numbers = #tpu.dot_dimension_numbers<[1], [0], [0], [1], [0, 0, 1, 1], [], []>, transpose_lhs_hint = false} : vector<1000x256xf32>, vector<256x128xf32>, vector<1000x128xf32> -> vector<1000x128xf32>
    %get3A_60 = arith.constant 0 : index
    %get3A_61 = vector.load %arg8[%get3A_60] : memref<128xf32, #tpu.memory_space<vmem>>, vector<128xf32>
    %broadcast_in_dim3A_62 = vector.shape_cast %get3A_61 : vector<128xf32> to vector<1x128xf32>
    %add3A_63 = vector.broadcast %broadcast_in_dim3A_62 : vector<1x128xf32> to vector<1000x128xf32>
    %add3A_64 = arith.addf %dot_general3A_59, %add3A_63 : vector<1000x128xf32>
    %swap3A_65 = arith.constant 0 : index
    %swap3A_66 = arith.constant 0 : index
    %swap3A_67 = vector.load %arg11[%swap3A_65, %swap3A_66] : memref<1000x128xf32, #tpu.memory_space<vmem>>, vector<1000x128xf32>
    tpu.vector_store %arg11[%swap3A_65, %swap3A_66], %add3A_64 {strides = array<i32>} : memref<1000x128xf32, #tpu.memory_space<vmem>>, vector<1000x128xf32>,
    return
  }
  func.func @transform_0(%arg0: i32) -> (i32, i32, i32) {
    %c0_i32 = arith.constant 0 : i32
    %c0_i32_0 = arith.constant 0 : i32
    %c0_i32_1 = arith.constant 0 : i32
    return %c0_i32, %arg0, %c0_i32_0 : i32, i32, i32
  }
  func.func @transform_1(%arg0: i32) -> (i32, i32, i32) {
    %c0_i32 = arith.constant 0 : i32
    %c0_i32_0 = arith.constant 0 : i32
    %c0_i32_1 = arith.constant 0 : i32
    return %c0_i32, %arg0, %c0_i32_0 : i32, i32, i32
  }
  func.func @transform_2(%arg0: i32) -> (i32, i32) {
    %c0_i32 = arith.constant 0 : i32
    %c0_i32_0 = arith.constant 0 : i32
    return %arg0, %c0_i32 : i32, i32
  }
  func.func @transform_3(%arg0: i32) -> i32 {
    %c0_i32 = arith.constant 0 : i32
    %c0_i32_0 = arith.constant 0 : i32
    return %c0_i32 : i32
  }
  func.func @transform_4(%arg0: i32) -> (i32, i32) {
    %c0_i32 = arith.constant 0 : i32
    %c0_i32_0 = arith.constant 0 : i32
    return %arg0, %c0_i32 : i32, i32
  }
  func.func @transform_5(%arg0: i32) -> (i32, i32) {
    %c0_i32 = arith.constant 0 : i32
    %c0_i32_0 = arith.constant 0 : i32
    return %arg0, %c0_i32 : i32, i32
  }
  func.func @transform_6(%arg0: i32) -> (i32, i32) {
    %c0_i32 = arith.constant 0 : i32
    %c0_i32_0 = arith.constant 0 : i32
    %c0_i32_1 = arith.constant 0 : i32
    return %c0_i32, %c0_i32_0 : i32, i32
  }
  func.func @transform_7(%arg0: i32) -> i32 {
    %c0_i32 = arith.constant 0 : i32
    %c0_i32_0 = arith.constant 0 : i32
    return %c0_i32 : i32
  }
  func.func @transform_8(%arg0: i32) -> (i32, i32) {
    %c0_i32 = arith.constant 0 : i32
    %c0_i32_0 = arith.constant 0 : i32
    return %arg0, %c0_i32 : i32, i32
  }
  func.func @transform_9(%arg0: i32) -> (i32, i32) {
    %c0_i32 = arith.constant 0 : i32
    %c0_i32_0 = arith.constant 0 : i32
    return %arg0, %c0_i32 : i32, i32
  }
  func.func @transform_10(%arg0: i32) -> (i32, i32) {
    %c0_i32 = arith.constant 0 : i32
    %c0_i32_0 = arith.constant 0 : i32
    return %arg0, %c0_i32 : i32, i32
  }
}

</mosaic_0001>

<sc_bundles>
// kernel: kernel.14.cloned.1.call-start
scs
__scs_entry_jumppad:
0x0: {  	(pc) =	sbr.rel $0x88, $3  }
0x1: {  	(tag) =	ssettag $0x0;
	lr =	simm.s32 $0x1  }
0x2: {  	[smem:$0x3F9B] =	sst lr;
	_ =	strace $0xD0000000  }
0x3: {  	_ = 	snop  }
0x4: {  	_ = 	snop  }
0x5: {  	_ = 	snop  }
0x6: {  	_ = 	snop  }
0x7: {  	_ = 	snop  }
__scs_overlays_trampoline_lowered:
0x8: {  	[smem:$0x3FAA] =	sst s0  }
0x9: {  	[smem:$0x3FAB] =	sst s1  }
0xa: {  	[smem:$0x3FAC] =	sst s2  }
0xb: {  	[smem:$0x3FAD] =	sst s3  }
0xc: {  	[smem:$0x3FAE] =	sst s4  }
0xd: {  	[smem:$0x3FAF] =	sst s5  }
0xe: {  	[smem:$0x3FB0] =	sst s6  }
0xf: {  	[smem:$0x3FB1] =	sst s7  }
0x10: {  	[smem:$0x3FB2] =	sst s8  }
0x11: {  	[smem:$0x3FB3] =	sst s9;
	s0 =	simm.s32 @!p0 $0x0  }
0x12: {  	s1 =	sld [smem:$0x3F99];
	s0 =	simm.s32 @p0 $0x1  }
0x13: {  	[smem:$0x3FB4] =	sst s0;
	s0 =	simm.s32 @!p1 $0x0  }
0x14: {  	s2 =	sld [smem:$0x3F98];
	s0 =	simm.s32 @p1 $0x1  }
0x15: {  	[smem:$0x3FB5] =	sst s0;
	s0 =	simm.s32 @!p2 $0x0  }
0x16: {  	s3 =	sld [smem:$0x3FDB];
	s0 =	simm.s32 @p2 $0x1  }
0x17: {  	s4 =	simm.s32 $0x1BF5;
	[smem:$0x3FB7] =	sst s0  }
0x18: {  	s0 =	sld [smem:$0x3F9A];
	_ =	swait.ge [sflag:s4], $0x0  }
0x19: {  	s7 =	sld [smem:$0x3F9B]  }
0x1a: {  	s8 =	sadd.s32 $0xFFFFE003, lr  }
0x1b: {  	s9 =	sadd.s32 $0xFFFFFEF7, lr;
	s5 =	simm.s32 $0xFFFFFFFF;
	p2 =	slt.u32 s8, $0xFFFFF086  }
0x1c: {  	p1 =	slt.u32 s9, $0xF7A;
	s5 =	simm.s32 @!p2 $0x0  }
0x1d: {  	s5 =	simm.s32 @p1 $0x1;
	p0 =	seq.s32 s7, s2  }
0x1e: {  	s7 =	smul.u32 @!p0 $0xF7A, s2;
	p2 =	seq.s32 @!p0 s5, $0x0  }
0x1f: {  	s9 =	smul.u32 $0xF7A, s1;
	s8 =	simm.s32 @!p0 $0x1BF5;
	p2 =	por !p2, p0  }
0x20: {  	[sflag:s8] =	ssyncset.s32 @!p0 $0xFFFFF086;
	s6 =	sadd.s32 @!p0 s3, s7;
	s7 =	simm.s32 @!p0 $0x108  }
0x21: {  	s3 =	sadd.s32 s3, s9;
	s6 =	sadd.s32 @!p0 $0x88, s6;
	s7 =	simm.s32 @p2 $0x1082  }
0x22: {  	[simem:s7], [sflag:s8] =	dma.local @!p0 [hbm:s6], $0xF7A  }
0x23: {  	s9 =	sor.u32 $0xD0000000, s2;
	s6 =	simm.s32 $0x108;
	_ =	swait.ge @!p0 [sflag:s8], $0x0  }
0x24: {  	s3 =	sadd.s32 $0x88, s3;
	s6 =	simm.s32 @!p1 $0x1082;
	[sflag:s4] =	ssyncset.s32 $0xFFFFF086  }
0x25: {  	[simem:s6], [sflag:s4] =	dma.local [hbm:s3], $0xF7A  }
0x26: {  	[smem:$0x3F9B] =	sst s1;
	(tag) =	ssettag s2;
	_ =	strace s9  }
0x27: {  	s1 =	sld [smem:$0x3FAB]  }
0x28: {  	s2 =	sld [smem:$0x3FAC]  }
0x29: {  	s4 =	sld [smem:$0x3FAE]  }
0x2a: {  	p0 =	seq.s32 s5, $0x0;
	s5 =	sld [smem:$0x3FAF]  }
0x2b: {  	s6 =	sld [smem:$0x3FB0]  }
0x2c: {  	s7 =	sld [smem:$0x3FB1]  }
0x2d: {  	s3 =	simm.s32 $0x108;
	s8 =	sld [smem:$0x3FB2]  }
0x2e: {  	s3 =	simm.s32 @!p0 $0x1082;
	s9 =	sld [smem:$0x3FB3]  }
0x2f: {  	lr =	sadd.s32 s0, s3;
	s0 =	sld [smem:$0x3FAA]  }
0x30: {  	s3 =	sld [smem:$0x3FAD]  }
0x31: {  	[smem:$0x3FB6] =	sst s10  }
0x32: {  	s10 =	sld [smem:$0x3FB4];
	_ =	sdelay $0x3  }
0x33: {  	p0 =	seq.s32 s10, $0x1;
	s10 =	sld [smem:$0x3FB6];
	_ =	sdelay $0x3  }
0x34: {  	[smem:$0x3FB6] =	sst s10  }
0x35: {  	s10 =	sld [smem:$0x3FB5];
	_ =	sdelay $0x3  }
0x36: {  	p1 =	seq.s32 s10, $0x1;
	s10 =	sld [smem:$0x3FB6];
	_ =	sdelay $0x3  }
0x37: {  	[smem:$0x3FB6] =	sst s10  }
0x38: {  	s10 =	sld [smem:$0x3FB7]  }
0x39: {  	_ = 	snop;
	(pc) =	sbr.ind lr, $3  }
0x3a: {  	_ = 	snop  }
0x3b: {  	_ = 	snop  }
0x3c: {  	p2 =	seq.s32 s10, $0x1;
	s10 =	sld [smem:$0x3FB6]  }
0x3d: {  	_ =	shalt  }
0x3e: {  	_ =	shalt  }
0x3f: {  	_ =	shalt  }
0x40: {  	_ =	shalt  }
0x41: {  	_ =	shalt  }
0x42: {  	_ =	shalt  }
0x43: {  	_ =	shalt  }
0x44: {  	_ =	shalt  }
0x45: {  	_ =	shalt  }
0x46: {  	_ =	shalt  }
0x47: {  	_ =	shalt  }
0x48: {  	_ =	shalt  }
0x49: {  	_ =	shalt  }
0x4a: {  	_ =	shalt  }
0x4b: {  	_ =	shalt  }
0x4c: {  	_ =	shalt  }
0x4d: {  	_ =	shalt  }
0x4e: {  	_ =	shalt  }
0x4f: {  	_ =	shalt  }
0x50: {  	_ =	shalt  }
0x51: {  	_ =	shalt  }
0x52: {  	_ =	shalt  }
0x53: {  	_ =	shalt  }
0x54: {  	_ =	shalt  }
0x55: {  	_ =	shalt  }
0x56: {  	_ =	shalt  }
0x57: {  	_ =	shalt  }
0x58: {  	_ =	shalt  }
0x59: {  	_ =	shalt  }
0x5a: {  	_ =	shalt  }
0x5b: {  	_ =	shalt  }
0x5c: {  	_ =	shalt  }
0x5d: {  	_ =	shalt  }
0x5e: {  	_ =	shalt  }
0x5f: {  	_ =	shalt  }
0x60: {  	_ =	shalt  }
0x61: {  	_ =	shalt  }
0x62: {  	_ =	shalt  }
0x63: {  	_ =	shalt  }
0x64: {  	_ =	shalt  }
0x65: {  	_ =	shalt  }
0x66: {  	_ =	shalt  }
0x67: {  	_ =	shalt  }
0x68: {  	_ =	shalt  }
0x69: {  	_ =	shalt  }
0x6a: {  	_ =	shalt  }
0x6b: {  	_ =	shalt  }
0x6c: {  	_ =	shalt  }
0x6d: {  	_ =	shalt  }
0x6e: {  	_ =	shalt  }
0x6f: {  	_ =	shalt  }
0x70: {  	_ =	shalt  }
0x71: {  	_ =	shalt  }
0x72: {  	_ =	shalt  }
0x73: {  	_ =	shalt  }
0x74: {  	_ =	shalt  }
0x75: {  	_ =	shalt  }
0x76: {  	_ =	shalt  }
0x77: {  	_ =	shalt  }
0x78: {  	_ =	shalt  }
0x79: {  	_ =	shalt  }
0x7a: {  	_ =	shalt  }
0x7b: {  	_ =	shalt  }
0x7c: {  	_ =	shalt  }
0x7d: {  	_ =	shalt  }
0x7e: {  	_ =	shalt  }
0x7f: {  	_ =	shalt  }
0x80: {  	_ =	shalt  }
0x81: {  	_ =	shalt  }
0x82: {  	_ =	shalt  }
0x83: {  	_ =	shalt  }
0x84: {  	_ =	shalt  }
0x85: {  	_ =	shalt  }
0x86: {  	_ =	shalt  }
0x87: {  	_ =	shalt  }
.Lfunc_end0:
.L_simem_size_0:
called_computation_lowered:
.L_overlay_start_0:
0x88: {  	s2 =	sld [smem:$0x3FD9]  }
0x89: {  	s3 =	sld [smem:$0x3FFE];
	_ =	sdelay $0x1  }
0x8a: {  	s1 =	srdreg.scid  }
0x8b: {  	s0 =	sand.u32 $0x1, s1  }
0x8c: {  	s14 =	sshll.u32 s0, $0xA;
	s2 =	sadd.s32 s3, s2  }
0x8d: {  	s2 =	sadd.s32 s2, s14  }
0x8e: {  	[smem:$0x3FC2] =	sst s2  }
0x8f: {  	_ = 	snop  }
0x90: {  	s2 =	sld [smem:$0x3FD0];
	_ =	sdelay $0x2  }
0x91: {  	s15 =	simm.s32 $0xA;
	s4 =	simm.s32 $0x10  }
0x92: {  	[smem:s4], [sflag:s15] =	dma.local [hbm:s2], $0x1  }
0x93: {  	_ =	swait.eq [sflag:s15], $0x1  }
0x94: {  	[sflag:s15] =	ssyncset.done $0x0  }
0x95: {  	s16 =	sld [smem:$0x11];
	[sflag:s15] =	ssyncadd.s32 $0xFFFFFFFF  }
0x96: {  	s17 =	sld [smem:$0x12];
	(tm) =	ssettm $0x1  }
0x97: {  	s18 =	sld [smem:$0x3FFB];
	_ =	sdelay $0x3  }
0x98: {  	_ =	strace s18  }
0x99: {  	s4 =	sld [smem:$0x3FFC];
	_ =	sdelay $0x3  }
0x9a: {  	_ =	strace s4  }
0x9b: {  	s4 =	sld [smem:$0x3FFD];
	_ =	sdelay $0x3  }
0x9c: {  	_ =	strace s4  }
0x9d: {  	_ =	strace $0x8FFFFFFF  }
0x9e: {  	s19 =	sld [smem:$0x3FDB];
	_ =	sdelay $0x1  }
0x9f: {  	s5 =	simm.s32 $_scs_section_size  }
0xa0: {  	s6 =	simm.s32 $_size__tile_overlayer_lowered;
	s7 =	simm.s32 $_tile_overlayer_lowered  }
0xa1: {  	s22 =	simm.s32 $0x1BFF;
	s21 =	sshll.u32 s7, $0x1;
	s4 =	sadd.s32 s5, s19  }
0xa2: {  	s8 =	simm.s32 $0x0;
	s20 =	sshll.u32 s6, $0x1;
	s6 =	sadd.s32 s21, s4  }
0xa3: {  	[timem:s8], [sflag:s22] =	dma.local [hbm:s6], s20  }
0xa4: {  	_ =	swait.ge [sflag:s22], s20  }
0xa5: {  	s5 =	ssub.s32 $0x0, s20;
	[sflag:s22] =	ssyncset.done $0x0  }
0xa6: {  	[sflag:s22] =	ssyncadd.s32 s5;
	_ =	sdelay $0x1  }
0xa7: {  	s23 =	simm.s32 $0x1B8B  }
0xa8: {  	_ =	swait.ge [sflag:s23], $0x1  }
0xa9: {  	[sflag:s23] =	ssyncset.done $0x0  }
0xaa: {  	s25 =	simm.s32 $0x1B8E;
	s24 =	sld [smem:$0x3FFE];
	[sflag:s23] =	ssyncadd.s32 $0xFFFFFFFF  }
0xab: {  	s26 =	simm.s32 $execute0_lowered;
	[smem:$0x3FD2] =	sst s25  }
0xac: {  	s6 =	sshll.u32 s26, $0x1;
	_ =	strace $0x80000046;
	[dreg:$0x1] =	wrdreg $0xFFFFFFFF  }
0xad: {  	s28 =	simm.s32 $_size_execute0_lowered;
	s4 =	sadd.s32 s4, s6;
	[dreg:$0x0] =	wrdreg $0x0  }
0xae: {  	s6 =	sshll.u32 s28, $0x1;
	[dreg:$0x2] =	wrdreg s4  }
0xaf: {  	[dreg:$0x3] =	wrdreg s6  }
0xb0: {  	[dreg:$0x4] =	wrdreg $0xC0  }
0xb1: {  	_ =	task [dreg:s8], $0x5FFFF  }
0xb2: {  	[dreg:$0x1] =	wrdreg $0xFFFFFFFF  }
0xb3: {  	[dreg:$0x0] =	wrdreg $0x60  }
0xb4: {  	[dreg:$0x2] =	wrdreg s24  }
0xb5: {  	[dreg:$0x3] =	wrdreg s17  }
0xb6: {  	[dreg:$0x4] =	wrdreg s16  }
0xb7: {  	[dreg:$0x5] =	wrdreg $0x54000  }
0xb8: {  	[dreg:$0x6] =	wrdreg $0x9  }
0xb9: {  	_ =	task.clear_ibuf [dreg:s8], $0x7FFFF;
	_ =	strace $0x90000046  }
0xba: {  	s29 =	simm.s32 $0x9;
	_ =	strace $0x80000048  }
0xbb: {  	_ =	swait.ge [sflag:s29], $0x1  }
0xbc: {  	[sflag:s29] =	ssyncadd.s32 $0xFFFFFFFF  }
0xbd: {  	_ =	strace $0x90000048  }
0xbe: {  	_ =	sfence  }
0xbf: {  	s30 =	sld [smem:$0x0];
	_ =	sdelay $0x2  }
0xc0: {  	s31 =	sshll.u32 s1, $0xD;
	s1 =	sshrl.u32 s1, $0x2  }
0xc1: {  	s3 =	sand.u32 $0x4000, s31;
	s1 =	sadd.s32 s1, s30  }
0xc2: {  	s0 =	sor.u32 s3, s0;
	s1 =	sshll.u32 s1, $0x11  }
0xc3: {  	s0 =	sor.u32 s1, s0  }
0xc4: {  	s0 =	sadd.s32 $0x8F2B, s0  }
0xc5: {  	[sflag:s0] =	ssyncadd.remote.s32 $0x1  }
0xc6: {  	_ =	sfence.sel $0xFFFF  }
0xc7: {  	[dreg:$0x0] =	wrdreg $0xFFFFFFFF;
	(pc) =	sbr.abs _section_cstart, $3  }
0xc8: {  	[dreg:$0x1] =	wrdreg $0xFFFFFFFF  }
0xc9: {  	_ =	task.clear_ibuf [dreg:s8], $0x2FFFF;
	_ =	strace $0x9FFFFFFF  }
0xca: {  	(tm) =	ssettm $0x7FFFFFFF  }
0xcb: {  	_ =	shalt  }
tec
execute0_lowered:
.L_overlay_start_1:
0x0: {  	(tag) =	ssettag $0x1  }
0x1: {  	s5 =	rddreg [dreg:$0x0]  }
0x2: {  	s2 =	rddreg [dreg:$0x1]  }
0x3: {  	s8 =	rddreg [dreg:$0x2]  }
0x4: {  	s3 =	rddreg [dreg:$0x3];
	s1 =	stileid.u32  }
0x5: {  	s0 =	rddreg [dreg:$0x4];
	s6 =	smul.u32 $0x2800, s1  }
0x6: {  	s4 =	simm.s32 $0x0;
	s7 =	srdreg.scid;
	s10 =	smul.u32 $0x4F000, s1  }
0x7: {  	s15 =	simm.s32 $0x80;
	s18 =	simm.s32 $0x0;
	s26 =	smul.u32 $0x13800, s1  }
0x8: {  	[smem:$0x7FF] =	sst s4;
	s7 =	sand.u32 $0x1, s7;
	s13 =	smul.u32 $0x4E000, s1  }
0x9: {  	s17 =	sadd.s32 $0x138000, s3;
	s31 =	sshll.u32 s1, $0x6;
	p0 =	sne.s32 s1, $0xF  }
0xa: {  	_ =	strace $0x80000047;
	s24 =	ssub.s32 $0x2, s7;
	s12 =	smul.u32 $0x138800, s7  }
0xb: {  	s17 =	sshrl.u32 @!p0 s17, $0x3;
	s6 =	sshrl.u32 s6, $0x3;
	s11 =	sshrl.u32 s24, $0x1  }
0xc: {  	s25 =	sshrl.u32 s10, $0x2;
	s30 =	sshrl.u32 s13, $0x2;
	s13 =	sor.u32 $0x1C01, s31  }
0xd: {  	s9 =	sadd.s32 s6, s5;
	s5 =	sadd.s32 $0x9400, s5;
	s11 =	ssub.s32 s24, s11  }
0xe: {  	s14 =	sadd.s32 s25, s3;
	s28 =	sadd.s32 s26, s12;
	s29 =	sshrl.u32 s12, $0x3  }
0xf: {  	s16 =	sadd.s32 s30, s3;
	s12 =	simm.s32 $0x1;
	s6 =	sadd.s32 $0x4400, s9  }
0x10: {  	s7 =	sadd.s32 $0x4680, s9;
	s9 =	sshrl.u32 s28, $0x3;
	s10 =	sadd.s32 s8, s29  }
0x11: {  	s14 =	sshrl.u32 s14, $0x3;
	s16 =	sshrl.u32 s16, $0x3;
	s8 =	sadd.s32 s8, s9  }
0x12: {  	s9 =	sadd.s32 $0x27000, s10;
	s10 =	smax.u32 s11, $0x1;
	s11 =	simm.s32 $0x1400  }
.LBB2_1:
0x13: {  	[tilespmem:s11], [sflag:$0x1] =	stream.linear.gather [hbm4b:s2+s4], $0x4000, $0x38;
	[tilespmem:$0x19000] =	vst v63  }
0x14: {  	_ =	swait.ge [sflag:s12], $0x4000  }
0x15: {  	[sflag:s12] =	ssyncset.done $0x0  }
0x16: {  	[sflag:s12] =	ssyncadd.s32 $0xFFFFC000  }
0x17: {  	[spmem:s14], [sflag:s13] =	dma.local [hbm:s5], $0x2780  }
0x18: {  	_ =	swait.ge [sflag:s12], $0x2780  }
0x19: {  	[sflag:s12] =	ssyncset.done $0x0  }
0x1a: {  	[sflag:s12] =	ssyncadd.s32 $0xFFFFD880  }
0x1b: {  	[bflag:$0x0] =	sbarrier.arrive $0xFFFF  }
0x1c: {  	[tilespmem:s4], [sflag:$0x1] =	stream.linear.gather [hbm4b:s6+s4], $0x1400, $0x38;
	[tilespmem:$0x19000] =	vst v63  }
0x1d: {  	_ =	swait.ge [sflag:s12], $0x1400  }
0x1e: {  	[sflag:s12] =	ssyncset.done $0x0  }
0x1f: {  	s19 =	simm.s32 $0x0;
	[sflag:s12] =	ssyncadd.s32 $0xFFFFEC00  }
0x20: {  	[spmem:s3] =	stream.indirect.scatter.add.f32 [tilespmem:s11], [sflag:$0x1], $0x80, s19, s15, $0xb8;
	[tilespmem:$0x19000] =	vst v63  }
0x21: {  	_ =	swait.ge [sflag:s12], $0x4000  }
0x22: {  	s19 =	simm.s32 $0x200;
	[sflag:s12] =	ssyncset.done $0x0  }
.LBB2_2:
0x23: {  	s20 =	sshra.s32 s19, $0x2;
	[sflag:s12] =	ssyncadd.s32 $0xFFFFC000;
	p1 =	sne.s32 s19, $0x4E00  }
0x24: {  	[spmem:s3] =	stream.indirect.scatter.add.f32 [tilespmem:s11], [sflag:$0x1], $0x80, s20, s15, $0xb8;
	[tilespmem:$0x19000] =	vst v63  }
.Ltmp0:
0x25: {  	_ = 	snop;
	(pc) =	sbr.rel @p1 .LBB2_2-.Ltmp0, $4  }
0x26: {  	_ = 	snop  }
0x27: {  	s19 =	sadd.s32 $0x200, s19  }
0x28: {  	_ =	swait.ge [sflag:s12], $0x4000  }
0x29: {  	[sflag:s12] =	ssyncset.done $0x0  }
0x2a: {  	[sflag:s12] =	ssyncadd.s32 $0xFFFFC000;
	s19 =	simm.s32 $0x0  }
0x2b: {  	[tilespmem:s19], [sflag:$0x1] =	stream.linear.gather [hbm4b:s7+s19], $0x1400, $0x38;
	[tilespmem:$0x19000] =	vst v63  }
0x2c: {  	_ =	swait.ge [sflag:s12], $0x1400  }
0x2d: {  	[sflag:s12] =	ssyncset.done $0x0  }
0x2e: {  	s31 =	simm.s32 $0x0;
	[sflag:s12] =	ssyncadd.s32 $0xFFFFEC00  }
0x2f: {  	[spmem:s3] =	stream.indirect.scatter.add.f32 [tilespmem:s11], [sflag:$0x1], $0x80, s31, s15, $0xb8;
	[tilespmem:$0x19000] =	vst v63  }
0x30: {  	_ =	swait.ge [sflag:s12], $0x4000  }
0x31: {  	s19 =	simm.s32 $0x200;
	[sflag:s12] =	ssyncset.done $0x0  }
.LBB2_4:
0x32: {  	s20 =	sshra.s32 s19, $0x2;
	[sflag:s12] =	ssyncadd.s32 $0xFFFFC000;
	p1 =	sne.s32 s19, $0x4E00  }
0x33: {  	[spmem:s3] =	stream.indirect.scatter.add.f32 [tilespmem:s11], [sflag:$0x1], $0x80, s20, s15, $0xb8;
	[tilespmem:$0x19000] =	vst v63  }
.Ltmp1:
0x34: {  	_ = 	snop;
	(pc) =	sbr.rel @p1 .LBB2_4-.Ltmp1, $4  }
0x35: {  	_ = 	snop  }
0x36: {  	s19 =	sadd.s32 $0x200, s19  }
0x37: {  	_ =	swait.ge [sflag:s12], $0x4000  }
0x38: {  	[sflag:s12] =	ssyncset.done $0x0  }
0x39: {  	[sflag:s12] =	ssyncadd.s32 $0xFFFFC000  }
0x3a: {  	[bflag:$0x0] =	sbarrier.arrive $0xFFFF  }
0x3b: {  	[hbm:s8], [sflag:s13] =	dma.local [spmem:s16], $0x2700  }
0x3c: {  	s18 =	sadd.s32 $0x1, s18;
	_ =	swait.ge [sflag:s12], $0x2700  }
0x3d: {  	p1 =	sne.s32 s18, s10;
	[sflag:s12] =	ssyncset.done $0x0  }
.Ltmp2:
0x3e: {  	s19 =	simm.s32 @!p0 $0x1;
	[sflag:s12] =	ssyncadd.s32 $0xFFFFD900;
	(pc) =	sbr.rel @p1 .LBB2_1-.Ltmp2, $4  }
0x3f: {  	[hbm:s9], [sflag:s13] =	dma.local @!p0 [spmem:s17], $0x100  }
0x40: {  	_ =	swait.ge @!p0 [sflag:s19], $0x100  }
0x41: {  	[sflag:s19] =	ssyncset.done @!p0 $0x0  }
0x42: {  	[sflag:s19] =	ssyncadd.s32 @!p0 $0xFFFFFF00  }
0x43: {  	_ =	sfence.sel $0x180000  }
0x44: {  	[bflag:$0x0] =	sbarrier.arrive $0xFFFF  }
0x45: {  	p0 =	sne.s32 s1, $0x0;
	_ =	strace $0x90000047  }
0x46: {  	s0 =	sadd.s32 @!p0 $0x100000, s0;
	[bflag:$0x2] =	sbarrier.arrive $0xFFFF  }
0x47: {  	[sflag:s0] =	ssyncadd.tile.s32 @!p0 $0x1;
	_ =	shalt  }
.Lfunc_end2:
_tile_overlayer_lowered:
.L_overlay_start_2:
0x48: {  	(tag) =	ssettag $0x2  }
0x49: {  	s0 =	rddreg [dreg:$0x0];
	s2 =	stileid.u32  }
0x4a: {  	s1 =	rddreg [dreg:$0x1];
	p0 =	sne.s32 s2, $0x0  }
0x4b: {  	s3 =	rddreg [dreg:$0x2];
	[bflag:$0x3] =	sbarrier.arrive $0xFFFF;
	s2 =	simm.s32 @!p0 $0x1C01  }
0x4c: {  	[timem:s3], [sflag:s2] =	dma.local @!p0 [hbm:s0], s1  }
0x4d: {  	s0 =	simm.s32 @!p0 $0x1  }
0x4e: {  	_ =	swait.ge @!p0 [sflag:s0], s1  }
0x4f: {  	s1 =	ssub.s32 @!p0 $0x0, s1;
	[sflag:s0] =	ssyncset.done @!p0 $0x0  }
0x50: {  	[sflag:s0] =	ssyncadd.s32 @!p0 s1  }
0x51: {  	[bflag:$0x3] =	sbarrier.arrive $0xFFFF  }
0x52: {  	_ =	shalt  }

// kernel: kernel.17.cloned.1.call-start
scs
__scs_entry_jumppad:
0x0: {  	(pc) =	sbr.rel $0x88, $3  }
0x1: {  	(tag) =	ssettag $0x0;
	lr =	simm.s32 $0x1  }
0x2: {  	[smem:$0x3F9B] =	sst lr;
	_ =	strace $0xD0000000  }
0x3: {  	_ = 	snop  }
0x4: {  	_ = 	snop  }
0x5: {  	_ = 	snop  }
0x6: {  	_ = 	snop  }
0x7: {  	_ = 	snop  }
__scs_overlays_trampoline_lowered:
0x8: {  	[smem:$0x3FAA] =	sst s0  }
0x9: {  	[smem:$0x3FAB] =	sst s1  }
0xa: {  	[smem:$0x3FAC] =	sst s2  }
0xb: {  	[smem:$0x3FAD] =	sst s3  }
0xc: {  	[smem:$0x3FAE] =	sst s4  }
0xd: {  	[smem:$0x3FAF] =	sst s5  }
0xe: {  	[smem:$0x3FB0] =	sst s6  }
0xf: {  	[smem:$0x3FB1] =	sst s7  }
0x10: {  	[smem:$0x3FB2] =	sst s8  }
0x11: {  	[smem:$0x3FB3] =	sst s9;
	s0 =	simm.s32 @!p0 $0x0  }
0x12: {  	s1 =	sld [smem:$0x3F99];
	s0 =	simm.s32 @p0 $0x1  }
0x13: {  	[smem:$0x3FB4] =	sst s0;
	s0 =	simm.s32 @!p1 $0x0  }
0x14: {  	s2 =	sld [smem:$0x3F98];
	s0 =	simm.s32 @p1 $0x1  }
0x15: {  	[smem:$0x3FB5] =	sst s0;
	s0 =	simm.s32 @!p2 $0x0  }
0x16: {  	s3 =	sld [smem:$0x3FDB];
	s0 =	simm.s32 @p2 $0x1  }
0x17: {  	s4 =	simm.s32 $0x1BF5;
	[smem:$0x3FB7] =	sst s0  }
0x18: {  	s0 =	sld [smem:$0x3F9A];
	_ =	swait.ge [sflag:s4], $0x0  }
0x19: {  	s7 =	sld [smem:$0x3F9B]  }
0x1a: {  	s8 =	sadd.s32 $0xFFFFE003, lr  }
0x1b: {  	s9 =	sadd.s32 $0xFFFFFEF7, lr;
	s5 =	simm.s32 $0xFFFFFFFF;
	p2 =	slt.u32 s8, $0xFFFFF086  }
0x1c: {  	p1 =	slt.u32 s9, $0xF7A;
	s5 =	simm.s32 @!p2 $0x0  }
0x1d: {  	s5 =	simm.s32 @p1 $0x1;
	p0 =	seq.s32 s7, s2  }
0x1e: {  	s7 =	smul.u32 @!p0 $0xF7A, s2;
	p2 =	seq.s32 @!p0 s5, $0x0  }
0x1f: {  	s9 =	smul.u32 $0xF7A, s1;
	s8 =	simm.s32 @!p0 $0x1BF5;
	p2 =	por !p2, p0  }
0x20: {  	[sflag:s8] =	ssyncset.s32 @!p0 $0xFFFFF086;
	s6 =	sadd.s32 @!p0 s3, s7;
	s7 =	simm.s32 @!p0 $0x108  }
0x21: {  	s3 =	sadd.s32 s3, s9;
	s6 =	sadd.s32 @!p0 $0x88, s6;
	s7 =	simm.s32 @p2 $0x1082  }
0x22: {  	[simem:s7], [sflag:s8] =	dma.local @!p0 [hbm:s6], $0xF7A  }
0x23: {  	s9 =	sor.u32 $0xD0000000, s2;
	s6 =	simm.s32 $0x108;
	_ =	swait.ge @!p0 [sflag:s8], $0x0  }
0x24: {  	s3 =	sadd.s32 $0x88, s3;
	s6 =	simm.s32 @!p1 $0x1082;
	[sflag:s4] =	ssyncset.s32 $0xFFFFF086  }
0x25: {  	[simem:s6], [sflag:s4] =	dma.local [hbm:s3], $0xF7A  }
0x26: {  	[smem:$0x3F9B] =	sst s1;
	(tag) =	ssettag s2;
	_ =	strace s9  }
0x27: {  	s1 =	sld [smem:$0x3FAB]  }
0x28: {  	s2 =	sld [smem:$0x3FAC]  }
0x29: {  	s4 =	sld [smem:$0x3FAE]  }
0x2a: {  	p0 =	seq.s32 s5, $0x0;
	s5 =	sld [smem:$0x3FAF]  }
0x2b: {  	s6 =	sld [smem:$0x3FB0]  }
0x2c: {  	s7 =	sld [smem:$0x3FB1]  }
0x2d: {  	s3 =	simm.s32 $0x108;
	s8 =	sld [smem:$0x3FB2]  }
0x2e: {  	s3 =	simm.s32 @!p0 $0x1082;
	s9 =	sld [smem:$0x3FB3]  }
0x2f: {  	lr =	sadd.s32 s0, s3;
	s0 =	sld [smem:$0x3FAA]  }
0x30: {  	s3 =	sld [smem:$0x3FAD]  }
0x31: {  	[smem:$0x3FB6] =	sst s10  }
0x32: {  	s10 =	sld [smem:$0x3FB4];
	_ =	sdelay $0x3  }
0x33: {  	p0 =	seq.s32 s10, $0x1;
	s10 =	sld [smem:$0x3FB6];
	_ =	sdelay $0x3  }
0x34: {  	[smem:$0x3FB6] =	sst s10  }
0x35: {  	s10 =	sld [smem:$0x3FB5];
	_ =	sdelay $0x3  }
0x36: {  	p1 =	seq.s32 s10, $0x1;
	s10 =	sld [smem:$0x3FB6];
	_ =	sdelay $0x3  }
0x37: {  	[smem:$0x3FB6] =	sst s10  }
0x38: {  	s10 =	sld [smem:$0x3FB7]  }
0x39: {  	_ = 	snop;
	(pc) =	sbr.ind lr, $3  }
0x3a: {  	_ = 	snop  }
0x3b: {  	_ = 	snop  }
0x3c: {  	p2 =	seq.s32 s10, $0x1;
	s10 =	sld [smem:$0x3FB6]  }
0x3d: {  	_ =	shalt  }
0x3e: {  	_ =	shalt  }
0x3f: {  	_ =	shalt  }
0x40: {  	_ =	shalt  }
0x41: {  	_ =	shalt  }
0x42: {  	_ =	shalt  }
0x43: {  	_ =	shalt  }
0x44: {  	_ =	shalt  }
0x45: {  	_ =	shalt  }
0x46: {  	_ =	shalt  }
0x47: {  	_ =	shalt  }
0x48: {  	_ =	shalt  }
0x49: {  	_ =	shalt  }
0x4a: {  	_ =	shalt  }
0x4b: {  	_ =	shalt  }
0x4c: {  	_ =	shalt  }
0x4d: {  	_ =	shalt  }
0x4e: {  	_ =	shalt  }
0x4f: {  	_ =	shalt  }
0x50: {  	_ =	shalt  }
0x51: {  	_ =	shalt  }
0x52: {  	_ =	shalt  }
0x53: {  	_ =	shalt  }
0x54: {  	_ =	shalt  }
0x55: {  	_ =	shalt  }
0x56: {  	_ =	shalt  }
0x57: {  	_ =	shalt  }
0x58: {  	_ =	shalt  }
0x59: {  	_ =	shalt  }
0x5a: {  	_ =	shalt  }
0x5b: {  	_ =	shalt  }
0x5c: {  	_ =	shalt  }
0x5d: {  	_ =	shalt  }
0x5e: {  	_ =	shalt  }
0x5f: {  	_ =	shalt  }
0x60: {  	_ =	shalt  }
0x61: {  	_ =	shalt  }
0x62: {  	_ =	shalt  }
0x63: {  	_ =	shalt  }
0x64: {  	_ =	shalt  }
0x65: {  	_ =	shalt  }
0x66: {  	_ =	shalt  }
0x67: {  	_ =	shalt  }
0x68: {  	_ =	shalt  }
0x69: {  	_ =	shalt  }
0x6a: {  	_ =	shalt  }
0x6b: {  	_ =	shalt  }
0x6c: {  	_ =	shalt  }
0x6d: {  	_ =	shalt  }
0x6e: {  	_ =	shalt  }
0x6f: {  	_ =	shalt  }
0x70: {  	_ =	shalt  }
0x71: {  	_ =	shalt  }
0x72: {  	_ =	shalt  }
0x73: {  	_ =	shalt  }
0x74: {  	_ =	shalt  }
0x75: {  	_ =	shalt  }
0x76: {  	_ =	shalt  }
0x77: {  	_ =	shalt  }
0x78: {  	_ =	shalt  }
0x79: {  	_ =	shalt  }
0x7a: {  	_ =	shalt  }
0x7b: {  	_ =	shalt  }
0x7c: {  	_ =	shalt  }
0x7d: {  	_ =	shalt  }
0x7e: {  	_ =	shalt  }
0x7f: {  	_ =	shalt  }
0x80: {  	_ =	shalt  }
0x81: {  	_ =	shalt  }
0x82: {  	_ =	shalt  }
0x83: {  	_ =	shalt  }
0x84: {  	_ =	shalt  }
0x85: {  	_ =	shalt  }
0x86: {  	_ =	shalt  }
0x87: {  	_ =	shalt  }
.Lfunc_end0:
.L_simem_size_0:
called_computation.1_lowered:
.L_overlay_start_0:
0x88: {  	s2 =	sld [smem:$0x3FD9]  }
0x89: {  	s3 =	sld [smem:$0x3FFE];
	_ =	sdelay $0x1  }
0x8a: {  	s1 =	srdreg.scid  }
0x8b: {  	s0 =	sand.u32 $0x1, s1  }
0x8c: {  	s14 =	sshll.u32 s0, $0xA;
	s2 =	sadd.s32 s3, s2  }
0x8d: {  	s2 =	sadd.s32 s2, s14  }
0x8e: {  	[smem:$0x3FC2] =	sst s2  }
0x8f: {  	_ = 	snop  }
0x90: {  	s2 =	sld [smem:$0x3FD0];
	_ =	sdelay $0x2  }
0x91: {  	s15 =	simm.s32 $0xA;
	s4 =	simm.s32 $0x10  }
0x92: {  	[smem:s4], [sflag:s15] =	dma.local [hbm:s2], $0x1  }
0x93: {  	_ =	swait.eq [sflag:s15], $0x1  }
0x94: {  	[sflag:s15] =	ssyncset.done $0x0  }
0x95: {  	s16 =	sld [smem:$0x10];
	[sflag:s15] =	ssyncadd.s32 $0xFFFFFFFF  }
0x96: {  	s17 =	sld [smem:$0x11];
	(tm) =	ssettm $0x1  }
0x97: {  	s18 =	sld [smem:$0x3FFB];
	_ =	sdelay $0x3  }
0x98: {  	_ =	strace s18  }
0x99: {  	s4 =	sld [smem:$0x3FFC];
	_ =	sdelay $0x3  }
0x9a: {  	_ =	strace s4  }
0x9b: {  	s4 =	sld [smem:$0x3FFD];
	_ =	sdelay $0x3  }
0x9c: {  	_ =	strace s4  }
0x9d: {  	_ =	strace $0x8FFFFFFF  }
0x9e: {  	s19 =	sld [smem:$0x3FDB];
	_ =	sdelay $0x1  }
0x9f: {  	s5 =	simm.s32 $_scs_section_size  }
0xa0: {  	s6 =	simm.s32 $_size__tile_overlayer_lowered;
	s7 =	simm.s32 $_tile_overlayer_lowered  }
0xa1: {  	s22 =	simm.s32 $0x1BFF;
	s21 =	sshll.u32 s7, $0x1;
	s4 =	sadd.s32 s5, s19  }
0xa2: {  	s8 =	simm.s32 $0x0;
	s20 =	sshll.u32 s6, $0x1;
	s6 =	sadd.s32 s21, s4  }
0xa3: {  	[timem:s8], [sflag:s22] =	dma.local [hbm:s6], s20  }
0xa4: {  	_ =	swait.ge [sflag:s22], s20  }
0xa5: {  	s5 =	ssub.s32 $0x0, s20;
	[sflag:s22] =	ssyncset.done $0x0  }
0xa6: {  	[sflag:s22] =	ssyncadd.s32 s5;
	_ =	sdelay $0x1  }
0xa7: {  	s23 =	simm.s32 $0x1B8B  }
0xa8: {  	_ =	swait.ge [sflag:s23], $0x1  }
0xa9: {  	[sflag:s23] =	ssyncset.done $0x0  }
0xaa: {  	s25 =	simm.s32 $0x1B8E;
	s24 =	sld [smem:$0x3FFE];
	[sflag:s23] =	ssyncadd.s32 $0xFFFFFFFF  }
0xab: {  	s26 =	simm.s32 $execute0_lowered;
	[smem:$0x3FD2] =	sst s25  }
0xac: {  	s6 =	sshll.u32 s26, $0x1;
	_ =	strace $0x80000049;
	[dreg:$0x1] =	wrdreg $0xFFFFFFFF  }
0xad: {  	s28 =	simm.s32 $_size_execute0_lowered;
	s4 =	sadd.s32 s4, s6;
	[dreg:$0x0] =	wrdreg $0x0  }
0xae: {  	s6 =	sshll.u32 s28, $0x1;
	[dreg:$0x2] =	wrdreg s4  }
0xaf: {  	[dreg:$0x3] =	wrdreg s6  }
0xb0: {  	[dreg:$0x4] =	wrdreg $0xC0  }
0xb1: {  	_ =	task [dreg:s8], $0x5FFFF  }
0xb2: {  	[dreg:$0x1] =	wrdreg $0xFFFFFFFF  }
0xb3: {  	[dreg:$0x0] =	wrdreg $0x60  }
0xb4: {  	[dreg:$0x2] =	wrdreg s17  }
0xb5: {  	[dreg:$0x3] =	wrdreg s16  }
0xb6: {  	[dreg:$0x4] =	wrdreg s24  }
0xb7: {  	[dreg:$0x5] =	wrdreg $0xA8000  }
0xb8: {  	[dreg:$0x6] =	wrdreg $0x9  }
0xb9: {  	_ =	task.clear_ibuf [dreg:s8], $0x7FFFF;
	_ =	strace $0x90000049  }
0xba: {  	s29 =	simm.s32 $0x9;
	_ =	strace $0x8000004B  }
0xbb: {  	_ =	swait.ge [sflag:s29], $0x1  }
0xbc: {  	[sflag:s29] =	ssyncadd.s32 $0xFFFFFFFF  }
0xbd: {  	_ =	strace $0x9000004B  }
0xbe: {  	_ =	sfence  }
0xbf: {  	s30 =	sld [smem:$0x0];
	_ =	sdelay $0x2  }
0xc0: {  	s31 =	sshll.u32 s1, $0xD;
	s1 =	sshrl.u32 s1, $0x2  }
0xc1: {  	s3 =	sand.u32 $0x4000, s31;
	s1 =	sadd.s32 s1, s30  }
0xc2: {  	s0 =	sor.u32 s3, s0;
	s1 =	sshll.u32 s1, $0x11  }
0xc3: {  	s0 =	sor.u32 s1, s0  }
0xc4: {  	s0 =	sadd.s32 $0x8F2B, s0  }
0xc5: {  	[sflag:s0] =	ssyncadd.remote.s32 $0x1  }
0xc6: {  	_ =	sfence.sel $0xFFFF  }
0xc7: {  	[dreg:$0x0] =	wrdreg $0xFFFFFFFF;
	(pc) =	sbr.abs _section_cstart, $3  }
0xc8: {  	[dreg:$0x1] =	wrdreg $0xFFFFFFFF  }
0xc9: {  	_ =	task.clear_ibuf [dreg:s8], $0x2FFFF;
	_ =	strace $0x9FFFFFFF  }
0xca: {  	(tm) =	ssettm $0x7FFFFFFF  }
0xcb: {  	_ =	shalt  }
tec
execute0_lowered:
.L_overlay_start_1:
0x0: {  	(tag) =	ssettag $0x1  }
0x1: {  	s2 =	rddreg [dreg:$0x0]  }
0x2: {  	s0 =	rddreg [dreg:$0x1]  }
0x3: {  	s1 =	rddreg [dreg:$0x2]  }
0x4: {  	s3 =	rddreg [dreg:$0x3];
	s23 =	stileid.u32;
	s4 =	simm.s32 $0x0  }
0x5: {  	s7 =	srdreg.scid;
	s28 =	simm.s32 $0x1380;
	s29 =	simm.s32 $0x13C0  }
0x6: {  	s30 =	simm.s32 $0x2700;
	s31 =	simm.s32 $0x2780;
	s5 =	smul.u32 $0x2800, s23  }
0x7: {  	[smem:$0x7FF] =	sst s4;
	s15 =	sand.u32 $0x1, s7;
	s16 =	smul.u32 $0x4F000, s23  }
0x8: {  	s8 =	sadd.s32 $0x9400, s1;
	s18 =	sshll.u32 s23, $0x6;
	s20 =	smul.u32 $0x13800, s23  }
0x9: {  	s24 =	smul.u32 $0x4E000, s23;
	p0 =	sne.s32 s23, $0xF;
	s23 =	simm.s32 $0x80  }
0xa: {  	_ =	strace $0x8000004A;
	[dreg:$0x5] =	wrdreg s8;
	s9 =	smul.u32 $0x28000, s15  }
0xb: {  	s17 =	ssub.s32 $0x2, s15;
	s19 =	smul.u32 $0x138800, s15;
	s15 =	simm.s32 $0x3  }
0xc: {  	s6 =	sshrl.u32 s5, $0x3;
	s11 =	sshrl.u32 s17, $0x1;
	s7 =	sshrl.u32 s16, $0x2  }
0xd: {  	s16 =	simm.s32 $0x1400;
	s10 =	sadd.s32 s6, s1;
	s1 =	sadd.s32 $0xBC00, s1  }
0xe: {  	s13 =	ssub.s32 s17, s11;
	s14 =	sadd.s32 s7, s3;
	s5 =	sadd.s32 s5, s9  }
0xf: {  	s6 =	sor.u32 $0x1C03, s18;
	s11 =	sshrl.u32 s19, $0x3;
	s17 =	simm.s32 $0x40  }
0x10: {  	s18 =	simm.s32 $0x2800;
	s5 =	sshrl.u32 s5, $0x3;
	s21 =	sadd.s32 $0x4400, s10  }
0x11: {  	s25 =	sadd.s32 $0x4680, s10;
	s12 =	sadd.s32 s1, s11;
	s13 =	smax.u32 s13, $0x1  }
0x12: {  	s14 =	sshrl.u32 s14, $0x3;
	s7 =	sadd.s32 s0, s5;
	[dreg:$0x6] =	wrdreg s21  }
0x13: {  	[dreg:$0x8] =	wrdreg s25;
	s0 =	sadd.s32 s20, s19;
	s5 =	sshrl.u32 s24, $0x2  }
0x14: {  	s12 =	sadd.s32 $0x27000, s12;
	s19 =	simm.s32 $0x4800;
	s20 =	simm.s32 $0x6800  }
0x15: {  	s21 =	simm.s32 $0x8800;
	s22 =	sadd.s32 $0x280, s7;
	s0 =	sshrl.u32 s0, $0x3  }
0x16: {  	s26 =	sadd.s32 s5, s3;
	[dreg:$0x7] =	wrdreg s22;
	s11 =	sadd.s32 s1, s0  }
0x17: {  	s1 =	sadd.s32 $0x138000, s3;
	s22 =	simm.s32 $0x1;
	s24 =	sshrl.u32 s26, $0x3  }
0x18: {  	s26 =	simm.s32 $0x2;
	s0 =	simm.s32 $0x0;
	s25 =	sshrl.u32 @!p0 s1, $0x3  }
.LBB2_1:
0x19: {  	s1 =	rddreg [dreg:$0x5]  }
0x1a: {  	[spmem:s14], [sflag:s6] =	dma.local [hbm:s1], $0x2780  }
0x1b: {  	_ =	swait.ge [sflag:s15], $0x2780  }
0x1c: {  	[sflag:s15] =	ssyncset.done $0x0  }
0x1d: {  	[sflag:s15] =	ssyncadd.s32 $0xFFFFD880  }
0x1e: {  	[bflag:$0x0] =	sbarrier.arrive $0xFFFF  }
0x1f: {  	[tilespmem:s4], [sflag:$0x3] =	stream.linear.gather [hbm4b:s7+s4], $0x1400, $0x38;
	[tilespmem:$0x1E400] =	vst v63  }
0x20: {  	_ =	swait.ge [sflag:s15], $0x1400  }
0x21: {  	[sflag:s15] =	ssyncset.done $0x0  }
0x22: {  	s8 =	rddreg [dreg:$0x6];
	[sflag:s15] =	ssyncadd.s32 $0xFFFFEC00  }
0x23: {  	[tilespmem:s16], [sflag:$0x3] =	stream.linear.gather [hbm4b:s8+s4], $0x1400, $0x38;
	[tilespmem:$0x1E400] =	vst v63  }
0x24: {  	_ =	swait.ge [sflag:s15], $0x1400  }
0x25: {  	[sflag:s15] =	ssyncset.done $0x0  }
0x26: {  	[sflag:s15] =	ssyncadd.s32 $0xFFFFEC00  }
0x27: {  	[tilespmem:s18], [sflag:$0x1] =	stream.indirect.gather [hbm4b:s2+s17], $0x80, s4, s17, $0xb8;
	[tilespmem:$0x1E400] =	vst v63  }
0x28: {  	_ = 	snop  }
0x29: {  	[tilespmem:s19], [sflag:$0x1] =	stream.indirect.gather [hbm4b:s2+s17], $0x80, s17, s17, $0xb8;
	[tilespmem:$0x1E400] =	vst v63  }
0x2a: {  	s9 =	simm.s32 $0x80  }
0x2b: {  	[tilespmem:s20], [sflag:$0x2] =	stream.indirect.gather [hbm4b:s2+s17], $0x80, s9, s17, $0xb8;
	[tilespmem:$0x1E400] =	vst v63  }
0x2c: {  	s10 =	simm.s32 $0xC0  }
0x2d: {  	[tilespmem:s21], [sflag:$0x2] =	stream.indirect.gather [hbm4b:s2+s17], $0x80, s10, s17, $0xb8;
	[tilespmem:$0x1E400] =	vst v63  }
0x2e: {  	_ =	swait.ge [sflag:s22], $0x2000  }
0x2f: {  	[sflag:s22] =	ssyncset.done $0x0  }
0x30: {  	[sflag:s22] =	ssyncadd.s32 $0xFFFFE000  }
0x31: {  	_ =	swait.ge [sflag:s22], $0x2000  }
0x32: {  	[sflag:s22] =	ssyncset.done $0x0  }
0x33: {  	s5 =	simm.s32 $0x1400;
	[sflag:s22] =	ssyncadd.s32 $0xFFFFE000  }
0x34: {  	[spmem:s3] =	stream.indirect.scatter.add.f32 [tilespmem:s18], [sflag:$0x3], $0x80, s5, s23, $0xb8;
	[tilespmem:$0x1E400] =	vst v63  }
0x35: {  	_ =	swait.ge [sflag:s15], $0x4000  }
0x36: {  	[sflag:s15] =	ssyncset.done $0x0  }
0x37: {  	s8 =	simm.s32 $0x100;
	[sflag:s15] =	ssyncadd.s32 $0xFFFFC000  }
0x38: {  	[tilespmem:s18], [sflag:$0x1] =	stream.indirect.gather [hbm4b:s2+s17], $0x80, s8, s17, $0xb8;
	[tilespmem:$0x1E400] =	vst v63  }
0x39: {  	s9 =	simm.s32 $0x140  }
0x3a: {  	[tilespmem:s19], [sflag:$0x1] =	stream.indirect.gather [hbm4b:s2+s17], $0x80, s9, s17, $0xb8;
	[tilespmem:$0x1E400] =	vst v63  }
0x3b: {  	_ =	swait.ge [sflag:s26], $0x2000  }
0x3c: {  	[sflag:s26] =	ssyncset.done $0x0  }
0x3d: {  	[sflag:s26] =	ssyncadd.s32 $0xFFFFE000  }
0x3e: {  	_ =	swait.ge [sflag:s26], $0x2000  }
0x3f: {  	[sflag:s26] =	ssyncset.done $0x0  }
0x40: {  	s10 =	simm.s32 $0x1480;
	[sflag:s26] =	ssyncadd.s32 $0xFFFFE000  }
0x41: {  	[spmem:s3] =	stream.indirect.scatter.add.f32 [tilespmem:s20], [sflag:$0x3], $0x80, s10, s23, $0xb8;
	[tilespmem:$0x1E400] =	vst v63  }
0x42: {  	_ =	swait.ge [sflag:s15], $0x4000  }
0x43: {  	s1 =	simm.s32 $0x100;
	s5 =	simm.s32 $0x800;
	[sflag:s15] =	ssyncset.done $0x0  }
.LBB2_2:
0x44: {  	s8 =	sadd.s32 $0x80, s1  }
0x45: {  	[sflag:s15] =	ssyncadd.s32 $0xFFFFC000;
	s9 =	smov.u32 s5;
	s10 =	sadd.s32 $0x400, s5  }
0x46: {  	[tilespmem:s20], [sflag:$0x2] =	stream.indirect.gather [hbm4b:s2+s17], $0x80, s8, s17, $0xb8;
	[tilespmem:$0x1E400] =	vst v63  }
0x47: {  	p1 =	sne.s32 s5, $0x4800;
	s5 =	sadd.s32 $0xC0, s1  }
0x48: {  	[tilespmem:s21], [sflag:$0x2] =	stream.indirect.gather [hbm4b:s2+s17], $0x80, s5, s17, $0xb8;
	[tilespmem:$0x1E400] =	vst v63  }
0x49: {  	_ =	swait.ge [sflag:s22], $0x2000  }
0x4a: {  	[sflag:s22] =	ssyncset.done $0x0  }
0x4b: {  	[sflag:s22] =	ssyncadd.s32 $0xFFFFE000  }
0x4c: {  	_ =	swait.ge [sflag:s22], $0x2000  }
0x4d: {  	[sflag:s22] =	ssyncset.done $0x0  }
0x4e: {  	s5 =	sadd.s32 $0x1400, s1;
	[sflag:s22] =	ssyncadd.s32 $0xFFFFE000  }
0x4f: {  	[spmem:s3] =	stream.indirect.scatter.add.f32 [tilespmem:s18], [sflag:$0x3], $0x80, s5, s23, $0xb8;
	[tilespmem:$0x1E400] =	vst v63  }
0x50: {  	_ =	swait.ge [sflag:s15], $0x4000  }
0x51: {  	[sflag:s15] =	ssyncset.done $0x0  }
0x52: {  	s5 =	sadd.s32 $0x100, s1;
	[sflag:s15] =	ssyncadd.s32 $0xFFFFC000  }
0x53: {  	[tilespmem:s18], [sflag:$0x1] =	stream.indirect.gather [hbm4b:s2+s17], $0x80, s5, s17, $0xb8;
	[tilespmem:$0x1E400] =	vst v63  }
0x54: {  	s5 =	sadd.s32 $0x140, s1  }
0x55: {  	[tilespmem:s19], [sflag:$0x1] =	stream.indirect.gather [hbm4b:s2+s17], $0x80, s5, s17, $0xb8;
	[tilespmem:$0x1E400] =	vst v63  }
0x56: {  	_ =	swait.ge [sflag:s26], $0x2000  }
0x57: {  	[sflag:s26] =	ssyncset.done $0x0  }
0x58: {  	[sflag:s26] =	ssyncadd.s32 $0xFFFFE000  }
0x59: {  	_ =	swait.ge [sflag:s26], $0x2000  }
.Ltmp0:
0x5a: {  	[sflag:s26] =	ssyncset.done $0x0;
	(pc) =	sbr.rel @p1 .LBB2_2-.Ltmp0, $4  }
0x5b: {  	s1 =	sadd.s32 $0x1480, s1;
	[sflag:s26] =	ssyncadd.s32 $0xFFFFE000  }
0x5c: {  	[spmem:s3] =	stream.indirect.scatter.add.f32 [tilespmem:s20], [sflag:$0x3], $0x80, s1, s23, $0xb8;
	[tilespmem:$0x1E400] =	vst v63  }
0x5d: {  	_ =	swait.ge [sflag:s15], $0x4000  }
0x5e: {  	s5 =	smov.u32 s10;
	s1 =	sshra.s32 s9, $0x2;
	[sflag:s15] =	ssyncset.done $0x0  }
0x5f: {  	s5 =	sadd.s32 $0x80, s1;
	[sflag:s15] =	ssyncadd.s32 $0xFFFFC000  }
0x60: {  	[tilespmem:s20], [sflag:$0x2] =	stream.indirect.gather [hbm4b:s2+s17], $0x80, s5, s17, $0xb8;
	[tilespmem:$0x1E400] =	vst v63  }
0x61: {  	s10 =	sadd.s32 $0xC0, s1  }
0x62: {  	[tilespmem:s21], [sflag:$0x2] =	stream.indirect.gather [hbm4b:s2+s17], $0x80, s10, s17, $0xb8;
	[tilespmem:$0x1E400] =	vst v63  }
0x63: {  	_ =	swait.ge [sflag:s22], $0x2000  }
0x64: {  	[sflag:s22] =	ssyncset.done $0x0  }
0x65: {  	[sflag:s22] =	ssyncadd.s32 $0xFFFFE000  }
0x66: {  	_ =	swait.ge [sflag:s22], $0x2000  }
0x67: {  	[sflag:s22] =	ssyncset.done $0x0  }
0x68: {  	s8 =	sadd.s32 $0x1400, s1;
	[sflag:s22] =	ssyncadd.s32 $0xFFFFE000  }
0x69: {  	[spmem:s3] =	stream.indirect.scatter.add.f32 [tilespmem:s18], [sflag:$0x3], $0x80, s8, s23, $0xb8;
	[tilespmem:$0x1E400] =	vst v63  }
0x6a: {  	_ =	swait.ge [sflag:s15], $0x4000  }
0x6b: {  	[sflag:s15] =	ssyncset.done $0x0  }
0x6c: {  	s9 =	sadd.s32 $0x100, s1;
	[sflag:s15] =	ssyncadd.s32 $0xFFFFC000  }
0x6d: {  	[tilespmem:s18], [sflag:$0x1] =	stream.indirect.gather [hbm4b:s2+s17], $0x80, s9, s17, $0xb8;
	[tilespmem:$0x1E400] =	vst v63  }
0x6e: {  	s10 =	sadd.s32 $0x140, s1  }
0x6f: {  	[tilespmem:s19], [sflag:$0x1] =	stream.indirect.gather [hbm4b:s2+s17], $0x80, s10, s17, $0xb8;
	[tilespmem:$0x1E400] =	vst v63  }
0x70: {  	_ =	swait.ge [sflag:s26], $0x2000  }
0x71: {  	[sflag:s26] =	ssyncset.done $0x0  }
0x72: {  	[sflag:s26] =	ssyncadd.s32 $0xFFFFE000  }
0x73: {  	_ =	swait.ge [sflag:s26], $0x2000  }
0x74: {  	[sflag:s26] =	ssyncset.done $0x0  }
0x75: {  	s8 =	sadd.s32 $0x1480, s1;
	[sflag:s26] =	ssyncadd.s32 $0xFFFFE000  }
0x76: {  	[spmem:s3] =	stream.indirect.scatter.add.f32 [tilespmem:s20], [sflag:$0x3], $0x80, s8, s23, $0xb8;
	[tilespmem:$0x1E400] =	vst v63  }
0x77: {  	_ =	swait.ge [sflag:s15], $0x4000  }
0x78: {  	[sflag:s15] =	ssyncset.done $0x0  }
0x79: {  	[sflag:s15] =	ssyncadd.s32 $0xFFFFC000  }
0x7a: {  	[tilespmem:s20], [sflag:$0x2] =	stream.indirect.gather [hbm4b:s2+s17], $0x80, s28, s17, $0xb8;
	[tilespmem:$0x1E400] =	vst v63  }
0x7b: {  	_ = 	snop  }
0x7c: {  	[tilespmem:s21], [sflag:$0x2] =	stream.indirect.gather [hbm4b:s2+s17], $0x80, s29, s17, $0xb8;
	[tilespmem:$0x1E400] =	vst v63  }
0x7d: {  	_ =	swait.ge [sflag:s22], $0x2000  }
0x7e: {  	[sflag:s22] =	ssyncset.done $0x0  }
0x7f: {  	[sflag:s22] =	ssyncadd.s32 $0xFFFFE000  }
0x80: {  	_ =	swait.ge [sflag:s22], $0x2000  }
0x81: {  	[sflag:s22] =	ssyncset.done $0x0  }
0x82: {  	[sflag:s22] =	ssyncadd.s32 $0xFFFFE000  }
0x83: {  	[spmem:s3] =	stream.indirect.scatter.add.f32 [tilespmem:s18], [sflag:$0x3], $0x80, s30, s23, $0xb8;
	[tilespmem:$0x1E400] =	vst v63  }
0x84: {  	_ =	swait.ge [sflag:s15], $0x4000  }
0x85: {  	[sflag:s15] =	ssyncset.done $0x0  }
0x86: {  	[sflag:s15] =	ssyncadd.s32 $0xFFFFC000  }
0x87: {  	_ =	swait.ge [sflag:s26], $0x2000  }
0x88: {  	[sflag:s26] =	ssyncset.done $0x0  }
0x89: {  	[sflag:s26] =	ssyncadd.s32 $0xFFFFE000  }
0x8a: {  	_ =	swait.ge [sflag:s26], $0x2000  }
0x8b: {  	[sflag:s26] =	ssyncset.done $0x0  }
0x8c: {  	[sflag:s26] =	ssyncadd.s32 $0xFFFFE000  }
0x8d: {  	[spmem:s3] =	stream.indirect.scatter.add.f32 [tilespmem:s20], [sflag:$0x3], $0x80, s31, s23, $0xb8;
	[tilespmem:$0x1E400] =	vst v63  }
0x8e: {  	_ =	swait.ge [sflag:s15], $0x4000  }
0x8f: {  	[sflag:s15] =	ssyncset.done $0x0  }
0x90: {  	s9 =	simm.s32 $0x0;
	s10 =	rddreg [dreg:$0x7];
	[sflag:s15] =	ssyncadd.s32 $0xFFFFC000  }
0x91: {  	[tilespmem:s9], [sflag:$0x3] =	stream.linear.gather [hbm4b:s10+s9], $0x1400, $0x38;
	[tilespmem:$0x1E400] =	vst v63  }
0x92: {  	_ =	swait.ge [sflag:s15], $0x1400  }
0x93: {  	[sflag:s15] =	ssyncset.done $0x0  }
0x94: {  	s8 =	rddreg [dreg:$0x8];
	[sflag:s15] =	ssyncadd.s32 $0xFFFFEC00  }
0x95: {  	[tilespmem:s16], [sflag:$0x3] =	stream.linear.gather [hbm4b:s8+s9], $0x1400, $0x38;
	[tilespmem:$0x1E400] =	vst v63  }
0x96: {  	_ =	swait.ge [sflag:s15], $0x1400  }
0x97: {  	[sflag:s15] =	ssyncset.done $0x0  }
0x98: {  	[sflag:s15] =	ssyncadd.s32 $0xFFFFEC00  }
0x99: {  	[tilespmem:s18], [sflag:$0x1] =	stream.indirect.gather [hbm4b:s2+s17], $0x80, s9, s17, $0xb8;
	[tilespmem:$0x1E400] =	vst v63  }
0x9a: {  	_ = 	snop  }
0x9b: {  	[tilespmem:s19], [sflag:$0x1] =	stream.indirect.gather [hbm4b:s2+s17], $0x80, s17, s17, $0xb8;
	[tilespmem:$0x1E400] =	vst v63  }
0x9c: {  	s9 =	simm.s32 $0x80  }
0x9d: {  	[tilespmem:s20], [sflag:$0x2] =	stream.indirect.gather [hbm4b:s2+s17], $0x80, s9, s17, $0xb8;
	[tilespmem:$0x1E400] =	vst v63  }
0x9e: {  	s10 =	simm.s32 $0xC0  }
0x9f: {  	[tilespmem:s21], [sflag:$0x2] =	stream.indirect.gather [hbm4b:s2+s17], $0x80, s10, s17, $0xb8;
	[tilespmem:$0x1E400] =	vst v63  }
0xa0: {  	_ =	swait.ge [sflag:s22], $0x2000  }
0xa1: {  	[sflag:s22] =	ssyncset.done $0x0  }
0xa2: {  	[sflag:s22] =	ssyncadd.s32 $0xFFFFE000  }
0xa3: {  	_ =	swait.ge [sflag:s22], $0x2000  }
0xa4: {  	[sflag:s22] =	ssyncset.done $0x0  }
0xa5: {  	s5 =	simm.s32 $0x1400;
	[sflag:s22] =	ssyncadd.s32 $0xFFFFE000  }
0xa6: {  	[spmem:s3] =	stream.indirect.scatter.add.f32 [tilespmem:s18], [sflag:$0x3], $0x80, s5, s23, $0xb8;
	[tilespmem:$0x1E400] =	vst v63  }
0xa7: {  	_ =	swait.ge [sflag:s15], $0x4000  }
0xa8: {  	[sflag:s15] =	ssyncset.done $0x0  }
0xa9: {  	s8 =	simm.s32 $0x100;
	[sflag:s15] =	ssyncadd.s32 $0xFFFFC000  }
0xaa: {  	[tilespmem:s18], [sflag:$0x1] =	stream.indirect.gather [hbm4b:s2+s17], $0x80, s8, s17, $0xb8;
	[tilespmem:$0x1E400] =	vst v63  }
0xab: {  	s9 =	simm.s32 $0x140  }
0xac: {  	[tilespmem:s19], [sflag:$0x1] =	stream.indirect.gather [hbm4b:s2+s17], $0x80, s9, s17, $0xb8;
	[tilespmem:$0x1E400] =	vst v63  }
0xad: {  	_ =	swait.ge [sflag:s26], $0x2000  }
0xae: {  	[sflag:s26] =	ssyncset.done $0x0  }
0xaf: {  	[sflag:s26] =	ssyncadd.s32 $0xFFFFE000  }
0xb0: {  	_ =	swait.ge [sflag:s26], $0x2000  }
0xb1: {  	[sflag:s26] =	ssyncset.done $0x0  }
0xb2: {  	s10 =	simm.s32 $0x1480;
	[sflag:s26] =	ssyncadd.s32 $0xFFFFE000  }
0xb3: {  	[spmem:s3] =	stream.indirect.scatter.add.f32 [tilespmem:s20], [sflag:$0x3], $0x80, s10, s23, $0xb8;
	[tilespmem:$0x1E400] =	vst v63  }
0xb4: {  	_ =	swait.ge [sflag:s15], $0x4000  }
0xb5: {  	s1 =	simm.s32 $0x100;
	s5 =	simm.s32 $0x800;
	[sflag:s15] =	ssyncset.done $0x0  }
.LBB2_4:
0xb6: {  	s8 =	sadd.s32 $0x80, s1  }
0xb7: {  	[sflag:s15] =	ssyncadd.s32 $0xFFFFC000;
	s9 =	smov.u32 s5;
	s10 =	sadd.s32 $0x400, s5  }
0xb8: {  	[tilespmem:s20], [sflag:$0x2] =	stream.indirect.gather [hbm4b:s2+s17], $0x80, s8, s17, $0xb8;
	[tilespmem:$0x1E400] =	vst v63  }
0xb9: {  	p1 =	sne.s32 s5, $0x4800;
	s5 =	sadd.s32 $0xC0, s1  }
0xba: {  	[tilespmem:s21], [sflag:$0x2] =	stream.indirect.gather [hbm4b:s2+s17], $0x80, s5, s17, $0xb8;
	[tilespmem:$0x1E400] =	vst v63  }
0xbb: {  	_ =	swait.ge [sflag:s22], $0x2000  }
0xbc: {  	[sflag:s22] =	ssyncset.done $0x0  }
0xbd: {  	[sflag:s22] =	ssyncadd.s32 $0xFFFFE000  }
0xbe: {  	_ =	swait.ge [sflag:s22], $0x2000  }
0xbf: {  	[sflag:s22] =	ssyncset.done $0x0  }
0xc0: {  	s5 =	sadd.s32 $0x1400, s1;
	[sflag:s22] =	ssyncadd.s32 $0xFFFFE000  }
0xc1: {  	[spmem:s3] =	stream.indirect.scatter.add.f32 [tilespmem:s18], [sflag:$0x3], $0x80, s5, s23, $0xb8;
	[tilespmem:$0x1E400] =	vst v63  }
0xc2: {  	_ =	swait.ge [sflag:s15], $0x4000  }
0xc3: {  	[sflag:s15] =	ssyncset.done $0x0  }
0xc4: {  	s5 =	sadd.s32 $0x100, s1;
	[sflag:s15] =	ssyncadd.s32 $0xFFFFC000  }
0xc5: {  	[tilespmem:s18], [sflag:$0x1] =	stream.indirect.gather [hbm4b:s2+s17], $0x80, s5, s17, $0xb8;
	[tilespmem:$0x1E400] =	vst v63  }
0xc6: {  	s5 =	sadd.s32 $0x140, s1  }
0xc7: {  	[tilespmem:s19], [sflag:$0x1] =	stream.indirect.gather [hbm4b:s2+s17], $0x80, s5, s17, $0xb8;
	[tilespmem:$0x1E400] =	vst v63  }
0xc8: {  	_ =	swait.ge [sflag:s26], $0x2000  }
0xc9: {  	[sflag:s26] =	ssyncset.done $0x0  }
0xca: {  	[sflag:s26] =	ssyncadd.s32 $0xFFFFE000  }
0xcb: {  	_ =	swait.ge [sflag:s26], $0x2000  }
.Ltmp1:
0xcc: {  	[sflag:s26] =	ssyncset.done $0x0;
	(pc) =	sbr.rel @p1 .LBB2_4-.Ltmp1, $4  }
0xcd: {  	s1 =	sadd.s32 $0x1480, s1;
	[sflag:s26] =	ssyncadd.s32 $0xFFFFE000  }
0xce: {  	[spmem:s3] =	stream.indirect.scatter.add.f32 [tilespmem:s20], [sflag:$0x3], $0x80, s1, s23, $0xb8;
	[tilespmem:$0x1E400] =	vst v63  }
0xcf: {  	_ =	swait.ge [sflag:s15], $0x4000  }
0xd0: {  	s5 =	smov.u32 s10;
	s1 =	sshra.s32 s9, $0x2;
	[sflag:s15] =	ssyncset.done $0x0  }
0xd1: {  	s5 =	sadd.s32 $0x80, s1;
	[sflag:s15] =	ssyncadd.s32 $0xFFFFC000  }
0xd2: {  	[tilespmem:s20], [sflag:$0x2] =	stream.indirect.gather [hbm4b:s2+s17], $0x80, s5, s17, $0xb8;
	[tilespmem:$0x1E400] =	vst v63  }
0xd3: {  	s9 =	sadd.s32 $0xC0, s1  }
0xd4: {  	[tilespmem:s21], [sflag:$0x2] =	stream.indirect.gather [hbm4b:s2+s17], $0x80, s9, s17, $0xb8;
	[tilespmem:$0x1E400] =	vst v63  }
0xd5: {  	_ =	swait.ge [sflag:s22], $0x2000  }
0xd6: {  	[sflag:s22] =	ssyncset.done $0x0  }
0xd7: {  	[sflag:s22] =	ssyncadd.s32 $0xFFFFE000  }
0xd8: {  	_ =	swait.ge [sflag:s22], $0x2000  }
0xd9: {  	[sflag:s22] =	ssyncset.done $0x0  }
0xda: {  	s10 =	sadd.s32 $0x1400, s1;
	[sflag:s22] =	ssyncadd.s32 $0xFFFFE000  }
0xdb: {  	[spmem:s3] =	stream.indirect.scatter.add.f32 [tilespmem:s18], [sflag:$0x3], $0x80, s10, s23, $0xb8;
	[tilespmem:$0x1E400] =	vst v63  }
0xdc: {  	_ =	swait.ge [sflag:s15], $0x4000  }
0xdd: {  	[sflag:s15] =	ssyncset.done $0x0  }
0xde: {  	s8 =	sadd.s32 $0x100, s1;
	[sflag:s15] =	ssyncadd.s32 $0xFFFFC000  }
0xdf: {  	[tilespmem:s18], [sflag:$0x1] =	stream.indirect.gather [hbm4b:s2+s17], $0x80, s8, s17, $0xb8;
	[tilespmem:$0x1E400] =	vst v63  }
0xe0: {  	s9 =	sadd.s32 $0x140, s1  }
0xe1: {  	[tilespmem:s19], [sflag:$0x1] =	stream.indirect.gather [hbm4b:s2+s17], $0x80, s9, s17, $0xb8;
	[tilespmem:$0x1E400] =	vst v63  }
0xe2: {  	_ =	swait.ge [sflag:s26], $0x2000  }
0xe3: {  	[sflag:s26] =	ssyncset.done $0x0  }
0xe4: {  	[sflag:s26] =	ssyncadd.s32 $0xFFFFE000  }
0xe5: {  	_ =	swait.ge [sflag:s26], $0x2000  }
0xe6: {  	[sflag:s26] =	ssyncset.done $0x0  }
0xe7: {  	s10 =	sadd.s32 $0x1480, s1;
	[sflag:s26] =	ssyncadd.s32 $0xFFFFE000  }
0xe8: {  	[spmem:s3] =	stream.indirect.scatter.add.f32 [tilespmem:s20], [sflag:$0x3], $0x80, s10, s23, $0xb8;
	[tilespmem:$0x1E400] =	vst v63  }
0xe9: {  	_ =	swait.ge [sflag:s15], $0x4000  }
0xea: {  	[sflag:s15] =	ssyncset.done $0x0  }
0xeb: {  	[sflag:s15] =	ssyncadd.s32 $0xFFFFC000  }
0xec: {  	[tilespmem:s20], [sflag:$0x2] =	stream.indirect.gather [hbm4b:s2+s17], $0x80, s28, s17, $0xb8;
	[tilespmem:$0x1E400] =	vst v63  }
0xed: {  	_ = 	snop  }
0xee: {  	[tilespmem:s21], [sflag:$0x2] =	stream.indirect.gather [hbm4b:s2+s17], $0x80, s29, s17, $0xb8;
	[tilespmem:$0x1E400] =	vst v63  }
0xef: {  	_ =	swait.ge [sflag:s22], $0x2000  }
0xf0: {  	[sflag:s22] =	ssyncset.done $0x0  }
0xf1: {  	[sflag:s22] =	ssyncadd.s32 $0xFFFFE000  }
0xf2: {  	_ =	swait.ge [sflag:s22], $0x2000  }
0xf3: {  	[sflag:s22] =	ssyncset.done $0x0  }
0xf4: {  	[sflag:s22] =	ssyncadd.s32 $0xFFFFE000  }
0xf5: {  	[spmem:s3] =	stream.indirect.scatter.add.f32 [tilespmem:s18], [sflag:$0x3], $0x80, s30, s23, $0xb8;
	[tilespmem:$0x1E400] =	vst v63  }
0xf6: {  	_ =	swait.ge [sflag:s15], $0x4000  }
0xf7: {  	[sflag:s15] =	ssyncset.done $0x0  }
0xf8: {  	[sflag:s15] =	ssyncadd.s32 $0xFFFFC000  }
0xf9: {  	_ =	swait.ge [sflag:s26], $0x2000  }
0xfa: {  	[sflag:s26] =	ssyncset.done $0x0  }
0xfb: {  	[sflag:s26] =	ssyncadd.s32 $0xFFFFE000  }
0xfc: {  	_ =	swait.ge [sflag:s26], $0x2000  }
0xfd: {  	[sflag:s26] =	ssyncset.done $0x0  }
0xfe: {  	[sflag:s26] =	ssyncadd.s32 $0xFFFFE000  }
0xff: {  	[spmem:s3] =	stream.indirect.scatter.add.f32 [tilespmem:s20], [sflag:$0x3], $0x80, s31, s23, $0xb8;
	[tilespmem:$0x1E400] =	vst v63  }
0x100: {  	_ =	swait.ge [sflag:s15], $0x4000  }
0x101: {  	[sflag:s15] =	ssyncset.done $0x0  }
0x102: {  	[sflag:s15] =	ssyncadd.s32 $0xFFFFC000  }
0x103: {  	[bflag:$0x0] =	sbarrier.arrive $0xFFFF  }
0x104: {  	[hbm:s11], [sflag:s6] =	dma.local [spmem:s24], $0x2700  }
0x105: {  	s0 =	sadd.s32 $0x1, s0;
	_ =	swait.ge [sflag:s15], $0x2700  }
0x106: {  	p1 =	sne.s32 s0, s13;
	[sflag:s15] =	ssyncset.done $0x0  }
.Ltmp2:
0x107: {  	s1 =	simm.s32 @!p0 $0x3;
	[sflag:s15] =	ssyncadd.s32 $0xFFFFD900;
	(pc) =	sbr.rel @p1 .LBB2_1-.Ltmp2, $4  }
0x108: {  	[hbm:s12], [sflag:s6] =	dma.local @!p0 [spmem:s25], $0x100  }
0x109: {  	_ =	swait.ge @!p0 [sflag:s1], $0x100  }
0x10a: {  	[sflag:s1] =	ssyncset.done @!p0 $0x0  }
0x10b: {  	[sflag:s1] =	ssyncadd.s32 @!p0 $0xFFFFFF00  }
0x10c: {  	_ =	sfence.sel $0x180000  }
0x10d: {  	[bflag:$0x0] =	sbarrier.arrive $0xFFFF  }
0x10e: {  	_ =	strace $0x9000004A  }
0x10f: {  	s0 =	stileid.u32;
	[bflag:$0x2] =	sbarrier.arrive $0xFFFF  }
0x110: {  	p0 =	sne.s32 s0, $0x0;
	s0 =	rddreg [dreg:$0x4]  }
0x111: {  	s0 =	sadd.s32 @!p0 $0x100000, s0  }
0x112: {  	[sflag:s0] =	ssyncadd.tile.s32 @!p0 $0x1;
	_ =	shalt  }
.Lfunc_end2:
_tile_overlayer_lowered:
.L_overlay_start_2:
0x113: {  	(tag) =	ssettag $0x2  }
0x114: {  	s0 =	rddreg [dreg:$0x0];
	s2 =	stileid.u32  }
0x115: {  	s1 =	rddreg [dreg:$0x1];
	p0 =	sne.s32 s2, $0x0  }
0x116: {  	s3 =	rddreg [dreg:$0x2];
	[bflag:$0x3] =	sbarrier.arrive $0xFFFF;
	s2 =	simm.s32 @!p0 $0x1C03  }
0x117: {  	[timem:s3], [sflag:s2] =	dma.local @!p0 [hbm:s0], s1  }
0x118: {  	s0 =	simm.s32 @!p0 $0x3  }
0x119: {  	_ =	swait.ge @!p0 [sflag:s0], s1  }
0x11a: {  	s1 =	ssub.s32 @!p0 $0x0, s1;
	[sflag:s0] =	ssyncset.done @!p0 $0x0  }
0x11b: {  	[sflag:s0] =	ssyncadd.s32 @!p0 s1  }
0x11c: {  	[bflag:$0x3] =	sbarrier.arrive $0xFFFF  }
0x11d: {  	_ =	shalt  }

// kernel: kernel.20.cloned.1.call-start
scs
__scs_entry_jumppad:
0x0: {  	(pc) =	sbr.rel $0x88, $3  }
0x1: {  	(tag) =	ssettag $0x0;
	lr =	simm.s32 $0x1  }
0x2: {  	[smem:$0x3F9B] =	sst lr;
	_ =	strace $0xD0000000  }
0x3: {  	_ = 	snop  }
0x4: {  	_ = 	snop  }
0x5: {  	_ = 	snop  }
0x6: {  	_ = 	snop  }
0x7: {  	_ = 	snop  }
__scs_overlays_trampoline_lowered:
0x8: {  	[smem:$0x3FAA] =	sst s0  }
0x9: {  	[smem:$0x3FAB] =	sst s1  }
0xa: {  	[smem:$0x3FAC] =	sst s2  }
0xb: {  	[smem:$0x3FAD] =	sst s3  }
0xc: {  	[smem:$0x3FAE] =	sst s4  }
0xd: {  	[smem:$0x3FAF] =	sst s5  }
0xe: {  	[smem:$0x3FB0] =	sst s6  }
0xf: {  	[smem:$0x3FB1] =	sst s7  }
0x10: {  	[smem:$0x3FB2] =	sst s8  }
0x11: {  	[smem:$0x3FB3] =	sst s9;
	s0 =	simm.s32 @!p0 $0x0  }
0x12: {  	s1 =	sld [smem:$0x3F99];
	s0 =	simm.s32 @p0 $0x1  }
0x13: {  	[smem:$0x3FB4] =	sst s0;
	s0 =	simm.s32 @!p1 $0x0  }
0x14: {  	s2 =	sld [smem:$0x3F98];
	s0 =	simm.s32 @p1 $0x1  }
0x15: {  	[smem:$0x3FB5] =	sst s0;
	s0 =	simm.s32 @!p2 $0x0  }
0x16: {  	s3 =	sld [smem:$0x3FDB];
	s0 =	simm.s32 @p2 $0x1  }
0x17: {  	s4 =	simm.s32 $0x1BF5;
	[smem:$0x3FB7] =	sst s0  }
0x18: {  	s0 =	sld [smem:$0x3F9A];
	_ =	swait.ge [sflag:s4], $0x0  }
0x19: {  	s7 =	sld [smem:$0x3F9B]  }
0x1a: {  	s8 =	sadd.s32 $0xFFFFE003, lr  }
0x1b: {  	s9 =	sadd.s32 $0xFFFFFEF7, lr;
	s5 =	simm.s32 $0xFFFFFFFF;
	p2 =	slt.u32 s8, $0xFFFFF086  }
0x1c: {  	p1 =	slt.u32 s9, $0xF7A;
	s5 =	simm.s32 @!p2 $0x0  }
0x1d: {  	s5 =	simm.s32 @p1 $0x1;
	p0 =	seq.s32 s7, s2  }
0x1e: {  	s7 =	smul.u32 @!p0 $0xF7A, s2;
	p2 =	seq.s32 @!p0 s5, $0x0  }
0x1f: {  	s9 =	smul.u32 $0xF7A, s1;
	s8 =	simm.s32 @!p0 $0x1BF5;
	p2 =	por !p2, p0  }
0x20: {  	[sflag:s8] =	ssyncset.s32 @!p0 $0xFFFFF086;
	s6 =	sadd.s32 @!p0 s3, s7;
	s7 =	simm.s32 @!p0 $0x108  }
0x21: {  	s3 =	sadd.s32 s3, s9;
	s6 =	sadd.s32 @!p0 $0x88, s6;
	s7 =	simm.s32 @p2 $0x1082  }
0x22: {  	[simem:s7], [sflag:s8] =	dma.local @!p0 [hbm:s6], $0xF7A  }
0x23: {  	s9 =	sor.u32 $0xD0000000, s2;
	s6 =	simm.s32 $0x108;
	_ =	swait.ge @!p0 [sflag:s8], $0x0  }
0x24: {  	s3 =	sadd.s32 $0x88, s3;
	s6 =	simm.s32 @!p1 $0x1082;
	[sflag:s4] =	ssyncset.s32 $0xFFFFF086  }
0x25: {  	[simem:s6], [sflag:s4] =	dma.local [hbm:s3], $0xF7A  }
0x26: {  	[smem:$0x3F9B] =	sst s1;
	(tag) =	ssettag s2;
	_ =	strace s9  }
0x27: {  	s1 =	sld [smem:$0x3FAB]  }
0x28: {  	s2 =	sld [smem:$0x3FAC]  }
0x29: {  	s4 =	sld [smem:$0x3FAE]  }
0x2a: {  	p0 =	seq.s32 s5, $0x0;
	s5 =	sld [smem:$0x3FAF]  }
0x2b: {  	s6 =	sld [smem:$0x3FB0]  }
0x2c: {  	s7 =	sld [smem:$0x3FB1]  }
0x2d: {  	s3 =	simm.s32 $0x108;
	s8 =	sld [smem:$0x3FB2]  }
0x2e: {  	s3 =	simm.s32 @!p0 $0x1082;
	s9 =	sld [smem:$0x3FB3]  }
0x2f: {  	lr =	sadd.s32 s0, s3;
	s0 =	sld [smem:$0x3FAA]  }
0x30: {  	s3 =	sld [smem:$0x3FAD]  }
0x31: {  	[smem:$0x3FB6] =	sst s10  }
0x32: {  	s10 =	sld [smem:$0x3FB4];
	_ =	sdelay $0x3  }
0x33: {  	p0 =	seq.s32 s10, $0x1;
	s10 =	sld [smem:$0x3FB6];
	_ =	sdelay $0x3  }
0x34: {  	[smem:$0x3FB6] =	sst s10  }
0x35: {  	s10 =	sld [smem:$0x3FB5];
	_ =	sdelay $0x3  }
0x36: {  	p1 =	seq.s32 s10, $0x1;
	s10 =	sld [smem:$0x3FB6];
	_ =	sdelay $0x3  }
0x37: {  	[smem:$0x3FB6] =	sst s10  }
0x38: {  	s10 =	sld [smem:$0x3FB7]  }
0x39: {  	_ = 	snop;
	(pc) =	sbr.ind lr, $3  }
0x3a: {  	_ = 	snop  }
0x3b: {  	_ = 	snop  }
0x3c: {  	p2 =	seq.s32 s10, $0x1;
	s10 =	sld [smem:$0x3FB6]  }
0x3d: {  	_ =	shalt  }
0x3e: {  	_ =	shalt  }
0x3f: {  	_ =	shalt  }
0x40: {  	_ =	shalt  }
0x41: {  	_ =	shalt  }
0x42: {  	_ =	shalt  }
0x43: {  	_ =	shalt  }
0x44: {  	_ =	shalt  }
0x45: {  	_ =	shalt  }
0x46: {  	_ =	shalt  }
0x47: {  	_ =	shalt  }
0x48: {  	_ =	shalt  }
0x49: {  	_ =	shalt  }
0x4a: {  	_ =	shalt  }
0x4b: {  	_ =	shalt  }
0x4c: {  	_ =	shalt  }
0x4d: {  	_ =	shalt  }
0x4e: {  	_ =	shalt  }
0x4f: {  	_ =	shalt  }
0x50: {  	_ =	shalt  }
0x51: {  	_ =	shalt  }
0x52: {  	_ =	shalt  }
0x53: {  	_ =	shalt  }
0x54: {  	_ =	shalt  }
0x55: {  	_ =	shalt  }
0x56: {  	_ =	shalt  }
0x57: {  	_ =	shalt  }
0x58: {  	_ =	shalt  }
0x59: {  	_ =	shalt  }
0x5a: {  	_ =	shalt  }
0x5b: {  	_ =	shalt  }
0x5c: {  	_ =	shalt  }
0x5d: {  	_ =	shalt  }
0x5e: {  	_ =	shalt  }
0x5f: {  	_ =	shalt  }
0x60: {  	_ =	shalt  }
0x61: {  	_ =	shalt  }
0x62: {  	_ =	shalt  }
0x63: {  	_ =	shalt  }
0x64: {  	_ =	shalt  }
0x65: {  	_ =	shalt  }
0x66: {  	_ =	shalt  }
0x67: {  	_ =	shalt  }
0x68: {  	_ =	shalt  }
0x69: {  	_ =	shalt  }
0x6a: {  	_ =	shalt  }
0x6b: {  	_ =	shalt  }
0x6c: {  	_ =	shalt  }
0x6d: {  	_ =	shalt  }
0x6e: {  	_ =	shalt  }
0x6f: {  	_ =	shalt  }
0x70: {  	_ =	shalt  }
0x71: {  	_ =	shalt  }
0x72: {  	_ =	shalt  }
0x73: {  	_ =	shalt  }
0x74: {  	_ =	shalt  }
0x75: {  	_ =	shalt  }
0x76: {  	_ =	shalt  }
0x77: {  	_ =	shalt  }
0x78: {  	_ =	shalt  }
0x79: {  	_ =	shalt  }
0x7a: {  	_ =	shalt  }
0x7b: {  	_ =	shalt  }
0x7c: {  	_ =	shalt  }
0x7d: {  	_ =	shalt  }
0x7e: {  	_ =	shalt  }
0x7f: {  	_ =	shalt  }
0x80: {  	_ =	shalt  }
0x81: {  	_ =	shalt  }
0x82: {  	_ =	shalt  }
0x83: {  	_ =	shalt  }
0x84: {  	_ =	shalt  }
0x85: {  	_ =	shalt  }
0x86: {  	_ =	shalt  }
0x87: {  	_ =	shalt  }
.Lfunc_end0:
.L_simem_size_0:
called_computation.2_lowered:
.L_overlay_start_0:
0x88: {  	s2 =	sld [smem:$0x3FD9]  }
0x89: {  	s3 =	sld [smem:$0x3FFE];
	_ =	sdelay $0x1  }
0x8a: {  	s1 =	srdreg.scid  }
0x8b: {  	s0 =	sand.u32 $0x1, s1  }
0x8c: {  	s14 =	sshll.u32 s0, $0xA;
	s2 =	sadd.s32 s3, s2  }
0x8d: {  	s2 =	sadd.s32 s2, s14  }
0x8e: {  	[smem:$0x3FC2] =	sst s2  }
0x8f: {  	_ = 	snop  }
0x90: {  	s2 =	sld [smem:$0x3FD0];
	_ =	sdelay $0x2  }
0x91: {  	s15 =	simm.s32 $0xA;
	s4 =	simm.s32 $0x10  }
0x92: {  	[smem:s4], [sflag:s15] =	dma.local [hbm:s2], $0x1  }
0x93: {  	_ =	swait.eq [sflag:s15], $0x1  }
0x94: {  	[sflag:s15] =	ssyncset.done $0x0  }
0x95: {  	s16 =	sld [smem:$0x10];
	[sflag:s15] =	ssyncadd.s32 $0xFFFFFFFF  }
0x96: {  	s17 =	sld [smem:$0x12];
	(tm) =	ssettm $0x1  }
0x97: {  	s18 =	sld [smem:$0x3FFB];
	_ =	sdelay $0x3  }
0x98: {  	_ =	strace s18  }
0x99: {  	s4 =	sld [smem:$0x3FFC];
	_ =	sdelay $0x3  }
0x9a: {  	_ =	strace s4  }
0x9b: {  	s4 =	sld [smem:$0x3FFD];
	_ =	sdelay $0x3  }
0x9c: {  	_ =	strace s4  }
0x9d: {  	_ =	strace $0x8FFFFFFF  }
0x9e: {  	s19 =	sld [smem:$0x3FDB];
	_ =	sdelay $0x1  }
0x9f: {  	s5 =	simm.s32 $_scs_section_size  }
0xa0: {  	s6 =	simm.s32 $_size__tile_overlayer_lowered;
	s7 =	simm.s32 $_tile_overlayer_lowered  }
0xa1: {  	s22 =	simm.s32 $0x1BFF;
	s21 =	sshll.u32 s7, $0x1;
	s4 =	sadd.s32 s5, s19  }
0xa2: {  	s8 =	simm.s32 $0x0;
	s20 =	sshll.u32 s6, $0x1;
	s6 =	sadd.s32 s21, s4  }
0xa3: {  	[timem:s8], [sflag:s22] =	dma.local [hbm:s6], s20  }
0xa4: {  	_ =	swait.ge [sflag:s22], s20  }
0xa5: {  	s5 =	ssub.s32 $0x0, s20;
	[sflag:s22] =	ssyncset.done $0x0  }
0xa6: {  	[sflag:s22] =	ssyncadd.s32 s5;
	_ =	sdelay $0x1  }
0xa7: {  	s23 =	simm.s32 $0x1B8B  }
0xa8: {  	_ =	swait.ge [sflag:s23], $0x1  }
0xa9: {  	[sflag:s23] =	ssyncset.done $0x0  }
0xaa: {  	s25 =	simm.s32 $0x1B8E;
	s24 =	sld [smem:$0x3FFE];
	[sflag:s23] =	ssyncadd.s32 $0xFFFFFFFF  }
0xab: {  	s26 =	simm.s32 $execute0_lowered;
	[smem:$0x3FD2] =	sst s25  }
0xac: {  	s6 =	sshll.u32 s26, $0x1;
	_ =	strace $0x8000004C;
	[dreg:$0x1] =	wrdreg $0xFFFFFFFF  }
0xad: {  	s28 =	simm.s32 $_size_execute0_lowered;
	s4 =	sadd.s32 s4, s6;
	[dreg:$0x0] =	wrdreg $0x0  }
0xae: {  	s6 =	sshll.u32 s28, $0x1;
	[dreg:$0x2] =	wrdreg s4  }
0xaf: {  	[dreg:$0x3] =	wrdreg s6  }
0xb0: {  	[dreg:$0x4] =	wrdreg $0xC0  }
0xb1: {  	_ =	task [dreg:s8], $0x5FFFF  }
0xb2: {  	[dreg:$0x1] =	wrdreg $0xFFFFFFFF  }
0xb3: {  	[dreg:$0x0] =	wrdreg $0x60  }
0xb4: {  	[dreg:$0x2] =	wrdreg s17  }
0xb5: {  	[dreg:$0x3] =	wrdreg s16  }
0xb6: {  	[dreg:$0x4] =	wrdreg s24  }
0xb7: {  	[dreg:$0x5] =	wrdreg $0xA8000  }
0xb8: {  	[dreg:$0x6] =	wrdreg $0x9  }
0xb9: {  	_ =	task.clear_ibuf [dreg:s8], $0x7FFFF;
	_ =	strace $0x9000004C  }
0xba: {  	s29 =	simm.s32 $0x9;
	_ =	strace $0x8000004E  }
0xbb: {  	_ =	swait.ge [sflag:s29], $0x1  }
0xbc: {  	[sflag:s29] =	ssyncadd.s32 $0xFFFFFFFF  }
0xbd: {  	_ =	strace $0x9000004E  }
0xbe: {  	_ =	sfence  }
0xbf: {  	s30 =	sld [smem:$0x0];
	_ =	sdelay $0x2  }
0xc0: {  	s31 =	sshll.u32 s1, $0xD;
	s1 =	sshrl.u32 s1, $0x2  }
0xc1: {  	s3 =	sand.u32 $0x4000, s31;
	s1 =	sadd.s32 s1, s30  }
0xc2: {  	s0 =	sor.u32 s3, s0;
	s1 =	sshll.u32 s1, $0x11  }
0xc3: {  	s0 =	sor.u32 s1, s0  }
0xc4: {  	s0 =	sadd.s32 $0x8F2B, s0  }
0xc5: {  	[sflag:s0] =	ssyncadd.remote.s32 $0x1  }
0xc6: {  	_ =	sfence.sel $0xFFFF  }
0xc7: {  	[dreg:$0x0] =	wrdreg $0xFFFFFFFF;
	(pc) =	sbr.abs _section_cstart, $3  }
0xc8: {  	[dreg:$0x1] =	wrdreg $0xFFFFFFFF  }
0xc9: {  	_ =	task.clear_ibuf [dreg:s8], $0x2FFFF;
	_ =	strace $0x9FFFFFFF  }
0xca: {  	(tm) =	ssettm $0x7FFFFFFF  }
0xcb: {  	_ =	shalt  }
tec
execute0_lowered:
.L_overlay_start_1:
0x0: {  	(tag) =	ssettag $0x1  }
0x1: {  	s2 =	rddreg [dreg:$0x0]  }
0x2: {  	s0 =	rddreg [dreg:$0x1]  }
0x3: {  	s1 =	rddreg [dreg:$0x2]  }
0x4: {  	s3 =	rddreg [dreg:$0x3];
	s23 =	stileid.u32;
	s4 =	simm.s32 $0x0  }
0x5: {  	s7 =	srdreg.scid;
	s28 =	simm.s32 $0x1380;
	s29 =	simm.s32 $0x13C0  }
0x6: {  	s30 =	simm.s32 $0x2700;
	s31 =	simm.s32 $0x2780;
	s5 =	smul.u32 $0x2800, s23  }
0x7: {  	[smem:$0x7FF] =	sst s4;
	s15 =	sand.u32 $0x1, s7;
	s16 =	smul.u32 $0x4F000, s23  }
0x8: {  	s8 =	sadd.s32 $0x9400, s1;
	s18 =	sshll.u32 s23, $0x6;
	s20 =	smul.u32 $0x13800, s23  }
0x9: {  	s24 =	smul.u32 $0x4E000, s23;
	p0 =	sne.s32 s23, $0xF;
	s23 =	simm.s32 $0x80  }
0xa: {  	_ =	strace $0x8000004D;
	[dreg:$0x5] =	wrdreg s8;
	s9 =	smul.u32 $0x28000, s15  }
0xb: {  	s17 =	ssub.s32 $0x2, s15;
	s19 =	smul.u32 $0x138800, s15;
	s15 =	simm.s32 $0x3  }
0xc: {  	s6 =	sshrl.u32 s5, $0x3;
	s11 =	sshrl.u32 s17, $0x1;
	s7 =	sshrl.u32 s16, $0x2  }
0xd: {  	s16 =	simm.s32 $0x1400;
	s10 =	sadd.s32 s6, s1;
	s1 =	sadd.s32 $0xA8000, s1  }
0xe: {  	s13 =	ssub.s32 s17, s11;
	s14 =	sadd.s32 s7, s3;
	s5 =	sadd.s32 s5, s9  }
0xf: {  	s6 =	sor.u32 $0x1C03, s18;
	s11 =	sshrl.u32 s19, $0x3;
	s17 =	simm.s32 $0x40  }
0x10: {  	s18 =	simm.s32 $0x2800;
	s5 =	sshrl.u32 s5, $0x3;
	s21 =	sadd.s32 $0x4400, s10  }
0x11: {  	s25 =	sadd.s32 $0x4680, s10;
	s12 =	sadd.s32 s1, s11;
	s13 =	smax.u32 s13, $0x1  }
0x12: {  	s14 =	sshrl.u32 s14, $0x3;
	s7 =	sadd.s32 s0, s5;
	[dreg:$0x6] =	wrdreg s21  }
0x13: {  	[dreg:$0x8] =	wrdreg s25;
	s0 =	sadd.s32 s20, s19;
	s5 =	sshrl.u32 s24, $0x2  }
0x14: {  	s12 =	sadd.s32 $0x27000, s12;
	s19 =	simm.s32 $0x4800;
	s20 =	simm.s32 $0x6800  }
0x15: {  	s21 =	simm.s32 $0x8800;
	s22 =	sadd.s32 $0x280, s7;
	s0 =	sshrl.u32 s0, $0x3  }
0x16: {  	s26 =	sadd.s32 s5, s3;
	[dreg:$0x7] =	wrdreg s22;
	s11 =	sadd.s32 s1, s0  }
0x17: {  	s1 =	sadd.s32 $0x138000, s3;
	s22 =	simm.s32 $0x1;
	s24 =	sshrl.u32 s26, $0x3  }
0x18: {  	s26 =	simm.s32 $0x2;
	s0 =	simm.s32 $0x0;
	s25 =	sshrl.u32 @!p0 s1, $0x3  }
.LBB2_1:
0x19: {  	s1 =	rddreg [dreg:$0x5]  }
0x1a: {  	[spmem:s14], [sflag:s6] =	dma.local [hbm:s1], $0x2780  }
0x1b: {  	_ =	swait.ge [sflag:s15], $0x2780  }
0x1c: {  	[sflag:s15] =	ssyncset.done $0x0  }
0x1d: {  	[sflag:s15] =	ssyncadd.s32 $0xFFFFD880  }
0x1e: {  	[bflag:$0x0] =	sbarrier.arrive $0xFFFF  }
0x1f: {  	[tilespmem:s4], [sflag:$0x3] =	stream.linear.gather [hbm4b:s7+s4], $0x1400, $0x38;
	[tilespmem:$0x1E400] =	vst v63  }
0x20: {  	_ =	swait.ge [sflag:s15], $0x1400  }
0x21: {  	[sflag:s15] =	ssyncset.done $0x0  }
0x22: {  	s8 =	rddreg [dreg:$0x6];
	[sflag:s15] =	ssyncadd.s32 $0xFFFFEC00  }
0x23: {  	[tilespmem:s16], [sflag:$0x3] =	stream.linear.gather [hbm4b:s8+s4], $0x1400, $0x38;
	[tilespmem:$0x1E400] =	vst v63  }
0x24: {  	_ =	swait.ge [sflag:s15], $0x1400  }
0x25: {  	[sflag:s15] =	ssyncset.done $0x0  }
0x26: {  	[sflag:s15] =	ssyncadd.s32 $0xFFFFEC00  }
0x27: {  	[tilespmem:s18], [sflag:$0x1] =	stream.indirect.gather [hbm4b:s2+s17], $0x80, s4, s17, $0xb8;
	[tilespmem:$0x1E400] =	vst v63  }
0x28: {  	_ = 	snop  }
0x29: {  	[tilespmem:s19], [sflag:$0x1] =	stream.indirect.gather [hbm4b:s2+s17], $0x80, s17, s17, $0xb8;
	[tilespmem:$0x1E400] =	vst v63  }
0x2a: {  	s9 =	simm.s32 $0x80  }
0x2b: {  	[tilespmem:s20], [sflag:$0x2] =	stream.indirect.gather [hbm4b:s2+s17], $0x80, s9, s17, $0xb8;
	[tilespmem:$0x1E400] =	vst v63  }
0x2c: {  	s10 =	simm.s32 $0xC0  }
0x2d: {  	[tilespmem:s21], [sflag:$0x2] =	stream.indirect.gather [hbm4b:s2+s17], $0x80, s10, s17, $0xb8;
	[tilespmem:$0x1E400] =	vst v63  }
0x2e: {  	_ =	swait.ge [sflag:s22], $0x2000  }
0x2f: {  	[sflag:s22] =	ssyncset.done $0x0  }
0x30: {  	[sflag:s22] =	ssyncadd.s32 $0xFFFFE000  }
0x31: {  	_ =	swait.ge [sflag:s22], $0x2000  }
0x32: {  	[sflag:s22] =	ssyncset.done $0x0  }
0x33: {  	s5 =	simm.s32 $0x1400;
	[sflag:s22] =	ssyncadd.s32 $0xFFFFE000  }
0x34: {  	[spmem:s3] =	stream.indirect.scatter.add.f32 [tilespmem:s18], [sflag:$0x3], $0x80, s5, s23, $0xb8;
	[tilespmem:$0x1E400] =	vst v63  }
0x35: {  	_ =	swait.ge [sflag:s15], $0x4000  }
0x36: {  	[sflag:s15] =	ssyncset.done $0x0  }
0x37: {  	s8 =	simm.s32 $0x100;
	[sflag:s15] =	ssyncadd.s32 $0xFFFFC000  }
0x38: {  	[tilespmem:s18], [sflag:$0x1] =	stream.indirect.gather [hbm4b:s2+s17], $0x80, s8, s17, $0xb8;
	[tilespmem:$0x1E400] =	vst v63  }
0x39: {  	s9 =	simm.s32 $0x140  }
0x3a: {  	[tilespmem:s19], [sflag:$0x1] =	stream.indirect.gather [hbm4b:s2+s17], $0x80, s9, s17, $0xb8;
	[tilespmem:$0x1E400] =	vst v63  }
0x3b: {  	_ =	swait.ge [sflag:s26], $0x2000  }
0x3c: {  	[sflag:s26] =	ssyncset.done $0x0  }
0x3d: {  	[sflag:s26] =	ssyncadd.s32 $0xFFFFE000  }
0x3e: {  	_ =	swait.ge [sflag:s26], $0x2000  }
0x3f: {  	[sflag:s26] =	ssyncset.done $0x0  }
0x40: {  	s10 =	simm.s32 $0x1480;
	[sflag:s26] =	ssyncadd.s32 $0xFFFFE000  }
0x41: {  	[spmem:s3] =	stream.indirect.scatter.add.f32 [tilespmem:s20], [sflag:$0x3], $0x80, s10, s23, $0xb8;
	[tilespmem:$0x1E400] =	vst v63  }
0x42: {  	_ =	swait.ge [sflag:s15], $0x4000  }
0x43: {  	s1 =	simm.s32 $0x100;
	s5 =	simm.s32 $0x800;
	[sflag:s15] =	ssyncset.done $0x0  }
.LBB2_2:
0x44: {  	s8 =	sadd.s32 $0x80, s1  }
0x45: {  	[sflag:s15] =	ssyncadd.s32 $0xFFFFC000;
	s9 =	smov.u32 s5;
	s10 =	sadd.s32 $0x400, s5  }
0x46: {  	[tilespmem:s20], [sflag:$0x2] =	stream.indirect.gather [hbm4b:s2+s17], $0x80, s8, s17, $0xb8;
	[tilespmem:$0x1E400] =	vst v63  }
0x47: {  	p1 =	sne.s32 s5, $0x4800;
	s5 =	sadd.s32 $0xC0, s1  }
0x48: {  	[tilespmem:s21], [sflag:$0x2] =	stream.indirect.gather [hbm4b:s2+s17], $0x80, s5, s17, $0xb8;
	[tilespmem:$0x1E400] =	vst v63  }
0x49: {  	_ =	swait.ge [sflag:s22], $0x2000  }
0x4a: {  	[sflag:s22] =	ssyncset.done $0x0  }
0x4b: {  	[sflag:s22] =	ssyncadd.s32 $0xFFFFE000  }
0x4c: {  	_ =	swait.ge [sflag:s22], $0x2000  }
0x4d: {  	[sflag:s22] =	ssyncset.done $0x0  }
0x4e: {  	s5 =	sadd.s32 $0x1400, s1;
	[sflag:s22] =	ssyncadd.s32 $0xFFFFE000  }
0x4f: {  	[spmem:s3] =	stream.indirect.scatter.add.f32 [tilespmem:s18], [sflag:$0x3], $0x80, s5, s23, $0xb8;
	[tilespmem:$0x1E400] =	vst v63  }
0x50: {  	_ =	swait.ge [sflag:s15], $0x4000  }
0x51: {  	[sflag:s15] =	ssyncset.done $0x0  }
0x52: {  	s5 =	sadd.s32 $0x100, s1;
	[sflag:s15] =	ssyncadd.s32 $0xFFFFC000  }
0x53: {  	[tilespmem:s18], [sflag:$0x1] =	stream.indirect.gather [hbm4b:s2+s17], $0x80, s5, s17, $0xb8;
	[tilespmem:$0x1E400] =	vst v63  }
0x54: {  	s5 =	sadd.s32 $0x140, s1  }
0x55: {  	[tilespmem:s19], [sflag:$0x1] =	stream.indirect.gather [hbm4b:s2+s17], $0x80, s5, s17, $0xb8;
	[tilespmem:$0x1E400] =	vst v63  }
0x56: {  	_ =	swait.ge [sflag:s26], $0x2000  }
0x57: {  	[sflag:s26] =	ssyncset.done $0x0  }
0x58: {  	[sflag:s26] =	ssyncadd.s32 $0xFFFFE000  }
0x59: {  	_ =	swait.ge [sflag:s26], $0x2000  }
.Ltmp0:
0x5a: {  	[sflag:s26] =	ssyncset.done $0x0;
	(pc) =	sbr.rel @p1 .LBB2_2-.Ltmp0, $4  }
0x5b: {  	s1 =	sadd.s32 $0x1480, s1;
	[sflag:s26] =	ssyncadd.s32 $0xFFFFE000  }
0x5c: {  	[spmem:s3] =	stream.indirect.scatter.add.f32 [tilespmem:s20], [sflag:$0x3], $0x80, s1, s23, $0xb8;
	[tilespmem:$0x1E400] =	vst v63  }
0x5d: {  	_ =	swait.ge [sflag:s15], $0x4000  }
0x5e: {  	s5 =	smov.u32 s10;
	s1 =	sshra.s32 s9, $0x2;
	[sflag:s15] =	ssyncset.done $0x0  }
0x5f: {  	s5 =	sadd.s32 $0x80, s1;
	[sflag:s15] =	ssyncadd.s32 $0xFFFFC000  }
0x60: {  	[tilespmem:s20], [sflag:$0x2] =	stream.indirect.gather [hbm4b:s2+s17], $0x80, s5, s17, $0xb8;
	[tilespmem:$0x1E400] =	vst v63  }
0x61: {  	s10 =	sadd.s32 $0xC0, s1  }
0x62: {  	[tilespmem:s21], [sflag:$0x2] =	stream.indirect.gather [hbm4b:s2+s17], $0x80, s10, s17, $0xb8;
	[tilespmem:$0x1E400] =	vst v63  }
0x63: {  	_ =	swait.ge [sflag:s22], $0x2000  }
0x64: {  	[sflag:s22] =	ssyncset.done $0x0  }
0x65: {  	[sflag:s22] =	ssyncadd.s32 $0xFFFFE000  }
0x66: {  	_ =	swait.ge [sflag:s22], $0x2000  }
0x67: {  	[sflag:s22] =	ssyncset.done $0x0  }
0x68: {  	s8 =	sadd.s32 $0x1400, s1;
	[sflag:s22] =	ssyncadd.s32 $0xFFFFE000  }
0x69: {  	[spmem:s3] =	stream.indirect.scatter.add.f32 [tilespmem:s18], [sflag:$0x3], $0x80, s8, s23, $0xb8;
	[tilespmem:$0x1E400] =	vst v63  }
0x6a: {  	_ =	swait.ge [sflag:s15], $0x4000  }
0x6b: {  	[sflag:s15] =	ssyncset.done $0x0  }
0x6c: {  	s9 =	sadd.s32 $0x100, s1;
	[sflag:s15] =	ssyncadd.s32 $0xFFFFC000  }
0x6d: {  	[tilespmem:s18], [sflag:$0x1] =	stream.indirect.gather [hbm4b:s2+s17], $0x80, s9, s17, $0xb8;
	[tilespmem:$0x1E400] =	vst v63  }
0x6e: {  	s10 =	sadd.s32 $0x140, s1  }
0x6f: {  	[tilespmem:s19], [sflag:$0x1] =	stream.indirect.gather [hbm4b:s2+s17], $0x80, s10, s17, $0xb8;
	[tilespmem:$0x1E400] =	vst v63  }
0x70: {  	_ =	swait.ge [sflag:s26], $0x2000  }
0x71: {  	[sflag:s26] =	ssyncset.done $0x0  }
0x72: {  	[sflag:s26] =	ssyncadd.s32 $0xFFFFE000  }
0x73: {  	_ =	swait.ge [sflag:s26], $0x2000  }
0x74: {  	[sflag:s26] =	ssyncset.done $0x0  }
0x75: {  	s8 =	sadd.s32 $0x1480, s1;
	[sflag:s26] =	ssyncadd.s32 $0xFFFFE000  }
0x76: {  	[spmem:s3] =	stream.indirect.scatter.add.f32 [tilespmem:s20], [sflag:$0x3], $0x80, s8, s23, $0xb8;
	[tilespmem:$0x1E400] =	vst v63  }
0x77: {  	_ =	swait.ge [sflag:s15], $0x4000  }
0x78: {  	[sflag:s15] =	ssyncset.done $0x0  }
0x79: {  	[sflag:s15] =	ssyncadd.s32 $0xFFFFC000  }
0x7a: {  	[tilespmem:s20], [sflag:$0x2] =	stream.indirect.gather [hbm4b:s2+s17], $0x80, s28, s17, $0xb8;
	[tilespmem:$0x1E400] =	vst v63  }
0x7b: {  	_ = 	snop  }
0x7c: {  	[tilespmem:s21], [sflag:$0x2] =	stream.indirect.gather [hbm4b:s2+s17], $0x80, s29, s17, $0xb8;
	[tilespmem:$0x1E400] =	vst v63  }
0x7d: {  	_ =	swait.ge [sflag:s22], $0x2000  }
0x7e: {  	[sflag:s22] =	ssyncset.done $0x0  }
0x7f: {  	[sflag:s22] =	ssyncadd.s32 $0xFFFFE000  }
0x80: {  	_ =	swait.ge [sflag:s22], $0x2000  }
0x81: {  	[sflag:s22] =	ssyncset.done $0x0  }
0x82: {  	[sflag:s22] =	ssyncadd.s32 $0xFFFFE000  }
0x83: {  	[spmem:s3] =	stream.indirect.scatter.add.f32 [tilespmem:s18], [sflag:$0x3], $0x80, s30, s23, $0xb8;
	[tilespmem:$0x1E400] =	vst v63  }
0x84: {  	_ =	swait.ge [sflag:s15], $0x4000  }
0x85: {  	[sflag:s15] =	ssyncset.done $0x0  }
0x86: {  	[sflag:s15] =	ssyncadd.s32 $0xFFFFC000  }
0x87: {  	_ =	swait.ge [sflag:s26], $0x2000  }
0x88: {  	[sflag:s26] =	ssyncset.done $0x0  }
0x89: {  	[sflag:s26] =	ssyncadd.s32 $0xFFFFE000  }
0x8a: {  	_ =	swait.ge [sflag:s26], $0x2000  }
0x8b: {  	[sflag:s26] =	ssyncset.done $0x0  }
0x8c: {  	[sflag:s26] =	ssyncadd.s32 $0xFFFFE000  }
0x8d: {  	[spmem:s3] =	stream.indirect.scatter.add.f32 [tilespmem:s20], [sflag:$0x3], $0x80, s31, s23, $0xb8;
	[tilespmem:$0x1E400] =	vst v63  }
0x8e: {  	_ =	swait.ge [sflag:s15], $0x4000  }
0x8f: {  	[sflag:s15] =	ssyncset.done $0x0  }
0x90: {  	s9 =	simm.s32 $0x0;
	s10 =	rddreg [dreg:$0x7];
	[sflag:s15] =	ssyncadd.s32 $0xFFFFC000  }
0x91: {  	[tilespmem:s9], [sflag:$0x3] =	stream.linear.gather [hbm4b:s10+s9], $0x1400, $0x38;
	[tilespmem:$0x1E400] =	vst v63  }
0x92: {  	_ =	swait.ge [sflag:s15], $0x1400  }
0x93: {  	[sflag:s15] =	ssyncset.done $0x0  }
0x94: {  	s8 =	rddreg [dreg:$0x8];
	[sflag:s15] =	ssyncadd.s32 $0xFFFFEC00  }
0x95: {  	[tilespmem:s16], [sflag:$0x3] =	stream.linear.gather [hbm4b:s8+s9], $0x1400, $0x38;
	[tilespmem:$0x1E400] =	vst v63  }
0x96: {  	_ =	swait.ge [sflag:s15], $0x1400  }
0x97: {  	[sflag:s15] =	ssyncset.done $0x0  }
0x98: {  	[sflag:s15] =	ssyncadd.s32 $0xFFFFEC00  }
0x99: {  	[tilespmem:s18], [sflag:$0x1] =	stream.indirect.gather [hbm4b:s2+s17], $0x80, s9, s17, $0xb8;
	[tilespmem:$0x1E400] =	vst v63  }
0x9a: {  	_ = 	snop  }
0x9b: {  	[tilespmem:s19], [sflag:$0x1] =	stream.indirect.gather [hbm4b:s2+s17], $0x80, s17, s17, $0xb8;
	[tilespmem:$0x1E400] =	vst v63  }
0x9c: {  	s9 =	simm.s32 $0x80  }
0x9d: {  	[tilespmem:s20], [sflag:$0x2] =	stream.indirect.gather [hbm4b:s2+s17], $0x80, s9, s17, $0xb8;
	[tilespmem:$0x1E400] =	vst v63  }
0x9e: {  	s10 =	simm.s32 $0xC0  }
0x9f: {  	[tilespmem:s21], [sflag:$0x2] =	stream.indirect.gather [hbm4b:s2+s17], $0x80, s10, s17, $0xb8;
	[tilespmem:$0x1E400] =	vst v63  }
0xa0: {  	_ =	swait.ge [sflag:s22], $0x2000  }
0xa1: {  	[sflag:s22] =	ssyncset.done $0x0  }
0xa2: {  	[sflag:s22] =	ssyncadd.s32 $0xFFFFE000  }
0xa3: {  	_ =	swait.ge [sflag:s22], $0x2000  }
0xa4: {  	[sflag:s22] =	ssyncset.done $0x0  }
0xa5: {  	s5 =	simm.s32 $0x1400;
	[sflag:s22] =	ssyncadd.s32 $0xFFFFE000  }
0xa6: {  	[spmem:s3] =	stream.indirect.scatter.add.f32 [tilespmem:s18], [sflag:$0x3], $0x80, s5, s23, $0xb8;
	[tilespmem:$0x1E400] =	vst v63  }
0xa7: {  	_ =	swait.ge [sflag:s15], $0x4000  }
0xa8: {  	[sflag:s15] =	ssyncset.done $0x0  }
0xa9: {  	s8 =	simm.s32 $0x100;
	[sflag:s15] =	ssyncadd.s32 $0xFFFFC000  }
0xaa: {  	[tilespmem:s18], [sflag:$0x1] =	stream.indirect.gather [hbm4b:s2+s17], $0x80, s8, s17, $0xb8;
	[tilespmem:$0x1E400] =	vst v63  }
0xab: {  	s9 =	simm.s32 $0x140  }
0xac: {  	[tilespmem:s19], [sflag:$0x1] =	stream.indirect.gather [hbm4b:s2+s17], $0x80, s9, s17, $0xb8;
	[tilespmem:$0x1E400] =	vst v63  }
0xad: {  	_ =	swait.ge [sflag:s26], $0x2000  }
0xae: {  	[sflag:s26] =	ssyncset.done $0x0  }
0xaf: {  	[sflag:s26] =	ssyncadd.s32 $0xFFFFE000  }
0xb0: {  	_ =	swait.ge [sflag:s26], $0x2000  }
0xb1: {  	[sflag:s26] =	ssyncset.done $0x0  }
0xb2: {  	s10 =	simm.s32 $0x1480;
	[sflag:s26] =	ssyncadd.s32 $0xFFFFE000  }
0xb3: {  	[spmem:s3] =	stream.indirect.scatter.add.f32 [tilespmem:s20], [sflag:$0x3], $0x80, s10, s23, $0xb8;
	[tilespmem:$0x1E400] =	vst v63  }
0xb4: {  	_ =	swait.ge [sflag:s15], $0x4000  }
0xb5: {  	s1 =	simm.s32 $0x100;
	s5 =	simm.s32 $0x800;
	[sflag:s15] =	ssyncset.done $0x0  }
.LBB2_4:
0xb6: {  	s8 =	sadd.s32 $0x80, s1  }
0xb7: {  	[sflag:s15] =	ssyncadd.s32 $0xFFFFC000;
	s9 =	smov.u32 s5;
	s10 =	sadd.s32 $0x400, s5  }
0xb8: {  	[tilespmem:s20], [sflag:$0x2] =	stream.indirect.gather [hbm4b:s2+s17], $0x80, s8, s17, $0xb8;
	[tilespmem:$0x1E400] =	vst v63  }
0xb9: {  	p1 =	sne.s32 s5, $0x4800;
	s5 =	sadd.s32 $0xC0, s1  }
0xba: {  	[tilespmem:s21], [sflag:$0x2] =	stream.indirect.gather [hbm4b:s2+s17], $0x80, s5, s17, $0xb8;
	[tilespmem:$0x1E400] =	vst v63  }
0xbb: {  	_ =	swait.ge [sflag:s22], $0x2000  }
0xbc: {  	[sflag:s22] =	ssyncset.done $0x0  }
0xbd: {  	[sflag:s22] =	ssyncadd.s32 $0xFFFFE000  }
0xbe: {  	_ =	swait.ge [sflag:s22], $0x2000  }
0xbf: {  	[sflag:s22] =	ssyncset.done $0x0  }
0xc0: {  	s5 =	sadd.s32 $0x1400, s1;
	[sflag:s22] =	ssyncadd.s32 $0xFFFFE000  }
0xc1: {  	[spmem:s3] =	stream.indirect.scatter.add.f32 [tilespmem:s18], [sflag:$0x3], $0x80, s5, s23, $0xb8;
	[tilespmem:$0x1E400] =	vst v63  }
0xc2: {  	_ =	swait.ge [sflag:s15], $0x4000  }
0xc3: {  	[sflag:s15] =	ssyncset.done $0x0  }
0xc4: {  	s5 =	sadd.s32 $0x100, s1;
	[sflag:s15] =	ssyncadd.s32 $0xFFFFC000  }
0xc5: {  	[tilespmem:s18], [sflag:$0x1] =	stream.indirect.gather [hbm4b:s2+s17], $0x80, s5, s17, $0xb8;
	[tilespmem:$0x1E400] =	vst v63  }
0xc6: {  	s5 =	sadd.s32 $0x140, s1  }
0xc7: {  	[tilespmem:s19], [sflag:$0x1] =	stream.indirect.gather [hbm4b:s2+s17], $0x80, s5, s17, $0xb8;
	[tilespmem:$0x1E400] =	vst v63  }
0xc8: {  	_ =	swait.ge [sflag:s26], $0x2000  }
0xc9: {  	[sflag:s26] =	ssyncset.done $0x0  }
0xca: {  	[sflag:s26] =	ssyncadd.s32 $0xFFFFE000  }
0xcb: {  	_ =	swait.ge [sflag:s26], $0x2000  }
.Ltmp1:
0xcc: {  	[sflag:s26] =	ssyncset.done $0x0;
	(pc) =	sbr.rel @p1 .LBB2_4-.Ltmp1, $4  }
0xcd: {  	s1 =	sadd.s32 $0x1480, s1;
	[sflag:s26] =	ssyncadd.s32 $0xFFFFE000  }
0xce: {  	[spmem:s3] =	stream.indirect.scatter.add.f32 [tilespmem:s20], [sflag:$0x3], $0x80, s1, s23, $0xb8;
	[tilespmem:$0x1E400] =	vst v63  }
0xcf: {  	_ =	swait.ge [sflag:s15], $0x4000  }
0xd0: {  	s5 =	smov.u32 s10;
	s1 =	sshra.s32 s9, $0x2;
	[sflag:s15] =	ssyncset.done $0x0  }
0xd1: {  	s5 =	sadd.s32 $0x80, s1;
	[sflag:s15] =	ssyncadd.s32 $0xFFFFC000  }
0xd2: {  	[tilespmem:s20], [sflag:$0x2] =	stream.indirect.gather [hbm4b:s2+s17], $0x80, s5, s17, $0xb8;
	[tilespmem:$0x1E400] =	vst v63  }
0xd3: {  	s9 =	sadd.s32 $0xC0, s1  }
0xd4: {  	[tilespmem:s21], [sflag:$0x2] =	stream.indirect.gather [hbm4b:s2+s17], $0x80, s9, s17, $0xb8;
	[tilespmem:$0x1E400] =	vst v63  }
0xd5: {  	_ =	swait.ge [sflag:s22], $0x2000  }
0xd6: {  	[sflag:s22] =	ssyncset.done $0x0  }
0xd7: {  	[sflag:s22] =	ssyncadd.s32 $0xFFFFE000  }
0xd8: {  	_ =	swait.ge [sflag:s22], $0x2000  }
0xd9: {  	[sflag:s22] =	ssyncset.done $0x0  }
0xda: {  	s10 =	sadd.s32 $0x1400, s1;
	[sflag:s22] =	ssyncadd.s32 $0xFFFFE000  }
0xdb: {  	[spmem:s3] =	stream.indirect.scatter.add.f32 [tilespmem:s18], [sflag:$0x3], $0x80, s10, s23, $0xb8;
	[tilespmem:$0x1E400] =	vst v63  }
0xdc: {  	_ =	swait.ge [sflag:s15], $0x4000  }
0xdd: {  	[sflag:s15] =	ssyncset.done $0x0  }
0xde: {  	s8 =	sadd.s32 $0x100, s1;
	[sflag:s15] =	ssyncadd.s32 $0xFFFFC000  }
0xdf: {  	[tilespmem:s18], [sflag:$0x1] =	stream.indirect.gather [hbm4b:s2+s17], $0x80, s8, s17, $0xb8;
	[tilespmem:$0x1E400] =	vst v63  }
0xe0: {  	s9 =	sadd.s32 $0x140, s1  }
0xe1: {  	[tilespmem:s19], [sflag:$0x1] =	stream.indirect.gather [hbm4b:s2+s17], $0x80, s9, s17, $0xb8;
	[tilespmem:$0x1E400] =	vst v63  }
0xe2: {  	_ =	swait.ge [sflag:s26], $0x2000  }
0xe3: {  	[sflag:s26] =	ssyncset.done $0x0  }
0xe4: {  	[sflag:s26] =	ssyncadd.s32 $0xFFFFE000  }
0xe5: {  	_ =	swait.ge [sflag:s26], $0x2000  }
0xe6: {  	[sflag:s26] =	ssyncset.done $0x0  }
0xe7: {  	s10 =	sadd.s32 $0x1480, s1;
	[sflag:s26] =	ssyncadd.s32 $0xFFFFE000  }
0xe8: {  	[spmem:s3] =	stream.indirect.scatter.add.f32 [tilespmem:s20], [sflag:$0x3], $0x80, s10, s23, $0xb8;
	[tilespmem:$0x1E400] =	vst v63  }
0xe9: {  	_ =	swait.ge [sflag:s15], $0x4000  }
0xea: {  	[sflag:s15] =	ssyncset.done $0x0  }
0xeb: {  	[sflag:s15] =	ssyncadd.s32 $0xFFFFC000  }
0xec: {  	[tilespmem:s20], [sflag:$0x2] =	stream.indirect.gather [hbm4b:s2+s17], $0x80, s28, s17, $0xb8;
	[tilespmem:$0x1E400] =	vst v63  }
0xed: {  	_ = 	snop  }
0xee: {  	[tilespmem:s21], [sflag:$0x2] =	stream.indirect.gather [hbm4b:s2+s17], $0x80, s29, s17, $0xb8;
	[tilespmem:$0x1E400] =	vst v63  }
0xef: {  	_ =	swait.ge [sflag:s22], $0x2000  }
0xf0: {  	[sflag:s22] =	ssyncset.done $0x0  }
0xf1: {  	[sflag:s22] =	ssyncadd.s32 $0xFFFFE000  }
0xf2: {  	_ =	swait.ge [sflag:s22], $0x2000  }
0xf3: {  	[sflag:s22] =	ssyncset.done $0x0  }
0xf4: {  	[sflag:s22] =	ssyncadd.s32 $0xFFFFE000  }
0xf5: {  	[spmem:s3] =	stream.indirect.scatter.add.f32 [tilespmem:s18], [sflag:$0x3], $0x80, s30, s23, $0xb8;
	[tilespmem:$0x1E400] =	vst v63  }
0xf6: {  	_ =	swait.ge [sflag:s15], $0x4000  }
0xf7: {  	[sflag:s15] =	ssyncset.done $0x0  }
0xf8: {  	[sflag:s15] =	ssyncadd.s32 $0xFFFFC000  }
0xf9: {  	_ =	swait.ge [sflag:s26], $0x2000  }
0xfa: {  	[sflag:s26] =	ssyncset.done $0x0  }
0xfb: {  	[sflag:s26] =	ssyncadd.s32 $0xFFFFE000  }
0xfc: {  	_ =	swait.ge [sflag:s26], $0x2000  }
0xfd: {  	[sflag:s26] =	ssyncset.done $0x0  }
0xfe: {  	[sflag:s26] =	ssyncadd.s32 $0xFFFFE000  }
0xff: {  	[spmem:s3] =	stream.indirect.scatter.add.f32 [tilespmem:s20], [sflag:$0x3], $0x80, s31, s23, $0xb8;
	[tilespmem:$0x1E400] =	vst v63  }
0x100: {  	_ =	swait.ge [sflag:s15], $0x4000  }
0x101: {  	[sflag:s15] =	ssyncset.done $0x0  }
0x102: {  	[sflag:s15] =	ssyncadd.s32 $0xFFFFC000  }
0x103: {  	[bflag:$0x0] =	sbarrier.arrive $0xFFFF  }
0x104: {  	[hbm:s11], [sflag:s6] =	dma.local [spmem:s24], $0x2700  }
0x105: {  	s0 =	sadd.s32 $0x1, s0;
	_ =	swait.ge [sflag:s15], $0x2700  }
0x106: {  	p1 =	sne.s32 s0, s13;
	[sflag:s15] =	ssyncset.done $0x0  }
.Ltmp2:
0x107: {  	s1 =	simm.s32 @!p0 $0x3;
	[sflag:s15] =	ssyncadd.s32 $0xFFFFD900;
	(pc) =	sbr.rel @p1 .LBB2_1-.Ltmp2, $4  }
0x108: {  	[hbm:s12], [sflag:s6] =	dma.local @!p0 [spmem:s25], $0x100  }
0x109: {  	_ =	swait.ge @!p0 [sflag:s1], $0x100  }
0x10a: {  	[sflag:s1] =	ssyncset.done @!p0 $0x0  }
0x10b: {  	[sflag:s1] =	ssyncadd.s32 @!p0 $0xFFFFFF00  }
0x10c: {  	_ =	sfence.sel $0x180000  }
0x10d: {  	[bflag:$0x0] =	sbarrier.arrive $0xFFFF  }
0x10e: {  	_ =	strace $0x9000004D  }
0x10f: {  	s0 =	stileid.u32;
	[bflag:$0x2] =	sbarrier.arrive $0xFFFF  }
0x110: {  	p0 =	sne.s32 s0, $0x0;
	s0 =	rddreg [dreg:$0x4]  }
0x111: {  	s0 =	sadd.s32 @!p0 $0x100000, s0  }
0x112: {  	[sflag:s0] =	ssyncadd.tile.s32 @!p0 $0x1;
	_ =	shalt  }
.Lfunc_end2:
_tile_overlayer_lowered:
.L_overlay_start_2:
0x113: {  	(tag) =	ssettag $0x2  }
0x114: {  	s0 =	rddreg [dreg:$0x0];
	s2 =	stileid.u32  }
0x115: {  	s1 =	rddreg [dreg:$0x1];
	p0 =	sne.s32 s2, $0x0  }
0x116: {  	s3 =	rddreg [dreg:$0x2];
	[bflag:$0x3] =	sbarrier.arrive $0xFFFF;
	s2 =	simm.s32 @!p0 $0x1C03  }
0x117: {  	[timem:s3], [sflag:s2] =	dma.local @!p0 [hbm:s0], s1  }
0x118: {  	s0 =	simm.s32 @!p0 $0x3  }
0x119: {  	_ =	swait.ge @!p0 [sflag:s0], s1  }
0x11a: {  	s1 =	ssub.s32 @!p0 $0x0, s1;
	[sflag:s0] =	ssyncset.done @!p0 $0x0  }
0x11b: {  	[sflag:s0] =	ssyncadd.s32 @!p0 s1  }
0x11c: {  	[bflag:$0x3] =	sbarrier.arrive $0xFFFF  }
0x11d: {  	_ =	shalt  }

// kernel: kernel.23.cloned.1.call-start
scs
__scs_entry_jumppad:
0x0: {  	(pc) =	sbr.rel $0x88, $3  }
0x1: {  	(tag) =	ssettag $0x0;
	lr =	simm.s32 $0x1  }
0x2: {  	[smem:$0x3F9B] =	sst lr;
	_ =	strace $0xD0000000  }
0x3: {  	_ = 	snop  }
0x4: {  	_ = 	snop  }
0x5: {  	_ = 	snop  }
0x6: {  	_ = 	snop  }
0x7: {  	_ = 	snop  }
__scs_overlays_trampoline_lowered:
0x8: {  	[smem:$0x3FAA] =	sst s0  }
0x9: {  	[smem:$0x3FAB] =	sst s1  }
0xa: {  	[smem:$0x3FAC] =	sst s2  }
0xb: {  	[smem:$0x3FAD] =	sst s3  }
0xc: {  	[smem:$0x3FAE] =	sst s4  }
0xd: {  	[smem:$0x3FAF] =	sst s5  }
0xe: {  	[smem:$0x3FB0] =	sst s6  }
0xf: {  	[smem:$0x3FB1] =	sst s7  }
0x10: {  	[smem:$0x3FB2] =	sst s8  }
0x11: {  	[smem:$0x3FB3] =	sst s9;
	s0 =	simm.s32 @!p0 $0x0  }
0x12: {  	s1 =	sld [smem:$0x3F99];
	s0 =	simm.s32 @p0 $0x1  }
0x13: {  	[smem:$0x3FB4] =	sst s0;
	s0 =	simm.s32 @!p1 $0x0  }
0x14: {  	s2 =	sld [smem:$0x3F98];
	s0 =	simm.s32 @p1 $0x1  }
0x15: {  	[smem:$0x3FB5] =	sst s0;
	s0 =	simm.s32 @!p2 $0x0  }
0x16: {  	s3 =	sld [smem:$0x3FDB];
	s0 =	simm.s32 @p2 $0x1  }
0x17: {  	s4 =	simm.s32 $0x1BF5;
	[smem:$0x3FB7] =	sst s0  }
0x18: {  	s0 =	sld [smem:$0x3F9A];
	_ =	swait.ge [sflag:s4], $0x0  }
0x19: {  	s7 =	sld [smem:$0x3F9B]  }
0x1a: {  	s8 =	sadd.s32 $0xFFFFE003, lr  }
0x1b: {  	s9 =	sadd.s32 $0xFFFFFEF7, lr;
	s5 =	simm.s32 $0xFFFFFFFF;
	p2 =	slt.u32 s8, $0xFFFFF086  }
0x1c: {  	p1 =	slt.u32 s9, $0xF7A;
	s5 =	simm.s32 @!p2 $0x0  }
0x1d: {  	s5 =	simm.s32 @p1 $0x1;
	p0 =	seq.s32 s7, s2  }
0x1e: {  	s7 =	smul.u32 @!p0 $0xF7A, s2;
	p2 =	seq.s32 @!p0 s5, $0x0  }
0x1f: {  	s9 =	smul.u32 $0xF7A, s1;
	s8 =	simm.s32 @!p0 $0x1BF5;
	p2 =	por !p2, p0  }
0x20: {  	[sflag:s8] =	ssyncset.s32 @!p0 $0xFFFFF086;
	s6 =	sadd.s32 @!p0 s3, s7;
	s7 =	simm.s32 @!p0 $0x108  }
0x21: {  	s3 =	sadd.s32 s3, s9;
	s6 =	sadd.s32 @!p0 $0x88, s6;
	s7 =	simm.s32 @p2 $0x1082  }
0x22: {  	[simem:s7], [sflag:s8] =	dma.local @!p0 [hbm:s6], $0xF7A  }
0x23: {  	s9 =	sor.u32 $0xD0000000, s2;
	s6 =	simm.s32 $0x108;
	_ =	swait.ge @!p0 [sflag:s8], $0x0  }
0x24: {  	s3 =	sadd.s32 $0x88, s3;
	s6 =	simm.s32 @!p1 $0x1082;
	[sflag:s4] =	ssyncset.s32 $0xFFFFF086  }
0x25: {  	[simem:s6], [sflag:s4] =	dma.local [hbm:s3], $0xF7A  }
0x26: {  	[smem:$0x3F9B] =	sst s1;
	(tag) =	ssettag s2;
	_ =	strace s9  }
0x27: {  	s1 =	sld [smem:$0x3FAB]  }
0x28: {  	s2 =	sld [smem:$0x3FAC]  }
0x29: {  	s4 =	sld [smem:$0x3FAE]  }
0x2a: {  	p0 =	seq.s32 s5, $0x0;
	s5 =	sld [smem:$0x3FAF]  }
0x2b: {  	s6 =	sld [smem:$0x3FB0]  }
0x2c: {  	s7 =	sld [smem:$0x3FB1]  }
0x2d: {  	s3 =	simm.s32 $0x108;
	s8 =	sld [smem:$0x3FB2]  }
0x2e: {  	s3 =	simm.s32 @!p0 $0x1082;
	s9 =	sld [smem:$0x3FB3]  }
0x2f: {  	lr =	sadd.s32 s0, s3;
	s0 =	sld [smem:$0x3FAA]  }
0x30: {  	s3 =	sld [smem:$0x3FAD]  }
0x31: {  	[smem:$0x3FB6] =	sst s10  }
0x32: {  	s10 =	sld [smem:$0x3FB4];
	_ =	sdelay $0x3  }
0x33: {  	p0 =	seq.s32 s10, $0x1;
	s10 =	sld [smem:$0x3FB6];
	_ =	sdelay $0x3  }
0x34: {  	[smem:$0x3FB6] =	sst s10  }
0x35: {  	s10 =	sld [smem:$0x3FB5];
	_ =	sdelay $0x3  }
0x36: {  	p1 =	seq.s32 s10, $0x1;
	s10 =	sld [smem:$0x3FB6];
	_ =	sdelay $0x3  }
0x37: {  	[smem:$0x3FB6] =	sst s10  }
0x38: {  	s10 =	sld [smem:$0x3FB7]  }
0x39: {  	_ = 	snop;
	(pc) =	sbr.ind lr, $3  }
0x3a: {  	_ = 	snop  }
0x3b: {  	_ = 	snop  }
0x3c: {  	p2 =	seq.s32 s10, $0x1;
	s10 =	sld [smem:$0x3FB6]  }
0x3d: {  	_ =	shalt  }
0x3e: {  	_ =	shalt  }
0x3f: {  	_ =	shalt  }
0x40: {  	_ =	shalt  }
0x41: {  	_ =	shalt  }
0x42: {  	_ =	shalt  }
0x43: {  	_ =	shalt  }
0x44: {  	_ =	shalt  }
0x45: {  	_ =	shalt  }
0x46: {  	_ =	shalt  }
0x47: {  	_ =	shalt  }
0x48: {  	_ =	shalt  }
0x49: {  	_ =	shalt  }
0x4a: {  	_ =	shalt  }
0x4b: {  	_ =	shalt  }
0x4c: {  	_ =	shalt  }
0x4d: {  	_ =	shalt  }
0x4e: {  	_ =	shalt  }
0x4f: {  	_ =	shalt  }
0x50: {  	_ =	shalt  }
0x51: {  	_ =	shalt  }
0x52: {  	_ =	shalt  }
0x53: {  	_ =	shalt  }
0x54: {  	_ =	shalt  }
0x55: {  	_ =	shalt  }
0x56: {  	_ =	shalt  }
0x57: {  	_ =	shalt  }
0x58: {  	_ =	shalt  }
0x59: {  	_ =	shalt  }
0x5a: {  	_ =	shalt  }
0x5b: {  	_ =	shalt  }
0x5c: {  	_ =	shalt  }
0x5d: {  	_ =	shalt  }
0x5e: {  	_ =	shalt  }
0x5f: {  	_ =	shalt  }
0x60: {  	_ =	shalt  }
0x61: {  	_ =	shalt  }
0x62: {  	_ =	shalt  }
0x63: {  	_ =	shalt  }
0x64: {  	_ =	shalt  }
0x65: {  	_ =	shalt  }
0x66: {  	_ =	shalt  }
0x67: {  	_ =	shalt  }
0x68: {  	_ =	shalt  }
0x69: {  	_ =	shalt  }
0x6a: {  	_ =	shalt  }
0x6b: {  	_ =	shalt  }
0x6c: {  	_ =	shalt  }
0x6d: {  	_ =	shalt  }
0x6e: {  	_ =	shalt  }
0x6f: {  	_ =	shalt  }
0x70: {  	_ =	shalt  }
0x71: {  	_ =	shalt  }
0x72: {  	_ =	shalt  }
0x73: {  	_ =	shalt  }
0x74: {  	_ =	shalt  }
0x75: {  	_ =	shalt  }
0x76: {  	_ =	shalt  }
0x77: {  	_ =	shalt  }
0x78: {  	_ =	shalt  }
0x79: {  	_ =	shalt  }
0x7a: {  	_ =	shalt  }
0x7b: {  	_ =	shalt  }
0x7c: {  	_ =	shalt  }
0x7d: {  	_ =	shalt  }
0x7e: {  	_ =	shalt  }
0x7f: {  	_ =	shalt  }
0x80: {  	_ =	shalt  }
0x81: {  	_ =	shalt  }
0x82: {  	_ =	shalt  }
0x83: {  	_ =	shalt  }
0x84: {  	_ =	shalt  }
0x85: {  	_ =	shalt  }
0x86: {  	_ =	shalt  }
0x87: {  	_ =	shalt  }
.Lfunc_end0:
.L_simem_size_0:
called_computation.3_lowered:
.L_overlay_start_0:
0x88: {  	s2 =	sld [smem:$0x3FD9]  }
0x89: {  	s3 =	sld [smem:$0x3FFE];
	_ =	sdelay $0x1  }
0x8a: {  	s1 =	srdreg.scid  }
0x8b: {  	s0 =	sand.u32 $0x1, s1  }
0x8c: {  	s14 =	sshll.u32 s0, $0xA;
	s2 =	sadd.s32 s3, s2  }
0x8d: {  	s2 =	sadd.s32 s2, s14  }
0x8e: {  	[smem:$0x3FC2] =	sst s2  }
0x8f: {  	_ = 	snop  }
0x90: {  	s2 =	sld [smem:$0x3FD0];
	_ =	sdelay $0x2  }
0x91: {  	s15 =	simm.s32 $0xA;
	s4 =	simm.s32 $0x10  }
0x92: {  	[smem:s4], [sflag:s15] =	dma.local [hbm:s2], $0x1  }
0x93: {  	_ =	swait.eq [sflag:s15], $0x1  }
0x94: {  	s16 =	sld [smem:$0x10];
	[sflag:s15] =	ssyncset.done $0x0  }
0x95: {  	s17 =	sld [smem:$0x11];
	[sflag:s15] =	ssyncadd.s32 $0xFFFFFFFF  }
0x96: {  	s18 =	sld [smem:$0x12];
	(tm) =	ssettm $0x1  }
0x97: {  	s5 =	sld [smem:$0x3FFB];
	_ =	sdelay $0x3  }
0x98: {  	_ =	strace s5  }
0x99: {  	s5 =	sld [smem:$0x3FFC];
	_ =	sdelay $0x3  }
0x9a: {  	_ =	strace s5  }
0x9b: {  	s5 =	sld [smem:$0x3FFD];
	_ =	sdelay $0x3  }
0x9c: {  	_ =	strace s5  }
0x9d: {  	_ =	strace $0x8FFFFFFF  }
0x9e: {  	s19 =	sld [smem:$0x3FDB];
	_ =	sdelay $0x1  }
0x9f: {  	s6 =	simm.s32 $_scs_section_size  }
0xa0: {  	s7 =	simm.s32 $_size__tile_overlayer_lowered;
	s8 =	simm.s32 $_tile_overlayer_lowered  }
0xa1: {  	s22 =	simm.s32 $0x1BFF;
	s21 =	sshll.u32 s8, $0x1;
	s5 =	sadd.s32 s6, s19  }
0xa2: {  	s9 =	simm.s32 $0x0;
	s20 =	sshll.u32 s7, $0x1;
	s7 =	sadd.s32 s21, s5  }
0xa3: {  	[timem:s9], [sflag:s22] =	dma.local [hbm:s7], s20  }
0xa4: {  	_ =	swait.ge [sflag:s22], s20  }
0xa5: {  	s6 =	ssub.s32 $0x0, s20;
	[sflag:s22] =	ssyncset.done $0x0  }
0xa6: {  	[sflag:s22] =	ssyncadd.s32 s6;
	_ =	sdelay $0x1  }
0xa7: {  	s23 =	simm.s32 $0x1B8B  }
0xa8: {  	_ =	swait.ge [sflag:s23], $0x1  }
0xa9: {  	[sflag:s23] =	ssyncset.done $0x0  }
0xaa: {  	s25 =	simm.s32 $0x1B8E;
	s24 =	sld [smem:$0x3FFE];
	[sflag:s23] =	ssyncadd.s32 $0xFFFFFFFF  }
0xab: {  	s26 =	simm.s32 $execute0_lowered;
	[smem:$0x3FD2] =	sst s25  }
0xac: {  	s7 =	sshll.u32 s26, $0x1;
	_ =	strace $0x8000004F;
	[dreg:$0x1] =	wrdreg $0xFFFFFFFF  }
0xad: {  	s28 =	simm.s32 $_size_execute0_lowered;
	s5 =	sadd.s32 s5, s7;
	[dreg:$0x0] =	wrdreg $0x0  }
0xae: {  	s7 =	sshll.u32 s28, $0x1;
	[dreg:$0x2] =	wrdreg s5  }
0xaf: {  	[dreg:$0x3] =	wrdreg s7  }
0xb0: {  	[dreg:$0x4] =	wrdreg $0xC0  }
0xb1: {  	_ =	task [dreg:s9], $0x5FFFF  }
0xb2: {  	[dreg:$0x1] =	wrdreg $0xFFFFFFFF  }
0xb3: {  	[dreg:$0x0] =	wrdreg $0x60  }
0xb4: {  	[dreg:$0x2] =	wrdreg s17  }
0xb5: {  	[dreg:$0x3] =	wrdreg s16  }
0xb6: {  	[dreg:$0x4] =	wrdreg s24  }
0xb7: {  	[dreg:$0x5] =	wrdreg s18  }
0xb8: {  	[dreg:$0x6] =	wrdreg $0xA8000  }
0xb9: {  	[dreg:$0x7] =	wrdreg $0x9  }
0xba: {  	_ =	task.clear_ibuf [dreg:s9], $0x8FFFF;
	_ =	strace $0x9000004F  }
0xbb: {  	s29 =	simm.s32 $0x9;
	_ =	strace $0x80000051  }
0xbc: {  	_ =	swait.ge [sflag:s29], $0x1  }
0xbd: {  	[sflag:s29] =	ssyncadd.s32 $0xFFFFFFFF  }
0xbe: {  	_ =	strace $0x90000051  }
0xbf: {  	_ =	sfence  }
0xc0: {  	s30 =	sld [smem:$0x0];
	_ =	sdelay $0x2  }
0xc1: {  	s31 =	sshll.u32 s1, $0xD;
	s1 =	sshrl.u32 s1, $0x2  }
0xc2: {  	s3 =	sand.u32 $0x4000, s31;
	s1 =	sadd.s32 s1, s30  }
0xc3: {  	s0 =	sor.u32 s3, s0;
	s1 =	sshll.u32 s1, $0x11  }
0xc4: {  	s0 =	sor.u32 s1, s0  }
0xc5: {  	s0 =	sadd.s32 $0x8F2B, s0  }
0xc6: {  	[sflag:s0] =	ssyncadd.remote.s32 $0x1  }
0xc7: {  	_ =	sfence.sel $0xFFFF  }
0xc8: {  	[dreg:$0x0] =	wrdreg $0xFFFFFFFF;
	(pc) =	sbr.abs _section_cstart, $3  }
0xc9: {  	[dreg:$0x1] =	wrdreg $0xFFFFFFFF  }
0xca: {  	_ =	task.clear_ibuf [dreg:s9], $0x2FFFF;
	_ =	strace $0x9FFFFFFF  }
0xcb: {  	(tm) =	ssettm $0x7FFFFFFF  }
tec
execute0_lowered:
.L_overlay_start_1:
0x0: {  	(tag) =	ssettag $0x1  }
0x1: {  	s1 =	rddreg [dreg:$0x0]  }
0x2: {  	s0 =	rddreg [dreg:$0x1]  }
0x3: {  	s2 =	rddreg [dreg:$0x2]  }
0x4: {  	s5 =	rddreg [dreg:$0x3]  }
0x5: {  	s3 =	rddreg [dreg:$0x4];
	s4 =	simm.s32 $0x0  }
0x6: {  	s23 =	stileid.u32;
	s7 =	srdreg.scid;
	s15 =	simm.s32 $0x3  }
0x7: {  	s28 =	simm.s32 $0x1380;
	s29 =	simm.s32 $0x13C0;
	s6 =	smul.u32 $0x2800, s23  }
0x8: {  	s30 =	simm.s32 $0x2700;
	s31 =	simm.s32 $0x2780;
	s9 =	smul.u32 $0x4F000, s23  }
0x9: {  	[smem:$0x7FF] =	sst s4;
	s7 =	sand.u32 $0x1, s7;
	s21 =	smul.u32 $0x13800, s23  }
0xa: {  	s18 =	sshll.u32 s23, $0x6;
	s12 =	smul.u32 $0x4E000, s23;
	p0 =	sne.s32 s23, $0xF  }
0xb: {  	s23 =	simm.s32 $0x80;
	_ =	strace $0x80000050;
	s11 =	smul.u32 $0x28000, s7  }
0xc: {  	s16 =	ssub.s32 $0x2, s7;
	s20 =	smul.u32 $0x138800, s7;
	s8 =	sshrl.u32 s6, $0x3  }
0xd: {  	s17 =	sshrl.u32 s16, $0x1;
	s9 =	sshrl.u32 s9, $0x2;
	s12 =	sshrl.u32 s12, $0x2  }
0xe: {  	s10 =	sadd.s32 s8, s2;
	s2 =	sadd.s32 $0x9400, s2;
	s14 =	sadd.s32 s9, s3  }
0xf: {  	s6 =	sadd.s32 s6, s11;
	s11 =	sshrl.u32 s20, $0x3;
	s26 =	sadd.s32 s12, s3  }
0x10: {  	[dreg:$0x6] =	wrdreg s2;
	s2 =	ssub.s32 s16, s17;
	s19 =	sshrl.u32 s6, $0x3  }
0x11: {  	s6 =	sor.u32 $0x1C03, s18;
	s22 =	sadd.s32 $0x4400, s10;
	s25 =	sadd.s32 $0x4680, s10  }
0x12: {  	s13 =	sadd.s32 s5, s11;
	s14 =	sshrl.u32 s14, $0x3;
	s16 =	simm.s32 $0x1400  }
0x13: {  	s17 =	simm.s32 $0x40;
	s18 =	simm.s32 $0x2800;
	[dreg:$0x7] =	wrdreg s22  }
0x14: {  	s7 =	sadd.s32 s0, s19;
	[dreg:$0x9] =	wrdreg s25;
	s0 =	sadd.s32 s21, s20  }
0x15: {  	s12 =	sadd.s32 $0x27000, s13;
	s13 =	smax.u32 s2, $0x1;
	s19 =	simm.s32 $0x4800  }
0x16: {  	s20 =	simm.s32 $0x6800;
	s21 =	simm.s32 $0x8800;
	s24 =	sadd.s32 $0x280, s7  }
0x17: {  	s22 =	simm.s32 $0x1;
	s0 =	sshrl.u32 s0, $0x3;
	[dreg:$0x8] =	wrdreg s24  }
0x18: {  	s11 =	sadd.s32 s5, s0;
	s5 =	sadd.s32 $0x138000, s3;
	s24 =	sshrl.u32 s26, $0x3  }
0x19: {  	s26 =	simm.s32 $0x2;
	s0 =	simm.s32 $0x0;
	s25 =	sshrl.u32 @!p0 s5, $0x3  }
.LBB2_1:
0x1a: {  	s2 =	rddreg [dreg:$0x6]  }
0x1b: {  	[spmem:s14], [sflag:s6] =	dma.local [hbm:s2], $0x2780  }
0x1c: {  	_ =	swait.ge [sflag:s15], $0x2780  }
0x1d: {  	[sflag:s15] =	ssyncset.done $0x0  }
0x1e: {  	[sflag:s15] =	ssyncadd.s32 $0xFFFFD880  }
0x1f: {  	[bflag:$0x0] =	sbarrier.arrive $0xFFFF  }
0x20: {  	[tilespmem:s4], [sflag:$0x3] =	stream.linear.gather [hbm4b:s7+s4], $0x1400, $0x38;
	[tilespmem:$0x1E400] =	vst v63  }
0x21: {  	_ =	swait.ge [sflag:s15], $0x1400  }
0x22: {  	[sflag:s15] =	ssyncset.done $0x0  }
0x23: {  	s8 =	rddreg [dreg:$0x7];
	[sflag:s15] =	ssyncadd.s32 $0xFFFFEC00  }
0x24: {  	[tilespmem:s16], [sflag:$0x3] =	stream.linear.gather [hbm4b:s8+s4], $0x1400, $0x38;
	[tilespmem:$0x1E400] =	vst v63  }
0x25: {  	_ =	swait.ge [sflag:s15], $0x1400  }
0x26: {  	[sflag:s15] =	ssyncset.done $0x0  }
0x27: {  	[sflag:s15] =	ssyncadd.s32 $0xFFFFEC00  }
0x28: {  	[tilespmem:s18], [sflag:$0x1] =	stream.indirect.gather [hbm4b:s1+s17], $0x80, s4, s17, $0xb8;
	[tilespmem:$0x1E400] =	vst v63  }
0x29: {  	_ = 	snop  }
0x2a: {  	[tilespmem:s19], [sflag:$0x1] =	stream.indirect.gather [hbm4b:s1+s17], $0x80, s17, s17, $0xb8;
	[tilespmem:$0x1E400] =	vst v63  }
0x2b: {  	s9 =	simm.s32 $0x80  }
0x2c: {  	[tilespmem:s20], [sflag:$0x2] =	stream.indirect.gather [hbm4b:s1+s17], $0x80, s9, s17, $0xb8;
	[tilespmem:$0x1E400] =	vst v63  }
0x2d: {  	s10 =	simm.s32 $0xC0  }
0x2e: {  	[tilespmem:s21], [sflag:$0x2] =	stream.indirect.gather [hbm4b:s1+s17], $0x80, s10, s17, $0xb8;
	[tilespmem:$0x1E400] =	vst v63  }
0x2f: {  	_ =	swait.ge [sflag:s22], $0x2000  }
0x30: {  	[sflag:s22] =	ssyncset.done $0x0  }
0x31: {  	[sflag:s22] =	ssyncadd.s32 $0xFFFFE000  }
0x32: {  	_ =	swait.ge [sflag:s22], $0x2000  }
0x33: {  	[sflag:s22] =	ssyncset.done $0x0  }
0x34: {  	s5 =	simm.s32 $0x1400;
	[sflag:s22] =	ssyncadd.s32 $0xFFFFE000  }
0x35: {  	[spmem:s3] =	stream.indirect.scatter.add.f32 [tilespmem:s18], [sflag:$0x3], $0x80, s5, s23, $0xb8;
	[tilespmem:$0x1E400] =	vst v63  }
0x36: {  	_ =	swait.ge [sflag:s15], $0x4000  }
0x37: {  	[sflag:s15] =	ssyncset.done $0x0  }
0x38: {  	s8 =	simm.s32 $0x100;
	[sflag:s15] =	ssyncadd.s32 $0xFFFFC000  }
0x39: {  	[tilespmem:s18], [sflag:$0x1] =	stream.indirect.gather [hbm4b:s1+s17], $0x80, s8, s17, $0xb8;
	[tilespmem:$0x1E400] =	vst v63  }
0x3a: {  	s9 =	simm.s32 $0x140  }
0x3b: {  	[tilespmem:s19], [sflag:$0x1] =	stream.indirect.gather [hbm4b:s1+s17], $0x80, s9, s17, $0xb8;
	[tilespmem:$0x1E400] =	vst v63  }
0x3c: {  	_ =	swait.ge [sflag:s26], $0x2000  }
0x3d: {  	[sflag:s26] =	ssyncset.done $0x0  }
0x3e: {  	[sflag:s26] =	ssyncadd.s32 $0xFFFFE000  }
0x3f: {  	_ =	swait.ge [sflag:s26], $0x2000  }
0x40: {  	[sflag:s26] =	ssyncset.done $0x0  }
0x41: {  	s10 =	simm.s32 $0x1480;
	[sflag:s26] =	ssyncadd.s32 $0xFFFFE000  }
0x42: {  	[spmem:s3] =	stream.indirect.scatter.add.f32 [tilespmem:s20], [sflag:$0x3], $0x80, s10, s23, $0xb8;
	[tilespmem:$0x1E400] =	vst v63  }
0x43: {  	_ =	swait.ge [sflag:s15], $0x4000  }
0x44: {  	s2 =	simm.s32 $0x100;
	s5 =	simm.s32 $0x800;
	[sflag:s15] =	ssyncset.done $0x0  }
.LBB2_2:
0x45: {  	s8 =	sadd.s32 $0x80, s2  }
0x46: {  	[sflag:s15] =	ssyncadd.s32 $0xFFFFC000;
	s9 =	smov.u32 s5;
	s10 =	sadd.s32 $0x400, s5  }
0x47: {  	[tilespmem:s20], [sflag:$0x2] =	stream.indirect.gather [hbm4b:s1+s17], $0x80, s8, s17, $0xb8;
	[tilespmem:$0x1E400] =	vst v63  }
0x48: {  	p1 =	sne.s32 s5, $0x4800;
	s5 =	sadd.s32 $0xC0, s2  }
0x49: {  	[tilespmem:s21], [sflag:$0x2] =	stream.indirect.gather [hbm4b:s1+s17], $0x80, s5, s17, $0xb8;
	[tilespmem:$0x1E400] =	vst v63  }
0x4a: {  	_ =	swait.ge [sflag:s22], $0x2000  }
0x4b: {  	[sflag:s22] =	ssyncset.done $0x0  }
0x4c: {  	[sflag:s22] =	ssyncadd.s32 $0xFFFFE000  }
0x4d: {  	_ =	swait.ge [sflag:s22], $0x2000  }
0x4e: {  	[sflag:s22] =	ssyncset.done $0x0  }
0x4f: {  	s5 =	sadd.s32 $0x1400, s2;
	[sflag:s22] =	ssyncadd.s32 $0xFFFFE000  }
0x50: {  	[spmem:s3] =	stream.indirect.scatter.add.f32 [tilespmem:s18], [sflag:$0x3], $0x80, s5, s23, $0xb8;
	[tilespmem:$0x1E400] =	vst v63  }
0x51: {  	_ =	swait.ge [sflag:s15], $0x4000  }
0x52: {  	[sflag:s15] =	ssyncset.done $0x0  }
0x53: {  	s5 =	sadd.s32 $0x100, s2;
	[sflag:s15] =	ssyncadd.s32 $0xFFFFC000  }
0x54: {  	[tilespmem:s18], [sflag:$0x1] =	stream.indirect.gather [hbm4b:s1+s17], $0x80, s5, s17, $0xb8;
	[tilespmem:$0x1E400] =	vst v63  }
0x55: {  	s5 =	sadd.s32 $0x140, s2  }
0x56: {  	[tilespmem:s19], [sflag:$0x1] =	stream.indirect.gather [hbm4b:s1+s17], $0x80, s5, s17, $0xb8;
	[tilespmem:$0x1E400] =	vst v63  }
0x57: {  	_ =	swait.ge [sflag:s26], $0x2000  }
0x58: {  	[sflag:s26] =	ssyncset.done $0x0  }
0x59: {  	[sflag:s26] =	ssyncadd.s32 $0xFFFFE000  }
0x5a: {  	_ =	swait.ge [sflag:s26], $0x2000  }
.Ltmp0:
0x5b: {  	[sflag:s26] =	ssyncset.done $0x0;
	(pc) =	sbr.rel @p1 .LBB2_2-.Ltmp0, $4  }
0x5c: {  	s2 =	sadd.s32 $0x1480, s2;
	[sflag:s26] =	ssyncadd.s32 $0xFFFFE000  }
0x5d: {  	[spmem:s3] =	stream.indirect.scatter.add.f32 [tilespmem:s20], [sflag:$0x3], $0x80, s2, s23, $0xb8;
	[tilespmem:$0x1E400] =	vst v63  }
0x5e: {  	_ =	swait.ge [sflag:s15], $0x4000  }
0x5f: {  	s5 =	smov.u32 s10;
	s2 =	sshra.s32 s9, $0x2;
	[sflag:s15] =	ssyncset.done $0x0  }
0x60: {  	s5 =	sadd.s32 $0x80, s2;
	[sflag:s15] =	ssyncadd.s32 $0xFFFFC000  }
0x61: {  	[tilespmem:s20], [sflag:$0x2] =	stream.indirect.gather [hbm4b:s1+s17], $0x80, s5, s17, $0xb8;
	[tilespmem:$0x1E400] =	vst v63  }
0x62: {  	s10 =	sadd.s32 $0xC0, s2  }
0x63: {  	[tilespmem:s21], [sflag:$0x2] =	stream.indirect.gather [hbm4b:s1+s17], $0x80, s10, s17, $0xb8;
	[tilespmem:$0x1E400] =	vst v63  }
0x64: {  	_ =	swait.ge [sflag:s22], $0x2000  }
0x65: {  	[sflag:s22] =	ssyncset.done $0x0  }
0x66: {  	[sflag:s22] =	ssyncadd.s32 $0xFFFFE000  }
0x67: {  	_ =	swait.ge [sflag:s22], $0x2000  }
0x68: {  	[sflag:s22] =	ssyncset.done $0x0  }
0x69: {  	s8 =	sadd.s32 $0x1400, s2;
	[sflag:s22] =	ssyncadd.s32 $0xFFFFE000  }
0x6a: {  	[spmem:s3] =	stream.indirect.scatter.add.f32 [tilespmem:s18], [sflag:$0x3], $0x80, s8, s23, $0xb8;
	[tilespmem:$0x1E400] =	vst v63  }
0x6b: {  	_ =	swait.ge [sflag:s15], $0x4000  }
0x6c: {  	[sflag:s15] =	ssyncset.done $0x0  }
0x6d: {  	s9 =	sadd.s32 $0x100, s2;
	[sflag:s15] =	ssyncadd.s32 $0xFFFFC000  }
0x6e: {  	[tilespmem:s18], [sflag:$0x1] =	stream.indirect.gather [hbm4b:s1+s17], $0x80, s9, s17, $0xb8;
	[tilespmem:$0x1E400] =	vst v63  }
0x6f: {  	s10 =	sadd.s32 $0x140, s2  }
0x70: {  	[tilespmem:s19], [sflag:$0x1] =	stream.indirect.gather [hbm4b:s1+s17], $0x80, s10, s17, $0xb8;
	[tilespmem:$0x1E400] =	vst v63  }
0x71: {  	_ =	swait.ge [sflag:s26], $0x2000  }
0x72: {  	[sflag:s26] =	ssyncset.done $0x0  }
0x73: {  	[sflag:s26] =	ssyncadd.s32 $0xFFFFE000  }
0x74: {  	_ =	swait.ge [sflag:s26], $0x2000  }
0x75: {  	[sflag:s26] =	ssyncset.done $0x0  }
0x76: {  	s8 =	sadd.s32 $0x1480, s2;
	[sflag:s26] =	ssyncadd.s32 $0xFFFFE000  }
0x77: {  	[spmem:s3] =	stream.indirect.scatter.add.f32 [tilespmem:s20], [sflag:$0x3], $0x80, s8, s23, $0xb8;
	[tilespmem:$0x1E400] =	vst v63  }
0x78: {  	_ =	swait.ge [sflag:s15], $0x4000  }
0x79: {  	[sflag:s15] =	ssyncset.done $0x0  }
0x7a: {  	[sflag:s15] =	ssyncadd.s32 $0xFFFFC000  }
0x7b: {  	[tilespmem:s20], [sflag:$0x2] =	stream.indirect.gather [hbm4b:s1+s17], $0x80, s28, s17, $0xb8;
	[tilespmem:$0x1E400] =	vst v63  }
0x7c: {  	_ = 	snop  }
0x7d: {  	[tilespmem:s21], [sflag:$0x2] =	stream.indirect.gather [hbm4b:s1+s17], $0x80, s29, s17, $0xb8;
	[tilespmem:$0x1E400] =	vst v63  }
0x7e: {  	_ =	swait.ge [sflag:s22], $0x2000  }
0x7f: {  	[sflag:s22] =	ssyncset.done $0x0  }
0x80: {  	[sflag:s22] =	ssyncadd.s32 $0xFFFFE000  }
0x81: {  	_ =	swait.ge [sflag:s22], $0x2000  }
0x82: {  	[sflag:s22] =	ssyncset.done $0x0  }
0x83: {  	[sflag:s22] =	ssyncadd.s32 $0xFFFFE000  }
0x84: {  	[spmem:s3] =	stream.indirect.scatter.add.f32 [tilespmem:s18], [sflag:$0x3], $0x80, s30, s23, $0xb8;
	[tilespmem:$0x1E400] =	vst v63  }
0x85: {  	_ =	swait.ge [sflag:s15], $0x4000  }
0x86: {  	[sflag:s15] =	ssyncset.done $0x0  }
0x87: {  	[sflag:s15] =	ssyncadd.s32 $0xFFFFC000  }
0x88: {  	_ =	swait.ge [sflag:s26], $0x2000  }
0x89: {  	[sflag:s26] =	ssyncset.done $0x0  }
0x8a: {  	[sflag:s26] =	ssyncadd.s32 $0xFFFFE000  }
0x8b: {  	_ =	swait.ge [sflag:s26], $0x2000  }
0x8c: {  	[sflag:s26] =	ssyncset.done $0x0  }
0x8d: {  	[sflag:s26] =	ssyncadd.s32 $0xFFFFE000  }
0x8e: {  	[spmem:s3] =	stream.indirect.scatter.add.f32 [tilespmem:s20], [sflag:$0x3], $0x80, s31, s23, $0xb8;
	[tilespmem:$0x1E400] =	vst v63  }
0x8f: {  	_ =	swait.ge [sflag:s15], $0x4000  }
0x90: {  	[sflag:s15] =	ssyncset.done $0x0  }
0x91: {  	s9 =	simm.s32 $0x0;
	s10 =	rddreg [dreg:$0x8];
	[sflag:s15] =	ssyncadd.s32 $0xFFFFC000  }
0x92: {  	[tilespmem:s9], [sflag:$0x3] =	stream.linear.gather [hbm4b:s10+s9], $0x1400, $0x38;
	[tilespmem:$0x1E400] =	vst v63  }
0x93: {  	_ =	swait.ge [sflag:s15], $0x1400  }
0x94: {  	[sflag:s15] =	ssyncset.done $0x0  }
0x95: {  	s8 =	rddreg [dreg:$0x9];
	[sflag:s15] =	ssyncadd.s32 $0xFFFFEC00  }
0x96: {  	[tilespmem:s16], [sflag:$0x3] =	stream.linear.gather [hbm4b:s8+s9], $0x1400, $0x38;
	[tilespmem:$0x1E400] =	vst v63  }
0x97: {  	_ =	swait.ge [sflag:s15], $0x1400  }
0x98: {  	[sflag:s15] =	ssyncset.done $0x0  }
0x99: {  	[sflag:s15] =	ssyncadd.s32 $0xFFFFEC00  }
0x9a: {  	[tilespmem:s18], [sflag:$0x1] =	stream.indirect.gather [hbm4b:s1+s17], $0x80, s9, s17, $0xb8;
	[tilespmem:$0x1E400] =	vst v63  }
0x9b: {  	_ = 	snop  }
0x9c: {  	[tilespmem:s19], [sflag:$0x1] =	stream.indirect.gather [hbm4b:s1+s17], $0x80, s17, s17, $0xb8;
	[tilespmem:$0x1E400] =	vst v63  }
0x9d: {  	s9 =	simm.s32 $0x80  }
0x9e: {  	[tilespmem:s20], [sflag:$0x2] =	stream.indirect.gather [hbm4b:s1+s17], $0x80, s9, s17, $0xb8;
	[tilespmem:$0x1E400] =	vst v63  }
0x9f: {  	s10 =	simm.s32 $0xC0  }
0xa0: {  	[tilespmem:s21], [sflag:$0x2] =	stream.indirect.gather [hbm4b:s1+s17], $0x80, s10, s17, $0xb8;
	[tilespmem:$0x1E400] =	vst v63  }
0xa1: {  	_ =	swait.ge [sflag:s22], $0x2000  }
0xa2: {  	[sflag:s22] =	ssyncset.done $0x0  }
0xa3: {  	[sflag:s22] =	ssyncadd.s32 $0xFFFFE000  }
0xa4: {  	_ =	swait.ge [sflag:s22], $0x2000  }
0xa5: {  	[sflag:s22] =	ssyncset.done $0x0  }
0xa6: {  	s5 =	simm.s32 $0x1400;
	[sflag:s22] =	ssyncadd.s32 $0xFFFFE000  }
0xa7: {  	[spmem:s3] =	stream.indirect.scatter.add.f32 [tilespmem:s18], [sflag:$0x3], $0x80, s5, s23, $0xb8;
	[tilespmem:$0x1E400] =	vst v63  }
0xa8: {  	_ =	swait.ge [sflag:s15], $0x4000  }
0xa9: {  	[sflag:s15] =	ssyncset.done $0x0  }
0xaa: {  	s8 =	simm.s32 $0x100;
	[sflag:s15] =	ssyncadd.s32 $0xFFFFC000  }
0xab: {  	[tilespmem:s18], [sflag:$0x1] =	stream.indirect.gather [hbm4b:s1+s17], $0x80, s8, s17, $0xb8;
	[tilespmem:$0x1E400] =	vst v63  }
0xac: {  	s9 =	simm.s32 $0x140  }
0xad: {  	[tilespmem:s19], [sflag:$0x1] =	stream.indirect.gather [hbm4b:s1+s17], $0x80, s9, s17, $0xb8;
	[tilespmem:$0x1E400] =	vst v63  }
0xae: {  	_ =	swait.ge [sflag:s26], $0x2000  }
0xaf: {  	[sflag:s26] =	ssyncset.done $0x0  }
0xb0: {  	[sflag:s26] =	ssyncadd.s32 $0xFFFFE000  }
0xb1: {  	_ =	swait.ge [sflag:s26], $0x2000  }
0xb2: {  	[sflag:s26] =	ssyncset.done $0x0  }
0xb3: {  	s10 =	simm.s32 $0x1480;
	[sflag:s26] =	ssyncadd.s32 $0xFFFFE000  }
0xb4: {  	[spmem:s3] =	stream.indirect.scatter.add.f32 [tilespmem:s20], [sflag:$0x3], $0x80, s10, s23, $0xb8;
	[tilespmem:$0x1E400] =	vst v63  }
0xb5: {  	_ =	swait.ge [sflag:s15], $0x4000  }
0xb6: {  	s2 =	simm.s32 $0x100;
	s5 =	simm.s32 $0x800;
	[sflag:s15] =	ssyncset.done $0x0  }
.LBB2_4:
0xb7: {  	s8 =	sadd.s32 $0x80, s2  }
0xb8: {  	[sflag:s15] =	ssyncadd.s32 $0xFFFFC000;
	s9 =	smov.u32 s5;
	s10 =	sadd.s32 $0x400, s5  }
0xb9: {  	[tilespmem:s20], [sflag:$0x2] =	stream.indirect.gather [hbm4b:s1+s17], $0x80, s8, s17, $0xb8;
	[tilespmem:$0x1E400] =	vst v63  }
0xba: {  	p1 =	sne.s32 s5, $0x4800;
	s5 =	sadd.s32 $0xC0, s2  }
0xbb: {  	[tilespmem:s21], [sflag:$0x2] =	stream.indirect.gather [hbm4b:s1+s17], $0x80, s5, s17, $0xb8;
	[tilespmem:$0x1E400] =	vst v63  }
0xbc: {  	_ =	swait.ge [sflag:s22], $0x2000  }
0xbd: {  	[sflag:s22] =	ssyncset.done $0x0  }
0xbe: {  	[sflag:s22] =	ssyncadd.s32 $0xFFFFE000  }
0xbf: {  	_ =	swait.ge [sflag:s22], $0x2000  }
0xc0: {  	[sflag:s22] =	ssyncset.done $0x0  }
0xc1: {  	s5 =	sadd.s32 $0x1400, s2;
	[sflag:s22] =	ssyncadd.s32 $0xFFFFE000  }
0xc2: {  	[spmem:s3] =	stream.indirect.scatter.add.f32 [tilespmem:s18], [sflag:$0x3], $0x80, s5, s23, $0xb8;
	[tilespmem:$0x1E400] =	vst v63  }
0xc3: {  	_ =	swait.ge [sflag:s15], $0x4000  }
0xc4: {  	[sflag:s15] =	ssyncset.done $0x0  }
0xc5: {  	s5 =	sadd.s32 $0x100, s2;
	[sflag:s15] =	ssyncadd.s32 $0xFFFFC000  }
0xc6: {  	[tilespmem:s18], [sflag:$0x1] =	stream.indirect.gather [hbm4b:s1+s17], $0x80, s5, s17, $0xb8;
	[tilespmem:$0x1E400] =	vst v63  }
0xc7: {  	s5 =	sadd.s32 $0x140, s2  }
0xc8: {  	[tilespmem:s19], [sflag:$0x1] =	stream.indirect.gather [hbm4b:s1+s17], $0x80, s5, s17, $0xb8;
	[tilespmem:$0x1E400] =	vst v63  }
0xc9: {  	_ =	swait.ge [sflag:s26], $0x2000  }
0xca: {  	[sflag:s26] =	ssyncset.done $0x0  }
0xcb: {  	[sflag:s26] =	ssyncadd.s32 $0xFFFFE000  }
0xcc: {  	_ =	swait.ge [sflag:s26], $0x2000  }
.Ltmp1:
0xcd: {  	[sflag:s26] =	ssyncset.done $0x0;
	(pc) =	sbr.rel @p1 .LBB2_4-.Ltmp1, $4  }
0xce: {  	s2 =	sadd.s32 $0x1480, s2;
	[sflag:s26] =	ssyncadd.s32 $0xFFFFE000  }
0xcf: {  	[spmem:s3] =	stream.indirect.scatter.add.f32 [tilespmem:s20], [sflag:$0x3], $0x80, s2, s23, $0xb8;
	[tilespmem:$0x1E400] =	vst v63  }
0xd0: {  	_ =	swait.ge [sflag:s15], $0x4000  }
0xd1: {  	s5 =	smov.u32 s10;
	s2 =	sshra.s32 s9, $0x2;
	[sflag:s15] =	ssyncset.done $0x0  }
0xd2: {  	s5 =	sadd.s32 $0x80, s2;
	[sflag:s15] =	ssyncadd.s32 $0xFFFFC000  }
0xd3: {  	[tilespmem:s20], [sflag:$0x2] =	stream.indirect.gather [hbm4b:s1+s17], $0x80, s5, s17, $0xb8;
	[tilespmem:$0x1E400] =	vst v63  }
0xd4: {  	s9 =	sadd.s32 $0xC0, s2  }
0xd5: {  	[tilespmem:s21], [sflag:$0x2] =	stream.indirect.gather [hbm4b:s1+s17], $0x80, s9, s17, $0xb8;
	[tilespmem:$0x1E400] =	vst v63  }
0xd6: {  	_ =	swait.ge [sflag:s22], $0x2000  }
0xd7: {  	[sflag:s22] =	ssyncset.done $0x0  }
0xd8: {  	[sflag:s22] =	ssyncadd.s32 $0xFFFFE000  }
0xd9: {  	_ =	swait.ge [sflag:s22], $0x2000  }
0xda: {  	[sflag:s22] =	ssyncset.done $0x0  }
0xdb: {  	s10 =	sadd.s32 $0x1400, s2;
	[sflag:s22] =	ssyncadd.s32 $0xFFFFE000  }
0xdc: {  	[spmem:s3] =	stream.indirect.scatter.add.f32 [tilespmem:s18], [sflag:$0x3], $0x80, s10, s23, $0xb8;
	[tilespmem:$0x1E400] =	vst v63  }
0xdd: {  	_ =	swait.ge [sflag:s15], $0x4000  }
0xde: {  	[sflag:s15] =	ssyncset.done $0x0  }
0xdf: {  	s8 =	sadd.s32 $0x100, s2;
	[sflag:s15] =	ssyncadd.s32 $0xFFFFC000  }
0xe0: {  	[tilespmem:s18], [sflag:$0x1] =	stream.indirect.gather [hbm4b:s1+s17], $0x80, s8, s17, $0xb8;
	[tilespmem:$0x1E400] =	vst v63  }
0xe1: {  	s9 =	sadd.s32 $0x140, s2  }
0xe2: {  	[tilespmem:s19], [sflag:$0x1] =	stream.indirect.gather [hbm4b:s1+s17], $0x80, s9, s17, $0xb8;
	[tilespmem:$0x1E400] =	vst v63  }
0xe3: {  	_ =	swait.ge [sflag:s26], $0x2000  }
0xe4: {  	[sflag:s26] =	ssyncset.done $0x0  }
0xe5: {  	[sflag:s26] =	ssyncadd.s32 $0xFFFFE000  }
0xe6: {  	_ =	swait.ge [sflag:s26], $0x2000  }
0xe7: {  	[sflag:s26] =	ssyncset.done $0x0  }
0xe8: {  	s10 =	sadd.s32 $0x1480, s2;
	[sflag:s26] =	ssyncadd.s32 $0xFFFFE000  }
0xe9: {  	[spmem:s3] =	stream.indirect.scatter.add.f32 [tilespmem:s20], [sflag:$0x3], $0x80, s10, s23, $0xb8;
	[tilespmem:$0x1E400] =	vst v63  }
0xea: {  	_ =	swait.ge [sflag:s15], $0x4000  }
0xeb: {  	[sflag:s15] =	ssyncset.done $0x0  }
0xec: {  	[sflag:s15] =	ssyncadd.s32 $0xFFFFC000  }
0xed: {  	[tilespmem:s20], [sflag:$0x2] =	stream.indirect.gather [hbm4b:s1+s17], $0x80, s28, s17, $0xb8;
	[tilespmem:$0x1E400] =	vst v63  }
0xee: {  	_ = 	snop  }
0xef: {  	[tilespmem:s21], [sflag:$0x2] =	stream.indirect.gather [hbm4b:s1+s17], $0x80, s29, s17, $0xb8;
	[tilespmem:$0x1E400] =	vst v63  }
0xf0: {  	_ =	swait.ge [sflag:s22], $0x2000  }
0xf1: {  	[sflag:s22] =	ssyncset.done $0x0  }
0xf2: {  	[sflag:s22] =	ssyncadd.s32 $0xFFFFE000  }
0xf3: {  	_ =	swait.ge [sflag:s22], $0x2000  }
0xf4: {  	[sflag:s22] =	ssyncset.done $0x0  }
0xf5: {  	[sflag:s22] =	ssyncadd.s32 $0xFFFFE000  }
0xf6: {  	[spmem:s3] =	stream.indirect.scatter.add.f32 [tilespmem:s18], [sflag:$0x3], $0x80, s30, s23, $0xb8;
	[tilespmem:$0x1E400] =	vst v63  }
0xf7: {  	_ =	swait.ge [sflag:s15], $0x4000  }
0xf8: {  	[sflag:s15] =	ssyncset.done $0x0  }
0xf9: {  	[sflag:s15] =	ssyncadd.s32 $0xFFFFC000  }
0xfa: {  	_ =	swait.ge [sflag:s26], $0x2000  }
0xfb: {  	[sflag:s26] =	ssyncset.done $0x0  }
0xfc: {  	[sflag:s26] =	ssyncadd.s32 $0xFFFFE000  }
0xfd: {  	_ =	swait.ge [sflag:s26], $0x2000  }
0xfe: {  	[sflag:s26] =	ssyncset.done $0x0  }
0xff: {  	[sflag:s26] =	ssyncadd.s32 $0xFFFFE000  }
0x100: {  	[spmem:s3] =	stream.indirect.scatter.add.f32 [tilespmem:s20], [sflag:$0x3], $0x80, s31, s23, $0xb8;
	[tilespmem:$0x1E400] =	vst v63  }
0x101: {  	_ =	swait.ge [sflag:s15], $0x4000  }
0x102: {  	[sflag:s15] =	ssyncset.done $0x0  }
0x103: {  	[sflag:s15] =	ssyncadd.s32 $0xFFFFC000  }
0x104: {  	[bflag:$0x0] =	sbarrier.arrive $0xFFFF  }
0x105: {  	[hbm:s11], [sflag:s6] =	dma.local [spmem:s24], $0x2700  }
0x106: {  	s0 =	sadd.s32 $0x1, s0;
	_ =	swait.ge [sflag:s15], $0x2700  }
0x107: {  	p1 =	sne.s32 s0, s13;
	[sflag:s15] =	ssyncset.done $0x0  }
.Ltmp2:
0x108: {  	s2 =	simm.s32 @!p0 $0x3;
	[sflag:s15] =	ssyncadd.s32 $0xFFFFD900;
	(pc) =	sbr.rel @p1 .LBB2_1-.Ltmp2, $4  }
0x109: {  	[hbm:s12], [sflag:s6] =	dma.local @!p0 [spmem:s25], $0x100  }
0x10a: {  	_ =	swait.ge @!p0 [sflag:s2], $0x100  }
0x10b: {  	[sflag:s2] =	ssyncset.done @!p0 $0x0  }
0x10c: {  	[sflag:s2] =	ssyncadd.s32 @!p0 $0xFFFFFF00  }
0x10d: {  	_ =	sfence.sel $0x180000  }
0x10e: {  	[bflag:$0x0] =	sbarrier.arrive $0xFFFF  }
0x10f: {  	_ =	strace $0x90000050  }
0x110: {  	s0 =	stileid.u32;
	[bflag:$0x2] =	sbarrier.arrive $0xFFFF  }
0x111: {  	p0 =	sne.s32 s0, $0x0;
	s0 =	rddreg [dreg:$0x5]  }
0x112: {  	s0 =	sadd.s32 @!p0 $0x100000, s0  }
0x113: {  	[sflag:s0] =	ssyncadd.tile.s32 @!p0 $0x1;
	_ =	shalt  }
.Lfunc_end2:
_tile_overlayer_lowered:
.L_overlay_start_2:
0x114: {  	(tag) =	ssettag $0x2  }
0x115: {  	s0 =	rddreg [dreg:$0x0];
	s2 =	stileid.u32  }
0x116: {  	s1 =	rddreg [dreg:$0x1];
	p0 =	sne.s32 s2, $0x0  }
0x117: {  	s3 =	rddreg [dreg:$0x2];
	[bflag:$0x3] =	sbarrier.arrive $0xFFFF;
	s2 =	simm.s32 @!p0 $0x1C03  }
0x118: {  	[timem:s3], [sflag:s2] =	dma.local @!p0 [hbm:s0], s1  }
0x119: {  	s0 =	simm.s32 @!p0 $0x3  }
0x11a: {  	_ =	swait.ge @!p0 [sflag:s0], s1  }
0x11b: {  	s1 =	ssub.s32 @!p0 $0x0, s1;
	[sflag:s0] =	ssyncset.done @!p0 $0x0  }
0x11c: {  	[sflag:s0] =	ssyncadd.s32 @!p0 s1  }
0x11d: {  	[bflag:$0x3] =	sbarrier.arrive $0xFFFF  }
0x11e: {  	_ =	shalt  }

// kernel: kernel.26.cloned.1.call-start
scs
__scs_entry_jumppad:
0x0: {  	(pc) =	sbr.rel $0x88, $3  }
0x1: {  	(tag) =	ssettag $0x0;
	lr =	simm.s32 $0x1  }
0x2: {  	[smem:$0x3F9B] =	sst lr;
	_ =	strace $0xD0000000  }
0x3: {  	_ = 	snop  }
0x4: {  	_ = 	snop  }
0x5: {  	_ = 	snop  }
0x6: {  	_ = 	snop  }
0x7: {  	_ = 	snop  }
__scs_overlays_trampoline_lowered:
0x8: {  	[smem:$0x3FAA] =	sst s0  }
0x9: {  	[smem:$0x3FAB] =	sst s1  }
0xa: {  	[smem:$0x3FAC] =	sst s2  }
0xb: {  	[smem:$0x3FAD] =	sst s3  }
0xc: {  	[smem:$0x3FAE] =	sst s4  }
0xd: {  	[smem:$0x3FAF] =	sst s5  }
0xe: {  	[smem:$0x3FB0] =	sst s6  }
0xf: {  	[smem:$0x3FB1] =	sst s7  }
0x10: {  	[smem:$0x3FB2] =	sst s8  }
0x11: {  	[smem:$0x3FB3] =	sst s9;
	s0 =	simm.s32 @!p0 $0x0  }
0x12: {  	s1 =	sld [smem:$0x3F99];
	s0 =	simm.s32 @p0 $0x1  }
0x13: {  	[smem:$0x3FB4] =	sst s0;
	s0 =	simm.s32 @!p1 $0x0  }
0x14: {  	s2 =	sld [smem:$0x3F98];
	s0 =	simm.s32 @p1 $0x1  }
0x15: {  	[smem:$0x3FB5] =	sst s0;
	s0 =	simm.s32 @!p2 $0x0  }
0x16: {  	s3 =	sld [smem:$0x3FDB];
	s0 =	simm.s32 @p2 $0x1  }
0x17: {  	s4 =	simm.s32 $0x1BF5;
	[smem:$0x3FB7] =	sst s0  }
0x18: {  	s0 =	sld [smem:$0x3F9A];
	_ =	swait.ge [sflag:s4], $0x0  }
0x19: {  	s7 =	sld [smem:$0x3F9B]  }
0x1a: {  	s8 =	sadd.s32 $0xFFFFE003, lr  }
0x1b: {  	s9 =	sadd.s32 $0xFFFFFEF7, lr;
	s5 =	simm.s32 $0xFFFFFFFF;
	p2 =	slt.u32 s8, $0xFFFFF086  }
0x1c: {  	p1 =	slt.u32 s9, $0xF7A;
	s5 =	simm.s32 @!p2 $0x0  }
0x1d: {  	s5 =	simm.s32 @p1 $0x1;
	p0 =	seq.s32 s7, s2  }
0x1e: {  	s7 =	smul.u32 @!p0 $0xF7A, s2;
	p2 =	seq.s32 @!p0 s5, $0x0  }
0x1f: {  	s9 =	smul.u32 $0xF7A, s1;
	s8 =	simm.s32 @!p0 $0x1BF5;
	p2 =	por !p2, p0  }
0x20: {  	[sflag:s8] =	ssyncset.s32 @!p0 $0xFFFFF086;
	s6 =	sadd.s32 @!p0 s3, s7;
	s7 =	simm.s32 @!p0 $0x108  }
0x21: {  	s3 =	sadd.s32 s3, s9;
	s6 =	sadd.s32 @!p0 $0x88, s6;
	s7 =	simm.s32 @p2 $0x1082  }
0x22: {  	[simem:s7], [sflag:s8] =	dma.local @!p0 [hbm:s6], $0xF7A  }
0x23: {  	s9 =	sor.u32 $0xD0000000, s2;
	s6 =	simm.s32 $0x108;
	_ =	swait.ge @!p0 [sflag:s8], $0x0  }
0x24: {  	s3 =	sadd.s32 $0x88, s3;
	s6 =	simm.s32 @!p1 $0x1082;
	[sflag:s4] =	ssyncset.s32 $0xFFFFF086  }
0x25: {  	[simem:s6], [sflag:s4] =	dma.local [hbm:s3], $0xF7A  }
0x26: {  	[smem:$0x3F9B] =	sst s1;
	(tag) =	ssettag s2;
	_ =	strace s9  }
0x27: {  	s1 =	sld [smem:$0x3FAB]  }
0x28: {  	s2 =	sld [smem:$0x3FAC]  }
0x29: {  	s4 =	sld [smem:$0x3FAE]  }
0x2a: {  	p0 =	seq.s32 s5, $0x0;
	s5 =	sld [smem:$0x3FAF]  }
0x2b: {  	s6 =	sld [smem:$0x3FB0]  }
0x2c: {  	s7 =	sld [smem:$0x3FB1]  }
0x2d: {  	s3 =	simm.s32 $0x108;
	s8 =	sld [smem:$0x3FB2]  }
0x2e: {  	s3 =	simm.s32 @!p0 $0x1082;
	s9 =	sld [smem:$0x3FB3]  }
0x2f: {  	lr =	sadd.s32 s0, s3;
	s0 =	sld [smem:$0x3FAA]  }
0x30: {  	s3 =	sld [smem:$0x3FAD]  }
0x31: {  	[smem:$0x3FB6] =	sst s10  }
0x32: {  	s10 =	sld [smem:$0x3FB4];
	_ =	sdelay $0x3  }
0x33: {  	p0 =	seq.s32 s10, $0x1;
	s10 =	sld [smem:$0x3FB6];
	_ =	sdelay $0x3  }
0x34: {  	[smem:$0x3FB6] =	sst s10  }
0x35: {  	s10 =	sld [smem:$0x3FB5];
	_ =	sdelay $0x3  }
0x36: {  	p1 =	seq.s32 s10, $0x1;
	s10 =	sld [smem:$0x3FB6];
	_ =	sdelay $0x3  }
0x37: {  	[smem:$0x3FB6] =	sst s10  }
0x38: {  	s10 =	sld [smem:$0x3FB7]  }
0x39: {  	_ = 	snop;
	(pc) =	sbr.ind lr, $3  }
0x3a: {  	_ = 	snop  }
0x3b: {  	_ = 	snop  }
0x3c: {  	p2 =	seq.s32 s10, $0x1;
	s10 =	sld [smem:$0x3FB6]  }
0x3d: {  	_ =	shalt  }
0x3e: {  	_ =	shalt  }
0x3f: {  	_ =	shalt  }
0x40: {  	_ =	shalt  }
0x41: {  	_ =	shalt  }
0x42: {  	_ =	shalt  }
0x43: {  	_ =	shalt  }
0x44: {  	_ =	shalt  }
0x45: {  	_ =	shalt  }
0x46: {  	_ =	shalt  }
0x47: {  	_ =	shalt  }
0x48: {  	_ =	shalt  }
0x49: {  	_ =	shalt  }
0x4a: {  	_ =	shalt  }
0x4b: {  	_ =	shalt  }
0x4c: {  	_ =	shalt  }
0x4d: {  	_ =	shalt  }
0x4e: {  	_ =	shalt  }
0x4f: {  	_ =	shalt  }
0x50: {  	_ =	shalt  }
0x51: {  	_ =	shalt  }
0x52: {  	_ =	shalt  }
0x53: {  	_ =	shalt  }
0x54: {  	_ =	shalt  }
0x55: {  	_ =	shalt  }
0x56: {  	_ =	shalt  }
0x57: {  	_ =	shalt  }
0x58: {  	_ =	shalt  }
0x59: {  	_ =	shalt  }
0x5a: {  	_ =	shalt  }
0x5b: {  	_ =	shalt  }
0x5c: {  	_ =	shalt  }
0x5d: {  	_ =	shalt  }
0x5e: {  	_ =	shalt  }
0x5f: {  	_ =	shalt  }
0x60: {  	_ =	shalt  }
0x61: {  	_ =	shalt  }
0x62: {  	_ =	shalt  }
0x63: {  	_ =	shalt  }
0x64: {  	_ =	shalt  }
0x65: {  	_ =	shalt  }
0x66: {  	_ =	shalt  }
0x67: {  	_ =	shalt  }
0x68: {  	_ =	shalt  }
0x69: {  	_ =	shalt  }
0x6a: {  	_ =	shalt  }
0x6b: {  	_ =	shalt  }
0x6c: {  	_ =	shalt  }
0x6d: {  	_ =	shalt  }
0x6e: {  	_ =	shalt  }
0x6f: {  	_ =	shalt  }
0x70: {  	_ =	shalt  }
0x71: {  	_ =	shalt  }
0x72: {  	_ =	shalt  }
0x73: {  	_ =	shalt  }
0x74: {  	_ =	shalt  }
0x75: {  	_ =	shalt  }
0x76: {  	_ =	shalt  }
0x77: {  	_ =	shalt  }
0x78: {  	_ =	shalt  }
0x79: {  	_ =	shalt  }
0x7a: {  	_ =	shalt  }
0x7b: {  	_ =	shalt  }
0x7c: {  	_ =	shalt  }
0x7d: {  	_ =	shalt  }
0x7e: {  	_ =	shalt  }
0x7f: {  	_ =	shalt  }
0x80: {  	_ =	shalt  }
0x81: {  	_ =	shalt  }
0x82: {  	_ =	shalt  }
0x83: {  	_ =	shalt  }
0x84: {  	_ =	shalt  }
0x85: {  	_ =	shalt  }
0x86: {  	_ =	shalt  }
0x87: {  	_ =	shalt  }
.Lfunc_end0:
.L_simem_size_0:
called_computation.4_lowered:
.L_overlay_start_0:
0x88: {  	s2 =	sld [smem:$0x3FD9]  }
0x89: {  	s3 =	sld [smem:$0x3FFE];
	_ =	sdelay $0x1  }
0x8a: {  	s1 =	srdreg.scid  }
0x8b: {  	s0 =	sand.u32 $0x1, s1  }
0x8c: {  	s14 =	sshll.u32 s0, $0xA;
	s2 =	sadd.s32 s3, s2  }
0x8d: {  	s2 =	sadd.s32 s2, s14  }
0x8e: {  	[smem:$0x3FC2] =	sst s2  }
0x8f: {  	_ = 	snop  }
0x90: {  	s2 =	sld [smem:$0x3FD0];
	_ =	sdelay $0x2  }
0x91: {  	s15 =	simm.s32 $0xA;
	s4 =	simm.s32 $0x10  }
0x92: {  	[smem:s4], [sflag:s15] =	dma.local [hbm:s2], $0x1  }
0x93: {  	_ =	swait.eq [sflag:s15], $0x1  }
0x94: {  	[sflag:s15] =	ssyncset.done $0x0  }
0x95: {  	[sflag:s15] =	ssyncadd.s32 $0xFFFFFFFF  }
0x96: {  	s16 =	sld [smem:$0x10];
	(tm) =	ssettm $0x1  }
0x97: {  	s17 =	sld [smem:$0x3FFB];
	_ =	sdelay $0x3  }
0x98: {  	_ =	strace s17  }
0x99: {  	s3 =	sld [smem:$0x3FFC];
	_ =	sdelay $0x3  }
0x9a: {  	_ =	strace s3  }
0x9b: {  	s3 =	sld [smem:$0x3FFD];
	_ =	sdelay $0x3  }
0x9c: {  	_ =	strace s3  }
0x9d: {  	_ =	strace $0x8FFFFFFF  }
0x9e: {  	s18 =	sld [smem:$0x3FDB];
	_ =	sdelay $0x1  }
0x9f: {  	s19 =	simm.s32 $_scs_section_size  }
0xa0: {  	s5 =	simm.s32 $_size__tile_overlayer_lowered;
	s6 =	simm.s32 $_tile_overlayer_lowered  }
0xa1: {  	s22 =	simm.s32 $0x1BFF;
	s21 =	sshll.u32 s6, $0x1;
	s3 =	sadd.s32 s19, s18  }
0xa2: {  	s7 =	simm.s32 $0x0;
	s20 =	sshll.u32 s5, $0x1;
	s5 =	sadd.s32 s21, s3  }
0xa3: {  	[timem:s7], [sflag:s22] =	dma.local [hbm:s5], s20  }
0xa4: {  	_ =	swait.ge [sflag:s22], s20  }
0xa5: {  	s4 =	ssub.s32 $0x0, s20;
	[sflag:s22] =	ssyncset.done $0x0  }
0xa6: {  	[sflag:s22] =	ssyncadd.s32 s4;
	_ =	sdelay $0x1  }
0xa7: {  	s23 =	simm.s32 $0x1B8B  }
0xa8: {  	_ =	swait.ge [sflag:s23], $0x1  }
0xa9: {  	[sflag:s23] =	ssyncset.done $0x0  }
0xaa: {  	s25 =	simm.s32 $0x1B8E;
	s24 =	sld [smem:$0x3FFE];
	[sflag:s23] =	ssyncadd.s32 $0xFFFFFFFF  }
0xab: {  	s26 =	simm.s32 $execute0_lowered;
	[smem:$0x3FD2] =	sst s25  }
0xac: {  	s5 =	sshll.u32 s26, $0x1;
	_ =	strace $0x80000052;
	[dreg:$0x1] =	wrdreg $0xFFFFFFFF  }
0xad: {  	s28 =	simm.s32 $_size_execute0_lowered;
	s3 =	sadd.s32 s3, s5;
	[dreg:$0x0] =	wrdreg $0x0  }
0xae: {  	s5 =	sshll.u32 s28, $0x1;
	[dreg:$0x2] =	wrdreg s3  }
0xaf: {  	[dreg:$0x3] =	wrdreg s5  }
0xb0: {  	[dreg:$0x4] =	wrdreg $0xC0  }
0xb1: {  	_ =	task [dreg:s7], $0x5FFFF  }
0xb2: {  	[dreg:$0x1] =	wrdreg $0xFFFFFFFF  }
0xb3: {  	[dreg:$0x0] =	wrdreg $0x60  }
0xb4: {  	[dreg:$0x2] =	wrdreg s24  }
0xb5: {  	[dreg:$0x3] =	wrdreg s16  }
0xb6: {  	[dreg:$0x4] =	wrdreg $0xA8000  }
0xb7: {  	[dreg:$0x5] =	wrdreg $0x9  }
0xb8: {  	_ =	task.clear_ibuf [dreg:s7], $0x6FFFF;
	_ =	strace $0x90000052  }
0xb9: {  	s29 =	simm.s32 $0x9;
	_ =	strace $0x80000054  }
0xba: {  	_ =	swait.ge [sflag:s29], $0x1  }
0xbb: {  	[sflag:s29] =	ssyncadd.s32 $0xFFFFFFFF  }
0xbc: {  	_ =	strace $0x90000054  }
0xbd: {  	_ =	sfence  }
0xbe: {  	s30 =	sld [smem:$0x0];
	_ =	sdelay $0x2  }
0xbf: {  	s31 =	sshll.u32 s1, $0xD;
	s1 =	sshrl.u32 s1, $0x2  }
0xc0: {  	s3 =	sand.u32 $0x4000, s31;
	s1 =	sadd.s32 s1, s30  }
0xc1: {  	s0 =	sor.u32 s3, s0;
	s1 =	sshll.u32 s1, $0x11  }
0xc2: {  	s0 =	sor.u32 s1, s0  }
0xc3: {  	s0 =	sadd.s32 $0x8F2B, s0  }
0xc4: {  	[sflag:s0] =	ssyncadd.remote.s32 $0x1  }
0xc5: {  	_ =	sfence.sel $0xFFFF  }
0xc6: {  	[dreg:$0x0] =	wrdreg $0xFFFFFFFF;
	(pc) =	sbr.abs _section_cstart, $3  }
0xc7: {  	[dreg:$0x1] =	wrdreg $0xFFFFFFFF  }
0xc8: {  	_ =	task.clear_ibuf [dreg:s7], $0x2FFFF;
	_ =	strace $0x9FFFFFFF  }
0xc9: {  	(tm) =	ssettm $0x7FFFFFFF  }
tec
execute0_lowered:
.L_overlay_start_1:
0x0: {  	(tag) =	ssettag $0x1  }
0x1: {  	s0 =	rddreg [dreg:$0x0]  }
0x2: {  	s1 =	rddreg [dreg:$0x1]  }
0x3: {  	s2 =	rddreg [dreg:$0x2]  }
0x4: {  	s3 =	simm.s32 $0x0;
	s23 =	stileid.u32;
	s7 =	srdreg.scid  }
0x5: {  	s28 =	simm.s32 $0x1380;
	s29 =	simm.s32 $0x13C0;
	s30 =	simm.s32 $0x2700  }
0x6: {  	s31 =	simm.s32 $0x2780;
	[smem:$0x7FF] =	sst s3;
	s5 =	smul.u32 $0x2800, s23  }
0x7: {  	s4 =	sadd.s32 $0x144400, s0;
	s15 =	sand.u32 $0x1, s7;
	s16 =	smul.u32 $0x4F000, s23  }
0x8: {  	s8 =	sadd.s32 $0x9400, s0;
	s18 =	sshll.u32 s23, $0x6;
	s20 =	smul.u32 $0x13800, s23  }
0x9: {  	s24 =	smul.u32 $0x4E000, s23;
	p0 =	sne.s32 s23, $0xF;
	s23 =	simm.s32 $0x80  }
0xa: {  	_ =	strace $0x80000053;
	[dreg:$0x4] =	wrdreg s8;
	s9 =	smul.u32 $0x28000, s15  }
0xb: {  	s17 =	ssub.s32 $0x2, s15;
	s19 =	smul.u32 $0x138800, s15;
	s15 =	simm.s32 $0x3  }
0xc: {  	s6 =	sshrl.u32 s5, $0x3;
	s11 =	sshrl.u32 s17, $0x1;
	s7 =	sshrl.u32 s16, $0x2  }
0xd: {  	s16 =	simm.s32 $0x1400;
	s10 =	sadd.s32 s6, s0;
	s0 =	sadd.s32 $0x1E0800, s0  }
0xe: {  	s13 =	ssub.s32 s17, s11;
	s14 =	sadd.s32 s7, s2;
	s5 =	sadd.s32 s5, s9  }
0xf: {  	s6 =	sor.u32 $0x1C03, s18;
	s11 =	sshrl.u32 s19, $0x3;
	s17 =	simm.s32 $0x40  }
0x10: {  	s18 =	simm.s32 $0x2800;
	s5 =	sshrl.u32 s5, $0x3;
	s21 =	sadd.s32 $0x4400, s10  }
0x11: {  	s25 =	sadd.s32 $0x4680, s10;
	s12 =	sadd.s32 s0, s11;
	s13 =	smax.u32 s13, $0x1  }
0x12: {  	s14 =	sshrl.u32 s14, $0x3;
	s7 =	sadd.s32 s1, s5;
	[dreg:$0x5] =	wrdreg s21  }
0x13: {  	[dreg:$0x7] =	wrdreg s25;
	s1 =	sadd.s32 s20, s19;
	s5 =	sshrl.u32 s24, $0x2  }
0x14: {  	s12 =	sadd.s32 $0x27000, s12;
	s19 =	simm.s32 $0x4800;
	s20 =	simm.s32 $0x6800  }
0x15: {  	s21 =	simm.s32 $0x8800;
	s22 =	sadd.s32 $0x280, s7;
	s1 =	sshrl.u32 s1, $0x3  }
0x16: {  	s26 =	sadd.s32 s5, s2;
	[dreg:$0x6] =	wrdreg s22;
	s11 =	sadd.s32 s0, s1  }
0x17: {  	s1 =	sadd.s32 $0x138000, s2;
	s22 =	simm.s32 $0x1;
	s24 =	sshrl.u32 s26, $0x3  }
0x18: {  	s26 =	simm.s32 $0x2;
	s0 =	simm.s32 $0x0;
	s25 =	sshrl.u32 @!p0 s1, $0x3  }
.LBB2_1:
0x19: {  	s1 =	rddreg [dreg:$0x4]  }
0x1a: {  	[spmem:s14], [sflag:s6] =	dma.local [hbm:s1], $0x2780  }
0x1b: {  	_ =	swait.ge [sflag:s15], $0x2780  }
0x1c: {  	[sflag:s15] =	ssyncset.done $0x0  }
0x1d: {  	[sflag:s15] =	ssyncadd.s32 $0xFFFFD880  }
0x1e: {  	[bflag:$0x0] =	sbarrier.arrive $0xFFFF  }
0x1f: {  	[tilespmem:s3], [sflag:$0x3] =	stream.linear.gather [hbm4b:s7+s3], $0x1400, $0x38;
	[tilespmem:$0x1E400] =	vst v63  }
0x20: {  	_ =	swait.ge [sflag:s15], $0x1400  }
0x21: {  	[sflag:s15] =	ssyncset.done $0x0  }
0x22: {  	s8 =	rddreg [dreg:$0x5];
	[sflag:s15] =	ssyncadd.s32 $0xFFFFEC00  }
0x23: {  	[tilespmem:s16], [sflag:$0x3] =	stream.linear.gather [hbm4b:s8+s3], $0x1400, $0x38;
	[tilespmem:$0x1E400] =	vst v63  }
0x24: {  	_ =	swait.ge [sflag:s15], $0x1400  }
0x25: {  	[sflag:s15] =	ssyncset.done $0x0  }
0x26: {  	[sflag:s15] =	ssyncadd.s32 $0xFFFFEC00  }
0x27: {  	[tilespmem:s18], [sflag:$0x1] =	stream.indirect.gather [hbm4b:s4+s17], $0x80, s3, s17, $0xb8;
	[tilespmem:$0x1E400] =	vst v63  }
0x28: {  	_ = 	snop  }
0x29: {  	[tilespmem:s19], [sflag:$0x1] =	stream.indirect.gather [hbm4b:s4+s17], $0x80, s17, s17, $0xb8;
	[tilespmem:$0x1E400] =	vst v63  }
0x2a: {  	s9 =	simm.s32 $0x80  }
0x2b: {  	[tilespmem:s20], [sflag:$0x2] =	stream.indirect.gather [hbm4b:s4+s17], $0x80, s9, s17, $0xb8;
	[tilespmem:$0x1E400] =	vst v63  }
0x2c: {  	s10 =	simm.s32 $0xC0  }
0x2d: {  	[tilespmem:s21], [sflag:$0x2] =	stream.indirect.gather [hbm4b:s4+s17], $0x80, s10, s17, $0xb8;
	[tilespmem:$0x1E400] =	vst v63  }
0x2e: {  	_ =	swait.ge [sflag:s22], $0x2000  }
0x2f: {  	[sflag:s22] =	ssyncset.done $0x0  }
0x30: {  	[sflag:s22] =	ssyncadd.s32 $0xFFFFE000  }
0x31: {  	_ =	swait.ge [sflag:s22], $0x2000  }
0x32: {  	[sflag:s22] =	ssyncset.done $0x0  }
0x33: {  	s5 =	simm.s32 $0x1400;
	[sflag:s22] =	ssyncadd.s32 $0xFFFFE000  }
0x34: {  	[spmem:s2] =	stream.indirect.scatter.add.f32 [tilespmem:s18], [sflag:$0x3], $0x80, s5, s23, $0xb8;
	[tilespmem:$0x1E400] =	vst v63  }
0x35: {  	_ =	swait.ge [sflag:s15], $0x4000  }
0x36: {  	[sflag:s15] =	ssyncset.done $0x0  }
0x37: {  	s8 =	simm.s32 $0x100;
	[sflag:s15] =	ssyncadd.s32 $0xFFFFC000  }
0x38: {  	[tilespmem:s18], [sflag:$0x1] =	stream.indirect.gather [hbm4b:s4+s17], $0x80, s8, s17, $0xb8;
	[tilespmem:$0x1E400] =	vst v63  }
0x39: {  	s9 =	simm.s32 $0x140  }
0x3a: {  	[tilespmem:s19], [sflag:$0x1] =	stream.indirect.gather [hbm4b:s4+s17], $0x80, s9, s17, $0xb8;
	[tilespmem:$0x1E400] =	vst v63  }
0x3b: {  	_ =	swait.ge [sflag:s26], $0x2000  }
0x3c: {  	[sflag:s26] =	ssyncset.done $0x0  }
0x3d: {  	[sflag:s26] =	ssyncadd.s32 $0xFFFFE000  }
0x3e: {  	_ =	swait.ge [sflag:s26], $0x2000  }
0x3f: {  	[sflag:s26] =	ssyncset.done $0x0  }
0x40: {  	s10 =	simm.s32 $0x1480;
	[sflag:s26] =	ssyncadd.s32 $0xFFFFE000  }
0x41: {  	[spmem:s2] =	stream.indirect.scatter.add.f32 [tilespmem:s20], [sflag:$0x3], $0x80, s10, s23, $0xb8;
	[tilespmem:$0x1E400] =	vst v63  }
0x42: {  	_ =	swait.ge [sflag:s15], $0x4000  }
0x43: {  	s1 =	simm.s32 $0x100;
	s5 =	simm.s32 $0x800;
	[sflag:s15] =	ssyncset.done $0x0  }
.LBB2_2:
0x44: {  	s8 =	sadd.s32 $0x80, s1  }
0x45: {  	[sflag:s15] =	ssyncadd.s32 $0xFFFFC000;
	s9 =	smov.u32 s5;
	s10 =	sadd.s32 $0x400, s5  }
0x46: {  	[tilespmem:s20], [sflag:$0x2] =	stream.indirect.gather [hbm4b:s4+s17], $0x80, s8, s17, $0xb8;
	[tilespmem:$0x1E400] =	vst v63  }
0x47: {  	p1 =	sne.s32 s5, $0x4800;
	s5 =	sadd.s32 $0xC0, s1  }
0x48: {  	[tilespmem:s21], [sflag:$0x2] =	stream.indirect.gather [hbm4b:s4+s17], $0x80, s5, s17, $0xb8;
	[tilespmem:$0x1E400] =	vst v63  }
0x49: {  	_ =	swait.ge [sflag:s22], $0x2000  }
0x4a: {  	[sflag:s22] =	ssyncset.done $0x0  }
0x4b: {  	[sflag:s22] =	ssyncadd.s32 $0xFFFFE000  }
0x4c: {  	_ =	swait.ge [sflag:s22], $0x2000  }
0x4d: {  	[sflag:s22] =	ssyncset.done $0x0  }
0x4e: {  	s5 =	sadd.s32 $0x1400, s1;
	[sflag:s22] =	ssyncadd.s32 $0xFFFFE000  }
0x4f: {  	[spmem:s2] =	stream.indirect.scatter.add.f32 [tilespmem:s18], [sflag:$0x3], $0x80, s5, s23, $0xb8;
	[tilespmem:$0x1E400] =	vst v63  }
0x50: {  	_ =	swait.ge [sflag:s15], $0x4000  }
0x51: {  	[sflag:s15] =	ssyncset.done $0x0  }
0x52: {  	s5 =	sadd.s32 $0x100, s1;
	[sflag:s15] =	ssyncadd.s32 $0xFFFFC000  }
0x53: {  	[tilespmem:s18], [sflag:$0x1] =	stream.indirect.gather [hbm4b:s4+s17], $0x80, s5, s17, $0xb8;
	[tilespmem:$0x1E400] =	vst v63  }
0x54: {  	s5 =	sadd.s32 $0x140, s1  }
0x55: {  	[tilespmem:s19], [sflag:$0x1] =	stream.indirect.gather [hbm4b:s4+s17], $0x80, s5, s17, $0xb8;
	[tilespmem:$0x1E400] =	vst v63  }
0x56: {  	_ =	swait.ge [sflag:s26], $0x2000  }
0x57: {  	[sflag:s26] =	ssyncset.done $0x0  }
0x58: {  	[sflag:s26] =	ssyncadd.s32 $0xFFFFE000  }
0x59: {  	_ =	swait.ge [sflag:s26], $0x2000  }
.Ltmp0:
0x5a: {  	[sflag:s26] =	ssyncset.done $0x0;
	(pc) =	sbr.rel @p1 .LBB2_2-.Ltmp0, $4  }
0x5b: {  	s1 =	sadd.s32 $0x1480, s1;
	[sflag:s26] =	ssyncadd.s32 $0xFFFFE000  }
0x5c: {  	[spmem:s2] =	stream.indirect.scatter.add.f32 [tilespmem:s20], [sflag:$0x3], $0x80, s1, s23, $0xb8;
	[tilespmem:$0x1E400] =	vst v63  }
0x5d: {  	_ =	swait.ge [sflag:s15], $0x4000  }
0x5e: {  	s5 =	smov.u32 s10;
	s1 =	sshra.s32 s9, $0x2;
	[sflag:s15] =	ssyncset.done $0x0  }
0x5f: {  	s5 =	sadd.s32 $0x80, s1;
	[sflag:s15] =	ssyncadd.s32 $0xFFFFC000  }
0x60: {  	[tilespmem:s20], [sflag:$0x2] =	stream.indirect.gather [hbm4b:s4+s17], $0x80, s5, s17, $0xb8;
	[tilespmem:$0x1E400] =	vst v63  }
0x61: {  	s10 =	sadd.s32 $0xC0, s1  }
0x62: {  	[tilespmem:s21], [sflag:$0x2] =	stream.indirect.gather [hbm4b:s4+s17], $0x80, s10, s17, $0xb8;
	[tilespmem:$0x1E400] =	vst v63  }
0x63: {  	_ =	swait.ge [sflag:s22], $0x2000  }
0x64: {  	[sflag:s22] =	ssyncset.done $0x0  }
0x65: {  	[sflag:s22] =	ssyncadd.s32 $0xFFFFE000  }
0x66: {  	_ =	swait.ge [sflag:s22], $0x2000  }
0x67: {  	[sflag:s22] =	ssyncset.done $0x0  }
0x68: {  	s8 =	sadd.s32 $0x1400, s1;
	[sflag:s22] =	ssyncadd.s32 $0xFFFFE000  }
0x69: {  	[spmem:s2] =	stream.indirect.scatter.add.f32 [tilespmem:s18], [sflag:$0x3], $0x80, s8, s23, $0xb8;
	[tilespmem:$0x1E400] =	vst v63  }
0x6a: {  	_ =	swait.ge [sflag:s15], $0x4000  }
0x6b: {  	[sflag:s15] =	ssyncset.done $0x0  }
0x6c: {  	s9 =	sadd.s32 $0x100, s1;
	[sflag:s15] =	ssyncadd.s32 $0xFFFFC000  }
0x6d: {  	[tilespmem:s18], [sflag:$0x1] =	stream.indirect.gather [hbm4b:s4+s17], $0x80, s9, s17, $0xb8;
	[tilespmem:$0x1E400] =	vst v63  }
0x6e: {  	s10 =	sadd.s32 $0x140, s1  }
0x6f: {  	[tilespmem:s19], [sflag:$0x1] =	stream.indirect.gather [hbm4b:s4+s17], $0x80, s10, s17, $0xb8;
	[tilespmem:$0x1E400] =	vst v63  }
0x70: {  	_ =	swait.ge [sflag:s26], $0x2000  }
0x71: {  	[sflag:s26] =	ssyncset.done $0x0  }
0x72: {  	[sflag:s26] =	ssyncadd.s32 $0xFFFFE000  }
0x73: {  	_ =	swait.ge [sflag:s26], $0x2000  }
0x74: {  	[sflag:s26] =	ssyncset.done $0x0  }
0x75: {  	s8 =	sadd.s32 $0x1480, s1;
	[sflag:s26] =	ssyncadd.s32 $0xFFFFE000  }
0x76: {  	[spmem:s2] =	stream.indirect.scatter.add.f32 [tilespmem:s20], [sflag:$0x3], $0x80, s8, s23, $0xb8;
	[tilespmem:$0x1E400] =	vst v63  }
0x77: {  	_ =	swait.ge [sflag:s15], $0x4000  }
0x78: {  	[sflag:s15] =	ssyncset.done $0x0  }
0x79: {  	[sflag:s15] =	ssyncadd.s32 $0xFFFFC000  }
0x7a: {  	[tilespmem:s20], [sflag:$0x2] =	stream.indirect.gather [hbm4b:s4+s17], $0x80, s28, s17, $0xb8;
	[tilespmem:$0x1E400] =	vst v63  }
0x7b: {  	_ = 	snop  }
0x7c: {  	[tilespmem:s21], [sflag:$0x2] =	stream.indirect.gather [hbm4b:s4+s17], $0x80, s29, s17, $0xb8;
	[tilespmem:$0x1E400] =	vst v63  }
0x7d: {  	_ =	swait.ge [sflag:s22], $0x2000  }
0x7e: {  	[sflag:s22] =	ssyncset.done $0x0  }
0x7f: {  	[sflag:s22] =	ssyncadd.s32 $0xFFFFE000  }
0x80: {  	_ =	swait.ge [sflag:s22], $0x2000  }
0x81: {  	[sflag:s22] =	ssyncset.done $0x0  }
0x82: {  	[sflag:s22] =	ssyncadd.s32 $0xFFFFE000  }
0x83: {  	[spmem:s2] =	stream.indirect.scatter.add.f32 [tilespmem:s18], [sflag:$0x3], $0x80, s30, s23, $0xb8;
	[tilespmem:$0x1E400] =	vst v63  }
0x84: {  	_ =	swait.ge [sflag:s15], $0x4000  }
0x85: {  	[sflag:s15] =	ssyncset.done $0x0  }
0x86: {  	[sflag:s15] =	ssyncadd.s32 $0xFFFFC000  }
0x87: {  	_ =	swait.ge [sflag:s26], $0x2000  }
0x88: {  	[sflag:s26] =	ssyncset.done $0x0  }
0x89: {  	[sflag:s26] =	ssyncadd.s32 $0xFFFFE000  }
0x8a: {  	_ =	swait.ge [sflag:s26], $0x2000  }
0x8b: {  	[sflag:s26] =	ssyncset.done $0x0  }
0x8c: {  	[sflag:s26] =	ssyncadd.s32 $0xFFFFE000  }
0x8d: {  	[spmem:s2] =	stream.indirect.scatter.add.f32 [tilespmem:s20], [sflag:$0x3], $0x80, s31, s23, $0xb8;
	[tilespmem:$0x1E400] =	vst v63  }
0x8e: {  	_ =	swait.ge [sflag:s15], $0x4000  }
0x8f: {  	[sflag:s15] =	ssyncset.done $0x0  }
0x90: {  	s9 =	simm.s32 $0x0;
	s10 =	rddreg [dreg:$0x6];
	[sflag:s15] =	ssyncadd.s32 $0xFFFFC000  }
0x91: {  	[tilespmem:s9], [sflag:$0x3] =	stream.linear.gather [hbm4b:s10+s9], $0x1400, $0x38;
	[tilespmem:$0x1E400] =	vst v63  }
0x92: {  	_ =	swait.ge [sflag:s15], $0x1400  }
0x93: {  	[sflag:s15] =	ssyncset.done $0x0  }
0x94: {  	s8 =	rddreg [dreg:$0x7];
	[sflag:s15] =	ssyncadd.s32 $0xFFFFEC00  }
0x95: {  	[tilespmem:s16], [sflag:$0x3] =	stream.linear.gather [hbm4b:s8+s9], $0x1400, $0x38;
	[tilespmem:$0x1E400] =	vst v63  }
0x96: {  	_ =	swait.ge [sflag:s15], $0x1400  }
0x97: {  	[sflag:s15] =	ssyncset.done $0x0  }
0x98: {  	[sflag:s15] =	ssyncadd.s32 $0xFFFFEC00  }
0x99: {  	[tilespmem:s18], [sflag:$0x1] =	stream.indirect.gather [hbm4b:s4+s17], $0x80, s9, s17, $0xb8;
	[tilespmem:$0x1E400] =	vst v63  }
0x9a: {  	_ = 	snop  }
0x9b: {  	[tilespmem:s19], [sflag:$0x1] =	stream.indirect.gather [hbm4b:s4+s17], $0x80, s17, s17, $0xb8;
	[tilespmem:$0x1E400] =	vst v63  }
0x9c: {  	s9 =	simm.s32 $0x80  }
0x9d: {  	[tilespmem:s20], [sflag:$0x2] =	stream.indirect.gather [hbm4b:s4+s17], $0x80, s9, s17, $0xb8;
	[tilespmem:$0x1E400] =	vst v63  }
0x9e: {  	s10 =	simm.s32 $0xC0  }
0x9f: {  	[tilespmem:s21], [sflag:$0x2] =	stream.indirect.gather [hbm4b:s4+s17], $0x80, s10, s17, $0xb8;
	[tilespmem:$0x1E400] =	vst v63  }
0xa0: {  	_ =	swait.ge [sflag:s22], $0x2000  }
0xa1: {  	[sflag:s22] =	ssyncset.done $0x0  }
0xa2: {  	[sflag:s22] =	ssyncadd.s32 $0xFFFFE000  }
0xa3: {  	_ =	swait.ge [sflag:s22], $0x2000  }
0xa4: {  	[sflag:s22] =	ssyncset.done $0x0  }
0xa5: {  	s5 =	simm.s32 $0x1400;
	[sflag:s22] =	ssyncadd.s32 $0xFFFFE000  }
0xa6: {  	[spmem:s2] =	stream.indirect.scatter.add.f32 [tilespmem:s18], [sflag:$0x3], $0x80, s5, s23, $0xb8;
	[tilespmem:$0x1E400] =	vst v63  }
0xa7: {  	_ =	swait.ge [sflag:s15], $0x4000  }
0xa8: {  	[sflag:s15] =	ssyncset.done $0x0  }
0xa9: {  	s8 =	simm.s32 $0x100;
	[sflag:s15] =	ssyncadd.s32 $0xFFFFC000  }
0xaa: {  	[tilespmem:s18], [sflag:$0x1] =	stream.indirect.gather [hbm4b:s4+s17], $0x80, s8, s17, $0xb8;
	[tilespmem:$0x1E400] =	vst v63  }
0xab: {  	s9 =	simm.s32 $0x140  }
0xac: {  	[tilespmem:s19], [sflag:$0x1] =	stream.indirect.gather [hbm4b:s4+s17], $0x80, s9, s17, $0xb8;
	[tilespmem:$0x1E400] =	vst v63  }
0xad: {  	_ =	swait.ge [sflag:s26], $0x2000  }
0xae: {  	[sflag:s26] =	ssyncset.done $0x0  }
0xaf: {  	[sflag:s26] =	ssyncadd.s32 $0xFFFFE000  }
0xb0: {  	_ =	swait.ge [sflag:s26], $0x2000  }
0xb1: {  	[sflag:s26] =	ssyncset.done $0x0  }
0xb2: {  	s10 =	simm.s32 $0x1480;
	[sflag:s26] =	ssyncadd.s32 $0xFFFFE000  }
0xb3: {  	[spmem:s2] =	stream.indirect.scatter.add.f32 [tilespmem:s20], [sflag:$0x3], $0x80, s10, s23, $0xb8;
	[tilespmem:$0x1E400] =	vst v63  }
0xb4: {  	_ =	swait.ge [sflag:s15], $0x4000  }
0xb5: {  	s1 =	simm.s32 $0x100;
	s5 =	simm.s32 $0x800;
	[sflag:s15] =	ssyncset.done $0x0  }
.LBB2_4:
0xb6: {  	s8 =	sadd.s32 $0x80, s1  }
0xb7: {  	[sflag:s15] =	ssyncadd.s32 $0xFFFFC000;
	s9 =	smov.u32 s5;
	s10 =	sadd.s32 $0x400, s5  }
0xb8: {  	[tilespmem:s20], [sflag:$0x2] =	stream.indirect.gather [hbm4b:s4+s17], $0x80, s8, s17, $0xb8;
	[tilespmem:$0x1E400] =	vst v63  }
0xb9: {  	p1 =	sne.s32 s5, $0x4800;
	s5 =	sadd.s32 $0xC0, s1  }
0xba: {  	[tilespmem:s21], [sflag:$0x2] =	stream.indirect.gather [hbm4b:s4+s17], $0x80, s5, s17, $0xb8;
	[tilespmem:$0x1E400] =	vst v63  }
0xbb: {  	_ =	swait.ge [sflag:s22], $0x2000  }
0xbc: {  	[sflag:s22] =	ssyncset.done $0x0  }
0xbd: {  	[sflag:s22] =	ssyncadd.s32 $0xFFFFE000  }
0xbe: {  	_ =	swait.ge [sflag:s22], $0x2000  }
0xbf: {  	[sflag:s22] =	ssyncset.done $0x0  }
0xc0: {  	s5 =	sadd.s32 $0x1400, s1;
	[sflag:s22] =	ssyncadd.s32 $0xFFFFE000  }
0xc1: {  	[spmem:s2] =	stream.indirect.scatter.add.f32 [tilespmem:s18], [sflag:$0x3], $0x80, s5, s23, $0xb8;
	[tilespmem:$0x1E400] =	vst v63  }
0xc2: {  	_ =	swait.ge [sflag:s15], $0x4000  }
0xc3: {  	[sflag:s15] =	ssyncset.done $0x0  }
0xc4: {  	s5 =	sadd.s32 $0x100, s1;
	[sflag:s15] =	ssyncadd.s32 $0xFFFFC000  }
0xc5: {  	[tilespmem:s18], [sflag:$0x1] =	stream.indirect.gather [hbm4b:s4+s17], $0x80, s5, s17, $0xb8;
	[tilespmem:$0x1E400] =	vst v63  }
0xc6: {  	s5 =	sadd.s32 $0x140, s1  }
0xc7: {  	[tilespmem:s19], [sflag:$0x1] =	stream.indirect.gather [hbm4b:s4+s17], $0x80, s5, s17, $0xb8;
	[tilespmem:$0x1E400] =	vst v63  }
0xc8: {  	_ =	swait.ge [sflag:s26], $0x2000  }
0xc9: {  	[sflag:s26] =	ssyncset.done $0x0  }
0xca: {  	[sflag:s26] =	ssyncadd.s32 $0xFFFFE000  }
0xcb: {  	_ =	swait.ge [sflag:s26], $0x2000  }
.Ltmp1:
0xcc: {  	[sflag:s26] =	ssyncset.done $0x0;
	(pc) =	sbr.rel @p1 .LBB2_4-.Ltmp1, $4  }
0xcd: {  	s1 =	sadd.s32 $0x1480, s1;
	[sflag:s26] =	ssyncadd.s32 $0xFFFFE000  }
0xce: {  	[spmem:s2] =	stream.indirect.scatter.add.f32 [tilespmem:s20], [sflag:$0x3], $0x80, s1, s23, $0xb8;
	[tilespmem:$0x1E400] =	vst v63  }
0xcf: {  	_ =	swait.ge [sflag:s15], $0x4000  }
0xd0: {  	s5 =	smov.u32 s10;
	s1 =	sshra.s32 s9, $0x2;
	[sflag:s15] =	ssyncset.done $0x0  }
0xd1: {  	s5 =	sadd.s32 $0x80, s1;
	[sflag:s15] =	ssyncadd.s32 $0xFFFFC000  }
0xd2: {  	[tilespmem:s20], [sflag:$0x2] =	stream.indirect.gather [hbm4b:s4+s17], $0x80, s5, s17, $0xb8;
	[tilespmem:$0x1E400] =	vst v63  }
0xd3: {  	s9 =	sadd.s32 $0xC0, s1  }
0xd4: {  	[tilespmem:s21], [sflag:$0x2] =	stream.indirect.gather [hbm4b:s4+s17], $0x80, s9, s17, $0xb8;
	[tilespmem:$0x1E400] =	vst v63  }
0xd5: {  	_ =	swait.ge [sflag:s22], $0x2000  }
0xd6: {  	[sflag:s22] =	ssyncset.done $0x0  }
0xd7: {  	[sflag:s22] =	ssyncadd.s32 $0xFFFFE000  }
0xd8: {  	_ =	swait.ge [sflag:s22], $0x2000  }
0xd9: {  	[sflag:s22] =	ssyncset.done $0x0  }
0xda: {  	s10 =	sadd.s32 $0x1400, s1;
	[sflag:s22] =	ssyncadd.s32 $0xFFFFE000  }
0xdb: {  	[spmem:s2] =	stream.indirect.scatter.add.f32 [tilespmem:s18], [sflag:$0x3], $0x80, s10, s23, $0xb8;
	[tilespmem:$0x1E400] =	vst v63  }
0xdc: {  	_ =	swait.ge [sflag:s15], $0x4000  }
0xdd: {  	[sflag:s15] =	ssyncset.done $0x0  }
0xde: {  	s8 =	sadd.s32 $0x100, s1;
	[sflag:s15] =	ssyncadd.s32 $0xFFFFC000  }
0xdf: {  	[tilespmem:s18], [sflag:$0x1] =	stream.indirect.gather [hbm4b:s4+s17], $0x80, s8, s17, $0xb8;
	[tilespmem:$0x1E400] =	vst v63  }
0xe0: {  	s9 =	sadd.s32 $0x140, s1  }
0xe1: {  	[tilespmem:s19], [sflag:$0x1] =	stream.indirect.gather [hbm4b:s4+s17], $0x80, s9, s17, $0xb8;
	[tilespmem:$0x1E400] =	vst v63  }
0xe2: {  	_ =	swait.ge [sflag:s26], $0x2000  }
0xe3: {  	[sflag:s26] =	ssyncset.done $0x0  }
0xe4: {  	[sflag:s26] =	ssyncadd.s32 $0xFFFFE000  }
0xe5: {  	_ =	swait.ge [sflag:s26], $0x2000  }
0xe6: {  	[sflag:s26] =	ssyncset.done $0x0  }
0xe7: {  	s10 =	sadd.s32 $0x1480, s1;
	[sflag:s26] =	ssyncadd.s32 $0xFFFFE000  }
0xe8: {  	[spmem:s2] =	stream.indirect.scatter.add.f32 [tilespmem:s20], [sflag:$0x3], $0x80, s10, s23, $0xb8;
	[tilespmem:$0x1E400] =	vst v63  }
0xe9: {  	_ =	swait.ge [sflag:s15], $0x4000  }
0xea: {  	[sflag:s15] =	ssyncset.done $0x0  }
0xeb: {  	[sflag:s15] =	ssyncadd.s32 $0xFFFFC000  }
0xec: {  	[tilespmem:s20], [sflag:$0x2] =	stream.indirect.gather [hbm4b:s4+s17], $0x80, s28, s17, $0xb8;
	[tilespmem:$0x1E400] =	vst v63  }
0xed: {  	_ = 	snop  }
0xee: {  	[tilespmem:s21], [sflag:$0x2] =	stream.indirect.gather [hbm4b:s4+s17], $0x80, s29, s17, $0xb8;
	[tilespmem:$0x1E400] =	vst v63  }
0xef: {  	_ =	swait.ge [sflag:s22], $0x2000  }
0xf0: {  	[sflag:s22] =	ssyncset.done $0x0  }
0xf1: {  	[sflag:s22] =	ssyncadd.s32 $0xFFFFE000  }
0xf2: {  	_ =	swait.ge [sflag:s22], $0x2000  }
0xf3: {  	[sflag:s22] =	ssyncset.done $0x0  }
0xf4: {  	[sflag:s22] =	ssyncadd.s32 $0xFFFFE000  }
0xf5: {  	[spmem:s2] =	stream.indirect.scatter.add.f32 [tilespmem:s18], [sflag:$0x3], $0x80, s30, s23, $0xb8;
	[tilespmem:$0x1E400] =	vst v63  }
0xf6: {  	_ =	swait.ge [sflag:s15], $0x4000  }
0xf7: {  	[sflag:s15] =	ssyncset.done $0x0  }
0xf8: {  	[sflag:s15] =	ssyncadd.s32 $0xFFFFC000  }
0xf9: {  	_ =	swait.ge [sflag:s26], $0x2000  }
0xfa: {  	[sflag:s26] =	ssyncset.done $0x0  }
0xfb: {  	[sflag:s26] =	ssyncadd.s32 $0xFFFFE000  }
0xfc: {  	_ =	swait.ge [sflag:s26], $0x2000  }
0xfd: {  	[sflag:s26] =	ssyncset.done $0x0  }
0xfe: {  	[sflag:s26] =	ssyncadd.s32 $0xFFFFE000  }
0xff: {  	[spmem:s2] =	stream.indirect.scatter.add.f32 [tilespmem:s20], [sflag:$0x3], $0x80, s31, s23, $0xb8;
	[tilespmem:$0x1E400] =	vst v63  }
0x100: {  	_ =	swait.ge [sflag:s15], $0x4000  }
0x101: {  	[sflag:s15] =	ssyncset.done $0x0  }
0x102: {  	[sflag:s15] =	ssyncadd.s32 $0xFFFFC000  }
0x103: {  	[bflag:$0x0] =	sbarrier.arrive $0xFFFF  }
0x104: {  	[hbm:s11], [sflag:s6] =	dma.local [spmem:s24], $0x2700  }
0x105: {  	s0 =	sadd.s32 $0x1, s0;
	_ =	swait.ge [sflag:s15], $0x2700  }
0x106: {  	p1 =	sne.s32 s0, s13;
	[sflag:s15] =	ssyncset.done $0x0  }
.Ltmp2:
0x107: {  	s1 =	simm.s32 @!p0 $0x3;
	[sflag:s15] =	ssyncadd.s32 $0xFFFFD900;
	(pc) =	sbr.rel @p1 .LBB2_1-.Ltmp2, $4  }
0x108: {  	[hbm:s12], [sflag:s6] =	dma.local @!p0 [spmem:s25], $0x100  }
0x109: {  	_ =	swait.ge @!p0 [sflag:s1], $0x100  }
0x10a: {  	[sflag:s1] =	ssyncset.done @!p0 $0x0  }
0x10b: {  	[sflag:s1] =	ssyncadd.s32 @!p0 $0xFFFFFF00  }
0x10c: {  	_ =	sfence.sel $0x180000  }
0x10d: {  	[bflag:$0x0] =	sbarrier.arrive $0xFFFF  }
0x10e: {  	_ =	strace $0x90000053  }
0x10f: {  	s0 =	stileid.u32;
	[bflag:$0x2] =	sbarrier.arrive $0xFFFF  }
0x110: {  	p0 =	sne.s32 s0, $0x0;
	s0 =	rddreg [dreg:$0x3]  }
0x111: {  	s0 =	sadd.s32 @!p0 $0x100000, s0  }
0x112: {  	[sflag:s0] =	ssyncadd.tile.s32 @!p0 $0x1;
	_ =	shalt  }
.Lfunc_end2:
_tile_overlayer_lowered:
.L_overlay_start_2:
0x113: {  	(tag) =	ssettag $0x2  }
0x114: {  	s0 =	rddreg [dreg:$0x0];
	s2 =	stileid.u32  }
0x115: {  	s1 =	rddreg [dreg:$0x1];
	p0 =	sne.s32 s2, $0x0  }
0x116: {  	s3 =	rddreg [dreg:$0x2];
	[bflag:$0x3] =	sbarrier.arrive $0xFFFF;
	s2 =	simm.s32 @!p0 $0x1C03  }
0x117: {  	[timem:s3], [sflag:s2] =	dma.local @!p0 [hbm:s0], s1  }
0x118: {  	s0 =	simm.s32 @!p0 $0x3  }
0x119: {  	_ =	swait.ge @!p0 [sflag:s0], s1  }
0x11a: {  	s1 =	ssub.s32 @!p0 $0x0, s1;
	[sflag:s0] =	ssyncset.done @!p0 $0x0  }
0x11b: {  	[sflag:s0] =	ssyncadd.s32 @!p0 s1  }
0x11c: {  	[bflag:$0x3] =	sbarrier.arrive $0xFFFF  }
0x11d: {  	_ =	shalt  }

</sc_bundles>
